<compile_context>
chip_gen: v7x
topology: tpu7x:2x2x1
jax: 0.10.2.dev20260603
libtpu: 0.0.44.dev20260713+nightly
codegen_flags: <defaults>
</compile_context>

<pallas_src>
import functools

import jax
import jax.numpy as jnp
from jax import lax
from jax.experimental import pallas as pl
from jax.experimental.pallas import tpu as pltpu
from jax.experimental.pallas import tpu_sc as plsc

N = 128
ND = 2 * N - 1
FPAD = 512
OUT = 256
ROWS = 2 * N

NC = 2
NS = 16
NW = NC * NS


def _sc_pool(r3):
    B = r3.shape[0]
    per_w = B // NW
    mesh = plsc.VectorSubcoreMesh(core_axis_name="c", subcore_axis_name="s")

    @functools.partial(
        pl.kernel,
        mesh=mesh,
        out_type=jax.ShapeDtypeStruct((B, FPAD), jnp.float32),
        scratch_types=[
            pltpu.VMEM((ROWS, N), jnp.float32),
            pltpu.VMEM((ROWS, N), jnp.float32),
            pltpu.VMEM((ROWS, N), jnp.float32),
            pltpu.VMEM((FPAD,), jnp.float32),
            pltpu.VMEM((FPAD,), jnp.float32),
            pltpu.VMEM((FPAD,), jnp.float32),
            pltpu.SemaphoreType.DMA,
            pltpu.SemaphoreType.DMA,
            pltpu.SemaphoreType.DMA,
            pltpu.SemaphoreType.DMA,
            pltpu.SemaphoreType.DMA,
            pltpu.SemaphoreType.DMA,
        ],
    )
    def k(r_hbm, out_hbm, buf_a, buf_b, buf_c, acc_a, acc_b, acc_c,
          sem_a, sem_b, sem_c, sem_oa, sem_ob, sem_oc):
        wid = lax.axis_index("s") * NC + lax.axis_index("c")
        base = wid * per_w
        zero = jnp.zeros((16,), jnp.float32)

        def start_in(t, buf, sem):
            h = ROWS // 2
            pltpu.make_async_copy(
                r_hbm.at[base + t, pl.ds(0, h)], buf.at[pl.ds(0, h)], sem
            ).start()
            pltpu.make_async_copy(
                r_hbm.at[base + t, pl.ds(h, h)], buf.at[pl.ds(h, h)], sem
            ).start()

        start_in(0, buf_a, sem_a)
        start_in(1, buf_b, sem_b)
        start_in(2, buf_c, sem_c)

        def process(t, p, buf, acc, sem, sem_o):
            def _drain():
                pltpu.make_async_copy(acc, out_hbm.at[base + t], sem_o).wait()

            if isinstance(p, int):
                if p > 0:
                    _drain()
            else:
                pl.when(p > 0)(_drain)

            for cidx in range(FPAD // 16):
                acc[pl.ds(cidx * 16, 16)] = zero
            pltpu.make_async_copy(r_hbm.at[base + t], buf, sem).wait()

            def class_body(q, c2):
                abase = 256 * (q % 2) + q // 2
                accs = [None] * 15
                for t in range(8):
                    vs = [buf[q + 32 * t, pl.ds(16 * k, 16)]
                          for k in range(8)]
                    for k in range(8):
                        m = t + k
                        accs[m] = vs[k] if accs[m] is None else accs[m] + vs[k]
                for m in range(15):
                    plsc.addupdate(acc.at[pl.ds(abase + 16 * m, 16)], accs[m])
                return c2

            lax.fori_loop(0, 2 * 16, class_body, 0)

            @pl.when(t + 3 < per_w)
            def _():
                start_in(t + 3, buf, sem)

            pltpu.make_async_copy(acc, out_hbm.at[base + t], sem_o).start()

        def triple_body(p, carry):
            t0 = 3 * p
            process(t0, p, buf_a, acc_a, sem_a, sem_oa)
            process(t0 + 1, p, buf_b, acc_b, sem_b, sem_ob)
            process(t0 + 2, p, buf_c, acc_c, sem_c, sem_oc)
            return carry

        n_trip = (per_w - 2) // 3
        lax.fori_loop(0, n_trip, triple_body, 0)
        process(per_w - 2, n_trip, buf_a, acc_a, sem_a, sem_oa)
        process(per_w - 1, n_trip, buf_b, acc_b, sem_b, sem_ob)
        pltpu.make_async_copy(acc_a, out_hbm.at[base + per_w - 2], sem_oa).wait()
        pltpu.make_async_copy(acc_b, out_hbm.at[base + per_w - 1], sem_ob).wait()
        pltpu.make_async_copy(acc_c, out_hbm.at[base + per_w - 3], sem_oc).wait()

    return k(r3)


def _tc_proj(sums, w_eff, bias):
    B = sums.shape[0]
    blk = 1024

    def mm_kernel(s_ref, w_ref, b_ref, o_ref):
        o_ref[...] = (
            jnp.dot(
                s_ref[...],
                w_ref[...],
                preferred_element_type=jnp.float32,
            )
            + b_ref[...]
        )

    return pl.pallas_call(
        mm_kernel,
        grid=(B // blk,),
        in_specs=[
            pl.BlockSpec((blk, FPAD), lambda i: (i, 0)),
            pl.BlockSpec((FPAD, OUT), lambda i: (0, 0)),
            pl.BlockSpec((1, OUT), lambda i: (0, 0)),
        ],
        out_specs=pl.BlockSpec((blk, OUT), lambda i: (i, 0)),
        out_shape=jax.ShapeDtypeStruct((B, OUT), jnp.float32),
    )(sums, w_eff, bias.reshape(1, OUT))


def kernel(R_complex, W, b):
    B = R_complex.shape[0]
    r3 = jnp.transpose(R_complex, (0, 1, 3, 2)).reshape(B, ROWS, N)
    d = jnp.arange(ND)
    counts = (N - jnp.abs(d - (N - 1))).astype(jnp.float32)
    w_r = W[:ND] / counts[:, None]
    w_i = W[ND:] / counts[:, None]
    zrow = jnp.zeros((1, OUT), W.dtype)
    w_eff = jnp.concatenate([w_r, zrow, w_i, zrow], axis=0)
    sums = _sc_pool(r3)
    return _tc_proj(sums, w_eff, b)

# --- scband reference (transcript-rebuilt; emitter-appended) ---
"""Pipeline reference for scband-anti-diag-pool-13640816132149 (READ-ONLY COPY).

The authoritative reference and input builder live on the scoring server;
editing this copy changes nothing except your own understanding.
"""

import jax, jax.numpy as jnp
import numpy as np

N_H = 8
N_V = 16
N = N_H * N_V  # 128
ND = 2 * N - 1  # 255
B = 1024
OUT = 256


def _seg_ids():
    i = np.arange(N)
    seg = (i[:, None] + i[None, :]).reshape(-1)  # antidiag index i+j for flat i*N+j
    return jnp.asarray(seg, dtype=jnp.int32)


def setup_inputs(seed: int = 0) -> dict:
    key = jax.random.key(seed)
    k1, k2, k3 = jax.random.split(key, 3)
    # R_complex stored as float32 [..., 2] with real/imag in last dim
    R = jax.random.normal(k1, (B, N, N, 2), dtype=jnp.float32)
    W = jax.random.normal(k2, (2 * ND, OUT), dtype=jnp.float32) * 0.02
    b = jnp.zeros((OUT,), dtype=jnp.float32)
    return {"R_complex": R, "W": W, "b": b}


def reference(R_complex, W, b):
    Bsz = R_complex.shape[0]
    seg = _seg_ids()  # [N*N]
    counts = jnp.bincount(seg, length=ND).astype(jnp.float32)  # [ND]
    Rr = R_complex[..., 0].reshape(Bsz, -1)  # [B, N*N]
    Ri = R_complex[..., 1].reshape(Bsz, -1)
    sums_r = jnp.zeros((Bsz, ND), dtype=jnp.float32).at[:, seg].add(Rr)
    sums_i = jnp.zeros((Bsz, ND), dtype=jnp.float32).at[:, seg].add(Ri)
    means_r = sums_r / counts
    means_i = sums_i / counts
    features = jnp.concatenate([means_r, means_i], axis=1)  # [B, 2*ND]
    return features @ W + b

if __name__ == "__main__":
    import jax
    _d = setup_inputs()
    print(jax.jit(kernel)(*tuple(_d.values())))

</pallas_src>

<mosaic_0001>
#map = affine_map<(d0, d1) -> (0, 0, 0)>
#map1 = affine_map<(d0, d1) -> (0, 0)>
module attributes {stable_mosaic.version = 14 : i64} {
  func.func @k(%arg0: i32, %arg1: i32, %arg2: memref<1024x256x128xf32, #tpu.memory_space<hbm>>, %arg3: memref<1024x512xf32, #tpu.memory_space<hbm>>, %arg4: memref<256x128xf32, #tpu.memory_space<vmem>>, %arg5: memref<256x128xf32, #tpu.memory_space<vmem>>, %arg6: memref<256x128xf32, #tpu.memory_space<vmem>>, %arg7: memref<512xf32, #tpu.memory_space<vmem>>, %arg8: memref<512xf32, #tpu.memory_space<vmem>>, %arg9: memref<512xf32, #tpu.memory_space<vmem>>, %arg10: memref<!tpu.dma_semaphore, #tpu.memory_space<semaphore_mem>>, %arg11: memref<!tpu.dma_semaphore, #tpu.memory_space<semaphore_mem>>, %arg12: memref<!tpu.dma_semaphore, #tpu.memory_space<semaphore_mem>>, %arg13: memref<!tpu.dma_semaphore, #tpu.memory_space<semaphore_mem>>, %arg14: memref<!tpu.dma_semaphore, #tpu.memory_space<semaphore_mem>>, %arg15: memref<!tpu.dma_semaphore, #tpu.memory_space<semaphore_mem>>) attributes {dimension_semantics = [#tpu.dimension_semantics<core_parallel>, #tpu.dimension_semantics<subcore_parallel>], iteration_bounds = array<i64: 2, 16>, scalar_prefetch = 0 : i64, scratch_operands = 12 : i64, tpu.core_type = #tpu.core_type<sc_vector_subcore>, window_params = [{transform_indices = #map}, {transform_indices = #map1}]} {
    %mul3A = arith.constant 2 : i32
    %mul3A_0 = arith.muli %arg1, %mul3A : i32
    %add3A = arith.addi %mul3A_0, %arg0 : i32
    %mul3A_1 = arith.constant 32 : i32
    %mul3A_2 = arith.muli %add3A, %mul3A_1 : i32
    %broadcast_in_dim3A = arith.constant 0.000000e+00 : f32
    %broadcast_in_dim3A_3 = vector.broadcast %broadcast_in_dim3A : f32 to vector<16xf32>
    %add3A_4 = arith.constant 0 : i32
    %add3A_5 = arith.addi %mul3A_2, %add3A_4 : i32
    %dma_start3A = arith.constant 0 : i32
    %dma_start3A_6 = arith.constant 0 : i32
    %dma_start3A_7 = tpu.memref_slice %arg4[%dma_start3A, %dma_start3A_6] : memref<256x128xf32, #tpu.memory_space<vmem>> -> memref<128x128xf32, #tpu.memory_space<vmem>>
    %dma_start3A_8 = arith.constant 0 : i32
    %dma_start3A_9 = arith.constant 0 : i32
    %dma_start3A_10 = tpu.memref_slice %arg2[%add3A_5, %dma_start3A_8, %dma_start3A_9] : memref<1024x256x128xf32, #tpu.memory_space<hbm>> -> memref<1x128x128xf32, #tpu.memory_space<hbm>>
    %dma_start3A_11 = tpu.memref_squeeze %dma_start3A_10 : memref<1x128x128xf32, #tpu.memory_space<hbm>> -> memref<128x128xf32, #tpu.memory_space<hbm>>
    %dma_start3A_12 = arith.constant 0 : i32
    %dma_start3A_13 = arith.constant 0 : i32
    %dma_start3A_14 = tpu.memref_slice %arg4[%dma_start3A_12, %dma_start3A_13] : memref<256x128xf32, #tpu.memory_space<vmem>> -> memref<128x128xf32, #tpu.memory_space<vmem>>
    %dma_start3A_15 = arith.constant 0 : i32
    %dma_start3A_16 = arith.constant 0 : i32
    %dma_start3A_17 = tpu.memref_slice %arg2[%add3A_5, %dma_start3A_15, %dma_start3A_16] : memref<1024x256x128xf32, #tpu.memory_space<hbm>> -> memref<1x128x128xf32, #tpu.memory_space<hbm>>
    %dma_start3A_18 = tpu.memref_squeeze %dma_start3A_17 : memref<1x128x128xf32, #tpu.memory_space<hbm>> -> memref<128x128xf32, #tpu.memory_space<hbm>>
    tpu.enqueue_dma source(%dma_start3A_18 : memref<128x128xf32, #tpu.memory_space<hbm>>) target(%dma_start3A_14 : memref<128x128xf32, #tpu.memory_space<vmem>>) target_semaphore(%arg10 : memref<!tpu.dma_semaphore, #tpu.memory_space<semaphore_mem>>)
    %add3A_19 = arith.constant 0 : i32
    %add3A_20 = arith.addi %mul3A_2, %add3A_19 : i32
    %dma_start3A_21 = arith.constant 128 : i32
    %dma_start3A_22 = arith.constant 0 : i32
    %dma_start3A_23 = tpu.memref_slice %arg4[%dma_start3A_21, %dma_start3A_22] : memref<256x128xf32, #tpu.memory_space<vmem>> -> memref<128x128xf32, #tpu.memory_space<vmem>>
    %dma_start3A_24 = arith.constant 128 : i32
    %dma_start3A_25 = arith.constant 0 : i32
    %dma_start3A_26 = tpu.memref_slice %arg2[%add3A_20, %dma_start3A_24, %dma_start3A_25] : memref<1024x256x128xf32, #tpu.memory_space<hbm>> -> memref<1x128x128xf32, #tpu.memory_space<hbm>>
    %dma_start3A_27 = tpu.memref_squeeze %dma_start3A_26 : memref<1x128x128xf32, #tpu.memory_space<hbm>> -> memref<128x128xf32, #tpu.memory_space<hbm>>
    %dma_start3A_28 = arith.constant 128 : i32
    %dma_start3A_29 = arith.constant 0 : i32
    %dma_start3A_30 = tpu.memref_slice %arg4[%dma_start3A_28, %dma_start3A_29] : memref<256x128xf32, #tpu.memory_space<vmem>> -> memref<128x128xf32, #tpu.memory_space<vmem>>
    %dma_start3A_31 = arith.constant 128 : i32
    %dma_start3A_32 = arith.constant 0 : i32
    %dma_start3A_33 = tpu.memref_slice %arg2[%add3A_20, %dma_start3A_31, %dma_start3A_32] : memref<1024x256x128xf32, #tpu.memory_space<hbm>> -> memref<1x128x128xf32, #tpu.memory_space<hbm>>
    %dma_start3A_34 = tpu.memref_squeeze %dma_start3A_33 : memref<1x128x128xf32, #tpu.memory_space<hbm>> -> memref<128x128xf32, #tpu.memory_space<hbm>>
    tpu.enqueue_dma source(%dma_start3A_34 : memref<128x128xf32, #tpu.memory_space<hbm>>) target(%dma_start3A_30 : memref<128x128xf32, #tpu.memory_space<vmem>>) target_semaphore(%arg10 : memref<!tpu.dma_semaphore, #tpu.memory_space<semaphore_mem>>)
    %add3A_35 = arith.constant 1 : i32
    %add3A_36 = arith.addi %mul3A_2, %add3A_35 : i32
    %dma_start3A_37 = arith.constant 0 : i32
    %dma_start3A_38 = arith.constant 0 : i32
    %dma_start3A_39 = tpu.memref_slice %arg5[%dma_start3A_37, %dma_start3A_38] : memref<256x128xf32, #tpu.memory_space<vmem>> -> memref<128x128xf32, #tpu.memory_space<vmem>>
    %dma_start3A_40 = arith.constant 0 : i32
    %dma_start3A_41 = arith.constant 0 : i32
    %dma_start3A_42 = tpu.memref_slice %arg2[%add3A_36, %dma_start3A_40, %dma_start3A_41] : memref<1024x256x128xf32, #tpu.memory_space<hbm>> -> memref<1x128x128xf32, #tpu.memory_space<hbm>>
    %dma_start3A_43 = tpu.memref_squeeze %dma_start3A_42 : memref<1x128x128xf32, #tpu.memory_space<hbm>> -> memref<128x128xf32, #tpu.memory_space<hbm>>
    %dma_start3A_44 = arith.constant 0 : i32
    %dma_start3A_45 = arith.constant 0 : i32
    %dma_start3A_46 = tpu.memref_slice %arg5[%dma_start3A_44, %dma_start3A_45] : memref<256x128xf32, #tpu.memory_space<vmem>> -> memref<128x128xf32, #tpu.memory_space<vmem>>
    %dma_start3A_47 = arith.constant 0 : i32
    %dma_start3A_48 = arith.constant 0 : i32
    %dma_start3A_49 = tpu.memref_slice %arg2[%add3A_36, %dma_start3A_47, %dma_start3A_48] : memref<1024x256x128xf32, #tpu.memory_space<hbm>> -> memref<1x128x128xf32, #tpu.memory_space<hbm>>
    %dma_start3A_50 = tpu.memref_squeeze %dma_start3A_49 : memref<1x128x128xf32, #tpu.memory_space<hbm>> -> memref<128x128xf32, #tpu.memory_space<hbm>>
    tpu.enqueue_dma source(%dma_start3A_50 : memref<128x128xf32, #tpu.memory_space<hbm>>) target(%dma_start3A_46 : memref<128x128xf32, #tpu.memory_space<vmem>>) target_semaphore(%arg11 : memref<!tpu.dma_semaphore, #tpu.memory_space<semaphore_mem>>)
    %add3A_51 = arith.constant 1 : i32
    %add3A_52 = arith.addi %mul3A_2, %add3A_51 : i32
    %dma_start3A_53 = arith.constant 128 : i32
    %dma_start3A_54 = arith.constant 0 : i32
    %dma_start3A_55 = tpu.memref_slice %arg5[%dma_start3A_53, %dma_start3A_54] : memref<256x128xf32, #tpu.memory_space<vmem>> -> memref<128x128xf32, #tpu.memory_space<vmem>>
    %dma_start3A_56 = arith.constant 128 : i32
    %dma_start3A_57 = arith.constant 0 : i32
    %dma_start3A_58 = tpu.memref_slice %arg2[%add3A_52, %dma_start3A_56, %dma_start3A_57] : memref<1024x256x128xf32, #tpu.memory_space<hbm>> -> memref<1x128x128xf32, #tpu.memory_space<hbm>>
    %dma_start3A_59 = tpu.memref_squeeze %dma_start3A_58 : memref<1x128x128xf32, #tpu.memory_space<hbm>> -> memref<128x128xf32, #tpu.memory_space<hbm>>
    %dma_start3A_60 = arith.constant 128 : i32
    %dma_start3A_61 = arith.constant 0 : i32
    %dma_start3A_62 = tpu.memref_slice %arg5[%dma_start3A_60, %dma_start3A_61] : memref<256x128xf32, #tpu.memory_space<vmem>> -> memref<128x128xf32, #tpu.memory_space<vmem>>
    %dma_start3A_63 = arith.constant 128 : i32
    %dma_start3A_64 = arith.constant 0 : i32
    %dma_start3A_65 = tpu.memref_slice %arg2[%add3A_52, %dma_start3A_63, %dma_start3A_64] : memref<1024x256x128xf32, #tpu.memory_space<hbm>> -> memref<1x128x128xf32, #tpu.memory_space<hbm>>
    %dma_start3A_66 = tpu.memref_squeeze %dma_start3A_65 : memref<1x128x128xf32, #tpu.memory_space<hbm>> -> memref<128x128xf32, #tpu.memory_space<hbm>>
    tpu.enqueue_dma source(%dma_start3A_66 : memref<128x128xf32, #tpu.memory_space<hbm>>) target(%dma_start3A_62 : memref<128x128xf32, #tpu.memory_space<vmem>>) target_semaphore(%arg11 : memref<!tpu.dma_semaphore, #tpu.memory_space<semaphore_mem>>)
    %add3A_67 = arith.constant 2 : i32
    %add3A_68 = arith.addi %mul3A_2, %add3A_67 : i32
    %dma_start3A_69 = arith.constant 0 : i32
    %dma_start3A_70 = arith.constant 0 : i32
    %dma_start3A_71 = tpu.memref_slice %arg6[%dma_start3A_69, %dma_start3A_70] : memref<256x128xf32, #tpu.memory_space<vmem>> -> memref<128x128xf32, #tpu.memory_space<vmem>>
    %dma_start3A_72 = arith.constant 0 : i32
    %dma_start3A_73 = arith.constant 0 : i32
    %dma_start3A_74 = tpu.memref_slice %arg2[%add3A_68, %dma_start3A_72, %dma_start3A_73] : memref<1024x256x128xf32, #tpu.memory_space<hbm>> -> memref<1x128x128xf32, #tpu.memory_space<hbm>>
    %dma_start3A_75 = tpu.memref_squeeze %dma_start3A_74 : memref<1x128x128xf32, #tpu.memory_space<hbm>> -> memref<128x128xf32, #tpu.memory_space<hbm>>
    %dma_start3A_76 = arith.constant 0 : i32
    %dma_start3A_77 = arith.constant 0 : i32
    %dma_start3A_78 = tpu.memref_slice %arg6[%dma_start3A_76, %dma_start3A_77] : memref<256x128xf32, #tpu.memory_space<vmem>> -> memref<128x128xf32, #tpu.memory_space<vmem>>
    %dma_start3A_79 = arith.constant 0 : i32
    %dma_start3A_80 = arith.constant 0 : i32
    %dma_start3A_81 = tpu.memref_slice %arg2[%add3A_68, %dma_start3A_79, %dma_start3A_80] : memref<1024x256x128xf32, #tpu.memory_space<hbm>> -> memref<1x128x128xf32, #tpu.memory_space<hbm>>
    %dma_start3A_82 = tpu.memref_squeeze %dma_start3A_81 : memref<1x128x128xf32, #tpu.memory_space<hbm>> -> memref<128x128xf32, #tpu.memory_space<hbm>>
    tpu.enqueue_dma source(%dma_start3A_82 : memref<128x128xf32, #tpu.memory_space<hbm>>) target(%dma_start3A_78 : memref<128x128xf32, #tpu.memory_space<vmem>>) target_semaphore(%arg12 : memref<!tpu.dma_semaphore, #tpu.memory_space<semaphore_mem>>)
    %add3A_83 = arith.constant 2 : i32
    %add3A_84 = arith.addi %mul3A_2, %add3A_83 : i32
    %dma_start3A_85 = arith.constant 128 : i32
    %dma_start3A_86 = arith.constant 0 : i32
    %dma_start3A_87 = tpu.memref_slice %arg6[%dma_start3A_85, %dma_start3A_86] : memref<256x128xf32, #tpu.memory_space<vmem>> -> memref<128x128xf32, #tpu.memory_space<vmem>>
    %dma_start3A_88 = arith.constant 128 : i32
    %dma_start3A_89 = arith.constant 0 : i32
    %dma_start3A_90 = tpu.memref_slice %arg2[%add3A_84, %dma_start3A_88, %dma_start3A_89] : memref<1024x256x128xf32, #tpu.memory_space<hbm>> -> memref<1x128x128xf32, #tpu.memory_space<hbm>>
    %dma_start3A_91 = tpu.memref_squeeze %dma_start3A_90 : memref<1x128x128xf32, #tpu.memory_space<hbm>> -> memref<128x128xf32, #tpu.memory_space<hbm>>
    %dma_start3A_92 = arith.constant 128 : i32
    %dma_start3A_93 = arith.constant 0 : i32
    %dma_start3A_94 = tpu.memref_slice %arg6[%dma_start3A_92, %dma_start3A_93] : memref<256x128xf32, #tpu.memory_space<vmem>> -> memref<128x128xf32, #tpu.memory_space<vmem>>
    %dma_start3A_95 = arith.constant 128 : i32
    %dma_start3A_96 = arith.constant 0 : i32
    %dma_start3A_97 = tpu.memref_slice %arg2[%add3A_84, %dma_start3A_95, %dma_start3A_96] : memref<1024x256x128xf32, #tpu.memory_space<hbm>> -> memref<1x128x128xf32, #tpu.memory_space<hbm>>
    %dma_start3A_98 = tpu.memref_squeeze %dma_start3A_97 : memref<1x128x128xf32, #tpu.memory_space<hbm>> -> memref<128x128xf32, #tpu.memory_space<hbm>>
    tpu.enqueue_dma source(%dma_start3A_98 : memref<128x128xf32, #tpu.memory_space<hbm>>) target(%dma_start3A_94 : memref<128x128xf32, #tpu.memory_space<vmem>>) target_semaphore(%arg12 : memref<!tpu.dma_semaphore, #tpu.memory_space<semaphore_mem>>)
    %scan3A = arith.constant 0 : i32
    %scan3A_99 = arith.constant 0 : i32
    %scan3A_100 = arith.constant 10 : i32
    %scan3A_101 = arith.addi %scan3A_99, %scan3A_100 : i32
    %scan3A_102 = arith.constant 1 : i32
    scf.for %scan3A_451 = %scan3A_99 to %scan3A_101 step %scan3A_102  : i32 {
      %mul3A_452 = arith.constant 3 : i32
      %mul3A_453 = arith.muli %mul3A_452, %scan3A_451 : i32
      %gt3A = arith.constant 0 : i32
      %gt3A_454 = arith.cmpi sgt, %scan3A_451, %gt3A : i32
      %convert_element_type3A = arith.extui %gt3A_454 : i1 to i32
      %cond3A = arith.constant 0 : i32
      %cond3A_455 = arith.cmpi ne, %convert_element_type3A, %cond3A : i32
      scf.if %cond3A_455 {
        %add3A_940 = arith.addi %mul3A_2, %mul3A_453 : i32
        %dma_wait3A_941 = arith.constant 0 : i32
        %dma_wait3A_942 = tpu.memref_slice %arg3[%add3A_940, %dma_wait3A_941] : memref<1024x512xf32, #tpu.memory_space<hbm>> -> memref<1x512xf32, #tpu.memory_space<hbm>>
        %dma_wait3A_943 = tpu.memref_squeeze %dma_wait3A_942 : memref<1x512xf32, #tpu.memory_space<hbm>> -> memref<512xf32, #tpu.memory_space<hbm>>
        %dma_wait3A_944 = arith.constant 0 : i32
        %dma_wait3A_945 = tpu.memref_slice %arg3[%add3A_940, %dma_wait3A_944] : memref<1024x512xf32, #tpu.memory_space<hbm>> -> memref<1x512xf32, #tpu.memory_space<hbm>>
        %dma_wait3A_946 = tpu.memref_squeeze %dma_wait3A_945 : memref<1x512xf32, #tpu.memory_space<hbm>> -> memref<512xf32, #tpu.memory_space<hbm>>
        tpu.wait_dma2 semaphore(%arg13 : memref<!tpu.dma_semaphore, #tpu.memory_space<semaphore_mem>>) src(%arg7 : memref<512xf32, #tpu.memory_space<vmem>>) dst(%dma_wait3A_946 : memref<512xf32, #tpu.memory_space<hbm>>)
      } else {
      }
      %swap3A_456 = arith.constant 0 : index
      %swap3A_457 = tpu.vector_load %arg7[%swap3A_456] {strides = array<i32>} : memref<512xf32, #tpu.memory_space<vmem>>, vector<16xf32>,
      %swap3A_458 = vector.shape_cast %swap3A_457 : vector<16xf32> to vector<16xf32>
      %swap3A_459 = vector.shape_cast %broadcast_in_dim3A_3 : vector<16xf32> to vector<16xf32>
      tpu.vector_store %arg7[%swap3A_456], %swap3A_459 {strides = array<i32>} : memref<512xf32, #tpu.memory_space<vmem>>, vector<16xf32>,
      %swap3A_460 = arith.constant 16 : index
      %swap3A_461 = tpu.vector_load %arg7[%swap3A_460] {strides = array<i32>} : memref<512xf32, #tpu.memory_space<vmem>>, vector<16xf32>,
      %swap3A_462 = vector.shape_cast %swap3A_461 : vector<16xf32> to vector<16xf32>
      %swap3A_463 = vector.shape_cast %broadcast_in_dim3A_3 : vector<16xf32> to vector<16xf32>
      tpu.vector_store %arg7[%swap3A_460], %swap3A_463 {strides = array<i32>} : memref<512xf32, #tpu.memory_space<vmem>>, vector<16xf32>,
      %swap3A_464 = arith.constant 32 : index
      %swap3A_465 = tpu.vector_load %arg7[%swap3A_464] {strides = array<i32>} : memref<512xf32, #tpu.memory_space<vmem>>, vector<16xf32>,
      %swap3A_466 = vector.shape_cast %swap3A_465 : vector<16xf32> to vector<16xf32>
      %swap3A_467 = vector.shape_cast %broadcast_in_dim3A_3 : vector<16xf32> to vector<16xf32>
      tpu.vector_store %arg7[%swap3A_464], %swap3A_467 {strides = array<i32>} : memref<512xf32, #tpu.memory_space<vmem>>, vector<16xf32>,
      %swap3A_468 = arith.constant 48 : index
      %swap3A_469 = tpu.vector_load %arg7[%swap3A_468] {strides = array<i32>} : memref<512xf32, #tpu.memory_space<vmem>>, vector<16xf32>,
      %swap3A_470 = vector.shape_cast %swap3A_469 : vector<16xf32> to vector<16xf32>
      %swap3A_471 = vector.shape_cast %broadcast_in_dim3A_3 : vector<16xf32> to vector<16xf32>
      tpu.vector_store %arg7[%swap3A_468], %swap3A_471 {strides = array<i32>} : memref<512xf32, #tpu.memory_space<vmem>>, vector<16xf32>,
      %swap3A_472 = arith.constant 64 : index
      %swap3A_473 = tpu.vector_load %arg7[%swap3A_472] {strides = array<i32>} : memref<512xf32, #tpu.memory_space<vmem>>, vector<16xf32>,
      %swap3A_474 = vector.shape_cast %swap3A_473 : vector<16xf32> to vector<16xf32>
      %swap3A_475 = vector.shape_cast %broadcast_in_dim3A_3 : vector<16xf32> to vector<16xf32>
      tpu.vector_store %arg7[%swap3A_472], %swap3A_475 {strides = array<i32>} : memref<512xf32, #tpu.memory_space<vmem>>, vector<16xf32>,
      %swap3A_476 = arith.constant 80 : index
      %swap3A_477 = tpu.vector_load %arg7[%swap3A_476] {strides = array<i32>} : memref<512xf32, #tpu.memory_space<vmem>>, vector<16xf32>,
      %swap3A_478 = vector.shape_cast %swap3A_477 : vector<16xf32> to vector<16xf32>
      %swap3A_479 = vector.shape_cast %broadcast_in_dim3A_3 : vector<16xf32> to vector<16xf32>
      tpu.vector_store %arg7[%swap3A_476], %swap3A_479 {strides = array<i32>} : memref<512xf32, #tpu.memory_space<vmem>>, vector<16xf32>,
      %swap3A_480 = arith.constant 96 : index
      %swap3A_481 = tpu.vector_load %arg7[%swap3A_480] {strides = array<i32>} : memref<512xf32, #tpu.memory_space<vmem>>, vector<16xf32>,
      %swap3A_482 = vector.shape_cast %swap3A_481 : vector<16xf32> to vector<16xf32>
      %swap3A_483 = vector.shape_cast %broadcast_in_dim3A_3 : vector<16xf32> to vector<16xf32>
      tpu.vector_store %arg7[%swap3A_480], %swap3A_483 {strides = array<i32>} : memref<512xf32, #tpu.memory_space<vmem>>, vector<16xf32>,
      %swap3A_484 = arith.constant 112 : index
      %swap3A_485 = tpu.vector_load %arg7[%swap3A_484] {strides = array<i32>} : memref<512xf32, #tpu.memory_space<vmem>>, vector<16xf32>,
      %swap3A_486 = vector.shape_cast %swap3A_485 : vector<16xf32> to vector<16xf32>
      %swap3A_487 = vector.shape_cast %broadcast_in_dim3A_3 : vector<16xf32> to vector<16xf32>
      tpu.vector_store %arg7[%swap3A_484], %swap3A_487 {strides = array<i32>} : memref<512xf32, #tpu.memory_space<vmem>>, vector<16xf32>,
      %swap3A_488 = arith.constant 128 : index
      %swap3A_489 = tpu.vector_load %arg7[%swap3A_488] {strides = array<i32>} : memref<512xf32, #tpu.memory_space<vmem>>, vector<16xf32>,
      %swap3A_490 = vector.shape_cast %swap3A_489 : vector<16xf32> to vector<16xf32>
      %swap3A_491 = vector.shape_cast %broadcast_in_dim3A_3 : vector<16xf32> to vector<16xf32>
      tpu.vector_store %arg7[%swap3A_488], %swap3A_491 {strides = array<i32>} : memref<512xf32, #tpu.memory_space<vmem>>, vector<16xf32>,
      %swap3A_492 = arith.constant 144 : index
      %swap3A_493 = tpu.vector_load %arg7[%swap3A_492] {strides = array<i32>} : memref<512xf32, #tpu.memory_space<vmem>>, vector<16xf32>,
      %swap3A_494 = vector.shape_cast %swap3A_493 : vector<16xf32> to vector<16xf32>
      %swap3A_495 = vector.shape_cast %broadcast_in_dim3A_3 : vector<16xf32> to vector<16xf32>
      tpu.vector_store %arg7[%swap3A_492], %swap3A_495 {strides = array<i32>} : memref<512xf32, #tpu.memory_space<vmem>>, vector<16xf32>,
      %swap3A_496 = arith.constant 160 : index
      %swap3A_497 = tpu.vector_load %arg7[%swap3A_496] {strides = array<i32>} : memref<512xf32, #tpu.memory_space<vmem>>, vector<16xf32>,
      %swap3A_498 = vector.shape_cast %swap3A_497 : vector<16xf32> to vector<16xf32>
      %swap3A_499 = vector.shape_cast %broadcast_in_dim3A_3 : vector<16xf32> to vector<16xf32>
      tpu.vector_store %arg7[%swap3A_496], %swap3A_499 {strides = array<i32>} : memref<512xf32, #tpu.memory_space<vmem>>, vector<16xf32>,
      %swap3A_500 = arith.constant 176 : index
      %swap3A_501 = tpu.vector_load %arg7[%swap3A_500] {strides = array<i32>} : memref<512xf32, #tpu.memory_space<vmem>>, vector<16xf32>,
      %swap3A_502 = vector.shape_cast %swap3A_501 : vector<16xf32> to vector<16xf32>
      %swap3A_503 = vector.shape_cast %broadcast_in_dim3A_3 : vector<16xf32> to vector<16xf32>
      tpu.vector_store %arg7[%swap3A_500], %swap3A_503 {strides = array<i32>} : memref<512xf32, #tpu.memory_space<vmem>>, vector<16xf32>,
      %swap3A_504 = arith.constant 192 : index
      %swap3A_505 = tpu.vector_load %arg7[%swap3A_504] {strides = array<i32>} : memref<512xf32, #tpu.memory_space<vmem>>, vector<16xf32>,
      %swap3A_506 = vector.shape_cast %swap3A_505 : vector<16xf32> to vector<16xf32>
      %swap3A_507 = vector.shape_cast %broadcast_in_dim3A_3 : vector<16xf32> to vector<16xf32>
      tpu.vector_store %arg7[%swap3A_504], %swap3A_507 {strides = array<i32>} : memref<512xf32, #tpu.memory_space<vmem>>, vector<16xf32>,
      %swap3A_508 = arith.constant 208 : index
      %swap3A_509 = tpu.vector_load %arg7[%swap3A_508] {strides = array<i32>} : memref<512xf32, #tpu.memory_space<vmem>>, vector<16xf32>,
      %swap3A_510 = vector.shape_cast %swap3A_509 : vector<16xf32> to vector<16xf32>
      %swap3A_511 = vector.shape_cast %broadcast_in_dim3A_3 : vector<16xf32> to vector<16xf32>
      tpu.vector_store %arg7[%swap3A_508], %swap3A_511 {strides = array<i32>} : memref<512xf32, #tpu.memory_space<vmem>>, vector<16xf32>,
      %swap3A_512 = arith.constant 224 : index
      %swap3A_513 = tpu.vector_load %arg7[%swap3A_512] {strides = array<i32>} : memref<512xf32, #tpu.memory_space<vmem>>, vector<16xf32>,
      %swap3A_514 = vector.shape_cast %swap3A_513 : vector<16xf32> to vector<16xf32>
      %swap3A_515 = vector.shape_cast %broadcast_in_dim3A_3 : vector<16xf32> to vector<16xf32>
      tpu.vector_store %arg7[%swap3A_512], %swap3A_515 {strides = array<i32>} : memref<512xf32, #tpu.memory_space<vmem>>, vector<16xf32>,
      %swap3A_516 = arith.constant 240 : index
      %swap3A_517 = tpu.vector_load %arg7[%swap3A_516] {strides = array<i32>} : memref<512xf32, #tpu.memory_space<vmem>>, vector<16xf32>,
      %swap3A_518 = vector.shape_cast %swap3A_517 : vector<16xf32> to vector<16xf32>
      %swap3A_519 = vector.shape_cast %broadcast_in_dim3A_3 : vector<16xf32> to vector<16xf32>
      tpu.vector_store %arg7[%swap3A_516], %swap3A_519 {strides = array<i32>} : memref<512xf32, #tpu.memory_space<vmem>>, vector<16xf32>,
      %swap3A_520 = arith.constant 256 : index
      %swap3A_521 = tpu.vector_load %arg7[%swap3A_520] {strides = array<i32>} : memref<512xf32, #tpu.memory_space<vmem>>, vector<16xf32>,
      %swap3A_522 = vector.shape_cast %swap3A_521 : vector<16xf32> to vector<16xf32>
      %swap3A_523 = vector.shape_cast %broadcast_in_dim3A_3 : vector<16xf32> to vector<16xf32>
      tpu.vector_store %arg7[%swap3A_520], %swap3A_523 {strides = array<i32>} : memref<512xf32, #tpu.memory_space<vmem>>, vector<16xf32>,
      %swap3A_524 = arith.constant 272 : index
      %swap3A_525 = tpu.vector_load %arg7[%swap3A_524] {strides = array<i32>} : memref<512xf32, #tpu.memory_space<vmem>>, vector<16xf32>,
      %swap3A_526 = vector.shape_cast %swap3A_525 : vector<16xf32> to vector<16xf32>
      %swap3A_527 = vector.shape_cast %broadcast_in_dim3A_3 : vector<16xf32> to vector<16xf32>
      tpu.vector_store %arg7[%swap3A_524], %swap3A_527 {strides = array<i32>} : memref<512xf32, #tpu.memory_space<vmem>>, vector<16xf32>,
      %swap3A_528 = arith.constant 288 : index
      %swap3A_529 = tpu.vector_load %arg7[%swap3A_528] {strides = array<i32>} : memref<512xf32, #tpu.memory_space<vmem>>, vector<16xf32>,
      %swap3A_530 = vector.shape_cast %swap3A_529 : vector<16xf32> to vector<16xf32>
      %swap3A_531 = vector.shape_cast %broadcast_in_dim3A_3 : vector<16xf32> to vector<16xf32>
      tpu.vector_store %arg7[%swap3A_528], %swap3A_531 {strides = array<i32>} : memref<512xf32, #tpu.memory_space<vmem>>, vector<16xf32>,
      %swap3A_532 = arith.constant 304 : index
      %swap3A_533 = tpu.vector_load %arg7[%swap3A_532] {strides = array<i32>} : memref<512xf32, #tpu.memory_space<vmem>>, vector<16xf32>,
      %swap3A_534 = vector.shape_cast %swap3A_533 : vector<16xf32> to vector<16xf32>
      %swap3A_535 = vector.shape_cast %broadcast_in_dim3A_3 : vector<16xf32> to vector<16xf32>
      tpu.vector_store %arg7[%swap3A_532], %swap3A_535 {strides = array<i32>} : memref<512xf32, #tpu.memory_space<vmem>>, vector<16xf32>,
      %swap3A_536 = arith.constant 320 : index
      %swap3A_537 = tpu.vector_load %arg7[%swap3A_536] {strides = array<i32>} : memref<512xf32, #tpu.memory_space<vmem>>, vector<16xf32>,
      %swap3A_538 = vector.shape_cast %swap3A_537 : vector<16xf32> to vector<16xf32>
      %swap3A_539 = vector.shape_cast %broadcast_in_dim3A_3 : vector<16xf32> to vector<16xf32>
      tpu.vector_store %arg7[%swap3A_536], %swap3A_539 {strides = array<i32>} : memref<512xf32, #tpu.memory_space<vmem>>, vector<16xf32>,
      %swap3A_540 = arith.constant 336 : index
      %swap3A_541 = tpu.vector_load %arg7[%swap3A_540] {strides = array<i32>} : memref<512xf32, #tpu.memory_space<vmem>>, vector<16xf32>,
      %swap3A_542 = vector.shape_cast %swap3A_541 : vector<16xf32> to vector<16xf32>
      %swap3A_543 = vector.shape_cast %broadcast_in_dim3A_3 : vector<16xf32> to vector<16xf32>
      tpu.vector_store %arg7[%swap3A_540], %swap3A_543 {strides = array<i32>} : memref<512xf32, #tpu.memory_space<vmem>>, vector<16xf32>,
      %swap3A_544 = arith.constant 352 : index
      %swap3A_545 = tpu.vector_load %arg7[%swap3A_544] {strides = array<i32>} : memref<512xf32, #tpu.memory_space<vmem>>, vector<16xf32>,
      %swap3A_546 = vector.shape_cast %swap3A_545 : vector<16xf32> to vector<16xf32>
      %swap3A_547 = vector.shape_cast %broadcast_in_dim3A_3 : vector<16xf32> to vector<16xf32>
      tpu.vector_store %arg7[%swap3A_544], %swap3A_547 {strides = array<i32>} : memref<512xf32, #tpu.memory_space<vmem>>, vector<16xf32>,
      %swap3A_548 = arith.constant 368 : index
      %swap3A_549 = tpu.vector_load %arg7[%swap3A_548] {strides = array<i32>} : memref<512xf32, #tpu.memory_space<vmem>>, vector<16xf32>,
      %swap3A_550 = vector.shape_cast %swap3A_549 : vector<16xf32> to vector<16xf32>
      %swap3A_551 = vector.shape_cast %broadcast_in_dim3A_3 : vector<16xf32> to vector<16xf32>
      tpu.vector_store %arg7[%swap3A_548], %swap3A_551 {strides = array<i32>} : memref<512xf32, #tpu.memory_space<vmem>>, vector<16xf32>,
      %swap3A_552 = arith.constant 384 : index
      %swap3A_553 = tpu.vector_load %arg7[%swap3A_552] {strides = array<i32>} : memref<512xf32, #tpu.memory_space<vmem>>, vector<16xf32>,
      %swap3A_554 = vector.shape_cast %swap3A_553 : vector<16xf32> to vector<16xf32>
      %swap3A_555 = vector.shape_cast %broadcast_in_dim3A_3 : vector<16xf32> to vector<16xf32>
      tpu.vector_store %arg7[%swap3A_552], %swap3A_555 {strides = array<i32>} : memref<512xf32, #tpu.memory_space<vmem>>, vector<16xf32>,
      %swap3A_556 = arith.constant 400 : index
      %swap3A_557 = tpu.vector_load %arg7[%swap3A_556] {strides = array<i32>} : memref<512xf32, #tpu.memory_space<vmem>>, vector<16xf32>,
      %swap3A_558 = vector.shape_cast %swap3A_557 : vector<16xf32> to vector<16xf32>
      %swap3A_559 = vector.shape_cast %broadcast_in_dim3A_3 : vector<16xf32> to vector<16xf32>
      tpu.vector_store %arg7[%swap3A_556], %swap3A_559 {strides = array<i32>} : memref<512xf32, #tpu.memory_space<vmem>>, vector<16xf32>,
      %swap3A_560 = arith.constant 416 : index
      %swap3A_561 = tpu.vector_load %arg7[%swap3A_560] {strides = array<i32>} : memref<512xf32, #tpu.memory_space<vmem>>, vector<16xf32>,
      %swap3A_562 = vector.shape_cast %swap3A_561 : vector<16xf32> to vector<16xf32>
      %swap3A_563 = vector.shape_cast %broadcast_in_dim3A_3 : vector<16xf32> to vector<16xf32>
      tpu.vector_store %arg7[%swap3A_560], %swap3A_563 {strides = array<i32>} : memref<512xf32, #tpu.memory_space<vmem>>, vector<16xf32>,
      %swap3A_564 = arith.constant 432 : index
      %swap3A_565 = tpu.vector_load %arg7[%swap3A_564] {strides = array<i32>} : memref<512xf32, #tpu.memory_space<vmem>>, vector<16xf32>,
      %swap3A_566 = vector.shape_cast %swap3A_565 : vector<16xf32> to vector<16xf32>
      %swap3A_567 = vector.shape_cast %broadcast_in_dim3A_3 : vector<16xf32> to vector<16xf32>
      tpu.vector_store %arg7[%swap3A_564], %swap3A_567 {strides = array<i32>} : memref<512xf32, #tpu.memory_space<vmem>>, vector<16xf32>,
      %swap3A_568 = arith.constant 448 : index
      %swap3A_569 = tpu.vector_load %arg7[%swap3A_568] {strides = array<i32>} : memref<512xf32, #tpu.memory_space<vmem>>, vector<16xf32>,
      %swap3A_570 = vector.shape_cast %swap3A_569 : vector<16xf32> to vector<16xf32>
      %swap3A_571 = vector.shape_cast %broadcast_in_dim3A_3 : vector<16xf32> to vector<16xf32>
      tpu.vector_store %arg7[%swap3A_568], %swap3A_571 {strides = array<i32>} : memref<512xf32, #tpu.memory_space<vmem>>, vector<16xf32>,
      %swap3A_572 = arith.constant 464 : index
      %swap3A_573 = tpu.vector_load %arg7[%swap3A_572] {strides = array<i32>} : memref<512xf32, #tpu.memory_space<vmem>>, vector<16xf32>,
      %swap3A_574 = vector.shape_cast %swap3A_573 : vector<16xf32> to vector<16xf32>
      %swap3A_575 = vector.shape_cast %broadcast_in_dim3A_3 : vector<16xf32> to vector<16xf32>
      tpu.vector_store %arg7[%swap3A_572], %swap3A_575 {strides = array<i32>} : memref<512xf32, #tpu.memory_space<vmem>>, vector<16xf32>,
      %swap3A_576 = arith.constant 480 : index
      %swap3A_577 = tpu.vector_load %arg7[%swap3A_576] {strides = array<i32>} : memref<512xf32, #tpu.memory_space<vmem>>, vector<16xf32>,
      %swap3A_578 = vector.shape_cast %swap3A_577 : vector<16xf32> to vector<16xf32>
      %swap3A_579 = vector.shape_cast %broadcast_in_dim3A_3 : vector<16xf32> to vector<16xf32>
      tpu.vector_store %arg7[%swap3A_576], %swap3A_579 {strides = array<i32>} : memref<512xf32, #tpu.memory_space<vmem>>, vector<16xf32>,
      %swap3A_580 = arith.constant 496 : index
      %swap3A_581 = tpu.vector_load %arg7[%swap3A_580] {strides = array<i32>} : memref<512xf32, #tpu.memory_space<vmem>>, vector<16xf32>,
      %swap3A_582 = vector.shape_cast %swap3A_581 : vector<16xf32> to vector<16xf32>
      %swap3A_583 = vector.shape_cast %broadcast_in_dim3A_3 : vector<16xf32> to vector<16xf32>
      tpu.vector_store %arg7[%swap3A_580], %swap3A_583 {strides = array<i32>} : memref<512xf32, #tpu.memory_space<vmem>>, vector<16xf32>,
      %add3A_584 = arith.addi %mul3A_2, %mul3A_453 : i32
      %dma_wait3A_585 = arith.constant 0 : i32
      %dma_wait3A_586 = arith.constant 0 : i32
      %dma_wait3A_587 = tpu.memref_slice %arg2[%add3A_584, %dma_wait3A_585, %dma_wait3A_586] : memref<1024x256x128xf32, #tpu.memory_space<hbm>> -> memref<1x256x128xf32, #tpu.memory_space<hbm>>
      %dma_wait3A_588 = tpu.memref_squeeze %dma_wait3A_587 : memref<1x256x128xf32, #tpu.memory_space<hbm>> -> memref<256x128xf32, #tpu.memory_space<hbm>>
      %dma_wait3A_589 = arith.constant 0 : i32
      %dma_wait3A_590 = arith.constant 0 : i32
      %dma_wait3A_591 = tpu.memref_slice %arg2[%add3A_584, %dma_wait3A_589, %dma_wait3A_590] : memref<1024x256x128xf32, #tpu.memory_space<hbm>> -> memref<1x256x128xf32, #tpu.memory_space<hbm>>
      %dma_wait3A_592 = tpu.memref_squeeze %dma_wait3A_591 : memref<1x256x128xf32, #tpu.memory_space<hbm>> -> memref<256x128xf32, #tpu.memory_space<hbm>>
      tpu.wait_dma2 semaphore(%arg10 : memref<!tpu.dma_semaphore, #tpu.memory_space<semaphore_mem>>) src(%dma_wait3A_592 : memref<256x128xf32, #tpu.memory_space<hbm>>) dst(%arg4 : memref<256x128xf32, #tpu.memory_space<vmem>>)
      %scan3A_593 = arith.constant 0 : i32
      %scan3A_594 = arith.constant 0 : i32
      %scan3A_595 = arith.constant 32 : i32
      %scan3A_596 = arith.addi %scan3A_594, %scan3A_595 : i32
      %scan3A_597 = arith.constant 1 : i32
      scf.for %scan3A_940 = %scan3A_594 to %scan3A_596 step %scan3A_597  : i32 {
        %jit3A = arith.constant 2 : i32
        %eq3A = arith.constant 0 : i32
        %eq3A_941 = arith.cmpi eq, %jit3A, %eq3A : i32
        %jit3A_942 = arith.constant 1 : i32
        %select_n3A = arith.select %eq3A_941, %jit3A_942, %jit3A : i32
        %rem3A = arith.remsi %scan3A_940, %select_n3A : i32
        %ne3A = arith.constant 0 : i32
        %ne3A_943 = arith.cmpi ne, %rem3A, %ne3A : i32
        %lt3A_944 = arith.constant 0 : i32
        %lt3A_945 = arith.cmpi slt, %rem3A, %lt3A_944 : i32
        %lt3A_946 = arith.constant 0 : i32
        %lt3A_947 = arith.cmpi slt, %select_n3A, %lt3A_946 : i32
        %ne3A_948 = arith.xori %lt3A_945, %lt3A_947 : i1
        %and3A = arith.andi %ne3A_948, %ne3A_943 : i1
        %add3A_949 = arith.addi %rem3A, %select_n3A : i32
        %select_n3A_950 = arith.select %and3A, %add3A_949, %rem3A : i32
        %mul3A_951 = arith.constant 256 : i32
        %mul3A_952 = arith.muli %mul3A_951, %select_n3A_950 : i32
        %jit3A_953 = arith.constant 2 : i32
        %div3A = arith.divsi %scan3A_940, %jit3A_953 : i32
        %sign3A = arith.constant 0 : i32
        %sign3A_954 = arith.cmpi sgt, %scan3A_940, %sign3A : i32
        %sign3A_955 = arith.extui %sign3A_954 : i1 to i32
        %sign3A_956 = arith.constant 0 : i32
        %sign3A_957 = arith.cmpi slt, %scan3A_940, %sign3A_956 : i32
        %sign3A_958 = arith.extui %sign3A_957 : i1 to i32
        %sign3A_959 = arith.subi %sign3A_955, %sign3A_958 : i32
        %sign3A_960 = arith.constant 0 : i32
        %sign3A_961 = arith.cmpi sgt, %jit3A_953, %sign3A_960 : i32
        %sign3A_962 = arith.extui %sign3A_961 : i1 to i32
        %sign3A_963 = arith.constant 0 : i32
        %sign3A_964 = arith.cmpi slt, %jit3A_953, %sign3A_963 : i32
        %sign3A_965 = arith.extui %sign3A_964 : i1 to i32
        %sign3A_966 = arith.subi %sign3A_962, %sign3A_965 : i32
        %ne3A_967 = arith.cmpi ne, %sign3A_959, %sign3A_966 : i32
        %rem3A_968 = arith.remsi %scan3A_940, %jit3A_953 : i32
        %ne3A_969 = arith.constant 0 : i32
        %ne3A_970 = arith.cmpi ne, %rem3A_968, %ne3A_969 : i32
        %and3A_971 = arith.andi %ne3A_967, %ne3A_970 : i1
        %sub3A_972 = arith.constant 1 : i32
        %sub3A_973 = arith.subi %div3A, %sub3A_972 : i32
        %select_n3A_974 = arith.select %and3A_971, %sub3A_973, %div3A : i32
        %add3A_975 = arith.addi %mul3A_952, %select_n3A_974 : i32
        %add3A_976 = arith.constant 0 : i32
        %add3A_977 = arith.addi %scan3A_940, %add3A_976 : i32
        %get3A = arith.index_cast %add3A_977 : i32 to index
        %get3A_978 = arith.constant 0 : index
        %get3A_979 = tpu.vector_load %arg4[%get3A, %get3A_978] {strides = array<i32>} : memref<256x128xf32, #tpu.memory_space<vmem>>, vector<1x16xf32>,
        %get3A_980 = vector.shape_cast %get3A_979 : vector<1x16xf32> to vector<16xf32>
        %add3A_981 = arith.constant 0 : i32
        %add3A_982 = arith.addi %scan3A_940, %add3A_981 : i32
        %get3A_983 = arith.index_cast %add3A_982 : i32 to index
        %get3A_984 = arith.constant 16 : index
        %get3A_985 = tpu.vector_load %arg4[%get3A_983, %get3A_984] {strides = array<i32>} : memref<256x128xf32, #tpu.memory_space<vmem>>, vector<1x16xf32>,
        %get3A_986 = vector.shape_cast %get3A_985 : vector<1x16xf32> to vector<16xf32>
        %add3A_987 = arith.constant 0 : i32
        %add3A_988 = arith.addi %scan3A_940, %add3A_987 : i32
        %get3A_989 = arith.index_cast %add3A_988 : i32 to index
        %get3A_990 = arith.constant 32 : index
        %get3A_991 = tpu.vector_load %arg4[%get3A_989, %get3A_990] {strides = array<i32>} : memref<256x128xf32, #tpu.memory_space<vmem>>, vector<1x16xf32>,
        %get3A_992 = vector.shape_cast %get3A_991 : vector<1x16xf32> to vector<16xf32>
        %add3A_993 = arith.constant 0 : i32
        %add3A_994 = arith.addi %scan3A_940, %add3A_993 : i32
        %get3A_995 = arith.index_cast %add3A_994 : i32 to index
        %get3A_996 = arith.constant 48 : index
        %get3A_997 = tpu.vector_load %arg4[%get3A_995, %get3A_996] {strides = array<i32>} : memref<256x128xf32, #tpu.memory_space<vmem>>, vector<1x16xf32>,
        %get3A_998 = vector.shape_cast %get3A_997 : vector<1x16xf32> to vector<16xf32>
        %add3A_999 = arith.constant 0 : i32
        %add3A_1000 = arith.addi %scan3A_940, %add3A_999 : i32
        %get3A_1001 = arith.index_cast %add3A_1000 : i32 to index
        %get3A_1002 = arith.constant 64 : index
        %get3A_1003 = tpu.vector_load %arg4[%get3A_1001, %get3A_1002] {strides = array<i32>} : memref<256x128xf32, #tpu.memory_space<vmem>>, vector<1x16xf32>,
        %get3A_1004 = vector.shape_cast %get3A_1003 : vector<1x16xf32> to vector<16xf32>
        %add3A_1005 = arith.constant 0 : i32
        %add3A_1006 = arith.addi %scan3A_940, %add3A_1005 : i32
        %get3A_1007 = arith.index_cast %add3A_1006 : i32 to index
        %get3A_1008 = arith.constant 80 : index
        %get3A_1009 = tpu.vector_load %arg4[%get3A_1007, %get3A_1008] {strides = array<i32>} : memref<256x128xf32, #tpu.memory_space<vmem>>, vector<1x16xf32>,
        %get3A_1010 = vector.shape_cast %get3A_1009 : vector<1x16xf32> to vector<16xf32>
        %add3A_1011 = arith.constant 0 : i32
        %add3A_1012 = arith.addi %scan3A_940, %add3A_1011 : i32
        %get3A_1013 = arith.index_cast %add3A_1012 : i32 to index
        %get3A_1014 = arith.constant 96 : index
        %get3A_1015 = tpu.vector_load %arg4[%get3A_1013, %get3A_1014] {strides = array<i32>} : memref<256x128xf32, #tpu.memory_space<vmem>>, vector<1x16xf32>,
        %get3A_1016 = vector.shape_cast %get3A_1015 : vector<1x16xf32> to vector<16xf32>
        %add3A_1017 = arith.constant 0 : i32
        %add3A_1018 = arith.addi %scan3A_940, %add3A_1017 : i32
        %get3A_1019 = arith.index_cast %add3A_1018 : i32 to index
        %get3A_1020 = arith.constant 112 : index
        %get3A_1021 = tpu.vector_load %arg4[%get3A_1019, %get3A_1020] {strides = array<i32>} : memref<256x128xf32, #tpu.memory_space<vmem>>, vector<1x16xf32>,
        %get3A_1022 = vector.shape_cast %get3A_1021 : vector<1x16xf32> to vector<16xf32>
        %add3A_1023 = arith.constant 32 : i32
        %add3A_1024 = arith.addi %scan3A_940, %add3A_1023 : i32
        %get3A_1025 = arith.index_cast %add3A_1024 : i32 to index
        %get3A_1026 = arith.constant 0 : index
        %get3A_1027 = tpu.vector_load %arg4[%get3A_1025, %get3A_1026] {strides = array<i32>} : memref<256x128xf32, #tpu.memory_space<vmem>>, vector<1x16xf32>,
        %get3A_1028 = vector.shape_cast %get3A_1027 : vector<1x16xf32> to vector<16xf32>
        %add3A_1029 = arith.constant 32 : i32
        %add3A_1030 = arith.addi %scan3A_940, %add3A_1029 : i32
        %get3A_1031 = arith.index_cast %add3A_1030 : i32 to index
        %get3A_1032 = arith.constant 16 : index
        %get3A_1033 = tpu.vector_load %arg4[%get3A_1031, %get3A_1032] {strides = array<i32>} : memref<256x128xf32, #tpu.memory_space<vmem>>, vector<1x16xf32>,
        %get3A_1034 = vector.shape_cast %get3A_1033 : vector<1x16xf32> to vector<16xf32>
        %add3A_1035 = arith.constant 32 : i32
        %add3A_1036 = arith.addi %scan3A_940, %add3A_1035 : i32
        %get3A_1037 = arith.index_cast %add3A_1036 : i32 to index
        %get3A_1038 = arith.constant 32 : index
        %get3A_1039 = tpu.vector_load %arg4[%get3A_1037, %get3A_1038] {strides = array<i32>} : memref<256x128xf32, #tpu.memory_space<vmem>>, vector<1x16xf32>,
        %get3A_1040 = vector.shape_cast %get3A_1039 : vector<1x16xf32> to vector<16xf32>
        %add3A_1041 = arith.constant 32 : i32
        %add3A_1042 = arith.addi %scan3A_940, %add3A_1041 : i32
        %get3A_1043 = arith.index_cast %add3A_1042 : i32 to index
        %get3A_1044 = arith.constant 48 : index
        %get3A_1045 = tpu.vector_load %arg4[%get3A_1043, %get3A_1044] {strides = array<i32>} : memref<256x128xf32, #tpu.memory_space<vmem>>, vector<1x16xf32>,
        %get3A_1046 = vector.shape_cast %get3A_1045 : vector<1x16xf32> to vector<16xf32>
        %add3A_1047 = arith.constant 32 : i32
        %add3A_1048 = arith.addi %scan3A_940, %add3A_1047 : i32
        %get3A_1049 = arith.index_cast %add3A_1048 : i32 to index
        %get3A_1050 = arith.constant 64 : index
        %get3A_1051 = tpu.vector_load %arg4[%get3A_1049, %get3A_1050] {strides = array<i32>} : memref<256x128xf32, #tpu.memory_space<vmem>>, vector<1x16xf32>,
        %get3A_1052 = vector.shape_cast %get3A_1051 : vector<1x16xf32> to vector<16xf32>
        %add3A_1053 = arith.constant 32 : i32
        %add3A_1054 = arith.addi %scan3A_940, %add3A_1053 : i32
        %get3A_1055 = arith.index_cast %add3A_1054 : i32 to index
        %get3A_1056 = arith.constant 80 : index
        %get3A_1057 = tpu.vector_load %arg4[%get3A_1055, %get3A_1056] {strides = array<i32>} : memref<256x128xf32, #tpu.memory_space<vmem>>, vector<1x16xf32>,
        %get3A_1058 = vector.shape_cast %get3A_1057 : vector<1x16xf32> to vector<16xf32>
        %add3A_1059 = arith.constant 32 : i32
        %add3A_1060 = arith.addi %scan3A_940, %add3A_1059 : i32
        %get3A_1061 = arith.index_cast %add3A_1060 : i32 to index
        %get3A_1062 = arith.constant 96 : index
        %get3A_1063 = tpu.vector_load %arg4[%get3A_1061, %get3A_1062] {strides = array<i32>} : memref<256x128xf32, #tpu.memory_space<vmem>>, vector<1x16xf32>,
        %get3A_1064 = vector.shape_cast %get3A_1063 : vector<1x16xf32> to vector<16xf32>
        %add3A_1065 = arith.constant 32 : i32
        %add3A_1066 = arith.addi %scan3A_940, %add3A_1065 : i32
        %get3A_1067 = arith.index_cast %add3A_1066 : i32 to index
        %get3A_1068 = arith.constant 112 : index
        %get3A_1069 = tpu.vector_load %arg4[%get3A_1067, %get3A_1068] {strides = array<i32>} : memref<256x128xf32, #tpu.memory_space<vmem>>, vector<1x16xf32>,
        %get3A_1070 = vector.shape_cast %get3A_1069 : vector<1x16xf32> to vector<16xf32>
        %add3A_1071 = arith.addf %get3A_986, %get3A_1028 : vector<16xf32>
        %add3A_1072 = arith.addf %get3A_992, %get3A_1034 : vector<16xf32>
        %add3A_1073 = arith.addf %get3A_998, %get3A_1040 : vector<16xf32>
        %add3A_1074 = arith.addf %get3A_1004, %get3A_1046 : vector<16xf32>
        %add3A_1075 = arith.addf %get3A_1010, %get3A_1052 : vector<16xf32>
        %add3A_1076 = arith.addf %get3A_1016, %get3A_1058 : vector<16xf32>
        %add3A_1077 = arith.addf %get3A_1022, %get3A_1064 : vector<16xf32>
        %add3A_1078 = arith.constant 64 : i32
        %add3A_1079 = arith.addi %scan3A_940, %add3A_1078 : i32
        %get3A_1080 = arith.index_cast %add3A_1079 : i32 to index
        %get3A_1081 = arith.constant 0 : index
        %get3A_1082 = tpu.vector_load %arg4[%get3A_1080, %get3A_1081] {strides = array<i32>} : memref<256x128xf32, #tpu.memory_space<vmem>>, vector<1x16xf32>,
        %get3A_1083 = vector.shape_cast %get3A_1082 : vector<1x16xf32> to vector<16xf32>
        %add3A_1084 = arith.constant 64 : i32
        %add3A_1085 = arith.addi %scan3A_940, %add3A_1084 : i32
        %get3A_1086 = arith.index_cast %add3A_1085 : i32 to index
        %get3A_1087 = arith.constant 16 : index
        %get3A_1088 = tpu.vector_load %arg4[%get3A_1086, %get3A_1087] {strides = array<i32>} : memref<256x128xf32, #tpu.memory_space<vmem>>, vector<1x16xf32>,
        %get3A_1089 = vector.shape_cast %get3A_1088 : vector<1x16xf32> to vector<16xf32>
        %add3A_1090 = arith.constant 64 : i32
        %add3A_1091 = arith.addi %scan3A_940, %add3A_1090 : i32
        %get3A_1092 = arith.index_cast %add3A_1091 : i32 to index
        %get3A_1093 = arith.constant 32 : index
        %get3A_1094 = tpu.vector_load %arg4[%get3A_1092, %get3A_1093] {strides = array<i32>} : memref<256x128xf32, #tpu.memory_space<vmem>>, vector<1x16xf32>,
        %get3A_1095 = vector.shape_cast %get3A_1094 : vector<1x16xf32> to vector<16xf32>
        %add3A_1096 = arith.constant 64 : i32
        %add3A_1097 = arith.addi %scan3A_940, %add3A_1096 : i32
        %get3A_1098 = arith.index_cast %add3A_1097 : i32 to index
        %get3A_1099 = arith.constant 48 : index
        %get3A_1100 = tpu.vector_load %arg4[%get3A_1098, %get3A_1099] {strides = array<i32>} : memref<256x128xf32, #tpu.memory_space<vmem>>, vector<1x16xf32>,
        %get3A_1101 = vector.shape_cast %get3A_1100 : vector<1x16xf32> to vector<16xf32>
        %add3A_1102 = arith.constant 64 : i32
        %add3A_1103 = arith.addi %scan3A_940, %add3A_1102 : i32
        %get3A_1104 = arith.index_cast %add3A_1103 : i32 to index
        %get3A_1105 = arith.constant 64 : index
        %get3A_1106 = tpu.vector_load %arg4[%get3A_1104, %get3A_1105] {strides = array<i32>} : memref<256x128xf32, #tpu.memory_space<vmem>>, vector<1x16xf32>,
        %get3A_1107 = vector.shape_cast %get3A_1106 : vector<1x16xf32> to vector<16xf32>
        %add3A_1108 = arith.constant 64 : i32
        %add3A_1109 = arith.addi %scan3A_940, %add3A_1108 : i32
        %get3A_1110 = arith.index_cast %add3A_1109 : i32 to index
        %get3A_1111 = arith.constant 80 : index
        %get3A_1112 = tpu.vector_load %arg4[%get3A_1110, %get3A_1111] {strides = array<i32>} : memref<256x128xf32, #tpu.memory_space<vmem>>, vector<1x16xf32>,
        %get3A_1113 = vector.shape_cast %get3A_1112 : vector<1x16xf32> to vector<16xf32>
        %add3A_1114 = arith.constant 64 : i32
        %add3A_1115 = arith.addi %scan3A_940, %add3A_1114 : i32
        %get3A_1116 = arith.index_cast %add3A_1115 : i32 to index
        %get3A_1117 = arith.constant 96 : index
        %get3A_1118 = tpu.vector_load %arg4[%get3A_1116, %get3A_1117] {strides = array<i32>} : memref<256x128xf32, #tpu.memory_space<vmem>>, vector<1x16xf32>,
        %get3A_1119 = vector.shape_cast %get3A_1118 : vector<1x16xf32> to vector<16xf32>
        %add3A_1120 = arith.constant 64 : i32
        %add3A_1121 = arith.addi %scan3A_940, %add3A_1120 : i32
        %get3A_1122 = arith.index_cast %add3A_1121 : i32 to index
        %get3A_1123 = arith.constant 112 : index
        %get3A_1124 = tpu.vector_load %arg4[%get3A_1122, %get3A_1123] {strides = array<i32>} : memref<256x128xf32, #tpu.memory_space<vmem>>, vector<1x16xf32>,
        %get3A_1125 = vector.shape_cast %get3A_1124 : vector<1x16xf32> to vector<16xf32>
        %add3A_1126 = arith.addf %add3A_1072, %get3A_1083 : vector<16xf32>
        %add3A_1127 = arith.addf %add3A_1073, %get3A_1089 : vector<16xf32>
        %add3A_1128 = arith.addf %add3A_1074, %get3A_1095 : vector<16xf32>
        %add3A_1129 = arith.addf %add3A_1075, %get3A_1101 : vector<16xf32>
        %add3A_1130 = arith.addf %add3A_1076, %get3A_1107 : vector<16xf32>
        %add3A_1131 = arith.addf %add3A_1077, %get3A_1113 : vector<16xf32>
        %add3A_1132 = arith.addf %get3A_1070, %get3A_1119 : vector<16xf32>
        %add3A_1133 = arith.constant 96 : i32
        %add3A_1134 = arith.addi %scan3A_940, %add3A_1133 : i32
        %get3A_1135 = arith.index_cast %add3A_1134 : i32 to index
        %get3A_1136 = arith.constant 0 : index
        %get3A_1137 = tpu.vector_load %arg4[%get3A_1135, %get3A_1136] {strides = array<i32>} : memref<256x128xf32, #tpu.memory_space<vmem>>, vector<1x16xf32>,
        %get3A_1138 = vector.shape_cast %get3A_1137 : vector<1x16xf32> to vector<16xf32>
        %add3A_1139 = arith.constant 96 : i32
        %add3A_1140 = arith.addi %scan3A_940, %add3A_1139 : i32
        %get3A_1141 = arith.index_cast %add3A_1140 : i32 to index
        %get3A_1142 = arith.constant 16 : index
        %get3A_1143 = tpu.vector_load %arg4[%get3A_1141, %get3A_1142] {strides = array<i32>} : memref<256x128xf32, #tpu.memory_space<vmem>>, vector<1x16xf32>,
        %get3A_1144 = vector.shape_cast %get3A_1143 : vector<1x16xf32> to vector<16xf32>
        %add3A_1145 = arith.constant 96 : i32
        %add3A_1146 = arith.addi %scan3A_940, %add3A_1145 : i32
        %get3A_1147 = arith.index_cast %add3A_1146 : i32 to index
        %get3A_1148 = arith.constant 32 : index
        %get3A_1149 = tpu.vector_load %arg4[%get3A_1147, %get3A_1148] {strides = array<i32>} : memref<256x128xf32, #tpu.memory_space<vmem>>, vector<1x16xf32>,
        %get3A_1150 = vector.shape_cast %get3A_1149 : vector<1x16xf32> to vector<16xf32>
        %add3A_1151 = arith.constant 96 : i32
        %add3A_1152 = arith.addi %scan3A_940, %add3A_1151 : i32
        %get3A_1153 = arith.index_cast %add3A_1152 : i32 to index
        %get3A_1154 = arith.constant 48 : index
        %get3A_1155 = tpu.vector_load %arg4[%get3A_1153, %get3A_1154] {strides = array<i32>} : memref<256x128xf32, #tpu.memory_space<vmem>>, vector<1x16xf32>,
        %get3A_1156 = vector.shape_cast %get3A_1155 : vector<1x16xf32> to vector<16xf32>
        %add3A_1157 = arith.constant 96 : i32
        %add3A_1158 = arith.addi %scan3A_940, %add3A_1157 : i32
        %get3A_1159 = arith.index_cast %add3A_1158 : i32 to index
        %get3A_1160 = arith.constant 64 : index
        %get3A_1161 = tpu.vector_load %arg4[%get3A_1159, %get3A_1160] {strides = array<i32>} : memref<256x128xf32, #tpu.memory_space<vmem>>, vector<1x16xf32>,
        %get3A_1162 = vector.shape_cast %get3A_1161 : vector<1x16xf32> to vector<16xf32>
        %add3A_1163 = arith.constant 96 : i32
        %add3A_1164 = arith.addi %scan3A_940, %add3A_1163 : i32
        %get3A_1165 = arith.index_cast %add3A_1164 : i32 to index
        %get3A_1166 = arith.constant 80 : index
        %get3A_1167 = tpu.vector_load %arg4[%get3A_1165, %get3A_1166] {strides = array<i32>} : memref<256x128xf32, #tpu.memory_space<vmem>>, vector<1x16xf32>,
        %get3A_1168 = vector.shape_cast %get3A_1167 : vector<1x16xf32> to vector<16xf32>
        %add3A_1169 = arith.constant 96 : i32
        %add3A_1170 = arith.addi %scan3A_940, %add3A_1169 : i32
        %get3A_1171 = arith.index_cast %add3A_1170 : i32 to index
        %get3A_1172 = arith.constant 96 : index
        %get3A_1173 = tpu.vector_load %arg4[%get3A_1171, %get3A_1172] {strides = array<i32>} : memref<256x128xf32, #tpu.memory_space<vmem>>, vector<1x16xf32>,
        %get3A_1174 = vector.shape_cast %get3A_1173 : vector<1x16xf32> to vector<16xf32>
        %add3A_1175 = arith.constant 96 : i32
        %add3A_1176 = arith.addi %scan3A_940, %add3A_1175 : i32
        %get3A_1177 = arith.index_cast %add3A_1176 : i32 to index
        %get3A_1178 = arith.constant 112 : index
        %get3A_1179 = tpu.vector_load %arg4[%get3A_1177, %get3A_1178] {strides = array<i32>} : memref<256x128xf32, #tpu.memory_space<vmem>>, vector<1x16xf32>,
        %get3A_1180 = vector.shape_cast %get3A_1179 : vector<1x16xf32> to vector<16xf32>
        %add3A_1181 = arith.addf %add3A_1127, %get3A_1138 : vector<16xf32>
        %add3A_1182 = arith.addf %add3A_1128, %get3A_1144 : vector<16xf32>
        %add3A_1183 = arith.addf %add3A_1129, %get3A_1150 : vector<16xf32>
        %add3A_1184 = arith.addf %add3A_1130, %get3A_1156 : vector<16xf32>
        %add3A_1185 = arith.addf %add3A_1131, %get3A_1162 : vector<16xf32>
        %add3A_1186 = arith.addf %add3A_1132, %get3A_1168 : vector<16xf32>
        %add3A_1187 = arith.addf %get3A_1125, %get3A_1174 : vector<16xf32>
        %add3A_1188 = arith.constant 128 : i32
        %add3A_1189 = arith.addi %scan3A_940, %add3A_1188 : i32
        %get3A_1190 = arith.index_cast %add3A_1189 : i32 to index
        %get3A_1191 = arith.constant 0 : index
        %get3A_1192 = tpu.vector_load %arg4[%get3A_1190, %get3A_1191] {strides = array<i32>} : memref<256x128xf32, #tpu.memory_space<vmem>>, vector<1x16xf32>,
        %get3A_1193 = vector.shape_cast %get3A_1192 : vector<1x16xf32> to vector<16xf32>
        %add3A_1194 = arith.constant 128 : i32
        %add3A_1195 = arith.addi %scan3A_940, %add3A_1194 : i32
        %get3A_1196 = arith.index_cast %add3A_1195 : i32 to index
        %get3A_1197 = arith.constant 16 : index
        %get3A_1198 = tpu.vector_load %arg4[%get3A_1196, %get3A_1197] {strides = array<i32>} : memref<256x128xf32, #tpu.memory_space<vmem>>, vector<1x16xf32>,
        %get3A_1199 = vector.shape_cast %get3A_1198 : vector<1x16xf32> to vector<16xf32>
        %add3A_1200 = arith.constant 128 : i32
        %add3A_1201 = arith.addi %scan3A_940, %add3A_1200 : i32
        %get3A_1202 = arith.index_cast %add3A_1201 : i32 to index
        %get3A_1203 = arith.constant 32 : index
        %get3A_1204 = tpu.vector_load %arg4[%get3A_1202, %get3A_1203] {strides = array<i32>} : memref<256x128xf32, #tpu.memory_space<vmem>>, vector<1x16xf32>,
        %get3A_1205 = vector.shape_cast %get3A_1204 : vector<1x16xf32> to vector<16xf32>
        %add3A_1206 = arith.constant 128 : i32
        %add3A_1207 = arith.addi %scan3A_940, %add3A_1206 : i32
        %get3A_1208 = arith.index_cast %add3A_1207 : i32 to index
        %get3A_1209 = arith.constant 48 : index
        %get3A_1210 = tpu.vector_load %arg4[%get3A_1208, %get3A_1209] {strides = array<i32>} : memref<256x128xf32, #tpu.memory_space<vmem>>, vector<1x16xf32>,
        %get3A_1211 = vector.shape_cast %get3A_1210 : vector<1x16xf32> to vector<16xf32>
        %add3A_1212 = arith.constant 128 : i32
        %add3A_1213 = arith.addi %scan3A_940, %add3A_1212 : i32
        %get3A_1214 = arith.index_cast %add3A_1213 : i32 to index
        %get3A_1215 = arith.constant 64 : index
        %get3A_1216 = tpu.vector_load %arg4[%get3A_1214, %get3A_1215] {strides = array<i32>} : memref<256x128xf32, #tpu.memory_space<vmem>>, vector<1x16xf32>,
        %get3A_1217 = vector.shape_cast %get3A_1216 : vector<1x16xf32> to vector<16xf32>
        %add3A_1218 = arith.constant 128 : i32
        %add3A_1219 = arith.addi %scan3A_940, %add3A_1218 : i32
        %get3A_1220 = arith.index_cast %add3A_1219 : i32 to index
        %get3A_1221 = arith.constant 80 : index
        %get3A_1222 = tpu.vector_load %arg4[%get3A_1220, %get3A_1221] {strides = array<i32>} : memref<256x128xf32, #tpu.memory_space<vmem>>, vector<1x16xf32>,
        %get3A_1223 = vector.shape_cast %get3A_1222 : vector<1x16xf32> to vector<16xf32>
        %add3A_1224 = arith.constant 128 : i32
        %add3A_1225 = arith.addi %scan3A_940, %add3A_1224 : i32
        %get3A_1226 = arith.index_cast %add3A_1225 : i32 to index
        %get3A_1227 = arith.constant 96 : index
        %get3A_1228 = tpu.vector_load %arg4[%get3A_1226, %get3A_1227] {strides = array<i32>} : memref<256x128xf32, #tpu.memory_space<vmem>>, vector<1x16xf32>,
        %get3A_1229 = vector.shape_cast %get3A_1228 : vector<1x16xf32> to vector<16xf32>
        %add3A_1230 = arith.constant 128 : i32
        %add3A_1231 = arith.addi %scan3A_940, %add3A_1230 : i32
        %get3A_1232 = arith.index_cast %add3A_1231 : i32 to index
        %get3A_1233 = arith.constant 112 : index
        %get3A_1234 = tpu.vector_load %arg4[%get3A_1232, %get3A_1233] {strides = array<i32>} : memref<256x128xf32, #tpu.memory_space<vmem>>, vector<1x16xf32>,
        %get3A_1235 = vector.shape_cast %get3A_1234 : vector<1x16xf32> to vector<16xf32>
        %add3A_1236 = arith.addf %add3A_1182, %get3A_1193 : vector<16xf32>
        %add3A_1237 = arith.addf %add3A_1183, %get3A_1199 : vector<16xf32>
        %add3A_1238 = arith.addf %add3A_1184, %get3A_1205 : vector<16xf32>
        %add3A_1239 = arith.addf %add3A_1185, %get3A_1211 : vector<16xf32>
        %add3A_1240 = arith.addf %add3A_1186, %get3A_1217 : vector<16xf32>
        %add3A_1241 = arith.addf %add3A_1187, %get3A_1223 : vector<16xf32>
        %add3A_1242 = arith.addf %get3A_1180, %get3A_1229 : vector<16xf32>
        %add3A_1243 = arith.constant 160 : i32
        %add3A_1244 = arith.addi %scan3A_940, %add3A_1243 : i32
        %get3A_1245 = arith.index_cast %add3A_1244 : i32 to index
        %get3A_1246 = arith.constant 0 : index
        %get3A_1247 = tpu.vector_load %arg4[%get3A_1245, %get3A_1246] {strides = array<i32>} : memref<256x128xf32, #tpu.memory_space<vmem>>, vector<1x16xf32>,
        %get3A_1248 = vector.shape_cast %get3A_1247 : vector<1x16xf32> to vector<16xf32>
        %add3A_1249 = arith.constant 160 : i32
        %add3A_1250 = arith.addi %scan3A_940, %add3A_1249 : i32
        %get3A_1251 = arith.index_cast %add3A_1250 : i32 to index
        %get3A_1252 = arith.constant 16 : index
        %get3A_1253 = tpu.vector_load %arg4[%get3A_1251, %get3A_1252] {strides = array<i32>} : memref<256x128xf32, #tpu.memory_space<vmem>>, vector<1x16xf32>,
        %get3A_1254 = vector.shape_cast %get3A_1253 : vector<1x16xf32> to vector<16xf32>
        %add3A_1255 = arith.constant 160 : i32
        %add3A_1256 = arith.addi %scan3A_940, %add3A_1255 : i32
        %get3A_1257 = arith.index_cast %add3A_1256 : i32 to index
        %get3A_1258 = arith.constant 32 : index
        %get3A_1259 = tpu.vector_load %arg4[%get3A_1257, %get3A_1258] {strides = array<i32>} : memref<256x128xf32, #tpu.memory_space<vmem>>, vector<1x16xf32>,
        %get3A_1260 = vector.shape_cast %get3A_1259 : vector<1x16xf32> to vector<16xf32>
        %add3A_1261 = arith.constant 160 : i32
        %add3A_1262 = arith.addi %scan3A_940, %add3A_1261 : i32
        %get3A_1263 = arith.index_cast %add3A_1262 : i32 to index
        %get3A_1264 = arith.constant 48 : index
        %get3A_1265 = tpu.vector_load %arg4[%get3A_1263, %get3A_1264] {strides = array<i32>} : memref<256x128xf32, #tpu.memory_space<vmem>>, vector<1x16xf32>,
        %get3A_1266 = vector.shape_cast %get3A_1265 : vector<1x16xf32> to vector<16xf32>
        %add3A_1267 = arith.constant 160 : i32
        %add3A_1268 = arith.addi %scan3A_940, %add3A_1267 : i32
        %get3A_1269 = arith.index_cast %add3A_1268 : i32 to index
        %get3A_1270 = arith.constant 64 : index
        %get3A_1271 = tpu.vector_load %arg4[%get3A_1269, %get3A_1270] {strides = array<i32>} : memref<256x128xf32, #tpu.memory_space<vmem>>, vector<1x16xf32>,
        %get3A_1272 = vector.shape_cast %get3A_1271 : vector<1x16xf32> to vector<16xf32>
        %add3A_1273 = arith.constant 160 : i32
        %add3A_1274 = arith.addi %scan3A_940, %add3A_1273 : i32
        %get3A_1275 = arith.index_cast %add3A_1274 : i32 to index
        %get3A_1276 = arith.constant 80 : index
        %get3A_1277 = tpu.vector_load %arg4[%get3A_1275, %get3A_1276] {strides = array<i32>} : memref<256x128xf32, #tpu.memory_space<vmem>>, vector<1x16xf32>,
        %get3A_1278 = vector.shape_cast %get3A_1277 : vector<1x16xf32> to vector<16xf32>
        %add3A_1279 = arith.constant 160 : i32
        %add3A_1280 = arith.addi %scan3A_940, %add3A_1279 : i32
        %get3A_1281 = arith.index_cast %add3A_1280 : i32 to index
        %get3A_1282 = arith.constant 96 : index
        %get3A_1283 = tpu.vector_load %arg4[%get3A_1281, %get3A_1282] {strides = array<i32>} : memref<256x128xf32, #tpu.memory_space<vmem>>, vector<1x16xf32>,
        %get3A_1284 = vector.shape_cast %get3A_1283 : vector<1x16xf32> to vector<16xf32>
        %add3A_1285 = arith.constant 160 : i32
        %add3A_1286 = arith.addi %scan3A_940, %add3A_1285 : i32
        %get3A_1287 = arith.index_cast %add3A_1286 : i32 to index
        %get3A_1288 = arith.constant 112 : index
        %get3A_1289 = tpu.vector_load %arg4[%get3A_1287, %get3A_1288] {strides = array<i32>} : memref<256x128xf32, #tpu.memory_space<vmem>>, vector<1x16xf32>,
        %get3A_1290 = vector.shape_cast %get3A_1289 : vector<1x16xf32> to vector<16xf32>
        %add3A_1291 = arith.addf %add3A_1237, %get3A_1248 : vector<16xf32>
        %add3A_1292 = arith.addf %add3A_1238, %get3A_1254 : vector<16xf32>
        %add3A_1293 = arith.addf %add3A_1239, %get3A_1260 : vector<16xf32>
        %add3A_1294 = arith.addf %add3A_1240, %get3A_1266 : vector<16xf32>
        %add3A_1295 = arith.addf %add3A_1241, %get3A_1272 : vector<16xf32>
        %add3A_1296 = arith.addf %add3A_1242, %get3A_1278 : vector<16xf32>
        %add3A_1297 = arith.addf %get3A_1235, %get3A_1284 : vector<16xf32>
        %add3A_1298 = arith.constant 192 : i32
        %add3A_1299 = arith.addi %scan3A_940, %add3A_1298 : i32
        %get3A_1300 = arith.index_cast %add3A_1299 : i32 to index
        %get3A_1301 = arith.constant 0 : index
        %get3A_1302 = tpu.vector_load %arg4[%get3A_1300, %get3A_1301] {strides = array<i32>} : memref<256x128xf32, #tpu.memory_space<vmem>>, vector<1x16xf32>,
        %get3A_1303 = vector.shape_cast %get3A_1302 : vector<1x16xf32> to vector<16xf32>
        %add3A_1304 = arith.constant 192 : i32
        %add3A_1305 = arith.addi %scan3A_940, %add3A_1304 : i32
        %get3A_1306 = arith.index_cast %add3A_1305 : i32 to index
        %get3A_1307 = arith.constant 16 : index
        %get3A_1308 = tpu.vector_load %arg4[%get3A_1306, %get3A_1307] {strides = array<i32>} : memref<256x128xf32, #tpu.memory_space<vmem>>, vector<1x16xf32>,
        %get3A_1309 = vector.shape_cast %get3A_1308 : vector<1x16xf32> to vector<16xf32>
        %add3A_1310 = arith.constant 192 : i32
        %add3A_1311 = arith.addi %scan3A_940, %add3A_1310 : i32
        %get3A_1312 = arith.index_cast %add3A_1311 : i32 to index
        %get3A_1313 = arith.constant 32 : index
        %get3A_1314 = tpu.vector_load %arg4[%get3A_1312, %get3A_1313] {strides = array<i32>} : memref<256x128xf32, #tpu.memory_space<vmem>>, vector<1x16xf32>,
        %get3A_1315 = vector.shape_cast %get3A_1314 : vector<1x16xf32> to vector<16xf32>
        %add3A_1316 = arith.constant 192 : i32
        %add3A_1317 = arith.addi %scan3A_940, %add3A_1316 : i32
        %get3A_1318 = arith.index_cast %add3A_1317 : i32 to index
        %get3A_1319 = arith.constant 48 : index
        %get3A_1320 = tpu.vector_load %arg4[%get3A_1318, %get3A_1319] {strides = array<i32>} : memref<256x128xf32, #tpu.memory_space<vmem>>, vector<1x16xf32>,
        %get3A_1321 = vector.shape_cast %get3A_1320 : vector<1x16xf32> to vector<16xf32>
        %add3A_1322 = arith.constant 192 : i32
        %add3A_1323 = arith.addi %scan3A_940, %add3A_1322 : i32
        %get3A_1324 = arith.index_cast %add3A_1323 : i32 to index
        %get3A_1325 = arith.constant 64 : index
        %get3A_1326 = tpu.vector_load %arg4[%get3A_1324, %get3A_1325] {strides = array<i32>} : memref<256x128xf32, #tpu.memory_space<vmem>>, vector<1x16xf32>,
        %get3A_1327 = vector.shape_cast %get3A_1326 : vector<1x16xf32> to vector<16xf32>
        %add3A_1328 = arith.constant 192 : i32
        %add3A_1329 = arith.addi %scan3A_940, %add3A_1328 : i32
        %get3A_1330 = arith.index_cast %add3A_1329 : i32 to index
        %get3A_1331 = arith.constant 80 : index
        %get3A_1332 = tpu.vector_load %arg4[%get3A_1330, %get3A_1331] {strides = array<i32>} : memref<256x128xf32, #tpu.memory_space<vmem>>, vector<1x16xf32>,
        %get3A_1333 = vector.shape_cast %get3A_1332 : vector<1x16xf32> to vector<16xf32>
        %add3A_1334 = arith.constant 192 : i32
        %add3A_1335 = arith.addi %scan3A_940, %add3A_1334 : i32
        %get3A_1336 = arith.index_cast %add3A_1335 : i32 to index
        %get3A_1337 = arith.constant 96 : index
        %get3A_1338 = tpu.vector_load %arg4[%get3A_1336, %get3A_1337] {strides = array<i32>} : memref<256x128xf32, #tpu.memory_space<vmem>>, vector<1x16xf32>,
        %get3A_1339 = vector.shape_cast %get3A_1338 : vector<1x16xf32> to vector<16xf32>
        %add3A_1340 = arith.constant 192 : i32
        %add3A_1341 = arith.addi %scan3A_940, %add3A_1340 : i32
        %get3A_1342 = arith.index_cast %add3A_1341 : i32 to index
        %get3A_1343 = arith.constant 112 : index
        %get3A_1344 = tpu.vector_load %arg4[%get3A_1342, %get3A_1343] {strides = array<i32>} : memref<256x128xf32, #tpu.memory_space<vmem>>, vector<1x16xf32>,
        %get3A_1345 = vector.shape_cast %get3A_1344 : vector<1x16xf32> to vector<16xf32>
        %add3A_1346 = arith.addf %add3A_1292, %get3A_1303 : vector<16xf32>
        %add3A_1347 = arith.addf %add3A_1293, %get3A_1309 : vector<16xf32>
        %add3A_1348 = arith.addf %add3A_1294, %get3A_1315 : vector<16xf32>
        %add3A_1349 = arith.addf %add3A_1295, %get3A_1321 : vector<16xf32>
        %add3A_1350 = arith.addf %add3A_1296, %get3A_1327 : vector<16xf32>
        %add3A_1351 = arith.addf %add3A_1297, %get3A_1333 : vector<16xf32>
        %add3A_1352 = arith.addf %get3A_1290, %get3A_1339 : vector<16xf32>
        %add3A_1353 = arith.constant 224 : i32
        %add3A_1354 = arith.addi %scan3A_940, %add3A_1353 : i32
        %get3A_1355 = arith.index_cast %add3A_1354 : i32 to index
        %get3A_1356 = arith.constant 0 : index
        %get3A_1357 = tpu.vector_load %arg4[%get3A_1355, %get3A_1356] {strides = array<i32>} : memref<256x128xf32, #tpu.memory_space<vmem>>, vector<1x16xf32>,
        %get3A_1358 = vector.shape_cast %get3A_1357 : vector<1x16xf32> to vector<16xf32>
        %add3A_1359 = arith.constant 224 : i32
        %add3A_1360 = arith.addi %scan3A_940, %add3A_1359 : i32
        %get3A_1361 = arith.index_cast %add3A_1360 : i32 to index
        %get3A_1362 = arith.constant 16 : index
        %get3A_1363 = tpu.vector_load %arg4[%get3A_1361, %get3A_1362] {strides = array<i32>} : memref<256x128xf32, #tpu.memory_space<vmem>>, vector<1x16xf32>,
        %get3A_1364 = vector.shape_cast %get3A_1363 : vector<1x16xf32> to vector<16xf32>
        %add3A_1365 = arith.constant 224 : i32
        %add3A_1366 = arith.addi %scan3A_940, %add3A_1365 : i32
        %get3A_1367 = arith.index_cast %add3A_1366 : i32 to index
        %get3A_1368 = arith.constant 32 : index
        %get3A_1369 = tpu.vector_load %arg4[%get3A_1367, %get3A_1368] {strides = array<i32>} : memref<256x128xf32, #tpu.memory_space<vmem>>, vector<1x16xf32>,
        %get3A_1370 = vector.shape_cast %get3A_1369 : vector<1x16xf32> to vector<16xf32>
        %add3A_1371 = arith.constant 224 : i32
        %add3A_1372 = arith.addi %scan3A_940, %add3A_1371 : i32
        %get3A_1373 = arith.index_cast %add3A_1372 : i32 to index
        %get3A_1374 = arith.constant 48 : index
        %get3A_1375 = tpu.vector_load %arg4[%get3A_1373, %get3A_1374] {strides = array<i32>} : memref<256x128xf32, #tpu.memory_space<vmem>>, vector<1x16xf32>,
        %get3A_1376 = vector.shape_cast %get3A_1375 : vector<1x16xf32> to vector<16xf32>
        %add3A_1377 = arith.constant 224 : i32
        %add3A_1378 = arith.addi %scan3A_940, %add3A_1377 : i32
        %get3A_1379 = arith.index_cast %add3A_1378 : i32 to index
        %get3A_1380 = arith.constant 64 : index
        %get3A_1381 = tpu.vector_load %arg4[%get3A_1379, %get3A_1380] {strides = array<i32>} : memref<256x128xf32, #tpu.memory_space<vmem>>, vector<1x16xf32>,
        %get3A_1382 = vector.shape_cast %get3A_1381 : vector<1x16xf32> to vector<16xf32>
        %add3A_1383 = arith.constant 224 : i32
        %add3A_1384 = arith.addi %scan3A_940, %add3A_1383 : i32
        %get3A_1385 = arith.index_cast %add3A_1384 : i32 to index
        %get3A_1386 = arith.constant 80 : index
        %get3A_1387 = tpu.vector_load %arg4[%get3A_1385, %get3A_1386] {strides = array<i32>} : memref<256x128xf32, #tpu.memory_space<vmem>>, vector<1x16xf32>,
        %get3A_1388 = vector.shape_cast %get3A_1387 : vector<1x16xf32> to vector<16xf32>
        %add3A_1389 = arith.constant 224 : i32
        %add3A_1390 = arith.addi %scan3A_940, %add3A_1389 : i32
        %get3A_1391 = arith.index_cast %add3A_1390 : i32 to index
        %get3A_1392 = arith.constant 96 : index
        %get3A_1393 = tpu.vector_load %arg4[%get3A_1391, %get3A_1392] {strides = array<i32>} : memref<256x128xf32, #tpu.memory_space<vmem>>, vector<1x16xf32>,
        %get3A_1394 = vector.shape_cast %get3A_1393 : vector<1x16xf32> to vector<16xf32>
        %add3A_1395 = arith.constant 224 : i32
        %add3A_1396 = arith.addi %scan3A_940, %add3A_1395 : i32
        %get3A_1397 = arith.index_cast %add3A_1396 : i32 to index
        %get3A_1398 = arith.constant 112 : index
        %get3A_1399 = tpu.vector_load %arg4[%get3A_1397, %get3A_1398] {strides = array<i32>} : memref<256x128xf32, #tpu.memory_space<vmem>>, vector<1x16xf32>,
        %get3A_1400 = vector.shape_cast %get3A_1399 : vector<1x16xf32> to vector<16xf32>
        %add3A_1401 = arith.addf %add3A_1347, %get3A_1358 : vector<16xf32>
        %add3A_1402 = arith.addf %add3A_1348, %get3A_1364 : vector<16xf32>
        %add3A_1403 = arith.addf %add3A_1349, %get3A_1370 : vector<16xf32>
        %add3A_1404 = arith.addf %add3A_1350, %get3A_1376 : vector<16xf32>
        %add3A_1405 = arith.addf %add3A_1351, %get3A_1382 : vector<16xf32>
        %add3A_1406 = arith.addf %add3A_1352, %get3A_1388 : vector<16xf32>
        %add3A_1407 = arith.addf %get3A_1345, %get3A_1394 : vector<16xf32>
        %add3A_1408 = arith.constant 0 : i32
        %add3A_1409 = arith.addi %add3A_975, %add3A_1408 : i32
        %swap3A_1410 = arith.index_cast %add3A_1409 : i32 to index
        %swap3A_1411 = tpu.vector_load %arg7[%swap3A_1410] {strides = array<i32>} : memref<512xf32, #tpu.memory_space<vmem>>, vector<16xf32>,
        %swap3A_1412 = vector.shape_cast %swap3A_1411 : vector<16xf32> to vector<16xf32>
        %swap3A_1413 = vector.shape_cast %get3A_980 : vector<16xf32> to vector<16xf32>
        tpu.vector_store %arg7[%swap3A_1410], %swap3A_1413 {add = true, strides = array<i32>} : memref<512xf32, #tpu.memory_space<vmem>>, vector<16xf32>,
        %add3A_1414 = arith.constant 16 : i32
        %add3A_1415 = arith.addi %add3A_975, %add3A_1414 : i32
        %swap3A_1416 = arith.index_cast %add3A_1415 : i32 to index
        %swap3A_1417 = tpu.vector_load %arg7[%swap3A_1416] {strides = array<i32>} : memref<512xf32, #tpu.memory_space<vmem>>, vector<16xf32>,
        %swap3A_1418 = vector.shape_cast %swap3A_1417 : vector<16xf32> to vector<16xf32>
        %swap3A_1419 = vector.shape_cast %add3A_1071 : vector<16xf32> to vector<16xf32>
        tpu.vector_store %arg7[%swap3A_1416], %swap3A_1419 {add = true, strides = array<i32>} : memref<512xf32, #tpu.memory_space<vmem>>, vector<16xf32>,
        %add3A_1420 = arith.constant 32 : i32
        %add3A_1421 = arith.addi %add3A_975, %add3A_1420 : i32
        %swap3A_1422 = arith.index_cast %add3A_1421 : i32 to index
        %swap3A_1423 = tpu.vector_load %arg7[%swap3A_1422] {strides = array<i32>} : memref<512xf32, #tpu.memory_space<vmem>>, vector<16xf32>,
        %swap3A_1424 = vector.shape_cast %swap3A_1423 : vector<16xf32> to vector<16xf32>
        %swap3A_1425 = vector.shape_cast %add3A_1126 : vector<16xf32> to vector<16xf32>
        tpu.vector_store %arg7[%swap3A_1422], %swap3A_1425 {add = true, strides = array<i32>} : memref<512xf32, #tpu.memory_space<vmem>>, vector<16xf32>,
        %add3A_1426 = arith.constant 48 : i32
        %add3A_1427 = arith.addi %add3A_975, %add3A_1426 : i32
        %swap3A_1428 = arith.index_cast %add3A_1427 : i32 to index
        %swap3A_1429 = tpu.vector_load %arg7[%swap3A_1428] {strides = array<i32>} : memref<512xf32, #tpu.memory_space<vmem>>, vector<16xf32>,
        %swap3A_1430 = vector.shape_cast %swap3A_1429 : vector<16xf32> to vector<16xf32>
        %swap3A_1431 = vector.shape_cast %add3A_1181 : vector<16xf32> to vector<16xf32>
        tpu.vector_store %arg7[%swap3A_1428], %swap3A_1431 {add = true, strides = array<i32>} : memref<512xf32, #tpu.memory_space<vmem>>, vector<16xf32>,
        %add3A_1432 = arith.constant 64 : i32
        %add3A_1433 = arith.addi %add3A_975, %add3A_1432 : i32
        %swap3A_1434 = arith.index_cast %add3A_1433 : i32 to index
        %swap3A_1435 = tpu.vector_load %arg7[%swap3A_1434] {strides = array<i32>} : memref<512xf32, #tpu.memory_space<vmem>>, vector<16xf32>,
        %swap3A_1436 = vector.shape_cast %swap3A_1435 : vector<16xf32> to vector<16xf32>
        %swap3A_1437 = vector.shape_cast %add3A_1236 : vector<16xf32> to vector<16xf32>
        tpu.vector_store %arg7[%swap3A_1434], %swap3A_1437 {add = true, strides = array<i32>} : memref<512xf32, #tpu.memory_space<vmem>>, vector<16xf32>,
        %add3A_1438 = arith.constant 80 : i32
        %add3A_1439 = arith.addi %add3A_975, %add3A_1438 : i32
        %swap3A_1440 = arith.index_cast %add3A_1439 : i32 to index
        %swap3A_1441 = tpu.vector_load %arg7[%swap3A_1440] {strides = array<i32>} : memref<512xf32, #tpu.memory_space<vmem>>, vector<16xf32>,
        %swap3A_1442 = vector.shape_cast %swap3A_1441 : vector<16xf32> to vector<16xf32>
        %swap3A_1443 = vector.shape_cast %add3A_1291 : vector<16xf32> to vector<16xf32>
        tpu.vector_store %arg7[%swap3A_1440], %swap3A_1443 {add = true, strides = array<i32>} : memref<512xf32, #tpu.memory_space<vmem>>, vector<16xf32>,
        %add3A_1444 = arith.constant 96 : i32
        %add3A_1445 = arith.addi %add3A_975, %add3A_1444 : i32
        %swap3A_1446 = arith.index_cast %add3A_1445 : i32 to index
        %swap3A_1447 = tpu.vector_load %arg7[%swap3A_1446] {strides = array<i32>} : memref<512xf32, #tpu.memory_space<vmem>>, vector<16xf32>,
        %swap3A_1448 = vector.shape_cast %swap3A_1447 : vector<16xf32> to vector<16xf32>
        %swap3A_1449 = vector.shape_cast %add3A_1346 : vector<16xf32> to vector<16xf32>
        tpu.vector_store %arg7[%swap3A_1446], %swap3A_1449 {add = true, strides = array<i32>} : memref<512xf32, #tpu.memory_space<vmem>>, vector<16xf32>,
        %add3A_1450 = arith.constant 112 : i32
        %add3A_1451 = arith.addi %add3A_975, %add3A_1450 : i32
        %swap3A_1452 = arith.index_cast %add3A_1451 : i32 to index
        %swap3A_1453 = tpu.vector_load %arg7[%swap3A_1452] {strides = array<i32>} : memref<512xf32, #tpu.memory_space<vmem>>, vector<16xf32>,
        %swap3A_1454 = vector.shape_cast %swap3A_1453 : vector<16xf32> to vector<16xf32>
        %swap3A_1455 = vector.shape_cast %add3A_1401 : vector<16xf32> to vector<16xf32>
        tpu.vector_store %arg7[%swap3A_1452], %swap3A_1455 {add = true, strides = array<i32>} : memref<512xf32, #tpu.memory_space<vmem>>, vector<16xf32>,
        %add3A_1456 = arith.constant 128 : i32
        %add3A_1457 = arith.addi %add3A_975, %add3A_1456 : i32
        %swap3A_1458 = arith.index_cast %add3A_1457 : i32 to index
        %swap3A_1459 = tpu.vector_load %arg7[%swap3A_1458] {strides = array<i32>} : memref<512xf32, #tpu.memory_space<vmem>>, vector<16xf32>,
        %swap3A_1460 = vector.shape_cast %swap3A_1459 : vector<16xf32> to vector<16xf32>
        %swap3A_1461 = vector.shape_cast %add3A_1402 : vector<16xf32> to vector<16xf32>
        tpu.vector_store %arg7[%swap3A_1458], %swap3A_1461 {add = true, strides = array<i32>} : memref<512xf32, #tpu.memory_space<vmem>>, vector<16xf32>,
        %add3A_1462 = arith.constant 144 : i32
        %add3A_1463 = arith.addi %add3A_975, %add3A_1462 : i32
        %swap3A_1464 = arith.index_cast %add3A_1463 : i32 to index
        %swap3A_1465 = tpu.vector_load %arg7[%swap3A_1464] {strides = array<i32>} : memref<512xf32, #tpu.memory_space<vmem>>, vector<16xf32>,
        %swap3A_1466 = vector.shape_cast %swap3A_1465 : vector<16xf32> to vector<16xf32>
        %swap3A_1467 = vector.shape_cast %add3A_1403 : vector<16xf32> to vector<16xf32>
        tpu.vector_store %arg7[%swap3A_1464], %swap3A_1467 {add = true, strides = array<i32>} : memref<512xf32, #tpu.memory_space<vmem>>, vector<16xf32>,
        %add3A_1468 = arith.constant 160 : i32
        %add3A_1469 = arith.addi %add3A_975, %add3A_1468 : i32
        %swap3A_1470 = arith.index_cast %add3A_1469 : i32 to index
        %swap3A_1471 = tpu.vector_load %arg7[%swap3A_1470] {strides = array<i32>} : memref<512xf32, #tpu.memory_space<vmem>>, vector<16xf32>,
        %swap3A_1472 = vector.shape_cast %swap3A_1471 : vector<16xf32> to vector<16xf32>
        %swap3A_1473 = vector.shape_cast %add3A_1404 : vector<16xf32> to vector<16xf32>
        tpu.vector_store %arg7[%swap3A_1470], %swap3A_1473 {add = true, strides = array<i32>} : memref<512xf32, #tpu.memory_space<vmem>>, vector<16xf32>,
        %add3A_1474 = arith.constant 176 : i32
        %add3A_1475 = arith.addi %add3A_975, %add3A_1474 : i32
        %swap3A_1476 = arith.index_cast %add3A_1475 : i32 to index
        %swap3A_1477 = tpu.vector_load %arg7[%swap3A_1476] {strides = array<i32>} : memref<512xf32, #tpu.memory_space<vmem>>, vector<16xf32>,
        %swap3A_1478 = vector.shape_cast %swap3A_1477 : vector<16xf32> to vector<16xf32>
        %swap3A_1479 = vector.shape_cast %add3A_1405 : vector<16xf32> to vector<16xf32>
        tpu.vector_store %arg7[%swap3A_1476], %swap3A_1479 {add = true, strides = array<i32>} : memref<512xf32, #tpu.memory_space<vmem>>, vector<16xf32>,
        %add3A_1480 = arith.constant 192 : i32
        %add3A_1481 = arith.addi %add3A_975, %add3A_1480 : i32
        %swap3A_1482 = arith.index_cast %add3A_1481 : i32 to index
        %swap3A_1483 = tpu.vector_load %arg7[%swap3A_1482] {strides = array<i32>} : memref<512xf32, #tpu.memory_space<vmem>>, vector<16xf32>,
        %swap3A_1484 = vector.shape_cast %swap3A_1483 : vector<16xf32> to vector<16xf32>
        %swap3A_1485 = vector.shape_cast %add3A_1406 : vector<16xf32> to vector<16xf32>
        tpu.vector_store %arg7[%swap3A_1482], %swap3A_1485 {add = true, strides = array<i32>} : memref<512xf32, #tpu.memory_space<vmem>>, vector<16xf32>,
        %add3A_1486 = arith.constant 208 : i32
        %add3A_1487 = arith.addi %add3A_975, %add3A_1486 : i32
        %swap3A_1488 = arith.index_cast %add3A_1487 : i32 to index
        %swap3A_1489 = tpu.vector_load %arg7[%swap3A_1488] {strides = array<i32>} : memref<512xf32, #tpu.memory_space<vmem>>, vector<16xf32>,
        %swap3A_1490 = vector.shape_cast %swap3A_1489 : vector<16xf32> to vector<16xf32>
        %swap3A_1491 = vector.shape_cast %add3A_1407 : vector<16xf32> to vector<16xf32>
        tpu.vector_store %arg7[%swap3A_1488], %swap3A_1491 {add = true, strides = array<i32>} : memref<512xf32, #tpu.memory_space<vmem>>, vector<16xf32>,
        %add3A_1492 = arith.constant 224 : i32
        %add3A_1493 = arith.addi %add3A_975, %add3A_1492 : i32
        %swap3A_1494 = arith.index_cast %add3A_1493 : i32 to index
        %swap3A_1495 = tpu.vector_load %arg7[%swap3A_1494] {strides = array<i32>} : memref<512xf32, #tpu.memory_space<vmem>>, vector<16xf32>,
        %swap3A_1496 = vector.shape_cast %swap3A_1495 : vector<16xf32> to vector<16xf32>
        %swap3A_1497 = vector.shape_cast %get3A_1400 : vector<16xf32> to vector<16xf32>
        tpu.vector_store %arg7[%swap3A_1494], %swap3A_1497 {add = true, strides = array<i32>} : memref<512xf32, #tpu.memory_space<vmem>>, vector<16xf32>,
      }
      %scan3A_598 = arith.constant 32 : i32
      %add3A_599 = arith.constant 3 : i32
      %add3A_600 = arith.addi %mul3A_453, %add3A_599 : i32
      %lt3A = arith.constant 32 : i32
      %lt3A_601 = arith.cmpi slt, %add3A_600, %lt3A : i32
      %convert_element_type3A_602 = arith.extui %lt3A_601 : i1 to i32
      %cond3A_603 = arith.constant 0 : i32
      %cond3A_604 = arith.cmpi ne, %convert_element_type3A_602, %cond3A_603 : i32
      scf.if %cond3A_604 {
        %add3A_940 = arith.constant 3 : i32
        %add3A_941 = arith.addi %mul3A_453, %add3A_940 : i32
        %add3A_942 = arith.addi %mul3A_2, %add3A_941 : i32
        %dma_start3A_943 = arith.constant 0 : i32
        %dma_start3A_944 = arith.constant 0 : i32
        %dma_start3A_945 = tpu.memref_slice %arg4[%dma_start3A_943, %dma_start3A_944] : memref<256x128xf32, #tpu.memory_space<vmem>> -> memref<128x128xf32, #tpu.memory_space<vmem>>
        %dma_start3A_946 = arith.constant 0 : i32
        %dma_start3A_947 = arith.constant 0 : i32
        %dma_start3A_948 = tpu.memref_slice %arg2[%add3A_942, %dma_start3A_946, %dma_start3A_947] : memref<1024x256x128xf32, #tpu.memory_space<hbm>> -> memref<1x128x128xf32, #tpu.memory_space<hbm>>
        %dma_start3A_949 = tpu.memref_squeeze %dma_start3A_948 : memref<1x128x128xf32, #tpu.memory_space<hbm>> -> memref<128x128xf32, #tpu.memory_space<hbm>>
        %dma_start3A_950 = arith.constant 0 : i32
        %dma_start3A_951 = arith.constant 0 : i32
        %dma_start3A_952 = tpu.memref_slice %arg4[%dma_start3A_950, %dma_start3A_951] : memref<256x128xf32, #tpu.memory_space<vmem>> -> memref<128x128xf32, #tpu.memory_space<vmem>>
        %dma_start3A_953 = arith.constant 0 : i32
        %dma_start3A_954 = arith.constant 0 : i32
        %dma_start3A_955 = tpu.memref_slice %arg2[%add3A_942, %dma_start3A_953, %dma_start3A_954] : memref<1024x256x128xf32, #tpu.memory_space<hbm>> -> memref<1x128x128xf32, #tpu.memory_space<hbm>>
        %dma_start3A_956 = tpu.memref_squeeze %dma_start3A_955 : memref<1x128x128xf32, #tpu.memory_space<hbm>> -> memref<128x128xf32, #tpu.memory_space<hbm>>
        tpu.enqueue_dma source(%dma_start3A_956 : memref<128x128xf32, #tpu.memory_space<hbm>>) target(%dma_start3A_952 : memref<128x128xf32, #tpu.memory_space<vmem>>) target_semaphore(%arg10 : memref<!tpu.dma_semaphore, #tpu.memory_space<semaphore_mem>>)
        %add3A_957 = arith.addi %mul3A_2, %add3A_941 : i32
        %dma_start3A_958 = arith.constant 128 : i32
        %dma_start3A_959 = arith.constant 0 : i32
        %dma_start3A_960 = tpu.memref_slice %arg4[%dma_start3A_958, %dma_start3A_959] : memref<256x128xf32, #tpu.memory_space<vmem>> -> memref<128x128xf32, #tpu.memory_space<vmem>>
        %dma_start3A_961 = arith.constant 128 : i32
        %dma_start3A_962 = arith.constant 0 : i32
        %dma_start3A_963 = tpu.memref_slice %arg2[%add3A_957, %dma_start3A_961, %dma_start3A_962] : memref<1024x256x128xf32, #tpu.memory_space<hbm>> -> memref<1x128x128xf32, #tpu.memory_space<hbm>>
        %dma_start3A_964 = tpu.memref_squeeze %dma_start3A_963 : memref<1x128x128xf32, #tpu.memory_space<hbm>> -> memref<128x128xf32, #tpu.memory_space<hbm>>
        %dma_start3A_965 = arith.constant 128 : i32
        %dma_start3A_966 = arith.constant 0 : i32
        %dma_start3A_967 = tpu.memref_slice %arg4[%dma_start3A_965, %dma_start3A_966] : memref<256x128xf32, #tpu.memory_space<vmem>> -> memref<128x128xf32, #tpu.memory_space<vmem>>
        %dma_start3A_968 = arith.constant 128 : i32
        %dma_start3A_969 = arith.constant 0 : i32
        %dma_start3A_970 = tpu.memref_slice %arg2[%add3A_957, %dma_start3A_968, %dma_start3A_969] : memref<1024x256x128xf32, #tpu.memory_space<hbm>> -> memref<1x128x128xf32, #tpu.memory_space<hbm>>
        %dma_start3A_971 = tpu.memref_squeeze %dma_start3A_970 : memref<1x128x128xf32, #tpu.memory_space<hbm>> -> memref<128x128xf32, #tpu.memory_space<hbm>>
        tpu.enqueue_dma source(%dma_start3A_971 : memref<128x128xf32, #tpu.memory_space<hbm>>) target(%dma_start3A_967 : memref<128x128xf32, #tpu.memory_space<vmem>>) target_semaphore(%arg10 : memref<!tpu.dma_semaphore, #tpu.memory_space<semaphore_mem>>)
      } else {
      }
      %add3A_605 = arith.addi %mul3A_2, %mul3A_453 : i32
      %dma_start3A_606 = arith.constant 0 : i32
      %dma_start3A_607 = tpu.memref_slice %arg3[%add3A_605, %dma_start3A_606] : memref<1024x512xf32, #tpu.memory_space<hbm>> -> memref<1x512xf32, #tpu.memory_space<hbm>>
      %dma_start3A_608 = tpu.memref_squeeze %dma_start3A_607 : memref<1x512xf32, #tpu.memory_space<hbm>> -> memref<512xf32, #tpu.memory_space<hbm>>
      %dma_start3A_609 = arith.constant 0 : i32
      %dma_start3A_610 = tpu.memref_slice %arg3[%add3A_605, %dma_start3A_609] : memref<1024x512xf32, #tpu.memory_space<hbm>> -> memref<1x512xf32, #tpu.memory_space<hbm>>
      %dma_start3A_611 = tpu.memref_squeeze %dma_start3A_610 : memref<1x512xf32, #tpu.memory_space<hbm>> -> memref<512xf32, #tpu.memory_space<hbm>>
      tpu.enqueue_dma source(%arg7 : memref<512xf32, #tpu.memory_space<vmem>>) target(%dma_start3A_611 : memref<512xf32, #tpu.memory_space<hbm>>) target_semaphore(%arg13 : memref<!tpu.dma_semaphore, #tpu.memory_space<semaphore_mem>>)
      %add3A_612 = arith.constant 1 : i32
      %add3A_613 = arith.addi %mul3A_453, %add3A_612 : i32
      %gt3A_614 = arith.constant 0 : i32
      %gt3A_615 = arith.cmpi sgt, %scan3A_451, %gt3A_614 : i32
      %convert_element_type3A_616 = arith.extui %gt3A_615 : i1 to i32
      %cond3A_617 = arith.constant 0 : i32
      %cond3A_618 = arith.cmpi ne, %convert_element_type3A_616, %cond3A_617 : i32
      scf.if %cond3A_618 {
        %add3A_940 = arith.addi %mul3A_2, %add3A_613 : i32
        %dma_wait3A_941 = arith.constant 0 : i32
        %dma_wait3A_942 = tpu.memref_slice %arg3[%add3A_940, %dma_wait3A_941] : memref<1024x512xf32, #tpu.memory_space<hbm>> -> memref<1x512xf32, #tpu.memory_space<hbm>>
        %dma_wait3A_943 = tpu.memref_squeeze %dma_wait3A_942 : memref<1x512xf32, #tpu.memory_space<hbm>> -> memref<512xf32, #tpu.memory_space<hbm>>
        %dma_wait3A_944 = arith.constant 0 : i32
        %dma_wait3A_945 = tpu.memref_slice %arg3[%add3A_940, %dma_wait3A_944] : memref<1024x512xf32, #tpu.memory_space<hbm>> -> memref<1x512xf32, #tpu.memory_space<hbm>>
        %dma_wait3A_946 = tpu.memref_squeeze %dma_wait3A_945 : memref<1x512xf32, #tpu.memory_space<hbm>> -> memref<512xf32, #tpu.memory_space<hbm>>
        tpu.wait_dma2 semaphore(%arg14 : memref<!tpu.dma_semaphore, #tpu.memory_space<semaphore_mem>>) src(%arg8 : memref<512xf32, #tpu.memory_space<vmem>>) dst(%dma_wait3A_946 : memref<512xf32, #tpu.memory_space<hbm>>)
      } else {
      }
      %swap3A_619 = arith.constant 0 : index
      %swap3A_620 = tpu.vector_load %arg8[%swap3A_619] {strides = array<i32>} : memref<512xf32, #tpu.memory_space<vmem>>, vector<16xf32>,
      %swap3A_621 = vector.shape_cast %swap3A_620 : vector<16xf32> to vector<16xf32>
      %swap3A_622 = vector.shape_cast %broadcast_in_dim3A_3 : vector<16xf32> to vector<16xf32>
      tpu.vector_store %arg8[%swap3A_619], %swap3A_622 {strides = array<i32>} : memref<512xf32, #tpu.memory_space<vmem>>, vector<16xf32>,
      %swap3A_623 = arith.constant 16 : index
      %swap3A_624 = tpu.vector_load %arg8[%swap3A_623] {strides = array<i32>} : memref<512xf32, #tpu.memory_space<vmem>>, vector<16xf32>,
      %swap3A_625 = vector.shape_cast %swap3A_624 : vector<16xf32> to vector<16xf32>
      %swap3A_626 = vector.shape_cast %broadcast_in_dim3A_3 : vector<16xf32> to vector<16xf32>
      tpu.vector_store %arg8[%swap3A_623], %swap3A_626 {strides = array<i32>} : memref<512xf32, #tpu.memory_space<vmem>>, vector<16xf32>,
      %swap3A_627 = arith.constant 32 : index
      %swap3A_628 = tpu.vector_load %arg8[%swap3A_627] {strides = array<i32>} : memref<512xf32, #tpu.memory_space<vmem>>, vector<16xf32>,
      %swap3A_629 = vector.shape_cast %swap3A_628 : vector<16xf32> to vector<16xf32>
      %swap3A_630 = vector.shape_cast %broadcast_in_dim3A_3 : vector<16xf32> to vector<16xf32>
      tpu.vector_store %arg8[%swap3A_627], %swap3A_630 {strides = array<i32>} : memref<512xf32, #tpu.memory_space<vmem>>, vector<16xf32>,
      %swap3A_631 = arith.constant 48 : index
      %swap3A_632 = tpu.vector_load %arg8[%swap3A_631] {strides = array<i32>} : memref<512xf32, #tpu.memory_space<vmem>>, vector<16xf32>,
      %swap3A_633 = vector.shape_cast %swap3A_632 : vector<16xf32> to vector<16xf32>
      %swap3A_634 = vector.shape_cast %broadcast_in_dim3A_3 : vector<16xf32> to vector<16xf32>
      tpu.vector_store %arg8[%swap3A_631], %swap3A_634 {strides = array<i32>} : memref<512xf32, #tpu.memory_space<vmem>>, vector<16xf32>,
      %swap3A_635 = arith.constant 64 : index
      %swap3A_636 = tpu.vector_load %arg8[%swap3A_635] {strides = array<i32>} : memref<512xf32, #tpu.memory_space<vmem>>, vector<16xf32>,
      %swap3A_637 = vector.shape_cast %swap3A_636 : vector<16xf32> to vector<16xf32>
      %swap3A_638 = vector.shape_cast %broadcast_in_dim3A_3 : vector<16xf32> to vector<16xf32>
      tpu.vector_store %arg8[%swap3A_635], %swap3A_638 {strides = array<i32>} : memref<512xf32, #tpu.memory_space<vmem>>, vector<16xf32>,
      %swap3A_639 = arith.constant 80 : index
      %swap3A_640 = tpu.vector_load %arg8[%swap3A_639] {strides = array<i32>} : memref<512xf32, #tpu.memory_space<vmem>>, vector<16xf32>,
      %swap3A_641 = vector.shape_cast %swap3A_640 : vector<16xf32> to vector<16xf32>
      %swap3A_642 = vector.shape_cast %broadcast_in_dim3A_3 : vector<16xf32> to vector<16xf32>
      tpu.vector_store %arg8[%swap3A_639], %swap3A_642 {strides = array<i32>} : memref<512xf32, #tpu.memory_space<vmem>>, vector<16xf32>,
      %swap3A_643 = arith.constant 96 : index
      %swap3A_644 = tpu.vector_load %arg8[%swap3A_643] {strides = array<i32>} : memref<512xf32, #tpu.memory_space<vmem>>, vector<16xf32>,
      %swap3A_645 = vector.shape_cast %swap3A_644 : vector<16xf32> to vector<16xf32>
      %swap3A_646 = vector.shape_cast %broadcast_in_dim3A_3 : vector<16xf32> to vector<16xf32>
      tpu.vector_store %arg8[%swap3A_643], %swap3A_646 {strides = array<i32>} : memref<512xf32, #tpu.memory_space<vmem>>, vector<16xf32>,
      %swap3A_647 = arith.constant 112 : index
      %swap3A_648 = tpu.vector_load %arg8[%swap3A_647] {strides = array<i32>} : memref<512xf32, #tpu.memory_space<vmem>>, vector<16xf32>,
      %swap3A_649 = vector.shape_cast %swap3A_648 : vector<16xf32> to vector<16xf32>
      %swap3A_650 = vector.shape_cast %broadcast_in_dim3A_3 : vector<16xf32> to vector<16xf32>
      tpu.vector_store %arg8[%swap3A_647], %swap3A_650 {strides = array<i32>} : memref<512xf32, #tpu.memory_space<vmem>>, vector<16xf32>,
      %swap3A_651 = arith.constant 128 : index
      %swap3A_652 = tpu.vector_load %arg8[%swap3A_651] {strides = array<i32>} : memref<512xf32, #tpu.memory_space<vmem>>, vector<16xf32>,
      %swap3A_653 = vector.shape_cast %swap3A_652 : vector<16xf32> to vector<16xf32>
      %swap3A_654 = vector.shape_cast %broadcast_in_dim3A_3 : vector<16xf32> to vector<16xf32>
      tpu.vector_store %arg8[%swap3A_651], %swap3A_654 {strides = array<i32>} : memref<512xf32, #tpu.memory_space<vmem>>, vector<16xf32>,
      %swap3A_655 = arith.constant 144 : index
      %swap3A_656 = tpu.vector_load %arg8[%swap3A_655] {strides = array<i32>} : memref<512xf32, #tpu.memory_space<vmem>>, vector<16xf32>,
      %swap3A_657 = vector.shape_cast %swap3A_656 : vector<16xf32> to vector<16xf32>
      %swap3A_658 = vector.shape_cast %broadcast_in_dim3A_3 : vector<16xf32> to vector<16xf32>
      tpu.vector_store %arg8[%swap3A_655], %swap3A_658 {strides = array<i32>} : memref<512xf32, #tpu.memory_space<vmem>>, vector<16xf32>,
      %swap3A_659 = arith.constant 160 : index
      %swap3A_660 = tpu.vector_load %arg8[%swap3A_659] {strides = array<i32>} : memref<512xf32, #tpu.memory_space<vmem>>, vector<16xf32>,
      %swap3A_661 = vector.shape_cast %swap3A_660 : vector<16xf32> to vector<16xf32>
      %swap3A_662 = vector.shape_cast %broadcast_in_dim3A_3 : vector<16xf32> to vector<16xf32>
      tpu.vector_store %arg8[%swap3A_659], %swap3A_662 {strides = array<i32>} : memref<512xf32, #tpu.memory_space<vmem>>, vector<16xf32>,
      %swap3A_663 = arith.constant 176 : index
      %swap3A_664 = tpu.vector_load %arg8[%swap3A_663] {strides = array<i32>} : memref<512xf32, #tpu.memory_space<vmem>>, vector<16xf32>,
      %swap3A_665 = vector.shape_cast %swap3A_664 : vector<16xf32> to vector<16xf32>
      %swap3A_666 = vector.shape_cast %broadcast_in_dim3A_3 : vector<16xf32> to vector<16xf32>
      tpu.vector_store %arg8[%swap3A_663], %swap3A_666 {strides = array<i32>} : memref<512xf32, #tpu.memory_space<vmem>>, vector<16xf32>,
      %swap3A_667 = arith.constant 192 : index
      %swap3A_668 = tpu.vector_load %arg8[%swap3A_667] {strides = array<i32>} : memref<512xf32, #tpu.memory_space<vmem>>, vector<16xf32>,
      %swap3A_669 = vector.shape_cast %swap3A_668 : vector<16xf32> to vector<16xf32>
      %swap3A_670 = vector.shape_cast %broadcast_in_dim3A_3 : vector<16xf32> to vector<16xf32>
      tpu.vector_store %arg8[%swap3A_667], %swap3A_670 {strides = array<i32>} : memref<512xf32, #tpu.memory_space<vmem>>, vector<16xf32>,
      %swap3A_671 = arith.constant 208 : index
      %swap3A_672 = tpu.vector_load %arg8[%swap3A_671] {strides = array<i32>} : memref<512xf32, #tpu.memory_space<vmem>>, vector<16xf32>,
      %swap3A_673 = vector.shape_cast %swap3A_672 : vector<16xf32> to vector<16xf32>
      %swap3A_674 = vector.shape_cast %broadcast_in_dim3A_3 : vector<16xf32> to vector<16xf32>
      tpu.vector_store %arg8[%swap3A_671], %swap3A_674 {strides = array<i32>} : memref<512xf32, #tpu.memory_space<vmem>>, vector<16xf32>,
      %swap3A_675 = arith.constant 224 : index
      %swap3A_676 = tpu.vector_load %arg8[%swap3A_675] {strides = array<i32>} : memref<512xf32, #tpu.memory_space<vmem>>, vector<16xf32>,
      %swap3A_677 = vector.shape_cast %swap3A_676 : vector<16xf32> to vector<16xf32>
      %swap3A_678 = vector.shape_cast %broadcast_in_dim3A_3 : vector<16xf32> to vector<16xf32>
      tpu.vector_store %arg8[%swap3A_675], %swap3A_678 {strides = array<i32>} : memref<512xf32, #tpu.memory_space<vmem>>, vector<16xf32>,
      %swap3A_679 = arith.constant 240 : index
      %swap3A_680 = tpu.vector_load %arg8[%swap3A_679] {strides = array<i32>} : memref<512xf32, #tpu.memory_space<vmem>>, vector<16xf32>,
      %swap3A_681 = vector.shape_cast %swap3A_680 : vector<16xf32> to vector<16xf32>
      %swap3A_682 = vector.shape_cast %broadcast_in_dim3A_3 : vector<16xf32> to vector<16xf32>
      tpu.vector_store %arg8[%swap3A_679], %swap3A_682 {strides = array<i32>} : memref<512xf32, #tpu.memory_space<vmem>>, vector<16xf32>,
      %swap3A_683 = arith.constant 256 : index
      %swap3A_684 = tpu.vector_load %arg8[%swap3A_683] {strides = array<i32>} : memref<512xf32, #tpu.memory_space<vmem>>, vector<16xf32>,
      %swap3A_685 = vector.shape_cast %swap3A_684 : vector<16xf32> to vector<16xf32>
      %swap3A_686 = vector.shape_cast %broadcast_in_dim3A_3 : vector<16xf32> to vector<16xf32>
      tpu.vector_store %arg8[%swap3A_683], %swap3A_686 {strides = array<i32>} : memref<512xf32, #tpu.memory_space<vmem>>, vector<16xf32>,
      %swap3A_687 = arith.constant 272 : index
      %swap3A_688 = tpu.vector_load %arg8[%swap3A_687] {strides = array<i32>} : memref<512xf32, #tpu.memory_space<vmem>>, vector<16xf32>,
      %swap3A_689 = vector.shape_cast %swap3A_688 : vector<16xf32> to vector<16xf32>
      %swap3A_690 = vector.shape_cast %broadcast_in_dim3A_3 : vector<16xf32> to vector<16xf32>
      tpu.vector_store %arg8[%swap3A_687], %swap3A_690 {strides = array<i32>} : memref<512xf32, #tpu.memory_space<vmem>>, vector<16xf32>,
      %swap3A_691 = arith.constant 288 : index
      %swap3A_692 = tpu.vector_load %arg8[%swap3A_691] {strides = array<i32>} : memref<512xf32, #tpu.memory_space<vmem>>, vector<16xf32>,
      %swap3A_693 = vector.shape_cast %swap3A_692 : vector<16xf32> to vector<16xf32>
      %swap3A_694 = vector.shape_cast %broadcast_in_dim3A_3 : vector<16xf32> to vector<16xf32>
      tpu.vector_store %arg8[%swap3A_691], %swap3A_694 {strides = array<i32>} : memref<512xf32, #tpu.memory_space<vmem>>, vector<16xf32>,
      %swap3A_695 = arith.constant 304 : index
      %swap3A_696 = tpu.vector_load %arg8[%swap3A_695] {strides = array<i32>} : memref<512xf32, #tpu.memory_space<vmem>>, vector<16xf32>,
      %swap3A_697 = vector.shape_cast %swap3A_696 : vector<16xf32> to vector<16xf32>
      %swap3A_698 = vector.shape_cast %broadcast_in_dim3A_3 : vector<16xf32> to vector<16xf32>
      tpu.vector_store %arg8[%swap3A_695], %swap3A_698 {strides = array<i32>} : memref<512xf32, #tpu.memory_space<vmem>>, vector<16xf32>,
      %swap3A_699 = arith.constant 320 : index
      %swap3A_700 = tpu.vector_load %arg8[%swap3A_699] {strides = array<i32>} : memref<512xf32, #tpu.memory_space<vmem>>, vector<16xf32>,
      %swap3A_701 = vector.shape_cast %swap3A_700 : vector<16xf32> to vector<16xf32>
      %swap3A_702 = vector.shape_cast %broadcast_in_dim3A_3 : vector<16xf32> to vector<16xf32>
      tpu.vector_store %arg8[%swap3A_699], %swap3A_702 {strides = array<i32>} : memref<512xf32, #tpu.memory_space<vmem>>, vector<16xf32>,
      %swap3A_703 = arith.constant 336 : index
      %swap3A_704 = tpu.vector_load %arg8[%swap3A_703] {strides = array<i32>} : memref<512xf32, #tpu.memory_space<vmem>>, vector<16xf32>,
      %swap3A_705 = vector.shape_cast %swap3A_704 : vector<16xf32> to vector<16xf32>
      %swap3A_706 = vector.shape_cast %broadcast_in_dim3A_3 : vector<16xf32> to vector<16xf32>
      tpu.vector_store %arg8[%swap3A_703], %swap3A_706 {strides = array<i32>} : memref<512xf32, #tpu.memory_space<vmem>>, vector<16xf32>,
      %swap3A_707 = arith.constant 352 : index
      %swap3A_708 = tpu.vector_load %arg8[%swap3A_707] {strides = array<i32>} : memref<512xf32, #tpu.memory_space<vmem>>, vector<16xf32>,
      %swap3A_709 = vector.shape_cast %swap3A_708 : vector<16xf32> to vector<16xf32>
      %swap3A_710 = vector.shape_cast %broadcast_in_dim3A_3 : vector<16xf32> to vector<16xf32>
      tpu.vector_store %arg8[%swap3A_707], %swap3A_710 {strides = array<i32>} : memref<512xf32, #tpu.memory_space<vmem>>, vector<16xf32>,
      %swap3A_711 = arith.constant 368 : index
      %swap3A_712 = tpu.vector_load %arg8[%swap3A_711] {strides = array<i32>} : memref<512xf32, #tpu.memory_space<vmem>>, vector<16xf32>,
      %swap3A_713 = vector.shape_cast %swap3A_712 : vector<16xf32> to vector<16xf32>
      %swap3A_714 = vector.shape_cast %broadcast_in_dim3A_3 : vector<16xf32> to vector<16xf32>
      tpu.vector_store %arg8[%swap3A_711], %swap3A_714 {strides = array<i32>} : memref<512xf32, #tpu.memory_space<vmem>>, vector<16xf32>,
      %swap3A_715 = arith.constant 384 : index
      %swap3A_716 = tpu.vector_load %arg8[%swap3A_715] {strides = array<i32>} : memref<512xf32, #tpu.memory_space<vmem>>, vector<16xf32>,
      %swap3A_717 = vector.shape_cast %swap3A_716 : vector<16xf32> to vector<16xf32>
      %swap3A_718 = vector.shape_cast %broadcast_in_dim3A_3 : vector<16xf32> to vector<16xf32>
      tpu.vector_store %arg8[%swap3A_715], %swap3A_718 {strides = array<i32>} : memref<512xf32, #tpu.memory_space<vmem>>, vector<16xf32>,
      %swap3A_719 = arith.constant 400 : index
      %swap3A_720 = tpu.vector_load %arg8[%swap3A_719] {strides = array<i32>} : memref<512xf32, #tpu.memory_space<vmem>>, vector<16xf32>,
      %swap3A_721 = vector.shape_cast %swap3A_720 : vector<16xf32> to vector<16xf32>
      %swap3A_722 = vector.shape_cast %broadcast_in_dim3A_3 : vector<16xf32> to vector<16xf32>
      tpu.vector_store %arg8[%swap3A_719], %swap3A_722 {strides = array<i32>} : memref<512xf32, #tpu.memory_space<vmem>>, vector<16xf32>,
      %swap3A_723 = arith.constant 416 : index
      %swap3A_724 = tpu.vector_load %arg8[%swap3A_723] {strides = array<i32>} : memref<512xf32, #tpu.memory_space<vmem>>, vector<16xf32>,
      %swap3A_725 = vector.shape_cast %swap3A_724 : vector<16xf32> to vector<16xf32>
      %swap3A_726 = vector.shape_cast %broadcast_in_dim3A_3 : vector<16xf32> to vector<16xf32>
      tpu.vector_store %arg8[%swap3A_723], %swap3A_726 {strides = array<i32>} : memref<512xf32, #tpu.memory_space<vmem>>, vector<16xf32>,
      %swap3A_727 = arith.constant 432 : index
      %swap3A_728 = tpu.vector_load %arg8[%swap3A_727] {strides = array<i32>} : memref<512xf32, #tpu.memory_space<vmem>>, vector<16xf32>,
      %swap3A_729 = vector.shape_cast %swap3A_728 : vector<16xf32> to vector<16xf32>
      %swap3A_730 = vector.shape_cast %broadcast_in_dim3A_3 : vector<16xf32> to vector<16xf32>
      tpu.vector_store %arg8[%swap3A_727], %swap3A_730 {strides = array<i32>} : memref<512xf32, #tpu.memory_space<vmem>>, vector<16xf32>,
      %swap3A_731 = arith.constant 448 : index
      %swap3A_732 = tpu.vector_load %arg8[%swap3A_731] {strides = array<i32>} : memref<512xf32, #tpu.memory_space<vmem>>, vector<16xf32>,
      %swap3A_733 = vector.shape_cast %swap3A_732 : vector<16xf32> to vector<16xf32>
      %swap3A_734 = vector.shape_cast %broadcast_in_dim3A_3 : vector<16xf32> to vector<16xf32>
      tpu.vector_store %arg8[%swap3A_731], %swap3A_734 {strides = array<i32>} : memref<512xf32, #tpu.memory_space<vmem>>, vector<16xf32>,
      %swap3A_735 = arith.constant 464 : index
      %swap3A_736 = tpu.vector_load %arg8[%swap3A_735] {strides = array<i32>} : memref<512xf32, #tpu.memory_space<vmem>>, vector<16xf32>,
      %swap3A_737 = vector.shape_cast %swap3A_736 : vector<16xf32> to vector<16xf32>
      %swap3A_738 = vector.shape_cast %broadcast_in_dim3A_3 : vector<16xf32> to vector<16xf32>
      tpu.vector_store %arg8[%swap3A_735], %swap3A_738 {strides = array<i32>} : memref<512xf32, #tpu.memory_space<vmem>>, vector<16xf32>,
      %swap3A_739 = arith.constant 480 : index
      %swap3A_740 = tpu.vector_load %arg8[%swap3A_739] {strides = array<i32>} : memref<512xf32, #tpu.memory_space<vmem>>, vector<16xf32>,
      %swap3A_741 = vector.shape_cast %swap3A_740 : vector<16xf32> to vector<16xf32>
      %swap3A_742 = vector.shape_cast %broadcast_in_dim3A_3 : vector<16xf32> to vector<16xf32>
      tpu.vector_store %arg8[%swap3A_739], %swap3A_742 {strides = array<i32>} : memref<512xf32, #tpu.memory_space<vmem>>, vector<16xf32>,
      %swap3A_743 = arith.constant 496 : index
      %swap3A_744 = tpu.vector_load %arg8[%swap3A_743] {strides = array<i32>} : memref<512xf32, #tpu.memory_space<vmem>>, vector<16xf32>,
      %swap3A_745 = vector.shape_cast %swap3A_744 : vector<16xf32> to vector<16xf32>
      %swap3A_746 = vector.shape_cast %broadcast_in_dim3A_3 : vector<16xf32> to vector<16xf32>
      tpu.vector_store %arg8[%swap3A_743], %swap3A_746 {strides = array<i32>} : memref<512xf32, #tpu.memory_space<vmem>>, vector<16xf32>,
      %add3A_747 = arith.addi %mul3A_2, %add3A_613 : i32
      %dma_wait3A_748 = arith.constant 0 : i32
      %dma_wait3A_749 = arith.constant 0 : i32
      %dma_wait3A_750 = tpu.memref_slice %arg2[%add3A_747, %dma_wait3A_748, %dma_wait3A_749] : memref<1024x256x128xf32, #tpu.memory_space<hbm>> -> memref<1x256x128xf32, #tpu.memory_space<hbm>>
      %dma_wait3A_751 = tpu.memref_squeeze %dma_wait3A_750 : memref<1x256x128xf32, #tpu.memory_space<hbm>> -> memref<256x128xf32, #tpu.memory_space<hbm>>
      %dma_wait3A_752 = arith.constant 0 : i32
      %dma_wait3A_753 = arith.constant 0 : i32
      %dma_wait3A_754 = tpu.memref_slice %arg2[%add3A_747, %dma_wait3A_752, %dma_wait3A_753] : memref<1024x256x128xf32, #tpu.memory_space<hbm>> -> memref<1x256x128xf32, #tpu.memory_space<hbm>>
      %dma_wait3A_755 = tpu.memref_squeeze %dma_wait3A_754 : memref<1x256x128xf32, #tpu.memory_space<hbm>> -> memref<256x128xf32, #tpu.memory_space<hbm>>
      tpu.wait_dma2 semaphore(%arg11 : memref<!tpu.dma_semaphore, #tpu.memory_space<semaphore_mem>>) src(%dma_wait3A_755 : memref<256x128xf32, #tpu.memory_space<hbm>>) dst(%arg5 : memref<256x128xf32, #tpu.memory_space<vmem>>)
      %scan3A_756 = arith.constant 0 : i32
      %scan3A_757 = arith.constant 0 : i32
      %scan3A_758 = arith.constant 32 : i32
      %scan3A_759 = arith.addi %scan3A_757, %scan3A_758 : i32
      %scan3A_760 = arith.constant 1 : i32
      scf.for %scan3A_940 = %scan3A_757 to %scan3A_759 step %scan3A_760  : i32 {
        %jit3A = arith.constant 2 : i32
        %eq3A = arith.constant 0 : i32
        %eq3A_941 = arith.cmpi eq, %jit3A, %eq3A : i32
        %jit3A_942 = arith.constant 1 : i32
        %select_n3A = arith.select %eq3A_941, %jit3A_942, %jit3A : i32
        %rem3A = arith.remsi %scan3A_940, %select_n3A : i32
        %ne3A = arith.constant 0 : i32
        %ne3A_943 = arith.cmpi ne, %rem3A, %ne3A : i32
        %lt3A_944 = arith.constant 0 : i32
        %lt3A_945 = arith.cmpi slt, %rem3A, %lt3A_944 : i32
        %lt3A_946 = arith.constant 0 : i32
        %lt3A_947 = arith.cmpi slt, %select_n3A, %lt3A_946 : i32
        %ne3A_948 = arith.xori %lt3A_945, %lt3A_947 : i1
        %and3A = arith.andi %ne3A_948, %ne3A_943 : i1
        %add3A_949 = arith.addi %rem3A, %select_n3A : i32
        %select_n3A_950 = arith.select %and3A, %add3A_949, %rem3A : i32
        %mul3A_951 = arith.constant 256 : i32
        %mul3A_952 = arith.muli %mul3A_951, %select_n3A_950 : i32
        %jit3A_953 = arith.constant 2 : i32
        %div3A = arith.divsi %scan3A_940, %jit3A_953 : i32
        %sign3A = arith.constant 0 : i32
        %sign3A_954 = arith.cmpi sgt, %scan3A_940, %sign3A : i32
        %sign3A_955 = arith.extui %sign3A_954 : i1 to i32
        %sign3A_956 = arith.constant 0 : i32
        %sign3A_957 = arith.cmpi slt, %scan3A_940, %sign3A_956 : i32
        %sign3A_958 = arith.extui %sign3A_957 : i1 to i32
        %sign3A_959 = arith.subi %sign3A_955, %sign3A_958 : i32
        %sign3A_960 = arith.constant 0 : i32
        %sign3A_961 = arith.cmpi sgt, %jit3A_953, %sign3A_960 : i32
        %sign3A_962 = arith.extui %sign3A_961 : i1 to i32
        %sign3A_963 = arith.constant 0 : i32
        %sign3A_964 = arith.cmpi slt, %jit3A_953, %sign3A_963 : i32
        %sign3A_965 = arith.extui %sign3A_964 : i1 to i32
        %sign3A_966 = arith.subi %sign3A_962, %sign3A_965 : i32
        %ne3A_967 = arith.cmpi ne, %sign3A_959, %sign3A_966 : i32
        %rem3A_968 = arith.remsi %scan3A_940, %jit3A_953 : i32
        %ne3A_969 = arith.constant 0 : i32
        %ne3A_970 = arith.cmpi ne, %rem3A_968, %ne3A_969 : i32
        %and3A_971 = arith.andi %ne3A_967, %ne3A_970 : i1
        %sub3A_972 = arith.constant 1 : i32
        %sub3A_973 = arith.subi %div3A, %sub3A_972 : i32
        %select_n3A_974 = arith.select %and3A_971, %sub3A_973, %div3A : i32
        %add3A_975 = arith.addi %mul3A_952, %select_n3A_974 : i32
        %add3A_976 = arith.constant 0 : i32
        %add3A_977 = arith.addi %scan3A_940, %add3A_976 : i32
        %get3A = arith.index_cast %add3A_977 : i32 to index
        %get3A_978 = arith.constant 0 : index
        %get3A_979 = tpu.vector_load %arg5[%get3A, %get3A_978] {strides = array<i32>} : memref<256x128xf32, #tpu.memory_space<vmem>>, vector<1x16xf32>,
        %get3A_980 = vector.shape_cast %get3A_979 : vector<1x16xf32> to vector<16xf32>
        %add3A_981 = arith.constant 0 : i32
        %add3A_982 = arith.addi %scan3A_940, %add3A_981 : i32
        %get3A_983 = arith.index_cast %add3A_982 : i32 to index
        %get3A_984 = arith.constant 16 : index
        %get3A_985 = tpu.vector_load %arg5[%get3A_983, %get3A_984] {strides = array<i32>} : memref<256x128xf32, #tpu.memory_space<vmem>>, vector<1x16xf32>,
        %get3A_986 = vector.shape_cast %get3A_985 : vector<1x16xf32> to vector<16xf32>
        %add3A_987 = arith.constant 0 : i32
        %add3A_988 = arith.addi %scan3A_940, %add3A_987 : i32
        %get3A_989 = arith.index_cast %add3A_988 : i32 to index
        %get3A_990 = arith.constant 32 : index
        %get3A_991 = tpu.vector_load %arg5[%get3A_989, %get3A_990] {strides = array<i32>} : memref<256x128xf32, #tpu.memory_space<vmem>>, vector<1x16xf32>,
        %get3A_992 = vector.shape_cast %get3A_991 : vector<1x16xf32> to vector<16xf32>
        %add3A_993 = arith.constant 0 : i32
        %add3A_994 = arith.addi %scan3A_940, %add3A_993 : i32
        %get3A_995 = arith.index_cast %add3A_994 : i32 to index
        %get3A_996 = arith.constant 48 : index
        %get3A_997 = tpu.vector_load %arg5[%get3A_995, %get3A_996] {strides = array<i32>} : memref<256x128xf32, #tpu.memory_space<vmem>>, vector<1x16xf32>,
        %get3A_998 = vector.shape_cast %get3A_997 : vector<1x16xf32> to vector<16xf32>
        %add3A_999 = arith.constant 0 : i32
        %add3A_1000 = arith.addi %scan3A_940, %add3A_999 : i32
        %get3A_1001 = arith.index_cast %add3A_1000 : i32 to index
        %get3A_1002 = arith.constant 64 : index
        %get3A_1003 = tpu.vector_load %arg5[%get3A_1001, %get3A_1002] {strides = array<i32>} : memref<256x128xf32, #tpu.memory_space<vmem>>, vector<1x16xf32>,
        %get3A_1004 = vector.shape_cast %get3A_1003 : vector<1x16xf32> to vector<16xf32>
        %add3A_1005 = arith.constant 0 : i32
        %add3A_1006 = arith.addi %scan3A_940, %add3A_1005 : i32
        %get3A_1007 = arith.index_cast %add3A_1006 : i32 to index
        %get3A_1008 = arith.constant 80 : index
        %get3A_1009 = tpu.vector_load %arg5[%get3A_1007, %get3A_1008] {strides = array<i32>} : memref<256x128xf32, #tpu.memory_space<vmem>>, vector<1x16xf32>,
        %get3A_1010 = vector.shape_cast %get3A_1009 : vector<1x16xf32> to vector<16xf32>
        %add3A_1011 = arith.constant 0 : i32
        %add3A_1012 = arith.addi %scan3A_940, %add3A_1011 : i32
        %get3A_1013 = arith.index_cast %add3A_1012 : i32 to index
        %get3A_1014 = arith.constant 96 : index
        %get3A_1015 = tpu.vector_load %arg5[%get3A_1013, %get3A_1014] {strides = array<i32>} : memref<256x128xf32, #tpu.memory_space<vmem>>, vector<1x16xf32>,
        %get3A_1016 = vector.shape_cast %get3A_1015 : vector<1x16xf32> to vector<16xf32>
        %add3A_1017 = arith.constant 0 : i32
        %add3A_1018 = arith.addi %scan3A_940, %add3A_1017 : i32
        %get3A_1019 = arith.index_cast %add3A_1018 : i32 to index
        %get3A_1020 = arith.constant 112 : index
        %get3A_1021 = tpu.vector_load %arg5[%get3A_1019, %get3A_1020] {strides = array<i32>} : memref<256x128xf32, #tpu.memory_space<vmem>>, vector<1x16xf32>,
        %get3A_1022 = vector.shape_cast %get3A_1021 : vector<1x16xf32> to vector<16xf32>
        %add3A_1023 = arith.constant 32 : i32
        %add3A_1024 = arith.addi %scan3A_940, %add3A_1023 : i32
        %get3A_1025 = arith.index_cast %add3A_1024 : i32 to index
        %get3A_1026 = arith.constant 0 : index
        %get3A_1027 = tpu.vector_load %arg5[%get3A_1025, %get3A_1026] {strides = array<i32>} : memref<256x128xf32, #tpu.memory_space<vmem>>, vector<1x16xf32>,
        %get3A_1028 = vector.shape_cast %get3A_1027 : vector<1x16xf32> to vector<16xf32>
        %add3A_1029 = arith.constant 32 : i32
        %add3A_1030 = arith.addi %scan3A_940, %add3A_1029 : i32
        %get3A_1031 = arith.index_cast %add3A_1030 : i32 to index
        %get3A_1032 = arith.constant 16 : index
        %get3A_1033 = tpu.vector_load %arg5[%get3A_1031, %get3A_1032] {strides = array<i32>} : memref<256x128xf32, #tpu.memory_space<vmem>>, vector<1x16xf32>,
        %get3A_1034 = vector.shape_cast %get3A_1033 : vector<1x16xf32> to vector<16xf32>
        %add3A_1035 = arith.constant 32 : i32
        %add3A_1036 = arith.addi %scan3A_940, %add3A_1035 : i32
        %get3A_1037 = arith.index_cast %add3A_1036 : i32 to index
        %get3A_1038 = arith.constant 32 : index
        %get3A_1039 = tpu.vector_load %arg5[%get3A_1037, %get3A_1038] {strides = array<i32>} : memref<256x128xf32, #tpu.memory_space<vmem>>, vector<1x16xf32>,
        %get3A_1040 = vector.shape_cast %get3A_1039 : vector<1x16xf32> to vector<16xf32>
        %add3A_1041 = arith.constant 32 : i32
        %add3A_1042 = arith.addi %scan3A_940, %add3A_1041 : i32
        %get3A_1043 = arith.index_cast %add3A_1042 : i32 to index
        %get3A_1044 = arith.constant 48 : index
        %get3A_1045 = tpu.vector_load %arg5[%get3A_1043, %get3A_1044] {strides = array<i32>} : memref<256x128xf32, #tpu.memory_space<vmem>>, vector<1x16xf32>,
        %get3A_1046 = vector.shape_cast %get3A_1045 : vector<1x16xf32> to vector<16xf32>
        %add3A_1047 = arith.constant 32 : i32
        %add3A_1048 = arith.addi %scan3A_940, %add3A_1047 : i32
        %get3A_1049 = arith.index_cast %add3A_1048 : i32 to index
        %get3A_1050 = arith.constant 64 : index
        %get3A_1051 = tpu.vector_load %arg5[%get3A_1049, %get3A_1050] {strides = array<i32>} : memref<256x128xf32, #tpu.memory_space<vmem>>, vector<1x16xf32>,
        %get3A_1052 = vector.shape_cast %get3A_1051 : vector<1x16xf32> to vector<16xf32>
        %add3A_1053 = arith.constant 32 : i32
        %add3A_1054 = arith.addi %scan3A_940, %add3A_1053 : i32
        %get3A_1055 = arith.index_cast %add3A_1054 : i32 to index
        %get3A_1056 = arith.constant 80 : index
        %get3A_1057 = tpu.vector_load %arg5[%get3A_1055, %get3A_1056] {strides = array<i32>} : memref<256x128xf32, #tpu.memory_space<vmem>>, vector<1x16xf32>,
        %get3A_1058 = vector.shape_cast %get3A_1057 : vector<1x16xf32> to vector<16xf32>
        %add3A_1059 = arith.constant 32 : i32
        %add3A_1060 = arith.addi %scan3A_940, %add3A_1059 : i32
        %get3A_1061 = arith.index_cast %add3A_1060 : i32 to index
        %get3A_1062 = arith.constant 96 : index
        %get3A_1063 = tpu.vector_load %arg5[%get3A_1061, %get3A_1062] {strides = array<i32>} : memref<256x128xf32, #tpu.memory_space<vmem>>, vector<1x16xf32>,
        %get3A_1064 = vector.shape_cast %get3A_1063 : vector<1x16xf32> to vector<16xf32>
        %add3A_1065 = arith.constant 32 : i32
        %add3A_1066 = arith.addi %scan3A_940, %add3A_1065 : i32
        %get3A_1067 = arith.index_cast %add3A_1066 : i32 to index
        %get3A_1068 = arith.constant 112 : index
        %get3A_1069 = tpu.vector_load %arg5[%get3A_1067, %get3A_1068] {strides = array<i32>} : memref<256x128xf32, #tpu.memory_space<vmem>>, vector<1x16xf32>,
        %get3A_1070 = vector.shape_cast %get3A_1069 : vector<1x16xf32> to vector<16xf32>
        %add3A_1071 = arith.addf %get3A_986, %get3A_1028 : vector<16xf32>
        %add3A_1072 = arith.addf %get3A_992, %get3A_1034 : vector<16xf32>
        %add3A_1073 = arith.addf %get3A_998, %get3A_1040 : vector<16xf32>
        %add3A_1074 = arith.addf %get3A_1004, %get3A_1046 : vector<16xf32>
        %add3A_1075 = arith.addf %get3A_1010, %get3A_1052 : vector<16xf32>
        %add3A_1076 = arith.addf %get3A_1016, %get3A_1058 : vector<16xf32>
        %add3A_1077 = arith.addf %get3A_1022, %get3A_1064 : vector<16xf32>
        %add3A_1078 = arith.constant 64 : i32
        %add3A_1079 = arith.addi %scan3A_940, %add3A_1078 : i32
        %get3A_1080 = arith.index_cast %add3A_1079 : i32 to index
        %get3A_1081 = arith.constant 0 : index
        %get3A_1082 = tpu.vector_load %arg5[%get3A_1080, %get3A_1081] {strides = array<i32>} : memref<256x128xf32, #tpu.memory_space<vmem>>, vector<1x16xf32>,
        %get3A_1083 = vector.shape_cast %get3A_1082 : vector<1x16xf32> to vector<16xf32>
        %add3A_1084 = arith.constant 64 : i32
        %add3A_1085 = arith.addi %scan3A_940, %add3A_1084 : i32
        %get3A_1086 = arith.index_cast %add3A_1085 : i32 to index
        %get3A_1087 = arith.constant 16 : index
        %get3A_1088 = tpu.vector_load %arg5[%get3A_1086, %get3A_1087] {strides = array<i32>} : memref<256x128xf32, #tpu.memory_space<vmem>>, vector<1x16xf32>,
        %get3A_1089 = vector.shape_cast %get3A_1088 : vector<1x16xf32> to vector<16xf32>
        %add3A_1090 = arith.constant 64 : i32
        %add3A_1091 = arith.addi %scan3A_940, %add3A_1090 : i32
        %get3A_1092 = arith.index_cast %add3A_1091 : i32 to index
        %get3A_1093 = arith.constant 32 : index
        %get3A_1094 = tpu.vector_load %arg5[%get3A_1092, %get3A_1093] {strides = array<i32>} : memref<256x128xf32, #tpu.memory_space<vmem>>, vector<1x16xf32>,
        %get3A_1095 = vector.shape_cast %get3A_1094 : vector<1x16xf32> to vector<16xf32>
        %add3A_1096 = arith.constant 64 : i32
        %add3A_1097 = arith.addi %scan3A_940, %add3A_1096 : i32
        %get3A_1098 = arith.index_cast %add3A_1097 : i32 to index
        %get3A_1099 = arith.constant 48 : index
        %get3A_1100 = tpu.vector_load %arg5[%get3A_1098, %get3A_1099] {strides = array<i32>} : memref<256x128xf32, #tpu.memory_space<vmem>>, vector<1x16xf32>,
        %get3A_1101 = vector.shape_cast %get3A_1100 : vector<1x16xf32> to vector<16xf32>
        %add3A_1102 = arith.constant 64 : i32
        %add3A_1103 = arith.addi %scan3A_940, %add3A_1102 : i32
        %get3A_1104 = arith.index_cast %add3A_1103 : i32 to index
        %get3A_1105 = arith.constant 64 : index
        %get3A_1106 = tpu.vector_load %arg5[%get3A_1104, %get3A_1105] {strides = array<i32>} : memref<256x128xf32, #tpu.memory_space<vmem>>, vector<1x16xf32>,
        %get3A_1107 = vector.shape_cast %get3A_1106 : vector<1x16xf32> to vector<16xf32>
        %add3A_1108 = arith.constant 64 : i32
        %add3A_1109 = arith.addi %scan3A_940, %add3A_1108 : i32
        %get3A_1110 = arith.index_cast %add3A_1109 : i32 to index
        %get3A_1111 = arith.constant 80 : index
        %get3A_1112 = tpu.vector_load %arg5[%get3A_1110, %get3A_1111] {strides = array<i32>} : memref<256x128xf32, #tpu.memory_space<vmem>>, vector<1x16xf32>,
        %get3A_1113 = vector.shape_cast %get3A_1112 : vector<1x16xf32> to vector<16xf32>
        %add3A_1114 = arith.constant 64 : i32
        %add3A_1115 = arith.addi %scan3A_940, %add3A_1114 : i32
        %get3A_1116 = arith.index_cast %add3A_1115 : i32 to index
        %get3A_1117 = arith.constant 96 : index
        %get3A_1118 = tpu.vector_load %arg5[%get3A_1116, %get3A_1117] {strides = array<i32>} : memref<256x128xf32, #tpu.memory_space<vmem>>, vector<1x16xf32>,
        %get3A_1119 = vector.shape_cast %get3A_1118 : vector<1x16xf32> to vector<16xf32>
        %add3A_1120 = arith.constant 64 : i32
        %add3A_1121 = arith.addi %scan3A_940, %add3A_1120 : i32
        %get3A_1122 = arith.index_cast %add3A_1121 : i32 to index
        %get3A_1123 = arith.constant 112 : index
        %get3A_1124 = tpu.vector_load %arg5[%get3A_1122, %get3A_1123] {strides = array<i32>} : memref<256x128xf32, #tpu.memory_space<vmem>>, vector<1x16xf32>,
        %get3A_1125 = vector.shape_cast %get3A_1124 : vector<1x16xf32> to vector<16xf32>
        %add3A_1126 = arith.addf %add3A_1072, %get3A_1083 : vector<16xf32>
        %add3A_1127 = arith.addf %add3A_1073, %get3A_1089 : vector<16xf32>
        %add3A_1128 = arith.addf %add3A_1074, %get3A_1095 : vector<16xf32>
        %add3A_1129 = arith.addf %add3A_1075, %get3A_1101 : vector<16xf32>
        %add3A_1130 = arith.addf %add3A_1076, %get3A_1107 : vector<16xf32>
        %add3A_1131 = arith.addf %add3A_1077, %get3A_1113 : vector<16xf32>
        %add3A_1132 = arith.addf %get3A_1070, %get3A_1119 : vector<16xf32>
        %add3A_1133 = arith.constant 96 : i32
        %add3A_1134 = arith.addi %scan3A_940, %add3A_1133 : i32
        %get3A_1135 = arith.index_cast %add3A_1134 : i32 to index
        %get3A_1136 = arith.constant 0 : index
        %get3A_1137 = tpu.vector_load %arg5[%get3A_1135, %get3A_1136] {strides = array<i32>} : memref<256x128xf32, #tpu.memory_space<vmem>>, vector<1x16xf32>,
        %get3A_1138 = vector.shape_cast %get3A_1137 : vector<1x16xf32> to vector<16xf32>
        %add3A_1139 = arith.constant 96 : i32
        %add3A_1140 = arith.addi %scan3A_940, %add3A_1139 : i32
        %get3A_1141 = arith.index_cast %add3A_1140 : i32 to index
        %get3A_1142 = arith.constant 16 : index
        %get3A_1143 = tpu.vector_load %arg5[%get3A_1141, %get3A_1142] {strides = array<i32>} : memref<256x128xf32, #tpu.memory_space<vmem>>, vector<1x16xf32>,
        %get3A_1144 = vector.shape_cast %get3A_1143 : vector<1x16xf32> to vector<16xf32>
        %add3A_1145 = arith.constant 96 : i32
        %add3A_1146 = arith.addi %scan3A_940, %add3A_1145 : i32
        %get3A_1147 = arith.index_cast %add3A_1146 : i32 to index
        %get3A_1148 = arith.constant 32 : index
        %get3A_1149 = tpu.vector_load %arg5[%get3A_1147, %get3A_1148] {strides = array<i32>} : memref<256x128xf32, #tpu.memory_space<vmem>>, vector<1x16xf32>,
        %get3A_1150 = vector.shape_cast %get3A_1149 : vector<1x16xf32> to vector<16xf32>
        %add3A_1151 = arith.constant 96 : i32
        %add3A_1152 = arith.addi %scan3A_940, %add3A_1151 : i32
        %get3A_1153 = arith.index_cast %add3A_1152 : i32 to index
        %get3A_1154 = arith.constant 48 : index
        %get3A_1155 = tpu.vector_load %arg5[%get3A_1153, %get3A_1154] {strides = array<i32>} : memref<256x128xf32, #tpu.memory_space<vmem>>, vector<1x16xf32>,
        %get3A_1156 = vector.shape_cast %get3A_1155 : vector<1x16xf32> to vector<16xf32>
        %add3A_1157 = arith.constant 96 : i32
        %add3A_1158 = arith.addi %scan3A_940, %add3A_1157 : i32
        %get3A_1159 = arith.index_cast %add3A_1158 : i32 to index
        %get3A_1160 = arith.constant 64 : index
        %get3A_1161 = tpu.vector_load %arg5[%get3A_1159, %get3A_1160] {strides = array<i32>} : memref<256x128xf32, #tpu.memory_space<vmem>>, vector<1x16xf32>,
        %get3A_1162 = vector.shape_cast %get3A_1161 : vector<1x16xf32> to vector<16xf32>
        %add3A_1163 = arith.constant 96 : i32
        %add3A_1164 = arith.addi %scan3A_940, %add3A_1163 : i32
        %get3A_1165 = arith.index_cast %add3A_1164 : i32 to index
        %get3A_1166 = arith.constant 80 : index
        %get3A_1167 = tpu.vector_load %arg5[%get3A_1165, %get3A_1166] {strides = array<i32>} : memref<256x128xf32, #tpu.memory_space<vmem>>, vector<1x16xf32>,
        %get3A_1168 = vector.shape_cast %get3A_1167 : vector<1x16xf32> to vector<16xf32>
        %add3A_1169 = arith.constant 96 : i32
        %add3A_1170 = arith.addi %scan3A_940, %add3A_1169 : i32
        %get3A_1171 = arith.index_cast %add3A_1170 : i32 to index
        %get3A_1172 = arith.constant 96 : index
        %get3A_1173 = tpu.vector_load %arg5[%get3A_1171, %get3A_1172] {strides = array<i32>} : memref<256x128xf32, #tpu.memory_space<vmem>>, vector<1x16xf32>,
        %get3A_1174 = vector.shape_cast %get3A_1173 : vector<1x16xf32> to vector<16xf32>
        %add3A_1175 = arith.constant 96 : i32
        %add3A_1176 = arith.addi %scan3A_940, %add3A_1175 : i32
        %get3A_1177 = arith.index_cast %add3A_1176 : i32 to index
        %get3A_1178 = arith.constant 112 : index
        %get3A_1179 = tpu.vector_load %arg5[%get3A_1177, %get3A_1178] {strides = array<i32>} : memref<256x128xf32, #tpu.memory_space<vmem>>, vector<1x16xf32>,
        %get3A_1180 = vector.shape_cast %get3A_1179 : vector<1x16xf32> to vector<16xf32>
        %add3A_1181 = arith.addf %add3A_1127, %get3A_1138 : vector<16xf32>
        %add3A_1182 = arith.addf %add3A_1128, %get3A_1144 : vector<16xf32>
        %add3A_1183 = arith.addf %add3A_1129, %get3A_1150 : vector<16xf32>
        %add3A_1184 = arith.addf %add3A_1130, %get3A_1156 : vector<16xf32>
        %add3A_1185 = arith.addf %add3A_1131, %get3A_1162 : vector<16xf32>
        %add3A_1186 = arith.addf %add3A_1132, %get3A_1168 : vector<16xf32>
        %add3A_1187 = arith.addf %get3A_1125, %get3A_1174 : vector<16xf32>
        %add3A_1188 = arith.constant 128 : i32
        %add3A_1189 = arith.addi %scan3A_940, %add3A_1188 : i32
        %get3A_1190 = arith.index_cast %add3A_1189 : i32 to index
        %get3A_1191 = arith.constant 0 : index
        %get3A_1192 = tpu.vector_load %arg5[%get3A_1190, %get3A_1191] {strides = array<i32>} : memref<256x128xf32, #tpu.memory_space<vmem>>, vector<1x16xf32>,
        %get3A_1193 = vector.shape_cast %get3A_1192 : vector<1x16xf32> to vector<16xf32>
        %add3A_1194 = arith.constant 128 : i32
        %add3A_1195 = arith.addi %scan3A_940, %add3A_1194 : i32
        %get3A_1196 = arith.index_cast %add3A_1195 : i32 to index
        %get3A_1197 = arith.constant 16 : index
        %get3A_1198 = tpu.vector_load %arg5[%get3A_1196, %get3A_1197] {strides = array<i32>} : memref<256x128xf32, #tpu.memory_space<vmem>>, vector<1x16xf32>,
        %get3A_1199 = vector.shape_cast %get3A_1198 : vector<1x16xf32> to vector<16xf32>
        %add3A_1200 = arith.constant 128 : i32
        %add3A_1201 = arith.addi %scan3A_940, %add3A_1200 : i32
        %get3A_1202 = arith.index_cast %add3A_1201 : i32 to index
        %get3A_1203 = arith.constant 32 : index
        %get3A_1204 = tpu.vector_load %arg5[%get3A_1202, %get3A_1203] {strides = array<i32>} : memref<256x128xf32, #tpu.memory_space<vmem>>, vector<1x16xf32>,
        %get3A_1205 = vector.shape_cast %get3A_1204 : vector<1x16xf32> to vector<16xf32>
        %add3A_1206 = arith.constant 128 : i32
        %add3A_1207 = arith.addi %scan3A_940, %add3A_1206 : i32
        %get3A_1208 = arith.index_cast %add3A_1207 : i32 to index
        %get3A_1209 = arith.constant 48 : index
        %get3A_1210 = tpu.vector_load %arg5[%get3A_1208, %get3A_1209] {strides = array<i32>} : memref<256x128xf32, #tpu.memory_space<vmem>>, vector<1x16xf32>,
        %get3A_1211 = vector.shape_cast %get3A_1210 : vector<1x16xf32> to vector<16xf32>
        %add3A_1212 = arith.constant 128 : i32
        %add3A_1213 = arith.addi %scan3A_940, %add3A_1212 : i32
        %get3A_1214 = arith.index_cast %add3A_1213 : i32 to index
        %get3A_1215 = arith.constant 64 : index
        %get3A_1216 = tpu.vector_load %arg5[%get3A_1214, %get3A_1215] {strides = array<i32>} : memref<256x128xf32, #tpu.memory_space<vmem>>, vector<1x16xf32>,
        %get3A_1217 = vector.shape_cast %get3A_1216 : vector<1x16xf32> to vector<16xf32>
        %add3A_1218 = arith.constant 128 : i32
        %add3A_1219 = arith.addi %scan3A_940, %add3A_1218 : i32
        %get3A_1220 = arith.index_cast %add3A_1219 : i32 to index
        %get3A_1221 = arith.constant 80 : index
        %get3A_1222 = tpu.vector_load %arg5[%get3A_1220, %get3A_1221] {strides = array<i32>} : memref<256x128xf32, #tpu.memory_space<vmem>>, vector<1x16xf32>,
        %get3A_1223 = vector.shape_cast %get3A_1222 : vector<1x16xf32> to vector<16xf32>
        %add3A_1224 = arith.constant 128 : i32
        %add3A_1225 = arith.addi %scan3A_940, %add3A_1224 : i32
        %get3A_1226 = arith.index_cast %add3A_1225 : i32 to index
        %get3A_1227 = arith.constant 96 : index
        %get3A_1228 = tpu.vector_load %arg5[%get3A_1226, %get3A_1227] {strides = array<i32>} : memref<256x128xf32, #tpu.memory_space<vmem>>, vector<1x16xf32>,
        %get3A_1229 = vector.shape_cast %get3A_1228 : vector<1x16xf32> to vector<16xf32>
        %add3A_1230 = arith.constant 128 : i32
        %add3A_1231 = arith.addi %scan3A_940, %add3A_1230 : i32
        %get3A_1232 = arith.index_cast %add3A_1231 : i32 to index
        %get3A_1233 = arith.constant 112 : index
        %get3A_1234 = tpu.vector_load %arg5[%get3A_1232, %get3A_1233] {strides = array<i32>} : memref<256x128xf32, #tpu.memory_space<vmem>>, vector<1x16xf32>,
        %get3A_1235 = vector.shape_cast %get3A_1234 : vector<1x16xf32> to vector<16xf32>
        %add3A_1236 = arith.addf %add3A_1182, %get3A_1193 : vector<16xf32>
        %add3A_1237 = arith.addf %add3A_1183, %get3A_1199 : vector<16xf32>
        %add3A_1238 = arith.addf %add3A_1184, %get3A_1205 : vector<16xf32>
        %add3A_1239 = arith.addf %add3A_1185, %get3A_1211 : vector<16xf32>
        %add3A_1240 = arith.addf %add3A_1186, %get3A_1217 : vector<16xf32>
        %add3A_1241 = arith.addf %add3A_1187, %get3A_1223 : vector<16xf32>
        %add3A_1242 = arith.addf %get3A_1180, %get3A_1229 : vector<16xf32>
        %add3A_1243 = arith.constant 160 : i32
        %add3A_1244 = arith.addi %scan3A_940, %add3A_1243 : i32
        %get3A_1245 = arith.index_cast %add3A_1244 : i32 to index
        %get3A_1246 = arith.constant 0 : index
        %get3A_1247 = tpu.vector_load %arg5[%get3A_1245, %get3A_1246] {strides = array<i32>} : memref<256x128xf32, #tpu.memory_space<vmem>>, vector<1x16xf32>,
        %get3A_1248 = vector.shape_cast %get3A_1247 : vector<1x16xf32> to vector<16xf32>
        %add3A_1249 = arith.constant 160 : i32
        %add3A_1250 = arith.addi %scan3A_940, %add3A_1249 : i32
        %get3A_1251 = arith.index_cast %add3A_1250 : i32 to index
        %get3A_1252 = arith.constant 16 : index
        %get3A_1253 = tpu.vector_load %arg5[%get3A_1251, %get3A_1252] {strides = array<i32>} : memref<256x128xf32, #tpu.memory_space<vmem>>, vector<1x16xf32>,
        %get3A_1254 = vector.shape_cast %get3A_1253 : vector<1x16xf32> to vector<16xf32>
        %add3A_1255 = arith.constant 160 : i32
        %add3A_1256 = arith.addi %scan3A_940, %add3A_1255 : i32
        %get3A_1257 = arith.index_cast %add3A_1256 : i32 to index
        %get3A_1258 = arith.constant 32 : index
        %get3A_1259 = tpu.vector_load %arg5[%get3A_1257, %get3A_1258] {strides = array<i32>} : memref<256x128xf32, #tpu.memory_space<vmem>>, vector<1x16xf32>,
        %get3A_1260 = vector.shape_cast %get3A_1259 : vector<1x16xf32> to vector<16xf32>
        %add3A_1261 = arith.constant 160 : i32
        %add3A_1262 = arith.addi %scan3A_940, %add3A_1261 : i32
        %get3A_1263 = arith.index_cast %add3A_1262 : i32 to index
        %get3A_1264 = arith.constant 48 : index
        %get3A_1265 = tpu.vector_load %arg5[%get3A_1263, %get3A_1264] {strides = array<i32>} : memref<256x128xf32, #tpu.memory_space<vmem>>, vector<1x16xf32>,
        %get3A_1266 = vector.shape_cast %get3A_1265 : vector<1x16xf32> to vector<16xf32>
        %add3A_1267 = arith.constant 160 : i32
        %add3A_1268 = arith.addi %scan3A_940, %add3A_1267 : i32
        %get3A_1269 = arith.index_cast %add3A_1268 : i32 to index
        %get3A_1270 = arith.constant 64 : index
        %get3A_1271 = tpu.vector_load %arg5[%get3A_1269, %get3A_1270] {strides = array<i32>} : memref<256x128xf32, #tpu.memory_space<vmem>>, vector<1x16xf32>,
        %get3A_1272 = vector.shape_cast %get3A_1271 : vector<1x16xf32> to vector<16xf32>
        %add3A_1273 = arith.constant 160 : i32
        %add3A_1274 = arith.addi %scan3A_940, %add3A_1273 : i32
        %get3A_1275 = arith.index_cast %add3A_1274 : i32 to index
        %get3A_1276 = arith.constant 80 : index
        %get3A_1277 = tpu.vector_load %arg5[%get3A_1275, %get3A_1276] {strides = array<i32>} : memref<256x128xf32, #tpu.memory_space<vmem>>, vector<1x16xf32>,
        %get3A_1278 = vector.shape_cast %get3A_1277 : vector<1x16xf32> to vector<16xf32>
        %add3A_1279 = arith.constant 160 : i32
        %add3A_1280 = arith.addi %scan3A_940, %add3A_1279 : i32
        %get3A_1281 = arith.index_cast %add3A_1280 : i32 to index
        %get3A_1282 = arith.constant 96 : index
        %get3A_1283 = tpu.vector_load %arg5[%get3A_1281, %get3A_1282] {strides = array<i32>} : memref<256x128xf32, #tpu.memory_space<vmem>>, vector<1x16xf32>,
        %get3A_1284 = vector.shape_cast %get3A_1283 : vector<1x16xf32> to vector<16xf32>
        %add3A_1285 = arith.constant 160 : i32
        %add3A_1286 = arith.addi %scan3A_940, %add3A_1285 : i32
        %get3A_1287 = arith.index_cast %add3A_1286 : i32 to index
        %get3A_1288 = arith.constant 112 : index
        %get3A_1289 = tpu.vector_load %arg5[%get3A_1287, %get3A_1288] {strides = array<i32>} : memref<256x128xf32, #tpu.memory_space<vmem>>, vector<1x16xf32>,
        %get3A_1290 = vector.shape_cast %get3A_1289 : vector<1x16xf32> to vector<16xf32>
        %add3A_1291 = arith.addf %add3A_1237, %get3A_1248 : vector<16xf32>
        %add3A_1292 = arith.addf %add3A_1238, %get3A_1254 : vector<16xf32>
        %add3A_1293 = arith.addf %add3A_1239, %get3A_1260 : vector<16xf32>
        %add3A_1294 = arith.addf %add3A_1240, %get3A_1266 : vector<16xf32>
        %add3A_1295 = arith.addf %add3A_1241, %get3A_1272 : vector<16xf32>
        %add3A_1296 = arith.addf %add3A_1242, %get3A_1278 : vector<16xf32>
        %add3A_1297 = arith.addf %get3A_1235, %get3A_1284 : vector<16xf32>
        %add3A_1298 = arith.constant 192 : i32
        %add3A_1299 = arith.addi %scan3A_940, %add3A_1298 : i32
        %get3A_1300 = arith.index_cast %add3A_1299 : i32 to index
        %get3A_1301 = arith.constant 0 : index
        %get3A_1302 = tpu.vector_load %arg5[%get3A_1300, %get3A_1301] {strides = array<i32>} : memref<256x128xf32, #tpu.memory_space<vmem>>, vector<1x16xf32>,
        %get3A_1303 = vector.shape_cast %get3A_1302 : vector<1x16xf32> to vector<16xf32>
        %add3A_1304 = arith.constant 192 : i32
        %add3A_1305 = arith.addi %scan3A_940, %add3A_1304 : i32
        %get3A_1306 = arith.index_cast %add3A_1305 : i32 to index
        %get3A_1307 = arith.constant 16 : index
        %get3A_1308 = tpu.vector_load %arg5[%get3A_1306, %get3A_1307] {strides = array<i32>} : memref<256x128xf32, #tpu.memory_space<vmem>>, vector<1x16xf32>,
        %get3A_1309 = vector.shape_cast %get3A_1308 : vector<1x16xf32> to vector<16xf32>
        %add3A_1310 = arith.constant 192 : i32
        %add3A_1311 = arith.addi %scan3A_940, %add3A_1310 : i32
        %get3A_1312 = arith.index_cast %add3A_1311 : i32 to index
        %get3A_1313 = arith.constant 32 : index
        %get3A_1314 = tpu.vector_load %arg5[%get3A_1312, %get3A_1313] {strides = array<i32>} : memref<256x128xf32, #tpu.memory_space<vmem>>, vector<1x16xf32>,
        %get3A_1315 = vector.shape_cast %get3A_1314 : vector<1x16xf32> to vector<16xf32>
        %add3A_1316 = arith.constant 192 : i32
        %add3A_1317 = arith.addi %scan3A_940, %add3A_1316 : i32
        %get3A_1318 = arith.index_cast %add3A_1317 : i32 to index
        %get3A_1319 = arith.constant 48 : index
        %get3A_1320 = tpu.vector_load %arg5[%get3A_1318, %get3A_1319] {strides = array<i32>} : memref<256x128xf32, #tpu.memory_space<vmem>>, vector<1x16xf32>,
        %get3A_1321 = vector.shape_cast %get3A_1320 : vector<1x16xf32> to vector<16xf32>
        %add3A_1322 = arith.constant 192 : i32
        %add3A_1323 = arith.addi %scan3A_940, %add3A_1322 : i32
        %get3A_1324 = arith.index_cast %add3A_1323 : i32 to index
        %get3A_1325 = arith.constant 64 : index
        %get3A_1326 = tpu.vector_load %arg5[%get3A_1324, %get3A_1325] {strides = array<i32>} : memref<256x128xf32, #tpu.memory_space<vmem>>, vector<1x16xf32>,
        %get3A_1327 = vector.shape_cast %get3A_1326 : vector<1x16xf32> to vector<16xf32>
        %add3A_1328 = arith.constant 192 : i32
        %add3A_1329 = arith.addi %scan3A_940, %add3A_1328 : i32
        %get3A_1330 = arith.index_cast %add3A_1329 : i32 to index
        %get3A_1331 = arith.constant 80 : index
        %get3A_1332 = tpu.vector_load %arg5[%get3A_1330, %get3A_1331] {strides = array<i32>} : memref<256x128xf32, #tpu.memory_space<vmem>>, vector<1x16xf32>,
        %get3A_1333 = vector.shape_cast %get3A_1332 : vector<1x16xf32> to vector<16xf32>
        %add3A_1334 = arith.constant 192 : i32
        %add3A_1335 = arith.addi %scan3A_940, %add3A_1334 : i32
        %get3A_1336 = arith.index_cast %add3A_1335 : i32 to index
        %get3A_1337 = arith.constant 96 : index
        %get3A_1338 = tpu.vector_load %arg5[%get3A_1336, %get3A_1337] {strides = array<i32>} : memref<256x128xf32, #tpu.memory_space<vmem>>, vector<1x16xf32>,
        %get3A_1339 = vector.shape_cast %get3A_1338 : vector<1x16xf32> to vector<16xf32>
        %add3A_1340 = arith.constant 192 : i32
        %add3A_1341 = arith.addi %scan3A_940, %add3A_1340 : i32
        %get3A_1342 = arith.index_cast %add3A_1341 : i32 to index
        %get3A_1343 = arith.constant 112 : index
        %get3A_1344 = tpu.vector_load %arg5[%get3A_1342, %get3A_1343] {strides = array<i32>} : memref<256x128xf32, #tpu.memory_space<vmem>>, vector<1x16xf32>,
        %get3A_1345 = vector.shape_cast %get3A_1344 : vector<1x16xf32> to vector<16xf32>
        %add3A_1346 = arith.addf %add3A_1292, %get3A_1303 : vector<16xf32>
        %add3A_1347 = arith.addf %add3A_1293, %get3A_1309 : vector<16xf32>
        %add3A_1348 = arith.addf %add3A_1294, %get3A_1315 : vector<16xf32>
        %add3A_1349 = arith.addf %add3A_1295, %get3A_1321 : vector<16xf32>
        %add3A_1350 = arith.addf %add3A_1296, %get3A_1327 : vector<16xf32>
        %add3A_1351 = arith.addf %add3A_1297, %get3A_1333 : vector<16xf32>
        %add3A_1352 = arith.addf %get3A_1290, %get3A_1339 : vector<16xf32>
        %add3A_1353 = arith.constant 224 : i32
        %add3A_1354 = arith.addi %scan3A_940, %add3A_1353 : i32
        %get3A_1355 = arith.index_cast %add3A_1354 : i32 to index
        %get3A_1356 = arith.constant 0 : index
        %get3A_1357 = tpu.vector_load %arg5[%get3A_1355, %get3A_1356] {strides = array<i32>} : memref<256x128xf32, #tpu.memory_space<vmem>>, vector<1x16xf32>,
        %get3A_1358 = vector.shape_cast %get3A_1357 : vector<1x16xf32> to vector<16xf32>
        %add3A_1359 = arith.constant 224 : i32
        %add3A_1360 = arith.addi %scan3A_940, %add3A_1359 : i32
        %get3A_1361 = arith.index_cast %add3A_1360 : i32 to index
        %get3A_1362 = arith.constant 16 : index
        %get3A_1363 = tpu.vector_load %arg5[%get3A_1361, %get3A_1362] {strides = array<i32>} : memref<256x128xf32, #tpu.memory_space<vmem>>, vector<1x16xf32>,
        %get3A_1364 = vector.shape_cast %get3A_1363 : vector<1x16xf32> to vector<16xf32>
        %add3A_1365 = arith.constant 224 : i32
        %add3A_1366 = arith.addi %scan3A_940, %add3A_1365 : i32
        %get3A_1367 = arith.index_cast %add3A_1366 : i32 to index
        %get3A_1368 = arith.constant 32 : index
        %get3A_1369 = tpu.vector_load %arg5[%get3A_1367, %get3A_1368] {strides = array<i32>} : memref<256x128xf32, #tpu.memory_space<vmem>>, vector<1x16xf32>,
        %get3A_1370 = vector.shape_cast %get3A_1369 : vector<1x16xf32> to vector<16xf32>
        %add3A_1371 = arith.constant 224 : i32
        %add3A_1372 = arith.addi %scan3A_940, %add3A_1371 : i32
        %get3A_1373 = arith.index_cast %add3A_1372 : i32 to index
        %get3A_1374 = arith.constant 48 : index
        %get3A_1375 = tpu.vector_load %arg5[%get3A_1373, %get3A_1374] {strides = array<i32>} : memref<256x128xf32, #tpu.memory_space<vmem>>, vector<1x16xf32>,
        %get3A_1376 = vector.shape_cast %get3A_1375 : vector<1x16xf32> to vector<16xf32>
        %add3A_1377 = arith.constant 224 : i32
        %add3A_1378 = arith.addi %scan3A_940, %add3A_1377 : i32
        %get3A_1379 = arith.index_cast %add3A_1378 : i32 to index
        %get3A_1380 = arith.constant 64 : index
        %get3A_1381 = tpu.vector_load %arg5[%get3A_1379, %get3A_1380] {strides = array<i32>} : memref<256x128xf32, #tpu.memory_space<vmem>>, vector<1x16xf32>,
        %get3A_1382 = vector.shape_cast %get3A_1381 : vector<1x16xf32> to vector<16xf32>
        %add3A_1383 = arith.constant 224 : i32
        %add3A_1384 = arith.addi %scan3A_940, %add3A_1383 : i32
        %get3A_1385 = arith.index_cast %add3A_1384 : i32 to index
        %get3A_1386 = arith.constant 80 : index
        %get3A_1387 = tpu.vector_load %arg5[%get3A_1385, %get3A_1386] {strides = array<i32>} : memref<256x128xf32, #tpu.memory_space<vmem>>, vector<1x16xf32>,
        %get3A_1388 = vector.shape_cast %get3A_1387 : vector<1x16xf32> to vector<16xf32>
        %add3A_1389 = arith.constant 224 : i32
        %add3A_1390 = arith.addi %scan3A_940, %add3A_1389 : i32
        %get3A_1391 = arith.index_cast %add3A_1390 : i32 to index
        %get3A_1392 = arith.constant 96 : index
        %get3A_1393 = tpu.vector_load %arg5[%get3A_1391, %get3A_1392] {strides = array<i32>} : memref<256x128xf32, #tpu.memory_space<vmem>>, vector<1x16xf32>,
        %get3A_1394 = vector.shape_cast %get3A_1393 : vector<1x16xf32> to vector<16xf32>
        %add3A_1395 = arith.constant 224 : i32
        %add3A_1396 = arith.addi %scan3A_940, %add3A_1395 : i32
        %get3A_1397 = arith.index_cast %add3A_1396 : i32 to index
        %get3A_1398 = arith.constant 112 : index
        %get3A_1399 = tpu.vector_load %arg5[%get3A_1397, %get3A_1398] {strides = array<i32>} : memref<256x128xf32, #tpu.memory_space<vmem>>, vector<1x16xf32>,
        %get3A_1400 = vector.shape_cast %get3A_1399 : vector<1x16xf32> to vector<16xf32>
        %add3A_1401 = arith.addf %add3A_1347, %get3A_1358 : vector<16xf32>
        %add3A_1402 = arith.addf %add3A_1348, %get3A_1364 : vector<16xf32>
        %add3A_1403 = arith.addf %add3A_1349, %get3A_1370 : vector<16xf32>
        %add3A_1404 = arith.addf %add3A_1350, %get3A_1376 : vector<16xf32>
        %add3A_1405 = arith.addf %add3A_1351, %get3A_1382 : vector<16xf32>
        %add3A_1406 = arith.addf %add3A_1352, %get3A_1388 : vector<16xf32>
        %add3A_1407 = arith.addf %get3A_1345, %get3A_1394 : vector<16xf32>
        %add3A_1408 = arith.constant 0 : i32
        %add3A_1409 = arith.addi %add3A_975, %add3A_1408 : i32
        %swap3A_1410 = arith.index_cast %add3A_1409 : i32 to index
        %swap3A_1411 = tpu.vector_load %arg8[%swap3A_1410] {strides = array<i32>} : memref<512xf32, #tpu.memory_space<vmem>>, vector<16xf32>,
        %swap3A_1412 = vector.shape_cast %swap3A_1411 : vector<16xf32> to vector<16xf32>
        %swap3A_1413 = vector.shape_cast %get3A_980 : vector<16xf32> to vector<16xf32>
        tpu.vector_store %arg8[%swap3A_1410], %swap3A_1413 {add = true, strides = array<i32>} : memref<512xf32, #tpu.memory_space<vmem>>, vector<16xf32>,
        %add3A_1414 = arith.constant 16 : i32
        %add3A_1415 = arith.addi %add3A_975, %add3A_1414 : i32
        %swap3A_1416 = arith.index_cast %add3A_1415 : i32 to index
        %swap3A_1417 = tpu.vector_load %arg8[%swap3A_1416] {strides = array<i32>} : memref<512xf32, #tpu.memory_space<vmem>>, vector<16xf32>,
        %swap3A_1418 = vector.shape_cast %swap3A_1417 : vector<16xf32> to vector<16xf32>
        %swap3A_1419 = vector.shape_cast %add3A_1071 : vector<16xf32> to vector<16xf32>
        tpu.vector_store %arg8[%swap3A_1416], %swap3A_1419 {add = true, strides = array<i32>} : memref<512xf32, #tpu.memory_space<vmem>>, vector<16xf32>,
        %add3A_1420 = arith.constant 32 : i32
        %add3A_1421 = arith.addi %add3A_975, %add3A_1420 : i32
        %swap3A_1422 = arith.index_cast %add3A_1421 : i32 to index
        %swap3A_1423 = tpu.vector_load %arg8[%swap3A_1422] {strides = array<i32>} : memref<512xf32, #tpu.memory_space<vmem>>, vector<16xf32>,
        %swap3A_1424 = vector.shape_cast %swap3A_1423 : vector<16xf32> to vector<16xf32>
        %swap3A_1425 = vector.shape_cast %add3A_1126 : vector<16xf32> to vector<16xf32>
        tpu.vector_store %arg8[%swap3A_1422], %swap3A_1425 {add = true, strides = array<i32>} : memref<512xf32, #tpu.memory_space<vmem>>, vector<16xf32>,
        %add3A_1426 = arith.constant 48 : i32
        %add3A_1427 = arith.addi %add3A_975, %add3A_1426 : i32
        %swap3A_1428 = arith.index_cast %add3A_1427 : i32 to index
        %swap3A_1429 = tpu.vector_load %arg8[%swap3A_1428] {strides = array<i32>} : memref<512xf32, #tpu.memory_space<vmem>>, vector<16xf32>,
        %swap3A_1430 = vector.shape_cast %swap3A_1429 : vector<16xf32> to vector<16xf32>
        %swap3A_1431 = vector.shape_cast %add3A_1181 : vector<16xf32> to vector<16xf32>
        tpu.vector_store %arg8[%swap3A_1428], %swap3A_1431 {add = true, strides = array<i32>} : memref<512xf32, #tpu.memory_space<vmem>>, vector<16xf32>,
        %add3A_1432 = arith.constant 64 : i32
        %add3A_1433 = arith.addi %add3A_975, %add3A_1432 : i32
        %swap3A_1434 = arith.index_cast %add3A_1433 : i32 to index
        %swap3A_1435 = tpu.vector_load %arg8[%swap3A_1434] {strides = array<i32>} : memref<512xf32, #tpu.memory_space<vmem>>, vector<16xf32>,
        %swap3A_1436 = vector.shape_cast %swap3A_1435 : vector<16xf32> to vector<16xf32>
        %swap3A_1437 = vector.shape_cast %add3A_1236 : vector<16xf32> to vector<16xf32>
        tpu.vector_store %arg8[%swap3A_1434], %swap3A_1437 {add = true, strides = array<i32>} : memref<512xf32, #tpu.memory_space<vmem>>, vector<16xf32>,
        %add3A_1438 = arith.constant 80 : i32
        %add3A_1439 = arith.addi %add3A_975, %add3A_1438 : i32
        %swap3A_1440 = arith.index_cast %add3A_1439 : i32 to index
        %swap3A_1441 = tpu.vector_load %arg8[%swap3A_1440] {strides = array<i32>} : memref<512xf32, #tpu.memory_space<vmem>>, vector<16xf32>,
        %swap3A_1442 = vector.shape_cast %swap3A_1441 : vector<16xf32> to vector<16xf32>
        %swap3A_1443 = vector.shape_cast %add3A_1291 : vector<16xf32> to vector<16xf32>
        tpu.vector_store %arg8[%swap3A_1440], %swap3A_1443 {add = true, strides = array<i32>} : memref<512xf32, #tpu.memory_space<vmem>>, vector<16xf32>,
        %add3A_1444 = arith.constant 96 : i32
        %add3A_1445 = arith.addi %add3A_975, %add3A_1444 : i32
        %swap3A_1446 = arith.index_cast %add3A_1445 : i32 to index
        %swap3A_1447 = tpu.vector_load %arg8[%swap3A_1446] {strides = array<i32>} : memref<512xf32, #tpu.memory_space<vmem>>, vector<16xf32>,
        %swap3A_1448 = vector.shape_cast %swap3A_1447 : vector<16xf32> to vector<16xf32>
        %swap3A_1449 = vector.shape_cast %add3A_1346 : vector<16xf32> to vector<16xf32>
        tpu.vector_store %arg8[%swap3A_1446], %swap3A_1449 {add = true, strides = array<i32>} : memref<512xf32, #tpu.memory_space<vmem>>, vector<16xf32>,
        %add3A_1450 = arith.constant 112 : i32
        %add3A_1451 = arith.addi %add3A_975, %add3A_1450 : i32
        %swap3A_1452 = arith.index_cast %add3A_1451 : i32 to index
        %swap3A_1453 = tpu.vector_load %arg8[%swap3A_1452] {strides = array<i32>} : memref<512xf32, #tpu.memory_space<vmem>>, vector<16xf32>,
        %swap3A_1454 = vector.shape_cast %swap3A_1453 : vector<16xf32> to vector<16xf32>
        %swap3A_1455 = vector.shape_cast %add3A_1401 : vector<16xf32> to vector<16xf32>
        tpu.vector_store %arg8[%swap3A_1452], %swap3A_1455 {add = true, strides = array<i32>} : memref<512xf32, #tpu.memory_space<vmem>>, vector<16xf32>,
        %add3A_1456 = arith.constant 128 : i32
        %add3A_1457 = arith.addi %add3A_975, %add3A_1456 : i32
        %swap3A_1458 = arith.index_cast %add3A_1457 : i32 to index
        %swap3A_1459 = tpu.vector_load %arg8[%swap3A_1458] {strides = array<i32>} : memref<512xf32, #tpu.memory_space<vmem>>, vector<16xf32>,
        %swap3A_1460 = vector.shape_cast %swap3A_1459 : vector<16xf32> to vector<16xf32>
        %swap3A_1461 = vector.shape_cast %add3A_1402 : vector<16xf32> to vector<16xf32>
        tpu.vector_store %arg8[%swap3A_1458], %swap3A_1461 {add = true, strides = array<i32>} : memref<512xf32, #tpu.memory_space<vmem>>, vector<16xf32>,
        %add3A_1462 = arith.constant 144 : i32
        %add3A_1463 = arith.addi %add3A_975, %add3A_1462 : i32
        %swap3A_1464 = arith.index_cast %add3A_1463 : i32 to index
        %swap3A_1465 = tpu.vector_load %arg8[%swap3A_1464] {strides = array<i32>} : memref<512xf32, #tpu.memory_space<vmem>>, vector<16xf32>,
        %swap3A_1466 = vector.shape_cast %swap3A_1465 : vector<16xf32> to vector<16xf32>
        %swap3A_1467 = vector.shape_cast %add3A_1403 : vector<16xf32> to vector<16xf32>
        tpu.vector_store %arg8[%swap3A_1464], %swap3A_1467 {add = true, strides = array<i32>} : memref<512xf32, #tpu.memory_space<vmem>>, vector<16xf32>,
        %add3A_1468 = arith.constant 160 : i32
        %add3A_1469 = arith.addi %add3A_975, %add3A_1468 : i32
        %swap3A_1470 = arith.index_cast %add3A_1469 : i32 to index
        %swap3A_1471 = tpu.vector_load %arg8[%swap3A_1470] {strides = array<i32>} : memref<512xf32, #tpu.memory_space<vmem>>, vector<16xf32>,
        %swap3A_1472 = vector.shape_cast %swap3A_1471 : vector<16xf32> to vector<16xf32>
        %swap3A_1473 = vector.shape_cast %add3A_1404 : vector<16xf32> to vector<16xf32>
        tpu.vector_store %arg8[%swap3A_1470], %swap3A_1473 {add = true, strides = array<i32>} : memref<512xf32, #tpu.memory_space<vmem>>, vector<16xf32>,
        %add3A_1474 = arith.constant 176 : i32
        %add3A_1475 = arith.addi %add3A_975, %add3A_1474 : i32
        %swap3A_1476 = arith.index_cast %add3A_1475 : i32 to index
        %swap3A_1477 = tpu.vector_load %arg8[%swap3A_1476] {strides = array<i32>} : memref<512xf32, #tpu.memory_space<vmem>>, vector<16xf32>,
        %swap3A_1478 = vector.shape_cast %swap3A_1477 : vector<16xf32> to vector<16xf32>
        %swap3A_1479 = vector.shape_cast %add3A_1405 : vector<16xf32> to vector<16xf32>
        tpu.vector_store %arg8[%swap3A_1476], %swap3A_1479 {add = true, strides = array<i32>} : memref<512xf32, #tpu.memory_space<vmem>>, vector<16xf32>,
        %add3A_1480 = arith.constant 192 : i32
        %add3A_1481 = arith.addi %add3A_975, %add3A_1480 : i32
        %swap3A_1482 = arith.index_cast %add3A_1481 : i32 to index
        %swap3A_1483 = tpu.vector_load %arg8[%swap3A_1482] {strides = array<i32>} : memref<512xf32, #tpu.memory_space<vmem>>, vector<16xf32>,
        %swap3A_1484 = vector.shape_cast %swap3A_1483 : vector<16xf32> to vector<16xf32>
        %swap3A_1485 = vector.shape_cast %add3A_1406 : vector<16xf32> to vector<16xf32>
        tpu.vector_store %arg8[%swap3A_1482], %swap3A_1485 {add = true, strides = array<i32>} : memref<512xf32, #tpu.memory_space<vmem>>, vector<16xf32>,
        %add3A_1486 = arith.constant 208 : i32
        %add3A_1487 = arith.addi %add3A_975, %add3A_1486 : i32
        %swap3A_1488 = arith.index_cast %add3A_1487 : i32 to index
        %swap3A_1489 = tpu.vector_load %arg8[%swap3A_1488] {strides = array<i32>} : memref<512xf32, #tpu.memory_space<vmem>>, vector<16xf32>,
        %swap3A_1490 = vector.shape_cast %swap3A_1489 : vector<16xf32> to vector<16xf32>
        %swap3A_1491 = vector.shape_cast %add3A_1407 : vector<16xf32> to vector<16xf32>
        tpu.vector_store %arg8[%swap3A_1488], %swap3A_1491 {add = true, strides = array<i32>} : memref<512xf32, #tpu.memory_space<vmem>>, vector<16xf32>,
        %add3A_1492 = arith.constant 224 : i32
        %add3A_1493 = arith.addi %add3A_975, %add3A_1492 : i32
        %swap3A_1494 = arith.index_cast %add3A_1493 : i32 to index
        %swap3A_1495 = tpu.vector_load %arg8[%swap3A_1494] {strides = array<i32>} : memref<512xf32, #tpu.memory_space<vmem>>, vector<16xf32>,
        %swap3A_1496 = vector.shape_cast %swap3A_1495 : vector<16xf32> to vector<16xf32>
        %swap3A_1497 = vector.shape_cast %get3A_1400 : vector<16xf32> to vector<16xf32>
        tpu.vector_store %arg8[%swap3A_1494], %swap3A_1497 {add = true, strides = array<i32>} : memref<512xf32, #tpu.memory_space<vmem>>, vector<16xf32>,
      }
      %scan3A_761 = arith.constant 32 : i32
      %add3A_762 = arith.constant 3 : i32
      %add3A_763 = arith.addi %add3A_613, %add3A_762 : i32
      %lt3A_764 = arith.constant 32 : i32
      %lt3A_765 = arith.cmpi slt, %add3A_763, %lt3A_764 : i32
      %convert_element_type3A_766 = arith.extui %lt3A_765 : i1 to i32
      %cond3A_767 = arith.constant 0 : i32
      %cond3A_768 = arith.cmpi ne, %convert_element_type3A_766, %cond3A_767 : i32
      scf.if %cond3A_768 {
        %add3A_940 = arith.constant 3 : i32
        %add3A_941 = arith.addi %add3A_613, %add3A_940 : i32
        %add3A_942 = arith.addi %mul3A_2, %add3A_941 : i32
        %dma_start3A_943 = arith.constant 0 : i32
        %dma_start3A_944 = arith.constant 0 : i32
        %dma_start3A_945 = tpu.memref_slice %arg5[%dma_start3A_943, %dma_start3A_944] : memref<256x128xf32, #tpu.memory_space<vmem>> -> memref<128x128xf32, #tpu.memory_space<vmem>>
        %dma_start3A_946 = arith.constant 0 : i32
        %dma_start3A_947 = arith.constant 0 : i32
        %dma_start3A_948 = tpu.memref_slice %arg2[%add3A_942, %dma_start3A_946, %dma_start3A_947] : memref<1024x256x128xf32, #tpu.memory_space<hbm>> -> memref<1x128x128xf32, #tpu.memory_space<hbm>>
        %dma_start3A_949 = tpu.memref_squeeze %dma_start3A_948 : memref<1x128x128xf32, #tpu.memory_space<hbm>> -> memref<128x128xf32, #tpu.memory_space<hbm>>
        %dma_start3A_950 = arith.constant 0 : i32
        %dma_start3A_951 = arith.constant 0 : i32
        %dma_start3A_952 = tpu.memref_slice %arg5[%dma_start3A_950, %dma_start3A_951] : memref<256x128xf32, #tpu.memory_space<vmem>> -> memref<128x128xf32, #tpu.memory_space<vmem>>
        %dma_start3A_953 = arith.constant 0 : i32
        %dma_start3A_954 = arith.constant 0 : i32
        %dma_start3A_955 = tpu.memref_slice %arg2[%add3A_942, %dma_start3A_953, %dma_start3A_954] : memref<1024x256x128xf32, #tpu.memory_space<hbm>> -> memref<1x128x128xf32, #tpu.memory_space<hbm>>
        %dma_start3A_956 = tpu.memref_squeeze %dma_start3A_955 : memref<1x128x128xf32, #tpu.memory_space<hbm>> -> memref<128x128xf32, #tpu.memory_space<hbm>>
        tpu.enqueue_dma source(%dma_start3A_956 : memref<128x128xf32, #tpu.memory_space<hbm>>) target(%dma_start3A_952 : memref<128x128xf32, #tpu.memory_space<vmem>>) target_semaphore(%arg11 : memref<!tpu.dma_semaphore, #tpu.memory_space<semaphore_mem>>)
        %add3A_957 = arith.addi %mul3A_2, %add3A_941 : i32
        %dma_start3A_958 = arith.constant 128 : i32
        %dma_start3A_959 = arith.constant 0 : i32
        %dma_start3A_960 = tpu.memref_slice %arg5[%dma_start3A_958, %dma_start3A_959] : memref<256x128xf32, #tpu.memory_space<vmem>> -> memref<128x128xf32, #tpu.memory_space<vmem>>
        %dma_start3A_961 = arith.constant 128 : i32
        %dma_start3A_962 = arith.constant 0 : i32
        %dma_start3A_963 = tpu.memref_slice %arg2[%add3A_957, %dma_start3A_961, %dma_start3A_962] : memref<1024x256x128xf32, #tpu.memory_space<hbm>> -> memref<1x128x128xf32, #tpu.memory_space<hbm>>
        %dma_start3A_964 = tpu.memref_squeeze %dma_start3A_963 : memref<1x128x128xf32, #tpu.memory_space<hbm>> -> memref<128x128xf32, #tpu.memory_space<hbm>>
        %dma_start3A_965 = arith.constant 128 : i32
        %dma_start3A_966 = arith.constant 0 : i32
        %dma_start3A_967 = tpu.memref_slice %arg5[%dma_start3A_965, %dma_start3A_966] : memref<256x128xf32, #tpu.memory_space<vmem>> -> memref<128x128xf32, #tpu.memory_space<vmem>>
        %dma_start3A_968 = arith.constant 128 : i32
        %dma_start3A_969 = arith.constant 0 : i32
        %dma_start3A_970 = tpu.memref_slice %arg2[%add3A_957, %dma_start3A_968, %dma_start3A_969] : memref<1024x256x128xf32, #tpu.memory_space<hbm>> -> memref<1x128x128xf32, #tpu.memory_space<hbm>>
        %dma_start3A_971 = tpu.memref_squeeze %dma_start3A_970 : memref<1x128x128xf32, #tpu.memory_space<hbm>> -> memref<128x128xf32, #tpu.memory_space<hbm>>
        tpu.enqueue_dma source(%dma_start3A_971 : memref<128x128xf32, #tpu.memory_space<hbm>>) target(%dma_start3A_967 : memref<128x128xf32, #tpu.memory_space<vmem>>) target_semaphore(%arg11 : memref<!tpu.dma_semaphore, #tpu.memory_space<semaphore_mem>>)
      } else {
      }
      %add3A_769 = arith.addi %mul3A_2, %add3A_613 : i32
      %dma_start3A_770 = arith.constant 0 : i32
      %dma_start3A_771 = tpu.memref_slice %arg3[%add3A_769, %dma_start3A_770] : memref<1024x512xf32, #tpu.memory_space<hbm>> -> memref<1x512xf32, #tpu.memory_space<hbm>>
      %dma_start3A_772 = tpu.memref_squeeze %dma_start3A_771 : memref<1x512xf32, #tpu.memory_space<hbm>> -> memref<512xf32, #tpu.memory_space<hbm>>
      %dma_start3A_773 = arith.constant 0 : i32
      %dma_start3A_774 = tpu.memref_slice %arg3[%add3A_769, %dma_start3A_773] : memref<1024x512xf32, #tpu.memory_space<hbm>> -> memref<1x512xf32, #tpu.memory_space<hbm>>
      %dma_start3A_775 = tpu.memref_squeeze %dma_start3A_774 : memref<1x512xf32, #tpu.memory_space<hbm>> -> memref<512xf32, #tpu.memory_space<hbm>>
      tpu.enqueue_dma source(%arg8 : memref<512xf32, #tpu.memory_space<vmem>>) target(%dma_start3A_775 : memref<512xf32, #tpu.memory_space<hbm>>) target_semaphore(%arg14 : memref<!tpu.dma_semaphore, #tpu.memory_space<semaphore_mem>>)
      %add3A_776 = arith.constant 2 : i32
      %add3A_777 = arith.addi %mul3A_453, %add3A_776 : i32
      %gt3A_778 = arith.constant 0 : i32
      %gt3A_779 = arith.cmpi sgt, %scan3A_451, %gt3A_778 : i32
      %convert_element_type3A_780 = arith.extui %gt3A_779 : i1 to i32
      %cond3A_781 = arith.constant 0 : i32
      %cond3A_782 = arith.cmpi ne, %convert_element_type3A_780, %cond3A_781 : i32
      scf.if %cond3A_782 {
        %add3A_940 = arith.addi %mul3A_2, %add3A_777 : i32
        %dma_wait3A_941 = arith.constant 0 : i32
        %dma_wait3A_942 = tpu.memref_slice %arg3[%add3A_940, %dma_wait3A_941] : memref<1024x512xf32, #tpu.memory_space<hbm>> -> memref<1x512xf32, #tpu.memory_space<hbm>>
        %dma_wait3A_943 = tpu.memref_squeeze %dma_wait3A_942 : memref<1x512xf32, #tpu.memory_space<hbm>> -> memref<512xf32, #tpu.memory_space<hbm>>
        %dma_wait3A_944 = arith.constant 0 : i32
        %dma_wait3A_945 = tpu.memref_slice %arg3[%add3A_940, %dma_wait3A_944] : memref<1024x512xf32, #tpu.memory_space<hbm>> -> memref<1x512xf32, #tpu.memory_space<hbm>>
        %dma_wait3A_946 = tpu.memref_squeeze %dma_wait3A_945 : memref<1x512xf32, #tpu.memory_space<hbm>> -> memref<512xf32, #tpu.memory_space<hbm>>
        tpu.wait_dma2 semaphore(%arg15 : memref<!tpu.dma_semaphore, #tpu.memory_space<semaphore_mem>>) src(%arg9 : memref<512xf32, #tpu.memory_space<vmem>>) dst(%dma_wait3A_946 : memref<512xf32, #tpu.memory_space<hbm>>)
      } else {
      }
      %swap3A_783 = arith.constant 0 : index
      %swap3A_784 = tpu.vector_load %arg9[%swap3A_783] {strides = array<i32>} : memref<512xf32, #tpu.memory_space<vmem>>, vector<16xf32>,
      %swap3A_785 = vector.shape_cast %swap3A_784 : vector<16xf32> to vector<16xf32>
      %swap3A_786 = vector.shape_cast %broadcast_in_dim3A_3 : vector<16xf32> to vector<16xf32>
      tpu.vector_store %arg9[%swap3A_783], %swap3A_786 {strides = array<i32>} : memref<512xf32, #tpu.memory_space<vmem>>, vector<16xf32>,
      %swap3A_787 = arith.constant 16 : index
      %swap3A_788 = tpu.vector_load %arg9[%swap3A_787] {strides = array<i32>} : memref<512xf32, #tpu.memory_space<vmem>>, vector<16xf32>,
      %swap3A_789 = vector.shape_cast %swap3A_788 : vector<16xf32> to vector<16xf32>
      %swap3A_790 = vector.shape_cast %broadcast_in_dim3A_3 : vector<16xf32> to vector<16xf32>
      tpu.vector_store %arg9[%swap3A_787], %swap3A_790 {strides = array<i32>} : memref<512xf32, #tpu.memory_space<vmem>>, vector<16xf32>,
      %swap3A_791 = arith.constant 32 : index
      %swap3A_792 = tpu.vector_load %arg9[%swap3A_791] {strides = array<i32>} : memref<512xf32, #tpu.memory_space<vmem>>, vector<16xf32>,
      %swap3A_793 = vector.shape_cast %swap3A_792 : vector<16xf32> to vector<16xf32>
      %swap3A_794 = vector.shape_cast %broadcast_in_dim3A_3 : vector<16xf32> to vector<16xf32>
      tpu.vector_store %arg9[%swap3A_791], %swap3A_794 {strides = array<i32>} : memref<512xf32, #tpu.memory_space<vmem>>, vector<16xf32>,
      %swap3A_795 = arith.constant 48 : index
      %swap3A_796 = tpu.vector_load %arg9[%swap3A_795] {strides = array<i32>} : memref<512xf32, #tpu.memory_space<vmem>>, vector<16xf32>,
      %swap3A_797 = vector.shape_cast %swap3A_796 : vector<16xf32> to vector<16xf32>
      %swap3A_798 = vector.shape_cast %broadcast_in_dim3A_3 : vector<16xf32> to vector<16xf32>
      tpu.vector_store %arg9[%swap3A_795], %swap3A_798 {strides = array<i32>} : memref<512xf32, #tpu.memory_space<vmem>>, vector<16xf32>,
      %swap3A_799 = arith.constant 64 : index
      %swap3A_800 = tpu.vector_load %arg9[%swap3A_799] {strides = array<i32>} : memref<512xf32, #tpu.memory_space<vmem>>, vector<16xf32>,
      %swap3A_801 = vector.shape_cast %swap3A_800 : vector<16xf32> to vector<16xf32>
      %swap3A_802 = vector.shape_cast %broadcast_in_dim3A_3 : vector<16xf32> to vector<16xf32>
      tpu.vector_store %arg9[%swap3A_799], %swap3A_802 {strides = array<i32>} : memref<512xf32, #tpu.memory_space<vmem>>, vector<16xf32>,
      %swap3A_803 = arith.constant 80 : index
      %swap3A_804 = tpu.vector_load %arg9[%swap3A_803] {strides = array<i32>} : memref<512xf32, #tpu.memory_space<vmem>>, vector<16xf32>,
      %swap3A_805 = vector.shape_cast %swap3A_804 : vector<16xf32> to vector<16xf32>
      %swap3A_806 = vector.shape_cast %broadcast_in_dim3A_3 : vector<16xf32> to vector<16xf32>
      tpu.vector_store %arg9[%swap3A_803], %swap3A_806 {strides = array<i32>} : memref<512xf32, #tpu.memory_space<vmem>>, vector<16xf32>,
      %swap3A_807 = arith.constant 96 : index
      %swap3A_808 = tpu.vector_load %arg9[%swap3A_807] {strides = array<i32>} : memref<512xf32, #tpu.memory_space<vmem>>, vector<16xf32>,
      %swap3A_809 = vector.shape_cast %swap3A_808 : vector<16xf32> to vector<16xf32>
      %swap3A_810 = vector.shape_cast %broadcast_in_dim3A_3 : vector<16xf32> to vector<16xf32>
      tpu.vector_store %arg9[%swap3A_807], %swap3A_810 {strides = array<i32>} : memref<512xf32, #tpu.memory_space<vmem>>, vector<16xf32>,
      %swap3A_811 = arith.constant 112 : index
      %swap3A_812 = tpu.vector_load %arg9[%swap3A_811] {strides = array<i32>} : memref<512xf32, #tpu.memory_space<vmem>>, vector<16xf32>,
      %swap3A_813 = vector.shape_cast %swap3A_812 : vector<16xf32> to vector<16xf32>
      %swap3A_814 = vector.shape_cast %broadcast_in_dim3A_3 : vector<16xf32> to vector<16xf32>
      tpu.vector_store %arg9[%swap3A_811], %swap3A_814 {strides = array<i32>} : memref<512xf32, #tpu.memory_space<vmem>>, vector<16xf32>,
      %swap3A_815 = arith.constant 128 : index
      %swap3A_816 = tpu.vector_load %arg9[%swap3A_815] {strides = array<i32>} : memref<512xf32, #tpu.memory_space<vmem>>, vector<16xf32>,
      %swap3A_817 = vector.shape_cast %swap3A_816 : vector<16xf32> to vector<16xf32>
      %swap3A_818 = vector.shape_cast %broadcast_in_dim3A_3 : vector<16xf32> to vector<16xf32>
      tpu.vector_store %arg9[%swap3A_815], %swap3A_818 {strides = array<i32>} : memref<512xf32, #tpu.memory_space<vmem>>, vector<16xf32>,
      %swap3A_819 = arith.constant 144 : index
      %swap3A_820 = tpu.vector_load %arg9[%swap3A_819] {strides = array<i32>} : memref<512xf32, #tpu.memory_space<vmem>>, vector<16xf32>,
      %swap3A_821 = vector.shape_cast %swap3A_820 : vector<16xf32> to vector<16xf32>
      %swap3A_822 = vector.shape_cast %broadcast_in_dim3A_3 : vector<16xf32> to vector<16xf32>
      tpu.vector_store %arg9[%swap3A_819], %swap3A_822 {strides = array<i32>} : memref<512xf32, #tpu.memory_space<vmem>>, vector<16xf32>,
      %swap3A_823 = arith.constant 160 : index
      %swap3A_824 = tpu.vector_load %arg9[%swap3A_823] {strides = array<i32>} : memref<512xf32, #tpu.memory_space<vmem>>, vector<16xf32>,
      %swap3A_825 = vector.shape_cast %swap3A_824 : vector<16xf32> to vector<16xf32>
      %swap3A_826 = vector.shape_cast %broadcast_in_dim3A_3 : vector<16xf32> to vector<16xf32>
      tpu.vector_store %arg9[%swap3A_823], %swap3A_826 {strides = array<i32>} : memref<512xf32, #tpu.memory_space<vmem>>, vector<16xf32>,
      %swap3A_827 = arith.constant 176 : index
      %swap3A_828 = tpu.vector_load %arg9[%swap3A_827] {strides = array<i32>} : memref<512xf32, #tpu.memory_space<vmem>>, vector<16xf32>,
      %swap3A_829 = vector.shape_cast %swap3A_828 : vector<16xf32> to vector<16xf32>
      %swap3A_830 = vector.shape_cast %broadcast_in_dim3A_3 : vector<16xf32> to vector<16xf32>
      tpu.vector_store %arg9[%swap3A_827], %swap3A_830 {strides = array<i32>} : memref<512xf32, #tpu.memory_space<vmem>>, vector<16xf32>,
      %swap3A_831 = arith.constant 192 : index
      %swap3A_832 = tpu.vector_load %arg9[%swap3A_831] {strides = array<i32>} : memref<512xf32, #tpu.memory_space<vmem>>, vector<16xf32>,
      %swap3A_833 = vector.shape_cast %swap3A_832 : vector<16xf32> to vector<16xf32>
      %swap3A_834 = vector.shape_cast %broadcast_in_dim3A_3 : vector<16xf32> to vector<16xf32>
      tpu.vector_store %arg9[%swap3A_831], %swap3A_834 {strides = array<i32>} : memref<512xf32, #tpu.memory_space<vmem>>, vector<16xf32>,
      %swap3A_835 = arith.constant 208 : index
      %swap3A_836 = tpu.vector_load %arg9[%swap3A_835] {strides = array<i32>} : memref<512xf32, #tpu.memory_space<vmem>>, vector<16xf32>,
      %swap3A_837 = vector.shape_cast %swap3A_836 : vector<16xf32> to vector<16xf32>
      %swap3A_838 = vector.shape_cast %broadcast_in_dim3A_3 : vector<16xf32> to vector<16xf32>
      tpu.vector_store %arg9[%swap3A_835], %swap3A_838 {strides = array<i32>} : memref<512xf32, #tpu.memory_space<vmem>>, vector<16xf32>,
      %swap3A_839 = arith.constant 224 : index
      %swap3A_840 = tpu.vector_load %arg9[%swap3A_839] {strides = array<i32>} : memref<512xf32, #tpu.memory_space<vmem>>, vector<16xf32>,
      %swap3A_841 = vector.shape_cast %swap3A_840 : vector<16xf32> to vector<16xf32>
      %swap3A_842 = vector.shape_cast %broadcast_in_dim3A_3 : vector<16xf32> to vector<16xf32>
      tpu.vector_store %arg9[%swap3A_839], %swap3A_842 {strides = array<i32>} : memref<512xf32, #tpu.memory_space<vmem>>, vector<16xf32>,
      %swap3A_843 = arith.constant 240 : index
      %swap3A_844 = tpu.vector_load %arg9[%swap3A_843] {strides = array<i32>} : memref<512xf32, #tpu.memory_space<vmem>>, vector<16xf32>,
      %swap3A_845 = vector.shape_cast %swap3A_844 : vector<16xf32> to vector<16xf32>
      %swap3A_846 = vector.shape_cast %broadcast_in_dim3A_3 : vector<16xf32> to vector<16xf32>
      tpu.vector_store %arg9[%swap3A_843], %swap3A_846 {strides = array<i32>} : memref<512xf32, #tpu.memory_space<vmem>>, vector<16xf32>,
      %swap3A_847 = arith.constant 256 : index
      %swap3A_848 = tpu.vector_load %arg9[%swap3A_847] {strides = array<i32>} : memref<512xf32, #tpu.memory_space<vmem>>, vector<16xf32>,
      %swap3A_849 = vector.shape_cast %swap3A_848 : vector<16xf32> to vector<16xf32>
      %swap3A_850 = vector.shape_cast %broadcast_in_dim3A_3 : vector<16xf32> to vector<16xf32>
      tpu.vector_store %arg9[%swap3A_847], %swap3A_850 {strides = array<i32>} : memref<512xf32, #tpu.memory_space<vmem>>, vector<16xf32>,
      %swap3A_851 = arith.constant 272 : index
      %swap3A_852 = tpu.vector_load %arg9[%swap3A_851] {strides = array<i32>} : memref<512xf32, #tpu.memory_space<vmem>>, vector<16xf32>,
      %swap3A_853 = vector.shape_cast %swap3A_852 : vector<16xf32> to vector<16xf32>
      %swap3A_854 = vector.shape_cast %broadcast_in_dim3A_3 : vector<16xf32> to vector<16xf32>
      tpu.vector_store %arg9[%swap3A_851], %swap3A_854 {strides = array<i32>} : memref<512xf32, #tpu.memory_space<vmem>>, vector<16xf32>,
      %swap3A_855 = arith.constant 288 : index
      %swap3A_856 = tpu.vector_load %arg9[%swap3A_855] {strides = array<i32>} : memref<512xf32, #tpu.memory_space<vmem>>, vector<16xf32>,
      %swap3A_857 = vector.shape_cast %swap3A_856 : vector<16xf32> to vector<16xf32>
      %swap3A_858 = vector.shape_cast %broadcast_in_dim3A_3 : vector<16xf32> to vector<16xf32>
      tpu.vector_store %arg9[%swap3A_855], %swap3A_858 {strides = array<i32>} : memref<512xf32, #tpu.memory_space<vmem>>, vector<16xf32>,
      %swap3A_859 = arith.constant 304 : index
      %swap3A_860 = tpu.vector_load %arg9[%swap3A_859] {strides = array<i32>} : memref<512xf32, #tpu.memory_space<vmem>>, vector<16xf32>,
      %swap3A_861 = vector.shape_cast %swap3A_860 : vector<16xf32> to vector<16xf32>
      %swap3A_862 = vector.shape_cast %broadcast_in_dim3A_3 : vector<16xf32> to vector<16xf32>
      tpu.vector_store %arg9[%swap3A_859], %swap3A_862 {strides = array<i32>} : memref<512xf32, #tpu.memory_space<vmem>>, vector<16xf32>,
      %swap3A_863 = arith.constant 320 : index
      %swap3A_864 = tpu.vector_load %arg9[%swap3A_863] {strides = array<i32>} : memref<512xf32, #tpu.memory_space<vmem>>, vector<16xf32>,
      %swap3A_865 = vector.shape_cast %swap3A_864 : vector<16xf32> to vector<16xf32>
      %swap3A_866 = vector.shape_cast %broadcast_in_dim3A_3 : vector<16xf32> to vector<16xf32>
      tpu.vector_store %arg9[%swap3A_863], %swap3A_866 {strides = array<i32>} : memref<512xf32, #tpu.memory_space<vmem>>, vector<16xf32>,
      %swap3A_867 = arith.constant 336 : index
      %swap3A_868 = tpu.vector_load %arg9[%swap3A_867] {strides = array<i32>} : memref<512xf32, #tpu.memory_space<vmem>>, vector<16xf32>,
      %swap3A_869 = vector.shape_cast %swap3A_868 : vector<16xf32> to vector<16xf32>
      %swap3A_870 = vector.shape_cast %broadcast_in_dim3A_3 : vector<16xf32> to vector<16xf32>
      tpu.vector_store %arg9[%swap3A_867], %swap3A_870 {strides = array<i32>} : memref<512xf32, #tpu.memory_space<vmem>>, vector<16xf32>,
      %swap3A_871 = arith.constant 352 : index
      %swap3A_872 = tpu.vector_load %arg9[%swap3A_871] {strides = array<i32>} : memref<512xf32, #tpu.memory_space<vmem>>, vector<16xf32>,
      %swap3A_873 = vector.shape_cast %swap3A_872 : vector<16xf32> to vector<16xf32>
      %swap3A_874 = vector.shape_cast %broadcast_in_dim3A_3 : vector<16xf32> to vector<16xf32>
      tpu.vector_store %arg9[%swap3A_871], %swap3A_874 {strides = array<i32>} : memref<512xf32, #tpu.memory_space<vmem>>, vector<16xf32>,
      %swap3A_875 = arith.constant 368 : index
      %swap3A_876 = tpu.vector_load %arg9[%swap3A_875] {strides = array<i32>} : memref<512xf32, #tpu.memory_space<vmem>>, vector<16xf32>,
      %swap3A_877 = vector.shape_cast %swap3A_876 : vector<16xf32> to vector<16xf32>
      %swap3A_878 = vector.shape_cast %broadcast_in_dim3A_3 : vector<16xf32> to vector<16xf32>
      tpu.vector_store %arg9[%swap3A_875], %swap3A_878 {strides = array<i32>} : memref<512xf32, #tpu.memory_space<vmem>>, vector<16xf32>,
      %swap3A_879 = arith.constant 384 : index
      %swap3A_880 = tpu.vector_load %arg9[%swap3A_879] {strides = array<i32>} : memref<512xf32, #tpu.memory_space<vmem>>, vector<16xf32>,
      %swap3A_881 = vector.shape_cast %swap3A_880 : vector<16xf32> to vector<16xf32>
      %swap3A_882 = vector.shape_cast %broadcast_in_dim3A_3 : vector<16xf32> to vector<16xf32>
      tpu.vector_store %arg9[%swap3A_879], %swap3A_882 {strides = array<i32>} : memref<512xf32, #tpu.memory_space<vmem>>, vector<16xf32>,
      %swap3A_883 = arith.constant 400 : index
      %swap3A_884 = tpu.vector_load %arg9[%swap3A_883] {strides = array<i32>} : memref<512xf32, #tpu.memory_space<vmem>>, vector<16xf32>,
      %swap3A_885 = vector.shape_cast %swap3A_884 : vector<16xf32> to vector<16xf32>
      %swap3A_886 = vector.shape_cast %broadcast_in_dim3A_3 : vector<16xf32> to vector<16xf32>
      tpu.vector_store %arg9[%swap3A_883], %swap3A_886 {strides = array<i32>} : memref<512xf32, #tpu.memory_space<vmem>>, vector<16xf32>,
      %swap3A_887 = arith.constant 416 : index
      %swap3A_888 = tpu.vector_load %arg9[%swap3A_887] {strides = array<i32>} : memref<512xf32, #tpu.memory_space<vmem>>, vector<16xf32>,
      %swap3A_889 = vector.shape_cast %swap3A_888 : vector<16xf32> to vector<16xf32>
      %swap3A_890 = vector.shape_cast %broadcast_in_dim3A_3 : vector<16xf32> to vector<16xf32>
      tpu.vector_store %arg9[%swap3A_887], %swap3A_890 {strides = array<i32>} : memref<512xf32, #tpu.memory_space<vmem>>, vector<16xf32>,
      %swap3A_891 = arith.constant 432 : index
      %swap3A_892 = tpu.vector_load %arg9[%swap3A_891] {strides = array<i32>} : memref<512xf32, #tpu.memory_space<vmem>>, vector<16xf32>,
      %swap3A_893 = vector.shape_cast %swap3A_892 : vector<16xf32> to vector<16xf32>
      %swap3A_894 = vector.shape_cast %broadcast_in_dim3A_3 : vector<16xf32> to vector<16xf32>
      tpu.vector_store %arg9[%swap3A_891], %swap3A_894 {strides = array<i32>} : memref<512xf32, #tpu.memory_space<vmem>>, vector<16xf32>,
      %swap3A_895 = arith.constant 448 : index
      %swap3A_896 = tpu.vector_load %arg9[%swap3A_895] {strides = array<i32>} : memref<512xf32, #tpu.memory_space<vmem>>, vector<16xf32>,
      %swap3A_897 = vector.shape_cast %swap3A_896 : vector<16xf32> to vector<16xf32>
      %swap3A_898 = vector.shape_cast %broadcast_in_dim3A_3 : vector<16xf32> to vector<16xf32>
      tpu.vector_store %arg9[%swap3A_895], %swap3A_898 {strides = array<i32>} : memref<512xf32, #tpu.memory_space<vmem>>, vector<16xf32>,
      %swap3A_899 = arith.constant 464 : index
      %swap3A_900 = tpu.vector_load %arg9[%swap3A_899] {strides = array<i32>} : memref<512xf32, #tpu.memory_space<vmem>>, vector<16xf32>,
      %swap3A_901 = vector.shape_cast %swap3A_900 : vector<16xf32> to vector<16xf32>
      %swap3A_902 = vector.shape_cast %broadcast_in_dim3A_3 : vector<16xf32> to vector<16xf32>
      tpu.vector_store %arg9[%swap3A_899], %swap3A_902 {strides = array<i32>} : memref<512xf32, #tpu.memory_space<vmem>>, vector<16xf32>,
      %swap3A_903 = arith.constant 480 : index
      %swap3A_904 = tpu.vector_load %arg9[%swap3A_903] {strides = array<i32>} : memref<512xf32, #tpu.memory_space<vmem>>, vector<16xf32>,
      %swap3A_905 = vector.shape_cast %swap3A_904 : vector<16xf32> to vector<16xf32>
      %swap3A_906 = vector.shape_cast %broadcast_in_dim3A_3 : vector<16xf32> to vector<16xf32>
      tpu.vector_store %arg9[%swap3A_903], %swap3A_906 {strides = array<i32>} : memref<512xf32, #tpu.memory_space<vmem>>, vector<16xf32>,
      %swap3A_907 = arith.constant 496 : index
      %swap3A_908 = tpu.vector_load %arg9[%swap3A_907] {strides = array<i32>} : memref<512xf32, #tpu.memory_space<vmem>>, vector<16xf32>,
      %swap3A_909 = vector.shape_cast %swap3A_908 : vector<16xf32> to vector<16xf32>
      %swap3A_910 = vector.shape_cast %broadcast_in_dim3A_3 : vector<16xf32> to vector<16xf32>
      tpu.vector_store %arg9[%swap3A_907], %swap3A_910 {strides = array<i32>} : memref<512xf32, #tpu.memory_space<vmem>>, vector<16xf32>,
      %add3A_911 = arith.addi %mul3A_2, %add3A_777 : i32
      %dma_wait3A_912 = arith.constant 0 : i32
      %dma_wait3A_913 = arith.constant 0 : i32
      %dma_wait3A_914 = tpu.memref_slice %arg2[%add3A_911, %dma_wait3A_912, %dma_wait3A_913] : memref<1024x256x128xf32, #tpu.memory_space<hbm>> -> memref<1x256x128xf32, #tpu.memory_space<hbm>>
      %dma_wait3A_915 = tpu.memref_squeeze %dma_wait3A_914 : memref<1x256x128xf32, #tpu.memory_space<hbm>> -> memref<256x128xf32, #tpu.memory_space<hbm>>
      %dma_wait3A_916 = arith.constant 0 : i32
      %dma_wait3A_917 = arith.constant 0 : i32
      %dma_wait3A_918 = tpu.memref_slice %arg2[%add3A_911, %dma_wait3A_916, %dma_wait3A_917] : memref<1024x256x128xf32, #tpu.memory_space<hbm>> -> memref<1x256x128xf32, #tpu.memory_space<hbm>>
      %dma_wait3A_919 = tpu.memref_squeeze %dma_wait3A_918 : memref<1x256x128xf32, #tpu.memory_space<hbm>> -> memref<256x128xf32, #tpu.memory_space<hbm>>
      tpu.wait_dma2 semaphore(%arg12 : memref<!tpu.dma_semaphore, #tpu.memory_space<semaphore_mem>>) src(%dma_wait3A_919 : memref<256x128xf32, #tpu.memory_space<hbm>>) dst(%arg6 : memref<256x128xf32, #tpu.memory_space<vmem>>)
      %scan3A_920 = arith.constant 0 : i32
      %scan3A_921 = arith.constant 0 : i32
      %scan3A_922 = arith.constant 32 : i32
      %scan3A_923 = arith.addi %scan3A_921, %scan3A_922 : i32
      %scan3A_924 = arith.constant 1 : i32
      scf.for %scan3A_940 = %scan3A_921 to %scan3A_923 step %scan3A_924  : i32 {
        %jit3A = arith.constant 2 : i32
        %eq3A = arith.constant 0 : i32
        %eq3A_941 = arith.cmpi eq, %jit3A, %eq3A : i32
        %jit3A_942 = arith.constant 1 : i32
        %select_n3A = arith.select %eq3A_941, %jit3A_942, %jit3A : i32
        %rem3A = arith.remsi %scan3A_940, %select_n3A : i32
        %ne3A = arith.constant 0 : i32
        %ne3A_943 = arith.cmpi ne, %rem3A, %ne3A : i32
        %lt3A_944 = arith.constant 0 : i32
        %lt3A_945 = arith.cmpi slt, %rem3A, %lt3A_944 : i32
        %lt3A_946 = arith.constant 0 : i32
        %lt3A_947 = arith.cmpi slt, %select_n3A, %lt3A_946 : i32
        %ne3A_948 = arith.xori %lt3A_945, %lt3A_947 : i1
        %and3A = arith.andi %ne3A_948, %ne3A_943 : i1
        %add3A_949 = arith.addi %rem3A, %select_n3A : i32
        %select_n3A_950 = arith.select %and3A, %add3A_949, %rem3A : i32
        %mul3A_951 = arith.constant 256 : i32
        %mul3A_952 = arith.muli %mul3A_951, %select_n3A_950 : i32
        %jit3A_953 = arith.constant 2 : i32
        %div3A = arith.divsi %scan3A_940, %jit3A_953 : i32
        %sign3A = arith.constant 0 : i32
        %sign3A_954 = arith.cmpi sgt, %scan3A_940, %sign3A : i32
        %sign3A_955 = arith.extui %sign3A_954 : i1 to i32
        %sign3A_956 = arith.constant 0 : i32
        %sign3A_957 = arith.cmpi slt, %scan3A_940, %sign3A_956 : i32
        %sign3A_958 = arith.extui %sign3A_957 : i1 to i32
        %sign3A_959 = arith.subi %sign3A_955, %sign3A_958 : i32
        %sign3A_960 = arith.constant 0 : i32
        %sign3A_961 = arith.cmpi sgt, %jit3A_953, %sign3A_960 : i32
        %sign3A_962 = arith.extui %sign3A_961 : i1 to i32
        %sign3A_963 = arith.constant 0 : i32
        %sign3A_964 = arith.cmpi slt, %jit3A_953, %sign3A_963 : i32
        %sign3A_965 = arith.extui %sign3A_964 : i1 to i32
        %sign3A_966 = arith.subi %sign3A_962, %sign3A_965 : i32
        %ne3A_967 = arith.cmpi ne, %sign3A_959, %sign3A_966 : i32
        %rem3A_968 = arith.remsi %scan3A_940, %jit3A_953 : i32
        %ne3A_969 = arith.constant 0 : i32
        %ne3A_970 = arith.cmpi ne, %rem3A_968, %ne3A_969 : i32
        %and3A_971 = arith.andi %ne3A_967, %ne3A_970 : i1
        %sub3A_972 = arith.constant 1 : i32
        %sub3A_973 = arith.subi %div3A, %sub3A_972 : i32
        %select_n3A_974 = arith.select %and3A_971, %sub3A_973, %div3A : i32
        %add3A_975 = arith.addi %mul3A_952, %select_n3A_974 : i32
        %add3A_976 = arith.constant 0 : i32
        %add3A_977 = arith.addi %scan3A_940, %add3A_976 : i32
        %get3A = arith.index_cast %add3A_977 : i32 to index
        %get3A_978 = arith.constant 0 : index
        %get3A_979 = tpu.vector_load %arg6[%get3A, %get3A_978] {strides = array<i32>} : memref<256x128xf32, #tpu.memory_space<vmem>>, vector<1x16xf32>,
        %get3A_980 = vector.shape_cast %get3A_979 : vector<1x16xf32> to vector<16xf32>
        %add3A_981 = arith.constant 0 : i32
        %add3A_982 = arith.addi %scan3A_940, %add3A_981 : i32
        %get3A_983 = arith.index_cast %add3A_982 : i32 to index
        %get3A_984 = arith.constant 16 : index
        %get3A_985 = tpu.vector_load %arg6[%get3A_983, %get3A_984] {strides = array<i32>} : memref<256x128xf32, #tpu.memory_space<vmem>>, vector<1x16xf32>,
        %get3A_986 = vector.shape_cast %get3A_985 : vector<1x16xf32> to vector<16xf32>
        %add3A_987 = arith.constant 0 : i32
        %add3A_988 = arith.addi %scan3A_940, %add3A_987 : i32
        %get3A_989 = arith.index_cast %add3A_988 : i32 to index
        %get3A_990 = arith.constant 32 : index
        %get3A_991 = tpu.vector_load %arg6[%get3A_989, %get3A_990] {strides = array<i32>} : memref<256x128xf32, #tpu.memory_space<vmem>>, vector<1x16xf32>,
        %get3A_992 = vector.shape_cast %get3A_991 : vector<1x16xf32> to vector<16xf32>
        %add3A_993 = arith.constant 0 : i32
        %add3A_994 = arith.addi %scan3A_940, %add3A_993 : i32
        %get3A_995 = arith.index_cast %add3A_994 : i32 to index
        %get3A_996 = arith.constant 48 : index
        %get3A_997 = tpu.vector_load %arg6[%get3A_995, %get3A_996] {strides = array<i32>} : memref<256x128xf32, #tpu.memory_space<vmem>>, vector<1x16xf32>,
        %get3A_998 = vector.shape_cast %get3A_997 : vector<1x16xf32> to vector<16xf32>
        %add3A_999 = arith.constant 0 : i32
        %add3A_1000 = arith.addi %scan3A_940, %add3A_999 : i32
        %get3A_1001 = arith.index_cast %add3A_1000 : i32 to index
        %get3A_1002 = arith.constant 64 : index
        %get3A_1003 = tpu.vector_load %arg6[%get3A_1001, %get3A_1002] {strides = array<i32>} : memref<256x128xf32, #tpu.memory_space<vmem>>, vector<1x16xf32>,
        %get3A_1004 = vector.shape_cast %get3A_1003 : vector<1x16xf32> to vector<16xf32>
        %add3A_1005 = arith.constant 0 : i32
        %add3A_1006 = arith.addi %scan3A_940, %add3A_1005 : i32
        %get3A_1007 = arith.index_cast %add3A_1006 : i32 to index
        %get3A_1008 = arith.constant 80 : index
        %get3A_1009 = tpu.vector_load %arg6[%get3A_1007, %get3A_1008] {strides = array<i32>} : memref<256x128xf32, #tpu.memory_space<vmem>>, vector<1x16xf32>,
        %get3A_1010 = vector.shape_cast %get3A_1009 : vector<1x16xf32> to vector<16xf32>
        %add3A_1011 = arith.constant 0 : i32
        %add3A_1012 = arith.addi %scan3A_940, %add3A_1011 : i32
        %get3A_1013 = arith.index_cast %add3A_1012 : i32 to index
        %get3A_1014 = arith.constant 96 : index
        %get3A_1015 = tpu.vector_load %arg6[%get3A_1013, %get3A_1014] {strides = array<i32>} : memref<256x128xf32, #tpu.memory_space<vmem>>, vector<1x16xf32>,
        %get3A_1016 = vector.shape_cast %get3A_1015 : vector<1x16xf32> to vector<16xf32>
        %add3A_1017 = arith.constant 0 : i32
        %add3A_1018 = arith.addi %scan3A_940, %add3A_1017 : i32
        %get3A_1019 = arith.index_cast %add3A_1018 : i32 to index
        %get3A_1020 = arith.constant 112 : index
        %get3A_1021 = tpu.vector_load %arg6[%get3A_1019, %get3A_1020] {strides = array<i32>} : memref<256x128xf32, #tpu.memory_space<vmem>>, vector<1x16xf32>,
        %get3A_1022 = vector.shape_cast %get3A_1021 : vector<1x16xf32> to vector<16xf32>
        %add3A_1023 = arith.constant 32 : i32
        %add3A_1024 = arith.addi %scan3A_940, %add3A_1023 : i32
        %get3A_1025 = arith.index_cast %add3A_1024 : i32 to index
        %get3A_1026 = arith.constant 0 : index
        %get3A_1027 = tpu.vector_load %arg6[%get3A_1025, %get3A_1026] {strides = array<i32>} : memref<256x128xf32, #tpu.memory_space<vmem>>, vector<1x16xf32>,
        %get3A_1028 = vector.shape_cast %get3A_1027 : vector<1x16xf32> to vector<16xf32>
        %add3A_1029 = arith.constant 32 : i32
        %add3A_1030 = arith.addi %scan3A_940, %add3A_1029 : i32
        %get3A_1031 = arith.index_cast %add3A_1030 : i32 to index
        %get3A_1032 = arith.constant 16 : index
        %get3A_1033 = tpu.vector_load %arg6[%get3A_1031, %get3A_1032] {strides = array<i32>} : memref<256x128xf32, #tpu.memory_space<vmem>>, vector<1x16xf32>,
        %get3A_1034 = vector.shape_cast %get3A_1033 : vector<1x16xf32> to vector<16xf32>
        %add3A_1035 = arith.constant 32 : i32
        %add3A_1036 = arith.addi %scan3A_940, %add3A_1035 : i32
        %get3A_1037 = arith.index_cast %add3A_1036 : i32 to index
        %get3A_1038 = arith.constant 32 : index
        %get3A_1039 = tpu.vector_load %arg6[%get3A_1037, %get3A_1038] {strides = array<i32>} : memref<256x128xf32, #tpu.memory_space<vmem>>, vector<1x16xf32>,
        %get3A_1040 = vector.shape_cast %get3A_1039 : vector<1x16xf32> to vector<16xf32>
        %add3A_1041 = arith.constant 32 : i32
        %add3A_1042 = arith.addi %scan3A_940, %add3A_1041 : i32
        %get3A_1043 = arith.index_cast %add3A_1042 : i32 to index
        %get3A_1044 = arith.constant 48 : index
        %get3A_1045 = tpu.vector_load %arg6[%get3A_1043, %get3A_1044] {strides = array<i32>} : memref<256x128xf32, #tpu.memory_space<vmem>>, vector<1x16xf32>,
        %get3A_1046 = vector.shape_cast %get3A_1045 : vector<1x16xf32> to vector<16xf32>
        %add3A_1047 = arith.constant 32 : i32
        %add3A_1048 = arith.addi %scan3A_940, %add3A_1047 : i32
        %get3A_1049 = arith.index_cast %add3A_1048 : i32 to index
        %get3A_1050 = arith.constant 64 : index
        %get3A_1051 = tpu.vector_load %arg6[%get3A_1049, %get3A_1050] {strides = array<i32>} : memref<256x128xf32, #tpu.memory_space<vmem>>, vector<1x16xf32>,
        %get3A_1052 = vector.shape_cast %get3A_1051 : vector<1x16xf32> to vector<16xf32>
        %add3A_1053 = arith.constant 32 : i32
        %add3A_1054 = arith.addi %scan3A_940, %add3A_1053 : i32
        %get3A_1055 = arith.index_cast %add3A_1054 : i32 to index
        %get3A_1056 = arith.constant 80 : index
        %get3A_1057 = tpu.vector_load %arg6[%get3A_1055, %get3A_1056] {strides = array<i32>} : memref<256x128xf32, #tpu.memory_space<vmem>>, vector<1x16xf32>,
        %get3A_1058 = vector.shape_cast %get3A_1057 : vector<1x16xf32> to vector<16xf32>
        %add3A_1059 = arith.constant 32 : i32
        %add3A_1060 = arith.addi %scan3A_940, %add3A_1059 : i32
        %get3A_1061 = arith.index_cast %add3A_1060 : i32 to index
        %get3A_1062 = arith.constant 96 : index
        %get3A_1063 = tpu.vector_load %arg6[%get3A_1061, %get3A_1062] {strides = array<i32>} : memref<256x128xf32, #tpu.memory_space<vmem>>, vector<1x16xf32>,
        %get3A_1064 = vector.shape_cast %get3A_1063 : vector<1x16xf32> to vector<16xf32>
        %add3A_1065 = arith.constant 32 : i32
        %add3A_1066 = arith.addi %scan3A_940, %add3A_1065 : i32
        %get3A_1067 = arith.index_cast %add3A_1066 : i32 to index
        %get3A_1068 = arith.constant 112 : index
        %get3A_1069 = tpu.vector_load %arg6[%get3A_1067, %get3A_1068] {strides = array<i32>} : memref<256x128xf32, #tpu.memory_space<vmem>>, vector<1x16xf32>,
        %get3A_1070 = vector.shape_cast %get3A_1069 : vector<1x16xf32> to vector<16xf32>
        %add3A_1071 = arith.addf %get3A_986, %get3A_1028 : vector<16xf32>
        %add3A_1072 = arith.addf %get3A_992, %get3A_1034 : vector<16xf32>
        %add3A_1073 = arith.addf %get3A_998, %get3A_1040 : vector<16xf32>
        %add3A_1074 = arith.addf %get3A_1004, %get3A_1046 : vector<16xf32>
        %add3A_1075 = arith.addf %get3A_1010, %get3A_1052 : vector<16xf32>
        %add3A_1076 = arith.addf %get3A_1016, %get3A_1058 : vector<16xf32>
        %add3A_1077 = arith.addf %get3A_1022, %get3A_1064 : vector<16xf32>
        %add3A_1078 = arith.constant 64 : i32
        %add3A_1079 = arith.addi %scan3A_940, %add3A_1078 : i32
        %get3A_1080 = arith.index_cast %add3A_1079 : i32 to index
        %get3A_1081 = arith.constant 0 : index
        %get3A_1082 = tpu.vector_load %arg6[%get3A_1080, %get3A_1081] {strides = array<i32>} : memref<256x128xf32, #tpu.memory_space<vmem>>, vector<1x16xf32>,
        %get3A_1083 = vector.shape_cast %get3A_1082 : vector<1x16xf32> to vector<16xf32>
        %add3A_1084 = arith.constant 64 : i32
        %add3A_1085 = arith.addi %scan3A_940, %add3A_1084 : i32
        %get3A_1086 = arith.index_cast %add3A_1085 : i32 to index
        %get3A_1087 = arith.constant 16 : index
        %get3A_1088 = tpu.vector_load %arg6[%get3A_1086, %get3A_1087] {strides = array<i32>} : memref<256x128xf32, #tpu.memory_space<vmem>>, vector<1x16xf32>,
        %get3A_1089 = vector.shape_cast %get3A_1088 : vector<1x16xf32> to vector<16xf32>
        %add3A_1090 = arith.constant 64 : i32
        %add3A_1091 = arith.addi %scan3A_940, %add3A_1090 : i32
        %get3A_1092 = arith.index_cast %add3A_1091 : i32 to index
        %get3A_1093 = arith.constant 32 : index
        %get3A_1094 = tpu.vector_load %arg6[%get3A_1092, %get3A_1093] {strides = array<i32>} : memref<256x128xf32, #tpu.memory_space<vmem>>, vector<1x16xf32>,
        %get3A_1095 = vector.shape_cast %get3A_1094 : vector<1x16xf32> to vector<16xf32>
        %add3A_1096 = arith.constant 64 : i32
        %add3A_1097 = arith.addi %scan3A_940, %add3A_1096 : i32
        %get3A_1098 = arith.index_cast %add3A_1097 : i32 to index
        %get3A_1099 = arith.constant 48 : index
        %get3A_1100 = tpu.vector_load %arg6[%get3A_1098, %get3A_1099] {strides = array<i32>} : memref<256x128xf32, #tpu.memory_space<vmem>>, vector<1x16xf32>,
        %get3A_1101 = vector.shape_cast %get3A_1100 : vector<1x16xf32> to vector<16xf32>
        %add3A_1102 = arith.constant 64 : i32
        %add3A_1103 = arith.addi %scan3A_940, %add3A_1102 : i32
        %get3A_1104 = arith.index_cast %add3A_1103 : i32 to index
        %get3A_1105 = arith.constant 64 : index
        %get3A_1106 = tpu.vector_load %arg6[%get3A_1104, %get3A_1105] {strides = array<i32>} : memref<256x128xf32, #tpu.memory_space<vmem>>, vector<1x16xf32>,
        %get3A_1107 = vector.shape_cast %get3A_1106 : vector<1x16xf32> to vector<16xf32>
        %add3A_1108 = arith.constant 64 : i32
        %add3A_1109 = arith.addi %scan3A_940, %add3A_1108 : i32
        %get3A_1110 = arith.index_cast %add3A_1109 : i32 to index
        %get3A_1111 = arith.constant 80 : index
        %get3A_1112 = tpu.vector_load %arg6[%get3A_1110, %get3A_1111] {strides = array<i32>} : memref<256x128xf32, #tpu.memory_space<vmem>>, vector<1x16xf32>,
        %get3A_1113 = vector.shape_cast %get3A_1112 : vector<1x16xf32> to vector<16xf32>
        %add3A_1114 = arith.constant 64 : i32
        %add3A_1115 = arith.addi %scan3A_940, %add3A_1114 : i32
        %get3A_1116 = arith.index_cast %add3A_1115 : i32 to index
        %get3A_1117 = arith.constant 96 : index
        %get3A_1118 = tpu.vector_load %arg6[%get3A_1116, %get3A_1117] {strides = array<i32>} : memref<256x128xf32, #tpu.memory_space<vmem>>, vector<1x16xf32>,
        %get3A_1119 = vector.shape_cast %get3A_1118 : vector<1x16xf32> to vector<16xf32>
        %add3A_1120 = arith.constant 64 : i32
        %add3A_1121 = arith.addi %scan3A_940, %add3A_1120 : i32
        %get3A_1122 = arith.index_cast %add3A_1121 : i32 to index
        %get3A_1123 = arith.constant 112 : index
        %get3A_1124 = tpu.vector_load %arg6[%get3A_1122, %get3A_1123] {strides = array<i32>} : memref<256x128xf32, #tpu.memory_space<vmem>>, vector<1x16xf32>,
        %get3A_1125 = vector.shape_cast %get3A_1124 : vector<1x16xf32> to vector<16xf32>
        %add3A_1126 = arith.addf %add3A_1072, %get3A_1083 : vector<16xf32>
        %add3A_1127 = arith.addf %add3A_1073, %get3A_1089 : vector<16xf32>
        %add3A_1128 = arith.addf %add3A_1074, %get3A_1095 : vector<16xf32>
        %add3A_1129 = arith.addf %add3A_1075, %get3A_1101 : vector<16xf32>
        %add3A_1130 = arith.addf %add3A_1076, %get3A_1107 : vector<16xf32>
        %add3A_1131 = arith.addf %add3A_1077, %get3A_1113 : vector<16xf32>
        %add3A_1132 = arith.addf %get3A_1070, %get3A_1119 : vector<16xf32>
        %add3A_1133 = arith.constant 96 : i32
        %add3A_1134 = arith.addi %scan3A_940, %add3A_1133 : i32
        %get3A_1135 = arith.index_cast %add3A_1134 : i32 to index
        %get3A_1136 = arith.constant 0 : index
        %get3A_1137 = tpu.vector_load %arg6[%get3A_1135, %get3A_1136] {strides = array<i32>} : memref<256x128xf32, #tpu.memory_space<vmem>>, vector<1x16xf32>,
        %get3A_1138 = vector.shape_cast %get3A_1137 : vector<1x16xf32> to vector<16xf32>
        %add3A_1139 = arith.constant 96 : i32
        %add3A_1140 = arith.addi %scan3A_940, %add3A_1139 : i32
        %get3A_1141 = arith.index_cast %add3A_1140 : i32 to index
        %get3A_1142 = arith.constant 16 : index
        %get3A_1143 = tpu.vector_load %arg6[%get3A_1141, %get3A_1142] {strides = array<i32>} : memref<256x128xf32, #tpu.memory_space<vmem>>, vector<1x16xf32>,
        %get3A_1144 = vector.shape_cast %get3A_1143 : vector<1x16xf32> to vector<16xf32>
        %add3A_1145 = arith.constant 96 : i32
        %add3A_1146 = arith.addi %scan3A_940, %add3A_1145 : i32
        %get3A_1147 = arith.index_cast %add3A_1146 : i32 to index
        %get3A_1148 = arith.constant 32 : index
        %get3A_1149 = tpu.vector_load %arg6[%get3A_1147, %get3A_1148] {strides = array<i32>} : memref<256x128xf32, #tpu.memory_space<vmem>>, vector<1x16xf32>,
        %get3A_1150 = vector.shape_cast %get3A_1149 : vector<1x16xf32> to vector<16xf32>
        %add3A_1151 = arith.constant 96 : i32
        %add3A_1152 = arith.addi %scan3A_940, %add3A_1151 : i32
        %get3A_1153 = arith.index_cast %add3A_1152 : i32 to index
        %get3A_1154 = arith.constant 48 : index
        %get3A_1155 = tpu.vector_load %arg6[%get3A_1153, %get3A_1154] {strides = array<i32>} : memref<256x128xf32, #tpu.memory_space<vmem>>, vector<1x16xf32>,
        %get3A_1156 = vector.shape_cast %get3A_1155 : vector<1x16xf32> to vector<16xf32>
        %add3A_1157 = arith.constant 96 : i32
        %add3A_1158 = arith.addi %scan3A_940, %add3A_1157 : i32
        %get3A_1159 = arith.index_cast %add3A_1158 : i32 to index
        %get3A_1160 = arith.constant 64 : index
        %get3A_1161 = tpu.vector_load %arg6[%get3A_1159, %get3A_1160] {strides = array<i32>} : memref<256x128xf32, #tpu.memory_space<vmem>>, vector<1x16xf32>,
        %get3A_1162 = vector.shape_cast %get3A_1161 : vector<1x16xf32> to vector<16xf32>
        %add3A_1163 = arith.constant 96 : i32
        %add3A_1164 = arith.addi %scan3A_940, %add3A_1163 : i32
        %get3A_1165 = arith.index_cast %add3A_1164 : i32 to index
        %get3A_1166 = arith.constant 80 : index
        %get3A_1167 = tpu.vector_load %arg6[%get3A_1165, %get3A_1166] {strides = array<i32>} : memref<256x128xf32, #tpu.memory_space<vmem>>, vector<1x16xf32>,
        %get3A_1168 = vector.shape_cast %get3A_1167 : vector<1x16xf32> to vector<16xf32>
        %add3A_1169 = arith.constant 96 : i32
        %add3A_1170 = arith.addi %scan3A_940, %add3A_1169 : i32
        %get3A_1171 = arith.index_cast %add3A_1170 : i32 to index
        %get3A_1172 = arith.constant 96 : index
        %get3A_1173 = tpu.vector_load %arg6[%get3A_1171, %get3A_1172] {strides = array<i32>} : memref<256x128xf32, #tpu.memory_space<vmem>>, vector<1x16xf32>,
        %get3A_1174 = vector.shape_cast %get3A_1173 : vector<1x16xf32> to vector<16xf32>
        %add3A_1175 = arith.constant 96 : i32
        %add3A_1176 = arith.addi %scan3A_940, %add3A_1175 : i32
        %get3A_1177 = arith.index_cast %add3A_1176 : i32 to index
        %get3A_1178 = arith.constant 112 : index
        %get3A_1179 = tpu.vector_load %arg6[%get3A_1177, %get3A_1178] {strides = array<i32>} : memref<256x128xf32, #tpu.memory_space<vmem>>, vector<1x16xf32>,
        %get3A_1180 = vector.shape_cast %get3A_1179 : vector<1x16xf32> to vector<16xf32>
        %add3A_1181 = arith.addf %add3A_1127, %get3A_1138 : vector<16xf32>
        %add3A_1182 = arith.addf %add3A_1128, %get3A_1144 : vector<16xf32>
        %add3A_1183 = arith.addf %add3A_1129, %get3A_1150 : vector<16xf32>
        %add3A_1184 = arith.addf %add3A_1130, %get3A_1156 : vector<16xf32>
        %add3A_1185 = arith.addf %add3A_1131, %get3A_1162 : vector<16xf32>
        %add3A_1186 = arith.addf %add3A_1132, %get3A_1168 : vector<16xf32>
        %add3A_1187 = arith.addf %get3A_1125, %get3A_1174 : vector<16xf32>
        %add3A_1188 = arith.constant 128 : i32
        %add3A_1189 = arith.addi %scan3A_940, %add3A_1188 : i32
        %get3A_1190 = arith.index_cast %add3A_1189 : i32 to index
        %get3A_1191 = arith.constant 0 : index
        %get3A_1192 = tpu.vector_load %arg6[%get3A_1190, %get3A_1191] {strides = array<i32>} : memref<256x128xf32, #tpu.memory_space<vmem>>, vector<1x16xf32>,
        %get3A_1193 = vector.shape_cast %get3A_1192 : vector<1x16xf32> to vector<16xf32>
        %add3A_1194 = arith.constant 128 : i32
        %add3A_1195 = arith.addi %scan3A_940, %add3A_1194 : i32
        %get3A_1196 = arith.index_cast %add3A_1195 : i32 to index
        %get3A_1197 = arith.constant 16 : index
        %get3A_1198 = tpu.vector_load %arg6[%get3A_1196, %get3A_1197] {strides = array<i32>} : memref<256x128xf32, #tpu.memory_space<vmem>>, vector<1x16xf32>,
        %get3A_1199 = vector.shape_cast %get3A_1198 : vector<1x16xf32> to vector<16xf32>
        %add3A_1200 = arith.constant 128 : i32
        %add3A_1201 = arith.addi %scan3A_940, %add3A_1200 : i32
        %get3A_1202 = arith.index_cast %add3A_1201 : i32 to index
        %get3A_1203 = arith.constant 32 : index
        %get3A_1204 = tpu.vector_load %arg6[%get3A_1202, %get3A_1203] {strides = array<i32>} : memref<256x128xf32, #tpu.memory_space<vmem>>, vector<1x16xf32>,
        %get3A_1205 = vector.shape_cast %get3A_1204 : vector<1x16xf32> to vector<16xf32>
        %add3A_1206 = arith.constant 128 : i32
        %add3A_1207 = arith.addi %scan3A_940, %add3A_1206 : i32
        %get3A_1208 = arith.index_cast %add3A_1207 : i32 to index
        %get3A_1209 = arith.constant 48 : index
        %get3A_1210 = tpu.vector_load %arg6[%get3A_1208, %get3A_1209] {strides = array<i32>} : memref<256x128xf32, #tpu.memory_space<vmem>>, vector<1x16xf32>,
        %get3A_1211 = vector.shape_cast %get3A_1210 : vector<1x16xf32> to vector<16xf32>
        %add3A_1212 = arith.constant 128 : i32
        %add3A_1213 = arith.addi %scan3A_940, %add3A_1212 : i32
        %get3A_1214 = arith.index_cast %add3A_1213 : i32 to index
        %get3A_1215 = arith.constant 64 : index
        %get3A_1216 = tpu.vector_load %arg6[%get3A_1214, %get3A_1215] {strides = array<i32>} : memref<256x128xf32, #tpu.memory_space<vmem>>, vector<1x16xf32>,
        %get3A_1217 = vector.shape_cast %get3A_1216 : vector<1x16xf32> to vector<16xf32>
        %add3A_1218 = arith.constant 128 : i32
        %add3A_1219 = arith.addi %scan3A_940, %add3A_1218 : i32
        %get3A_1220 = arith.index_cast %add3A_1219 : i32 to index
        %get3A_1221 = arith.constant 80 : index
        %get3A_1222 = tpu.vector_load %arg6[%get3A_1220, %get3A_1221] {strides = array<i32>} : memref<256x128xf32, #tpu.memory_space<vmem>>, vector<1x16xf32>,
        %get3A_1223 = vector.shape_cast %get3A_1222 : vector<1x16xf32> to vector<16xf32>
        %add3A_1224 = arith.constant 128 : i32
        %add3A_1225 = arith.addi %scan3A_940, %add3A_1224 : i32
        %get3A_1226 = arith.index_cast %add3A_1225 : i32 to index
        %get3A_1227 = arith.constant 96 : index
        %get3A_1228 = tpu.vector_load %arg6[%get3A_1226, %get3A_1227] {strides = array<i32>} : memref<256x128xf32, #tpu.memory_space<vmem>>, vector<1x16xf32>,
        %get3A_1229 = vector.shape_cast %get3A_1228 : vector<1x16xf32> to vector<16xf32>
        %add3A_1230 = arith.constant 128 : i32
        %add3A_1231 = arith.addi %scan3A_940, %add3A_1230 : i32
        %get3A_1232 = arith.index_cast %add3A_1231 : i32 to index
        %get3A_1233 = arith.constant 112 : index
        %get3A_1234 = tpu.vector_load %arg6[%get3A_1232, %get3A_1233] {strides = array<i32>} : memref<256x128xf32, #tpu.memory_space<vmem>>, vector<1x16xf32>,
        %get3A_1235 = vector.shape_cast %get3A_1234 : vector<1x16xf32> to vector<16xf32>
        %add3A_1236 = arith.addf %add3A_1182, %get3A_1193 : vector<16xf32>
        %add3A_1237 = arith.addf %add3A_1183, %get3A_1199 : vector<16xf32>
        %add3A_1238 = arith.addf %add3A_1184, %get3A_1205 : vector<16xf32>
        %add3A_1239 = arith.addf %add3A_1185, %get3A_1211 : vector<16xf32>
        %add3A_1240 = arith.addf %add3A_1186, %get3A_1217 : vector<16xf32>
        %add3A_1241 = arith.addf %add3A_1187, %get3A_1223 : vector<16xf32>
        %add3A_1242 = arith.addf %get3A_1180, %get3A_1229 : vector<16xf32>
        %add3A_1243 = arith.constant 160 : i32
        %add3A_1244 = arith.addi %scan3A_940, %add3A_1243 : i32
        %get3A_1245 = arith.index_cast %add3A_1244 : i32 to index
        %get3A_1246 = arith.constant 0 : index
        %get3A_1247 = tpu.vector_load %arg6[%get3A_1245, %get3A_1246] {strides = array<i32>} : memref<256x128xf32, #tpu.memory_space<vmem>>, vector<1x16xf32>,
        %get3A_1248 = vector.shape_cast %get3A_1247 : vector<1x16xf32> to vector<16xf32>
        %add3A_1249 = arith.constant 160 : i32
        %add3A_1250 = arith.addi %scan3A_940, %add3A_1249 : i32
        %get3A_1251 = arith.index_cast %add3A_1250 : i32 to index
        %get3A_1252 = arith.constant 16 : index
        %get3A_1253 = tpu.vector_load %arg6[%get3A_1251, %get3A_1252] {strides = array<i32>} : memref<256x128xf32, #tpu.memory_space<vmem>>, vector<1x16xf32>,
        %get3A_1254 = vector.shape_cast %get3A_1253 : vector<1x16xf32> to vector<16xf32>
        %add3A_1255 = arith.constant 160 : i32
        %add3A_1256 = arith.addi %scan3A_940, %add3A_1255 : i32
        %get3A_1257 = arith.index_cast %add3A_1256 : i32 to index
        %get3A_1258 = arith.constant 32 : index
        %get3A_1259 = tpu.vector_load %arg6[%get3A_1257, %get3A_1258] {strides = array<i32>} : memref<256x128xf32, #tpu.memory_space<vmem>>, vector<1x16xf32>,
        %get3A_1260 = vector.shape_cast %get3A_1259 : vector<1x16xf32> to vector<16xf32>
        %add3A_1261 = arith.constant 160 : i32
        %add3A_1262 = arith.addi %scan3A_940, %add3A_1261 : i32
        %get3A_1263 = arith.index_cast %add3A_1262 : i32 to index
        %get3A_1264 = arith.constant 48 : index
        %get3A_1265 = tpu.vector_load %arg6[%get3A_1263, %get3A_1264] {strides = array<i32>} : memref<256x128xf32, #tpu.memory_space<vmem>>, vector<1x16xf32>,
        %get3A_1266 = vector.shape_cast %get3A_1265 : vector<1x16xf32> to vector<16xf32>
        %add3A_1267 = arith.constant 160 : i32
        %add3A_1268 = arith.addi %scan3A_940, %add3A_1267 : i32
        %get3A_1269 = arith.index_cast %add3A_1268 : i32 to index
        %get3A_1270 = arith.constant 64 : index
        %get3A_1271 = tpu.vector_load %arg6[%get3A_1269, %get3A_1270] {strides = array<i32>} : memref<256x128xf32, #tpu.memory_space<vmem>>, vector<1x16xf32>,
        %get3A_1272 = vector.shape_cast %get3A_1271 : vector<1x16xf32> to vector<16xf32>
        %add3A_1273 = arith.constant 160 : i32
        %add3A_1274 = arith.addi %scan3A_940, %add3A_1273 : i32
        %get3A_1275 = arith.index_cast %add3A_1274 : i32 to index
        %get3A_1276 = arith.constant 80 : index
        %get3A_1277 = tpu.vector_load %arg6[%get3A_1275, %get3A_1276] {strides = array<i32>} : memref<256x128xf32, #tpu.memory_space<vmem>>, vector<1x16xf32>,
        %get3A_1278 = vector.shape_cast %get3A_1277 : vector<1x16xf32> to vector<16xf32>
        %add3A_1279 = arith.constant 160 : i32
        %add3A_1280 = arith.addi %scan3A_940, %add3A_1279 : i32
        %get3A_1281 = arith.index_cast %add3A_1280 : i32 to index
        %get3A_1282 = arith.constant 96 : index
        %get3A_1283 = tpu.vector_load %arg6[%get3A_1281, %get3A_1282] {strides = array<i32>} : memref<256x128xf32, #tpu.memory_space<vmem>>, vector<1x16xf32>,
        %get3A_1284 = vector.shape_cast %get3A_1283 : vector<1x16xf32> to vector<16xf32>
        %add3A_1285 = arith.constant 160 : i32
        %add3A_1286 = arith.addi %scan3A_940, %add3A_1285 : i32
        %get3A_1287 = arith.index_cast %add3A_1286 : i32 to index
        %get3A_1288 = arith.constant 112 : index
        %get3A_1289 = tpu.vector_load %arg6[%get3A_1287, %get3A_1288] {strides = array<i32>} : memref<256x128xf32, #tpu.memory_space<vmem>>, vector<1x16xf32>,
        %get3A_1290 = vector.shape_cast %get3A_1289 : vector<1x16xf32> to vector<16xf32>
        %add3A_1291 = arith.addf %add3A_1237, %get3A_1248 : vector<16xf32>
        %add3A_1292 = arith.addf %add3A_1238, %get3A_1254 : vector<16xf32>
        %add3A_1293 = arith.addf %add3A_1239, %get3A_1260 : vector<16xf32>
        %add3A_1294 = arith.addf %add3A_1240, %get3A_1266 : vector<16xf32>
        %add3A_1295 = arith.addf %add3A_1241, %get3A_1272 : vector<16xf32>
        %add3A_1296 = arith.addf %add3A_1242, %get3A_1278 : vector<16xf32>
        %add3A_1297 = arith.addf %get3A_1235, %get3A_1284 : vector<16xf32>
        %add3A_1298 = arith.constant 192 : i32
        %add3A_1299 = arith.addi %scan3A_940, %add3A_1298 : i32
        %get3A_1300 = arith.index_cast %add3A_1299 : i32 to index
        %get3A_1301 = arith.constant 0 : index
        %get3A_1302 = tpu.vector_load %arg6[%get3A_1300, %get3A_1301] {strides = array<i32>} : memref<256x128xf32, #tpu.memory_space<vmem>>, vector<1x16xf32>,
        %get3A_1303 = vector.shape_cast %get3A_1302 : vector<1x16xf32> to vector<16xf32>
        %add3A_1304 = arith.constant 192 : i32
        %add3A_1305 = arith.addi %scan3A_940, %add3A_1304 : i32
        %get3A_1306 = arith.index_cast %add3A_1305 : i32 to index
        %get3A_1307 = arith.constant 16 : index
        %get3A_1308 = tpu.vector_load %arg6[%get3A_1306, %get3A_1307] {strides = array<i32>} : memref<256x128xf32, #tpu.memory_space<vmem>>, vector<1x16xf32>,
        %get3A_1309 = vector.shape_cast %get3A_1308 : vector<1x16xf32> to vector<16xf32>
        %add3A_1310 = arith.constant 192 : i32
        %add3A_1311 = arith.addi %scan3A_940, %add3A_1310 : i32
        %get3A_1312 = arith.index_cast %add3A_1311 : i32 to index
        %get3A_1313 = arith.constant 32 : index
        %get3A_1314 = tpu.vector_load %arg6[%get3A_1312, %get3A_1313] {strides = array<i32>} : memref<256x128xf32, #tpu.memory_space<vmem>>, vector<1x16xf32>,
        %get3A_1315 = vector.shape_cast %get3A_1314 : vector<1x16xf32> to vector<16xf32>
        %add3A_1316 = arith.constant 192 : i32
        %add3A_1317 = arith.addi %scan3A_940, %add3A_1316 : i32
        %get3A_1318 = arith.index_cast %add3A_1317 : i32 to index
        %get3A_1319 = arith.constant 48 : index
        %get3A_1320 = tpu.vector_load %arg6[%get3A_1318, %get3A_1319] {strides = array<i32>} : memref<256x128xf32, #tpu.memory_space<vmem>>, vector<1x16xf32>,
        %get3A_1321 = vector.shape_cast %get3A_1320 : vector<1x16xf32> to vector<16xf32>
        %add3A_1322 = arith.constant 192 : i32
        %add3A_1323 = arith.addi %scan3A_940, %add3A_1322 : i32
        %get3A_1324 = arith.index_cast %add3A_1323 : i32 to index
        %get3A_1325 = arith.constant 64 : index
        %get3A_1326 = tpu.vector_load %arg6[%get3A_1324, %get3A_1325] {strides = array<i32>} : memref<256x128xf32, #tpu.memory_space<vmem>>, vector<1x16xf32>,
        %get3A_1327 = vector.shape_cast %get3A_1326 : vector<1x16xf32> to vector<16xf32>
        %add3A_1328 = arith.constant 192 : i32
        %add3A_1329 = arith.addi %scan3A_940, %add3A_1328 : i32
        %get3A_1330 = arith.index_cast %add3A_1329 : i32 to index
        %get3A_1331 = arith.constant 80 : index
        %get3A_1332 = tpu.vector_load %arg6[%get3A_1330, %get3A_1331] {strides = array<i32>} : memref<256x128xf32, #tpu.memory_space<vmem>>, vector<1x16xf32>,
        %get3A_1333 = vector.shape_cast %get3A_1332 : vector<1x16xf32> to vector<16xf32>
        %add3A_1334 = arith.constant 192 : i32
        %add3A_1335 = arith.addi %scan3A_940, %add3A_1334 : i32
        %get3A_1336 = arith.index_cast %add3A_1335 : i32 to index
        %get3A_1337 = arith.constant 96 : index
        %get3A_1338 = tpu.vector_load %arg6[%get3A_1336, %get3A_1337] {strides = array<i32>} : memref<256x128xf32, #tpu.memory_space<vmem>>, vector<1x16xf32>,
        %get3A_1339 = vector.shape_cast %get3A_1338 : vector<1x16xf32> to vector<16xf32>
        %add3A_1340 = arith.constant 192 : i32
        %add3A_1341 = arith.addi %scan3A_940, %add3A_1340 : i32
        %get3A_1342 = arith.index_cast %add3A_1341 : i32 to index
        %get3A_1343 = arith.constant 112 : index
        %get3A_1344 = tpu.vector_load %arg6[%get3A_1342, %get3A_1343] {strides = array<i32>} : memref<256x128xf32, #tpu.memory_space<vmem>>, vector<1x16xf32>,
        %get3A_1345 = vector.shape_cast %get3A_1344 : vector<1x16xf32> to vector<16xf32>
        %add3A_1346 = arith.addf %add3A_1292, %get3A_1303 : vector<16xf32>
        %add3A_1347 = arith.addf %add3A_1293, %get3A_1309 : vector<16xf32>
        %add3A_1348 = arith.addf %add3A_1294, %get3A_1315 : vector<16xf32>
        %add3A_1349 = arith.addf %add3A_1295, %get3A_1321 : vector<16xf32>
        %add3A_1350 = arith.addf %add3A_1296, %get3A_1327 : vector<16xf32>
        %add3A_1351 = arith.addf %add3A_1297, %get3A_1333 : vector<16xf32>
        %add3A_1352 = arith.addf %get3A_1290, %get3A_1339 : vector<16xf32>
        %add3A_1353 = arith.constant 224 : i32
        %add3A_1354 = arith.addi %scan3A_940, %add3A_1353 : i32
        %get3A_1355 = arith.index_cast %add3A_1354 : i32 to index
        %get3A_1356 = arith.constant 0 : index
        %get3A_1357 = tpu.vector_load %arg6[%get3A_1355, %get3A_1356] {strides = array<i32>} : memref<256x128xf32, #tpu.memory_space<vmem>>, vector<1x16xf32>,
        %get3A_1358 = vector.shape_cast %get3A_1357 : vector<1x16xf32> to vector<16xf32>
        %add3A_1359 = arith.constant 224 : i32
        %add3A_1360 = arith.addi %scan3A_940, %add3A_1359 : i32
        %get3A_1361 = arith.index_cast %add3A_1360 : i32 to index
        %get3A_1362 = arith.constant 16 : index
        %get3A_1363 = tpu.vector_load %arg6[%get3A_1361, %get3A_1362] {strides = array<i32>} : memref<256x128xf32, #tpu.memory_space<vmem>>, vector<1x16xf32>,
        %get3A_1364 = vector.shape_cast %get3A_1363 : vector<1x16xf32> to vector<16xf32>
        %add3A_1365 = arith.constant 224 : i32
        %add3A_1366 = arith.addi %scan3A_940, %add3A_1365 : i32
        %get3A_1367 = arith.index_cast %add3A_1366 : i32 to index
        %get3A_1368 = arith.constant 32 : index
        %get3A_1369 = tpu.vector_load %arg6[%get3A_1367, %get3A_1368] {strides = array<i32>} : memref<256x128xf32, #tpu.memory_space<vmem>>, vector<1x16xf32>,
        %get3A_1370 = vector.shape_cast %get3A_1369 : vector<1x16xf32> to vector<16xf32>
        %add3A_1371 = arith.constant 224 : i32
        %add3A_1372 = arith.addi %scan3A_940, %add3A_1371 : i32
        %get3A_1373 = arith.index_cast %add3A_1372 : i32 to index
        %get3A_1374 = arith.constant 48 : index
        %get3A_1375 = tpu.vector_load %arg6[%get3A_1373, %get3A_1374] {strides = array<i32>} : memref<256x128xf32, #tpu.memory_space<vmem>>, vector<1x16xf32>,
        %get3A_1376 = vector.shape_cast %get3A_1375 : vector<1x16xf32> to vector<16xf32>
        %add3A_1377 = arith.constant 224 : i32
        %add3A_1378 = arith.addi %scan3A_940, %add3A_1377 : i32
        %get3A_1379 = arith.index_cast %add3A_1378 : i32 to index
        %get3A_1380 = arith.constant 64 : index
        %get3A_1381 = tpu.vector_load %arg6[%get3A_1379, %get3A_1380] {strides = array<i32>} : memref<256x128xf32, #tpu.memory_space<vmem>>, vector<1x16xf32>,
        %get3A_1382 = vector.shape_cast %get3A_1381 : vector<1x16xf32> to vector<16xf32>
        %add3A_1383 = arith.constant 224 : i32
        %add3A_1384 = arith.addi %scan3A_940, %add3A_1383 : i32
        %get3A_1385 = arith.index_cast %add3A_1384 : i32 to index
        %get3A_1386 = arith.constant 80 : index
        %get3A_1387 = tpu.vector_load %arg6[%get3A_1385, %get3A_1386] {strides = array<i32>} : memref<256x128xf32, #tpu.memory_space<vmem>>, vector<1x16xf32>,
        %get3A_1388 = vector.shape_cast %get3A_1387 : vector<1x16xf32> to vector<16xf32>
        %add3A_1389 = arith.constant 224 : i32
        %add3A_1390 = arith.addi %scan3A_940, %add3A_1389 : i32
        %get3A_1391 = arith.index_cast %add3A_1390 : i32 to index
        %get3A_1392 = arith.constant 96 : index
        %get3A_1393 = tpu.vector_load %arg6[%get3A_1391, %get3A_1392] {strides = array<i32>} : memref<256x128xf32, #tpu.memory_space<vmem>>, vector<1x16xf32>,
        %get3A_1394 = vector.shape_cast %get3A_1393 : vector<1x16xf32> to vector<16xf32>
        %add3A_1395 = arith.constant 224 : i32
        %add3A_1396 = arith.addi %scan3A_940, %add3A_1395 : i32
        %get3A_1397 = arith.index_cast %add3A_1396 : i32 to index
        %get3A_1398 = arith.constant 112 : index
        %get3A_1399 = tpu.vector_load %arg6[%get3A_1397, %get3A_1398] {strides = array<i32>} : memref<256x128xf32, #tpu.memory_space<vmem>>, vector<1x16xf32>,
        %get3A_1400 = vector.shape_cast %get3A_1399 : vector<1x16xf32> to vector<16xf32>
        %add3A_1401 = arith.addf %add3A_1347, %get3A_1358 : vector<16xf32>
        %add3A_1402 = arith.addf %add3A_1348, %get3A_1364 : vector<16xf32>
        %add3A_1403 = arith.addf %add3A_1349, %get3A_1370 : vector<16xf32>
        %add3A_1404 = arith.addf %add3A_1350, %get3A_1376 : vector<16xf32>
        %add3A_1405 = arith.addf %add3A_1351, %get3A_1382 : vector<16xf32>
        %add3A_1406 = arith.addf %add3A_1352, %get3A_1388 : vector<16xf32>
        %add3A_1407 = arith.addf %get3A_1345, %get3A_1394 : vector<16xf32>
        %add3A_1408 = arith.constant 0 : i32
        %add3A_1409 = arith.addi %add3A_975, %add3A_1408 : i32
        %swap3A_1410 = arith.index_cast %add3A_1409 : i32 to index
        %swap3A_1411 = tpu.vector_load %arg9[%swap3A_1410] {strides = array<i32>} : memref<512xf32, #tpu.memory_space<vmem>>, vector<16xf32>,
        %swap3A_1412 = vector.shape_cast %swap3A_1411 : vector<16xf32> to vector<16xf32>
        %swap3A_1413 = vector.shape_cast %get3A_980 : vector<16xf32> to vector<16xf32>
        tpu.vector_store %arg9[%swap3A_1410], %swap3A_1413 {add = true, strides = array<i32>} : memref<512xf32, #tpu.memory_space<vmem>>, vector<16xf32>,
        %add3A_1414 = arith.constant 16 : i32
        %add3A_1415 = arith.addi %add3A_975, %add3A_1414 : i32
        %swap3A_1416 = arith.index_cast %add3A_1415 : i32 to index
        %swap3A_1417 = tpu.vector_load %arg9[%swap3A_1416] {strides = array<i32>} : memref<512xf32, #tpu.memory_space<vmem>>, vector<16xf32>,
        %swap3A_1418 = vector.shape_cast %swap3A_1417 : vector<16xf32> to vector<16xf32>
        %swap3A_1419 = vector.shape_cast %add3A_1071 : vector<16xf32> to vector<16xf32>
        tpu.vector_store %arg9[%swap3A_1416], %swap3A_1419 {add = true, strides = array<i32>} : memref<512xf32, #tpu.memory_space<vmem>>, vector<16xf32>,
        %add3A_1420 = arith.constant 32 : i32
        %add3A_1421 = arith.addi %add3A_975, %add3A_1420 : i32
        %swap3A_1422 = arith.index_cast %add3A_1421 : i32 to index
        %swap3A_1423 = tpu.vector_load %arg9[%swap3A_1422] {strides = array<i32>} : memref<512xf32, #tpu.memory_space<vmem>>, vector<16xf32>,
        %swap3A_1424 = vector.shape_cast %swap3A_1423 : vector<16xf32> to vector<16xf32>
        %swap3A_1425 = vector.shape_cast %add3A_1126 : vector<16xf32> to vector<16xf32>
        tpu.vector_store %arg9[%swap3A_1422], %swap3A_1425 {add = true, strides = array<i32>} : memref<512xf32, #tpu.memory_space<vmem>>, vector<16xf32>,
        %add3A_1426 = arith.constant 48 : i32
        %add3A_1427 = arith.addi %add3A_975, %add3A_1426 : i32
        %swap3A_1428 = arith.index_cast %add3A_1427 : i32 to index
        %swap3A_1429 = tpu.vector_load %arg9[%swap3A_1428] {strides = array<i32>} : memref<512xf32, #tpu.memory_space<vmem>>, vector<16xf32>,
        %swap3A_1430 = vector.shape_cast %swap3A_1429 : vector<16xf32> to vector<16xf32>
        %swap3A_1431 = vector.shape_cast %add3A_1181 : vector<16xf32> to vector<16xf32>
        tpu.vector_store %arg9[%swap3A_1428], %swap3A_1431 {add = true, strides = array<i32>} : memref<512xf32, #tpu.memory_space<vmem>>, vector<16xf32>,
        %add3A_1432 = arith.constant 64 : i32
        %add3A_1433 = arith.addi %add3A_975, %add3A_1432 : i32
        %swap3A_1434 = arith.index_cast %add3A_1433 : i32 to index
        %swap3A_1435 = tpu.vector_load %arg9[%swap3A_1434] {strides = array<i32>} : memref<512xf32, #tpu.memory_space<vmem>>, vector<16xf32>,
        %swap3A_1436 = vector.shape_cast %swap3A_1435 : vector<16xf32> to vector<16xf32>
        %swap3A_1437 = vector.shape_cast %add3A_1236 : vector<16xf32> to vector<16xf32>
        tpu.vector_store %arg9[%swap3A_1434], %swap3A_1437 {add = true, strides = array<i32>} : memref<512xf32, #tpu.memory_space<vmem>>, vector<16xf32>,
        %add3A_1438 = arith.constant 80 : i32
        %add3A_1439 = arith.addi %add3A_975, %add3A_1438 : i32
        %swap3A_1440 = arith.index_cast %add3A_1439 : i32 to index
        %swap3A_1441 = tpu.vector_load %arg9[%swap3A_1440] {strides = array<i32>} : memref<512xf32, #tpu.memory_space<vmem>>, vector<16xf32>,
        %swap3A_1442 = vector.shape_cast %swap3A_1441 : vector<16xf32> to vector<16xf32>
        %swap3A_1443 = vector.shape_cast %add3A_1291 : vector<16xf32> to vector<16xf32>
        tpu.vector_store %arg9[%swap3A_1440], %swap3A_1443 {add = true, strides = array<i32>} : memref<512xf32, #tpu.memory_space<vmem>>, vector<16xf32>,
        %add3A_1444 = arith.constant 96 : i32
        %add3A_1445 = arith.addi %add3A_975, %add3A_1444 : i32
        %swap3A_1446 = arith.index_cast %add3A_1445 : i32 to index
        %swap3A_1447 = tpu.vector_load %arg9[%swap3A_1446] {strides = array<i32>} : memref<512xf32, #tpu.memory_space<vmem>>, vector<16xf32>,
        %swap3A_1448 = vector.shape_cast %swap3A_1447 : vector<16xf32> to vector<16xf32>
        %swap3A_1449 = vector.shape_cast %add3A_1346 : vector<16xf32> to vector<16xf32>
        tpu.vector_store %arg9[%swap3A_1446], %swap3A_1449 {add = true, strides = array<i32>} : memref<512xf32, #tpu.memory_space<vmem>>, vector<16xf32>,
        %add3A_1450 = arith.constant 112 : i32
        %add3A_1451 = arith.addi %add3A_975, %add3A_1450 : i32
        %swap3A_1452 = arith.index_cast %add3A_1451 : i32 to index
        %swap3A_1453 = tpu.vector_load %arg9[%swap3A_1452] {strides = array<i32>} : memref<512xf32, #tpu.memory_space<vmem>>, vector<16xf32>,
        %swap3A_1454 = vector.shape_cast %swap3A_1453 : vector<16xf32> to vector<16xf32>
        %swap3A_1455 = vector.shape_cast %add3A_1401 : vector<16xf32> to vector<16xf32>
        tpu.vector_store %arg9[%swap3A_1452], %swap3A_1455 {add = true, strides = array<i32>} : memref<512xf32, #tpu.memory_space<vmem>>, vector<16xf32>,
        %add3A_1456 = arith.constant 128 : i32
        %add3A_1457 = arith.addi %add3A_975, %add3A_1456 : i32
        %swap3A_1458 = arith.index_cast %add3A_1457 : i32 to index
        %swap3A_1459 = tpu.vector_load %arg9[%swap3A_1458] {strides = array<i32>} : memref<512xf32, #tpu.memory_space<vmem>>, vector<16xf32>,
        %swap3A_1460 = vector.shape_cast %swap3A_1459 : vector<16xf32> to vector<16xf32>
        %swap3A_1461 = vector.shape_cast %add3A_1402 : vector<16xf32> to vector<16xf32>
        tpu.vector_store %arg9[%swap3A_1458], %swap3A_1461 {add = true, strides = array<i32>} : memref<512xf32, #tpu.memory_space<vmem>>, vector<16xf32>,
        %add3A_1462 = arith.constant 144 : i32
        %add3A_1463 = arith.addi %add3A_975, %add3A_1462 : i32
        %swap3A_1464 = arith.index_cast %add3A_1463 : i32 to index
        %swap3A_1465 = tpu.vector_load %arg9[%swap3A_1464] {strides = array<i32>} : memref<512xf32, #tpu.memory_space<vmem>>, vector<16xf32>,
        %swap3A_1466 = vector.shape_cast %swap3A_1465 : vector<16xf32> to vector<16xf32>
        %swap3A_1467 = vector.shape_cast %add3A_1403 : vector<16xf32> to vector<16xf32>
        tpu.vector_store %arg9[%swap3A_1464], %swap3A_1467 {add = true, strides = array<i32>} : memref<512xf32, #tpu.memory_space<vmem>>, vector<16xf32>,
        %add3A_1468 = arith.constant 160 : i32
        %add3A_1469 = arith.addi %add3A_975, %add3A_1468 : i32
        %swap3A_1470 = arith.index_cast %add3A_1469 : i32 to index
        %swap3A_1471 = tpu.vector_load %arg9[%swap3A_1470] {strides = array<i32>} : memref<512xf32, #tpu.memory_space<vmem>>, vector<16xf32>,
        %swap3A_1472 = vector.shape_cast %swap3A_1471 : vector<16xf32> to vector<16xf32>
        %swap3A_1473 = vector.shape_cast %add3A_1404 : vector<16xf32> to vector<16xf32>
        tpu.vector_store %arg9[%swap3A_1470], %swap3A_1473 {add = true, strides = array<i32>} : memref<512xf32, #tpu.memory_space<vmem>>, vector<16xf32>,
        %add3A_1474 = arith.constant 176 : i32
        %add3A_1475 = arith.addi %add3A_975, %add3A_1474 : i32
        %swap3A_1476 = arith.index_cast %add3A_1475 : i32 to index
        %swap3A_1477 = tpu.vector_load %arg9[%swap3A_1476] {strides = array<i32>} : memref<512xf32, #tpu.memory_space<vmem>>, vector<16xf32>,
        %swap3A_1478 = vector.shape_cast %swap3A_1477 : vector<16xf32> to vector<16xf32>
        %swap3A_1479 = vector.shape_cast %add3A_1405 : vector<16xf32> to vector<16xf32>
        tpu.vector_store %arg9[%swap3A_1476], %swap3A_1479 {add = true, strides = array<i32>} : memref<512xf32, #tpu.memory_space<vmem>>, vector<16xf32>,
        %add3A_1480 = arith.constant 192 : i32
        %add3A_1481 = arith.addi %add3A_975, %add3A_1480 : i32
        %swap3A_1482 = arith.index_cast %add3A_1481 : i32 to index
        %swap3A_1483 = tpu.vector_load %arg9[%swap3A_1482] {strides = array<i32>} : memref<512xf32, #tpu.memory_space<vmem>>, vector<16xf32>,
        %swap3A_1484 = vector.shape_cast %swap3A_1483 : vector<16xf32> to vector<16xf32>
        %swap3A_1485 = vector.shape_cast %add3A_1406 : vector<16xf32> to vector<16xf32>
        tpu.vector_store %arg9[%swap3A_1482], %swap3A_1485 {add = true, strides = array<i32>} : memref<512xf32, #tpu.memory_space<vmem>>, vector<16xf32>,
        %add3A_1486 = arith.constant 208 : i32
        %add3A_1487 = arith.addi %add3A_975, %add3A_1486 : i32
        %swap3A_1488 = arith.index_cast %add3A_1487 : i32 to index
        %swap3A_1489 = tpu.vector_load %arg9[%swap3A_1488] {strides = array<i32>} : memref<512xf32, #tpu.memory_space<vmem>>, vector<16xf32>,
        %swap3A_1490 = vector.shape_cast %swap3A_1489 : vector<16xf32> to vector<16xf32>
        %swap3A_1491 = vector.shape_cast %add3A_1407 : vector<16xf32> to vector<16xf32>
        tpu.vector_store %arg9[%swap3A_1488], %swap3A_1491 {add = true, strides = array<i32>} : memref<512xf32, #tpu.memory_space<vmem>>, vector<16xf32>,
        %add3A_1492 = arith.constant 224 : i32
        %add3A_1493 = arith.addi %add3A_975, %add3A_1492 : i32
        %swap3A_1494 = arith.index_cast %add3A_1493 : i32 to index
        %swap3A_1495 = tpu.vector_load %arg9[%swap3A_1494] {strides = array<i32>} : memref<512xf32, #tpu.memory_space<vmem>>, vector<16xf32>,
        %swap3A_1496 = vector.shape_cast %swap3A_1495 : vector<16xf32> to vector<16xf32>
        %swap3A_1497 = vector.shape_cast %get3A_1400 : vector<16xf32> to vector<16xf32>
        tpu.vector_store %arg9[%swap3A_1494], %swap3A_1497 {add = true, strides = array<i32>} : memref<512xf32, #tpu.memory_space<vmem>>, vector<16xf32>,
      }
      %scan3A_925 = arith.constant 32 : i32
      %add3A_926 = arith.constant 3 : i32
      %add3A_927 = arith.addi %add3A_777, %add3A_926 : i32
      %lt3A_928 = arith.constant 32 : i32
      %lt3A_929 = arith.cmpi slt, %add3A_927, %lt3A_928 : i32
      %convert_element_type3A_930 = arith.extui %lt3A_929 : i1 to i32
      %cond3A_931 = arith.constant 0 : i32
      %cond3A_932 = arith.cmpi ne, %convert_element_type3A_930, %cond3A_931 : i32
      scf.if %cond3A_932 {
        %add3A_940 = arith.constant 3 : i32
        %add3A_941 = arith.addi %add3A_777, %add3A_940 : i32
        %add3A_942 = arith.addi %mul3A_2, %add3A_941 : i32
        %dma_start3A_943 = arith.constant 0 : i32
        %dma_start3A_944 = arith.constant 0 : i32
        %dma_start3A_945 = tpu.memref_slice %arg6[%dma_start3A_943, %dma_start3A_944] : memref<256x128xf32, #tpu.memory_space<vmem>> -> memref<128x128xf32, #tpu.memory_space<vmem>>
        %dma_start3A_946 = arith.constant 0 : i32
        %dma_start3A_947 = arith.constant 0 : i32
        %dma_start3A_948 = tpu.memref_slice %arg2[%add3A_942, %dma_start3A_946, %dma_start3A_947] : memref<1024x256x128xf32, #tpu.memory_space<hbm>> -> memref<1x128x128xf32, #tpu.memory_space<hbm>>
        %dma_start3A_949 = tpu.memref_squeeze %dma_start3A_948 : memref<1x128x128xf32, #tpu.memory_space<hbm>> -> memref<128x128xf32, #tpu.memory_space<hbm>>
        %dma_start3A_950 = arith.constant 0 : i32
        %dma_start3A_951 = arith.constant 0 : i32
        %dma_start3A_952 = tpu.memref_slice %arg6[%dma_start3A_950, %dma_start3A_951] : memref<256x128xf32, #tpu.memory_space<vmem>> -> memref<128x128xf32, #tpu.memory_space<vmem>>
        %dma_start3A_953 = arith.constant 0 : i32
        %dma_start3A_954 = arith.constant 0 : i32
        %dma_start3A_955 = tpu.memref_slice %arg2[%add3A_942, %dma_start3A_953, %dma_start3A_954] : memref<1024x256x128xf32, #tpu.memory_space<hbm>> -> memref<1x128x128xf32, #tpu.memory_space<hbm>>
        %dma_start3A_956 = tpu.memref_squeeze %dma_start3A_955 : memref<1x128x128xf32, #tpu.memory_space<hbm>> -> memref<128x128xf32, #tpu.memory_space<hbm>>
        tpu.enqueue_dma source(%dma_start3A_956 : memref<128x128xf32, #tpu.memory_space<hbm>>) target(%dma_start3A_952 : memref<128x128xf32, #tpu.memory_space<vmem>>) target_semaphore(%arg12 : memref<!tpu.dma_semaphore, #tpu.memory_space<semaphore_mem>>)
        %add3A_957 = arith.addi %mul3A_2, %add3A_941 : i32
        %dma_start3A_958 = arith.constant 128 : i32
        %dma_start3A_959 = arith.constant 0 : i32
        %dma_start3A_960 = tpu.memref_slice %arg6[%dma_start3A_958, %dma_start3A_959] : memref<256x128xf32, #tpu.memory_space<vmem>> -> memref<128x128xf32, #tpu.memory_space<vmem>>
        %dma_start3A_961 = arith.constant 128 : i32
        %dma_start3A_962 = arith.constant 0 : i32
        %dma_start3A_963 = tpu.memref_slice %arg2[%add3A_957, %dma_start3A_961, %dma_start3A_962] : memref<1024x256x128xf32, #tpu.memory_space<hbm>> -> memref<1x128x128xf32, #tpu.memory_space<hbm>>
        %dma_start3A_964 = tpu.memref_squeeze %dma_start3A_963 : memref<1x128x128xf32, #tpu.memory_space<hbm>> -> memref<128x128xf32, #tpu.memory_space<hbm>>
        %dma_start3A_965 = arith.constant 128 : i32
        %dma_start3A_966 = arith.constant 0 : i32
        %dma_start3A_967 = tpu.memref_slice %arg6[%dma_start3A_965, %dma_start3A_966] : memref<256x128xf32, #tpu.memory_space<vmem>> -> memref<128x128xf32, #tpu.memory_space<vmem>>
        %dma_start3A_968 = arith.constant 128 : i32
        %dma_start3A_969 = arith.constant 0 : i32
        %dma_start3A_970 = tpu.memref_slice %arg2[%add3A_957, %dma_start3A_968, %dma_start3A_969] : memref<1024x256x128xf32, #tpu.memory_space<hbm>> -> memref<1x128x128xf32, #tpu.memory_space<hbm>>
        %dma_start3A_971 = tpu.memref_squeeze %dma_start3A_970 : memref<1x128x128xf32, #tpu.memory_space<hbm>> -> memref<128x128xf32, #tpu.memory_space<hbm>>
        tpu.enqueue_dma source(%dma_start3A_971 : memref<128x128xf32, #tpu.memory_space<hbm>>) target(%dma_start3A_967 : memref<128x128xf32, #tpu.memory_space<vmem>>) target_semaphore(%arg12 : memref<!tpu.dma_semaphore, #tpu.memory_space<semaphore_mem>>)
      } else {
      }
      %add3A_933 = arith.addi %mul3A_2, %add3A_777 : i32
      %dma_start3A_934 = arith.constant 0 : i32
      %dma_start3A_935 = tpu.memref_slice %arg3[%add3A_933, %dma_start3A_934] : memref<1024x512xf32, #tpu.memory_space<hbm>> -> memref<1x512xf32, #tpu.memory_space<hbm>>
      %dma_start3A_936 = tpu.memref_squeeze %dma_start3A_935 : memref<1x512xf32, #tpu.memory_space<hbm>> -> memref<512xf32, #tpu.memory_space<hbm>>
      %dma_start3A_937 = arith.constant 0 : i32
      %dma_start3A_938 = tpu.memref_slice %arg3[%add3A_933, %dma_start3A_937] : memref<1024x512xf32, #tpu.memory_space<hbm>> -> memref<1x512xf32, #tpu.memory_space<hbm>>
      %dma_start3A_939 = tpu.memref_squeeze %dma_start3A_938 : memref<1x512xf32, #tpu.memory_space<hbm>> -> memref<512xf32, #tpu.memory_space<hbm>>
      tpu.enqueue_dma source(%arg9 : memref<512xf32, #tpu.memory_space<vmem>>) target(%dma_start3A_939 : memref<512xf32, #tpu.memory_space<hbm>>) target_semaphore(%arg15 : memref<!tpu.dma_semaphore, #tpu.memory_space<semaphore_mem>>)
    }
    %scan3A_103 = arith.constant 10 : i32
    %add3A_104 = arith.constant 30 : i32
    %add3A_105 = arith.addi %mul3A_2, %add3A_104 : i32
    %dma_wait3A = arith.constant 0 : i32
    %dma_wait3A_106 = tpu.memref_slice %arg3[%add3A_105, %dma_wait3A] : memref<1024x512xf32, #tpu.memory_space<hbm>> -> memref<1x512xf32, #tpu.memory_space<hbm>>
    %dma_wait3A_107 = tpu.memref_squeeze %dma_wait3A_106 : memref<1x512xf32, #tpu.memory_space<hbm>> -> memref<512xf32, #tpu.memory_space<hbm>>
    %dma_wait3A_108 = arith.constant 0 : i32
    %dma_wait3A_109 = tpu.memref_slice %arg3[%add3A_105, %dma_wait3A_108] : memref<1024x512xf32, #tpu.memory_space<hbm>> -> memref<1x512xf32, #tpu.memory_space<hbm>>
    %dma_wait3A_110 = tpu.memref_squeeze %dma_wait3A_109 : memref<1x512xf32, #tpu.memory_space<hbm>> -> memref<512xf32, #tpu.memory_space<hbm>>
    tpu.wait_dma2 semaphore(%arg13 : memref<!tpu.dma_semaphore, #tpu.memory_space<semaphore_mem>>) src(%arg7 : memref<512xf32, #tpu.memory_space<vmem>>) dst(%dma_wait3A_110 : memref<512xf32, #tpu.memory_space<hbm>>)
    %swap3A = arith.constant 0 : index
    %swap3A_111 = tpu.vector_load %arg7[%swap3A] {strides = array<i32>} : memref<512xf32, #tpu.memory_space<vmem>>, vector<16xf32>,
    %swap3A_112 = vector.shape_cast %swap3A_111 : vector<16xf32> to vector<16xf32>
    %swap3A_113 = vector.shape_cast %broadcast_in_dim3A_3 : vector<16xf32> to vector<16xf32>
    tpu.vector_store %arg7[%swap3A], %swap3A_113 {strides = array<i32>} : memref<512xf32, #tpu.memory_space<vmem>>, vector<16xf32>,
    %swap3A_114 = arith.constant 16 : index
    %swap3A_115 = tpu.vector_load %arg7[%swap3A_114] {strides = array<i32>} : memref<512xf32, #tpu.memory_space<vmem>>, vector<16xf32>,
    %swap3A_116 = vector.shape_cast %swap3A_115 : vector<16xf32> to vector<16xf32>
    %swap3A_117 = vector.shape_cast %broadcast_in_dim3A_3 : vector<16xf32> to vector<16xf32>
    tpu.vector_store %arg7[%swap3A_114], %swap3A_117 {strides = array<i32>} : memref<512xf32, #tpu.memory_space<vmem>>, vector<16xf32>,
    %swap3A_118 = arith.constant 32 : index
    %swap3A_119 = tpu.vector_load %arg7[%swap3A_118] {strides = array<i32>} : memref<512xf32, #tpu.memory_space<vmem>>, vector<16xf32>,
    %swap3A_120 = vector.shape_cast %swap3A_119 : vector<16xf32> to vector<16xf32>
    %swap3A_121 = vector.shape_cast %broadcast_in_dim3A_3 : vector<16xf32> to vector<16xf32>
    tpu.vector_store %arg7[%swap3A_118], %swap3A_121 {strides = array<i32>} : memref<512xf32, #tpu.memory_space<vmem>>, vector<16xf32>,
    %swap3A_122 = arith.constant 48 : index
    %swap3A_123 = tpu.vector_load %arg7[%swap3A_122] {strides = array<i32>} : memref<512xf32, #tpu.memory_space<vmem>>, vector<16xf32>,
    %swap3A_124 = vector.shape_cast %swap3A_123 : vector<16xf32> to vector<16xf32>
    %swap3A_125 = vector.shape_cast %broadcast_in_dim3A_3 : vector<16xf32> to vector<16xf32>
    tpu.vector_store %arg7[%swap3A_122], %swap3A_125 {strides = array<i32>} : memref<512xf32, #tpu.memory_space<vmem>>, vector<16xf32>,
    %swap3A_126 = arith.constant 64 : index
    %swap3A_127 = tpu.vector_load %arg7[%swap3A_126] {strides = array<i32>} : memref<512xf32, #tpu.memory_space<vmem>>, vector<16xf32>,
    %swap3A_128 = vector.shape_cast %swap3A_127 : vector<16xf32> to vector<16xf32>
    %swap3A_129 = vector.shape_cast %broadcast_in_dim3A_3 : vector<16xf32> to vector<16xf32>
    tpu.vector_store %arg7[%swap3A_126], %swap3A_129 {strides = array<i32>} : memref<512xf32, #tpu.memory_space<vmem>>, vector<16xf32>,
    %swap3A_130 = arith.constant 80 : index
    %swap3A_131 = tpu.vector_load %arg7[%swap3A_130] {strides = array<i32>} : memref<512xf32, #tpu.memory_space<vmem>>, vector<16xf32>,
    %swap3A_132 = vector.shape_cast %swap3A_131 : vector<16xf32> to vector<16xf32>
    %swap3A_133 = vector.shape_cast %broadcast_in_dim3A_3 : vector<16xf32> to vector<16xf32>
    tpu.vector_store %arg7[%swap3A_130], %swap3A_133 {strides = array<i32>} : memref<512xf32, #tpu.memory_space<vmem>>, vector<16xf32>,
    %swap3A_134 = arith.constant 96 : index
    %swap3A_135 = tpu.vector_load %arg7[%swap3A_134] {strides = array<i32>} : memref<512xf32, #tpu.memory_space<vmem>>, vector<16xf32>,
    %swap3A_136 = vector.shape_cast %swap3A_135 : vector<16xf32> to vector<16xf32>
    %swap3A_137 = vector.shape_cast %broadcast_in_dim3A_3 : vector<16xf32> to vector<16xf32>
    tpu.vector_store %arg7[%swap3A_134], %swap3A_137 {strides = array<i32>} : memref<512xf32, #tpu.memory_space<vmem>>, vector<16xf32>,
    %swap3A_138 = arith.constant 112 : index
    %swap3A_139 = tpu.vector_load %arg7[%swap3A_138] {strides = array<i32>} : memref<512xf32, #tpu.memory_space<vmem>>, vector<16xf32>,
    %swap3A_140 = vector.shape_cast %swap3A_139 : vector<16xf32> to vector<16xf32>
    %swap3A_141 = vector.shape_cast %broadcast_in_dim3A_3 : vector<16xf32> to vector<16xf32>
    tpu.vector_store %arg7[%swap3A_138], %swap3A_141 {strides = array<i32>} : memref<512xf32, #tpu.memory_space<vmem>>, vector<16xf32>,
    %swap3A_142 = arith.constant 128 : index
    %swap3A_143 = tpu.vector_load %arg7[%swap3A_142] {strides = array<i32>} : memref<512xf32, #tpu.memory_space<vmem>>, vector<16xf32>,
    %swap3A_144 = vector.shape_cast %swap3A_143 : vector<16xf32> to vector<16xf32>
    %swap3A_145 = vector.shape_cast %broadcast_in_dim3A_3 : vector<16xf32> to vector<16xf32>
    tpu.vector_store %arg7[%swap3A_142], %swap3A_145 {strides = array<i32>} : memref<512xf32, #tpu.memory_space<vmem>>, vector<16xf32>,
    %swap3A_146 = arith.constant 144 : index
    %swap3A_147 = tpu.vector_load %arg7[%swap3A_146] {strides = array<i32>} : memref<512xf32, #tpu.memory_space<vmem>>, vector<16xf32>,
    %swap3A_148 = vector.shape_cast %swap3A_147 : vector<16xf32> to vector<16xf32>
    %swap3A_149 = vector.shape_cast %broadcast_in_dim3A_3 : vector<16xf32> to vector<16xf32>
    tpu.vector_store %arg7[%swap3A_146], %swap3A_149 {strides = array<i32>} : memref<512xf32, #tpu.memory_space<vmem>>, vector<16xf32>,
    %swap3A_150 = arith.constant 160 : index
    %swap3A_151 = tpu.vector_load %arg7[%swap3A_150] {strides = array<i32>} : memref<512xf32, #tpu.memory_space<vmem>>, vector<16xf32>,
    %swap3A_152 = vector.shape_cast %swap3A_151 : vector<16xf32> to vector<16xf32>
    %swap3A_153 = vector.shape_cast %broadcast_in_dim3A_3 : vector<16xf32> to vector<16xf32>
    tpu.vector_store %arg7[%swap3A_150], %swap3A_153 {strides = array<i32>} : memref<512xf32, #tpu.memory_space<vmem>>, vector<16xf32>,
    %swap3A_154 = arith.constant 176 : index
    %swap3A_155 = tpu.vector_load %arg7[%swap3A_154] {strides = array<i32>} : memref<512xf32, #tpu.memory_space<vmem>>, vector<16xf32>,
    %swap3A_156 = vector.shape_cast %swap3A_155 : vector<16xf32> to vector<16xf32>
    %swap3A_157 = vector.shape_cast %broadcast_in_dim3A_3 : vector<16xf32> to vector<16xf32>
    tpu.vector_store %arg7[%swap3A_154], %swap3A_157 {strides = array<i32>} : memref<512xf32, #tpu.memory_space<vmem>>, vector<16xf32>,
    %swap3A_158 = arith.constant 192 : index
    %swap3A_159 = tpu.vector_load %arg7[%swap3A_158] {strides = array<i32>} : memref<512xf32, #tpu.memory_space<vmem>>, vector<16xf32>,
    %swap3A_160 = vector.shape_cast %swap3A_159 : vector<16xf32> to vector<16xf32>
    %swap3A_161 = vector.shape_cast %broadcast_in_dim3A_3 : vector<16xf32> to vector<16xf32>
    tpu.vector_store %arg7[%swap3A_158], %swap3A_161 {strides = array<i32>} : memref<512xf32, #tpu.memory_space<vmem>>, vector<16xf32>,
    %swap3A_162 = arith.constant 208 : index
    %swap3A_163 = tpu.vector_load %arg7[%swap3A_162] {strides = array<i32>} : memref<512xf32, #tpu.memory_space<vmem>>, vector<16xf32>,
    %swap3A_164 = vector.shape_cast %swap3A_163 : vector<16xf32> to vector<16xf32>
    %swap3A_165 = vector.shape_cast %broadcast_in_dim3A_3 : vector<16xf32> to vector<16xf32>
    tpu.vector_store %arg7[%swap3A_162], %swap3A_165 {strides = array<i32>} : memref<512xf32, #tpu.memory_space<vmem>>, vector<16xf32>,
    %swap3A_166 = arith.constant 224 : index
    %swap3A_167 = tpu.vector_load %arg7[%swap3A_166] {strides = array<i32>} : memref<512xf32, #tpu.memory_space<vmem>>, vector<16xf32>,
    %swap3A_168 = vector.shape_cast %swap3A_167 : vector<16xf32> to vector<16xf32>
    %swap3A_169 = vector.shape_cast %broadcast_in_dim3A_3 : vector<16xf32> to vector<16xf32>
    tpu.vector_store %arg7[%swap3A_166], %swap3A_169 {strides = array<i32>} : memref<512xf32, #tpu.memory_space<vmem>>, vector<16xf32>,
    %swap3A_170 = arith.constant 240 : index
    %swap3A_171 = tpu.vector_load %arg7[%swap3A_170] {strides = array<i32>} : memref<512xf32, #tpu.memory_space<vmem>>, vector<16xf32>,
    %swap3A_172 = vector.shape_cast %swap3A_171 : vector<16xf32> to vector<16xf32>
    %swap3A_173 = vector.shape_cast %broadcast_in_dim3A_3 : vector<16xf32> to vector<16xf32>
    tpu.vector_store %arg7[%swap3A_170], %swap3A_173 {strides = array<i32>} : memref<512xf32, #tpu.memory_space<vmem>>, vector<16xf32>,
    %swap3A_174 = arith.constant 256 : index
    %swap3A_175 = tpu.vector_load %arg7[%swap3A_174] {strides = array<i32>} : memref<512xf32, #tpu.memory_space<vmem>>, vector<16xf32>,
    %swap3A_176 = vector.shape_cast %swap3A_175 : vector<16xf32> to vector<16xf32>
    %swap3A_177 = vector.shape_cast %broadcast_in_dim3A_3 : vector<16xf32> to vector<16xf32>
    tpu.vector_store %arg7[%swap3A_174], %swap3A_177 {strides = array<i32>} : memref<512xf32, #tpu.memory_space<vmem>>, vector<16xf32>,
    %swap3A_178 = arith.constant 272 : index
    %swap3A_179 = tpu.vector_load %arg7[%swap3A_178] {strides = array<i32>} : memref<512xf32, #tpu.memory_space<vmem>>, vector<16xf32>,
    %swap3A_180 = vector.shape_cast %swap3A_179 : vector<16xf32> to vector<16xf32>
    %swap3A_181 = vector.shape_cast %broadcast_in_dim3A_3 : vector<16xf32> to vector<16xf32>
    tpu.vector_store %arg7[%swap3A_178], %swap3A_181 {strides = array<i32>} : memref<512xf32, #tpu.memory_space<vmem>>, vector<16xf32>,
    %swap3A_182 = arith.constant 288 : index
    %swap3A_183 = tpu.vector_load %arg7[%swap3A_182] {strides = array<i32>} : memref<512xf32, #tpu.memory_space<vmem>>, vector<16xf32>,
    %swap3A_184 = vector.shape_cast %swap3A_183 : vector<16xf32> to vector<16xf32>
    %swap3A_185 = vector.shape_cast %broadcast_in_dim3A_3 : vector<16xf32> to vector<16xf32>
    tpu.vector_store %arg7[%swap3A_182], %swap3A_185 {strides = array<i32>} : memref<512xf32, #tpu.memory_space<vmem>>, vector<16xf32>,
    %swap3A_186 = arith.constant 304 : index
    %swap3A_187 = tpu.vector_load %arg7[%swap3A_186] {strides = array<i32>} : memref<512xf32, #tpu.memory_space<vmem>>, vector<16xf32>,
    %swap3A_188 = vector.shape_cast %swap3A_187 : vector<16xf32> to vector<16xf32>
    %swap3A_189 = vector.shape_cast %broadcast_in_dim3A_3 : vector<16xf32> to vector<16xf32>
    tpu.vector_store %arg7[%swap3A_186], %swap3A_189 {strides = array<i32>} : memref<512xf32, #tpu.memory_space<vmem>>, vector<16xf32>,
    %swap3A_190 = arith.constant 320 : index
    %swap3A_191 = tpu.vector_load %arg7[%swap3A_190] {strides = array<i32>} : memref<512xf32, #tpu.memory_space<vmem>>, vector<16xf32>,
    %swap3A_192 = vector.shape_cast %swap3A_191 : vector<16xf32> to vector<16xf32>
    %swap3A_193 = vector.shape_cast %broadcast_in_dim3A_3 : vector<16xf32> to vector<16xf32>
    tpu.vector_store %arg7[%swap3A_190], %swap3A_193 {strides = array<i32>} : memref<512xf32, #tpu.memory_space<vmem>>, vector<16xf32>,
    %swap3A_194 = arith.constant 336 : index
    %swap3A_195 = tpu.vector_load %arg7[%swap3A_194] {strides = array<i32>} : memref<512xf32, #tpu.memory_space<vmem>>, vector<16xf32>,
    %swap3A_196 = vector.shape_cast %swap3A_195 : vector<16xf32> to vector<16xf32>
    %swap3A_197 = vector.shape_cast %broadcast_in_dim3A_3 : vector<16xf32> to vector<16xf32>
    tpu.vector_store %arg7[%swap3A_194], %swap3A_197 {strides = array<i32>} : memref<512xf32, #tpu.memory_space<vmem>>, vector<16xf32>,
    %swap3A_198 = arith.constant 352 : index
    %swap3A_199 = tpu.vector_load %arg7[%swap3A_198] {strides = array<i32>} : memref<512xf32, #tpu.memory_space<vmem>>, vector<16xf32>,
    %swap3A_200 = vector.shape_cast %swap3A_199 : vector<16xf32> to vector<16xf32>
    %swap3A_201 = vector.shape_cast %broadcast_in_dim3A_3 : vector<16xf32> to vector<16xf32>
    tpu.vector_store %arg7[%swap3A_198], %swap3A_201 {strides = array<i32>} : memref<512xf32, #tpu.memory_space<vmem>>, vector<16xf32>,
    %swap3A_202 = arith.constant 368 : index
    %swap3A_203 = tpu.vector_load %arg7[%swap3A_202] {strides = array<i32>} : memref<512xf32, #tpu.memory_space<vmem>>, vector<16xf32>,
    %swap3A_204 = vector.shape_cast %swap3A_203 : vector<16xf32> to vector<16xf32>
    %swap3A_205 = vector.shape_cast %broadcast_in_dim3A_3 : vector<16xf32> to vector<16xf32>
    tpu.vector_store %arg7[%swap3A_202], %swap3A_205 {strides = array<i32>} : memref<512xf32, #tpu.memory_space<vmem>>, vector<16xf32>,
    %swap3A_206 = arith.constant 384 : index
    %swap3A_207 = tpu.vector_load %arg7[%swap3A_206] {strides = array<i32>} : memref<512xf32, #tpu.memory_space<vmem>>, vector<16xf32>,
    %swap3A_208 = vector.shape_cast %swap3A_207 : vector<16xf32> to vector<16xf32>
    %swap3A_209 = vector.shape_cast %broadcast_in_dim3A_3 : vector<16xf32> to vector<16xf32>
    tpu.vector_store %arg7[%swap3A_206], %swap3A_209 {strides = array<i32>} : memref<512xf32, #tpu.memory_space<vmem>>, vector<16xf32>,
    %swap3A_210 = arith.constant 400 : index
    %swap3A_211 = tpu.vector_load %arg7[%swap3A_210] {strides = array<i32>} : memref<512xf32, #tpu.memory_space<vmem>>, vector<16xf32>,
    %swap3A_212 = vector.shape_cast %swap3A_211 : vector<16xf32> to vector<16xf32>
    %swap3A_213 = vector.shape_cast %broadcast_in_dim3A_3 : vector<16xf32> to vector<16xf32>
    tpu.vector_store %arg7[%swap3A_210], %swap3A_213 {strides = array<i32>} : memref<512xf32, #tpu.memory_space<vmem>>, vector<16xf32>,
    %swap3A_214 = arith.constant 416 : index
    %swap3A_215 = tpu.vector_load %arg7[%swap3A_214] {strides = array<i32>} : memref<512xf32, #tpu.memory_space<vmem>>, vector<16xf32>,
    %swap3A_216 = vector.shape_cast %swap3A_215 : vector<16xf32> to vector<16xf32>
    %swap3A_217 = vector.shape_cast %broadcast_in_dim3A_3 : vector<16xf32> to vector<16xf32>
    tpu.vector_store %arg7[%swap3A_214], %swap3A_217 {strides = array<i32>} : memref<512xf32, #tpu.memory_space<vmem>>, vector<16xf32>,
    %swap3A_218 = arith.constant 432 : index
    %swap3A_219 = tpu.vector_load %arg7[%swap3A_218] {strides = array<i32>} : memref<512xf32, #tpu.memory_space<vmem>>, vector<16xf32>,
    %swap3A_220 = vector.shape_cast %swap3A_219 : vector<16xf32> to vector<16xf32>
    %swap3A_221 = vector.shape_cast %broadcast_in_dim3A_3 : vector<16xf32> to vector<16xf32>
    tpu.vector_store %arg7[%swap3A_218], %swap3A_221 {strides = array<i32>} : memref<512xf32, #tpu.memory_space<vmem>>, vector<16xf32>,
    %swap3A_222 = arith.constant 448 : index
    %swap3A_223 = tpu.vector_load %arg7[%swap3A_222] {strides = array<i32>} : memref<512xf32, #tpu.memory_space<vmem>>, vector<16xf32>,
    %swap3A_224 = vector.shape_cast %swap3A_223 : vector<16xf32> to vector<16xf32>
    %swap3A_225 = vector.shape_cast %broadcast_in_dim3A_3 : vector<16xf32> to vector<16xf32>
    tpu.vector_store %arg7[%swap3A_222], %swap3A_225 {strides = array<i32>} : memref<512xf32, #tpu.memory_space<vmem>>, vector<16xf32>,
    %swap3A_226 = arith.constant 464 : index
    %swap3A_227 = tpu.vector_load %arg7[%swap3A_226] {strides = array<i32>} : memref<512xf32, #tpu.memory_space<vmem>>, vector<16xf32>,
    %swap3A_228 = vector.shape_cast %swap3A_227 : vector<16xf32> to vector<16xf32>
    %swap3A_229 = vector.shape_cast %broadcast_in_dim3A_3 : vector<16xf32> to vector<16xf32>
    tpu.vector_store %arg7[%swap3A_226], %swap3A_229 {strides = array<i32>} : memref<512xf32, #tpu.memory_space<vmem>>, vector<16xf32>,
    %swap3A_230 = arith.constant 480 : index
    %swap3A_231 = tpu.vector_load %arg7[%swap3A_230] {strides = array<i32>} : memref<512xf32, #tpu.memory_space<vmem>>, vector<16xf32>,
    %swap3A_232 = vector.shape_cast %swap3A_231 : vector<16xf32> to vector<16xf32>
    %swap3A_233 = vector.shape_cast %broadcast_in_dim3A_3 : vector<16xf32> to vector<16xf32>
    tpu.vector_store %arg7[%swap3A_230], %swap3A_233 {strides = array<i32>} : memref<512xf32, #tpu.memory_space<vmem>>, vector<16xf32>,
    %swap3A_234 = arith.constant 496 : index
    %swap3A_235 = tpu.vector_load %arg7[%swap3A_234] {strides = array<i32>} : memref<512xf32, #tpu.memory_space<vmem>>, vector<16xf32>,
    %swap3A_236 = vector.shape_cast %swap3A_235 : vector<16xf32> to vector<16xf32>
    %swap3A_237 = vector.shape_cast %broadcast_in_dim3A_3 : vector<16xf32> to vector<16xf32>
    tpu.vector_store %arg7[%swap3A_234], %swap3A_237 {strides = array<i32>} : memref<512xf32, #tpu.memory_space<vmem>>, vector<16xf32>,
    %add3A_238 = arith.constant 30 : i32
    %add3A_239 = arith.addi %mul3A_2, %add3A_238 : i32
    %dma_wait3A_240 = arith.constant 0 : i32
    %dma_wait3A_241 = arith.constant 0 : i32
    %dma_wait3A_242 = tpu.memref_slice %arg2[%add3A_239, %dma_wait3A_240, %dma_wait3A_241] : memref<1024x256x128xf32, #tpu.memory_space<hbm>> -> memref<1x256x128xf32, #tpu.memory_space<hbm>>
    %dma_wait3A_243 = tpu.memref_squeeze %dma_wait3A_242 : memref<1x256x128xf32, #tpu.memory_space<hbm>> -> memref<256x128xf32, #tpu.memory_space<hbm>>
    %dma_wait3A_244 = arith.constant 0 : i32
    %dma_wait3A_245 = arith.constant 0 : i32
    %dma_wait3A_246 = tpu.memref_slice %arg2[%add3A_239, %dma_wait3A_244, %dma_wait3A_245] : memref<1024x256x128xf32, #tpu.memory_space<hbm>> -> memref<1x256x128xf32, #tpu.memory_space<hbm>>
    %dma_wait3A_247 = tpu.memref_squeeze %dma_wait3A_246 : memref<1x256x128xf32, #tpu.memory_space<hbm>> -> memref<256x128xf32, #tpu.memory_space<hbm>>
    tpu.wait_dma2 semaphore(%arg10 : memref<!tpu.dma_semaphore, #tpu.memory_space<semaphore_mem>>) src(%dma_wait3A_247 : memref<256x128xf32, #tpu.memory_space<hbm>>) dst(%arg4 : memref<256x128xf32, #tpu.memory_space<vmem>>)
    %scan3A_248 = arith.constant 0 : i32
    %scan3A_249 = arith.constant 0 : i32
    %scan3A_250 = arith.constant 32 : i32
    %scan3A_251 = arith.addi %scan3A_249, %scan3A_250 : i32
    %scan3A_252 = arith.constant 1 : i32
    scf.for %scan3A_451 = %scan3A_249 to %scan3A_251 step %scan3A_252  : i32 {
      %jit3A = arith.constant 2 : i32
      %eq3A = arith.constant 0 : i32
      %eq3A_452 = arith.cmpi eq, %jit3A, %eq3A : i32
      %jit3A_453 = arith.constant 1 : i32
      %select_n3A = arith.select %eq3A_452, %jit3A_453, %jit3A : i32
      %rem3A = arith.remsi %scan3A_451, %select_n3A : i32
      %ne3A = arith.constant 0 : i32
      %ne3A_454 = arith.cmpi ne, %rem3A, %ne3A : i32
      %lt3A = arith.constant 0 : i32
      %lt3A_455 = arith.cmpi slt, %rem3A, %lt3A : i32
      %lt3A_456 = arith.constant 0 : i32
      %lt3A_457 = arith.cmpi slt, %select_n3A, %lt3A_456 : i32
      %ne3A_458 = arith.xori %lt3A_455, %lt3A_457 : i1
      %and3A = arith.andi %ne3A_458, %ne3A_454 : i1
      %add3A_459 = arith.addi %rem3A, %select_n3A : i32
      %select_n3A_460 = arith.select %and3A, %add3A_459, %rem3A : i32
      %mul3A_461 = arith.constant 256 : i32
      %mul3A_462 = arith.muli %mul3A_461, %select_n3A_460 : i32
      %jit3A_463 = arith.constant 2 : i32
      %div3A = arith.divsi %scan3A_451, %jit3A_463 : i32
      %sign3A = arith.constant 0 : i32
      %sign3A_464 = arith.cmpi sgt, %scan3A_451, %sign3A : i32
      %sign3A_465 = arith.extui %sign3A_464 : i1 to i32
      %sign3A_466 = arith.constant 0 : i32
      %sign3A_467 = arith.cmpi slt, %scan3A_451, %sign3A_466 : i32
      %sign3A_468 = arith.extui %sign3A_467 : i1 to i32
      %sign3A_469 = arith.subi %sign3A_465, %sign3A_468 : i32
      %sign3A_470 = arith.constant 0 : i32
      %sign3A_471 = arith.cmpi sgt, %jit3A_463, %sign3A_470 : i32
      %sign3A_472 = arith.extui %sign3A_471 : i1 to i32
      %sign3A_473 = arith.constant 0 : i32
      %sign3A_474 = arith.cmpi slt, %jit3A_463, %sign3A_473 : i32
      %sign3A_475 = arith.extui %sign3A_474 : i1 to i32
      %sign3A_476 = arith.subi %sign3A_472, %sign3A_475 : i32
      %ne3A_477 = arith.cmpi ne, %sign3A_469, %sign3A_476 : i32
      %rem3A_478 = arith.remsi %scan3A_451, %jit3A_463 : i32
      %ne3A_479 = arith.constant 0 : i32
      %ne3A_480 = arith.cmpi ne, %rem3A_478, %ne3A_479 : i32
      %and3A_481 = arith.andi %ne3A_477, %ne3A_480 : i1
      %sub3A_482 = arith.constant 1 : i32
      %sub3A_483 = arith.subi %div3A, %sub3A_482 : i32
      %select_n3A_484 = arith.select %and3A_481, %sub3A_483, %div3A : i32
      %add3A_485 = arith.addi %mul3A_462, %select_n3A_484 : i32
      %add3A_486 = arith.constant 0 : i32
      %add3A_487 = arith.addi %scan3A_451, %add3A_486 : i32
      %get3A = arith.index_cast %add3A_487 : i32 to index
      %get3A_488 = arith.constant 0 : index
      %get3A_489 = tpu.vector_load %arg4[%get3A, %get3A_488] {strides = array<i32>} : memref<256x128xf32, #tpu.memory_space<vmem>>, vector<1x16xf32>,
      %get3A_490 = vector.shape_cast %get3A_489 : vector<1x16xf32> to vector<16xf32>
      %add3A_491 = arith.constant 0 : i32
      %add3A_492 = arith.addi %scan3A_451, %add3A_491 : i32
      %get3A_493 = arith.index_cast %add3A_492 : i32 to index
      %get3A_494 = arith.constant 16 : index
      %get3A_495 = tpu.vector_load %arg4[%get3A_493, %get3A_494] {strides = array<i32>} : memref<256x128xf32, #tpu.memory_space<vmem>>, vector<1x16xf32>,
      %get3A_496 = vector.shape_cast %get3A_495 : vector<1x16xf32> to vector<16xf32>
      %add3A_497 = arith.constant 0 : i32
      %add3A_498 = arith.addi %scan3A_451, %add3A_497 : i32
      %get3A_499 = arith.index_cast %add3A_498 : i32 to index
      %get3A_500 = arith.constant 32 : index
      %get3A_501 = tpu.vector_load %arg4[%get3A_499, %get3A_500] {strides = array<i32>} : memref<256x128xf32, #tpu.memory_space<vmem>>, vector<1x16xf32>,
      %get3A_502 = vector.shape_cast %get3A_501 : vector<1x16xf32> to vector<16xf32>
      %add3A_503 = arith.constant 0 : i32
      %add3A_504 = arith.addi %scan3A_451, %add3A_503 : i32
      %get3A_505 = arith.index_cast %add3A_504 : i32 to index
      %get3A_506 = arith.constant 48 : index
      %get3A_507 = tpu.vector_load %arg4[%get3A_505, %get3A_506] {strides = array<i32>} : memref<256x128xf32, #tpu.memory_space<vmem>>, vector<1x16xf32>,
      %get3A_508 = vector.shape_cast %get3A_507 : vector<1x16xf32> to vector<16xf32>
      %add3A_509 = arith.constant 0 : i32
      %add3A_510 = arith.addi %scan3A_451, %add3A_509 : i32
      %get3A_511 = arith.index_cast %add3A_510 : i32 to index
      %get3A_512 = arith.constant 64 : index
      %get3A_513 = tpu.vector_load %arg4[%get3A_511, %get3A_512] {strides = array<i32>} : memref<256x128xf32, #tpu.memory_space<vmem>>, vector<1x16xf32>,
      %get3A_514 = vector.shape_cast %get3A_513 : vector<1x16xf32> to vector<16xf32>
      %add3A_515 = arith.constant 0 : i32
      %add3A_516 = arith.addi %scan3A_451, %add3A_515 : i32
      %get3A_517 = arith.index_cast %add3A_516 : i32 to index
      %get3A_518 = arith.constant 80 : index
      %get3A_519 = tpu.vector_load %arg4[%get3A_517, %get3A_518] {strides = array<i32>} : memref<256x128xf32, #tpu.memory_space<vmem>>, vector<1x16xf32>,
      %get3A_520 = vector.shape_cast %get3A_519 : vector<1x16xf32> to vector<16xf32>
      %add3A_521 = arith.constant 0 : i32
      %add3A_522 = arith.addi %scan3A_451, %add3A_521 : i32
      %get3A_523 = arith.index_cast %add3A_522 : i32 to index
      %get3A_524 = arith.constant 96 : index
      %get3A_525 = tpu.vector_load %arg4[%get3A_523, %get3A_524] {strides = array<i32>} : memref<256x128xf32, #tpu.memory_space<vmem>>, vector<1x16xf32>,
      %get3A_526 = vector.shape_cast %get3A_525 : vector<1x16xf32> to vector<16xf32>
      %add3A_527 = arith.constant 0 : i32
      %add3A_528 = arith.addi %scan3A_451, %add3A_527 : i32
      %get3A_529 = arith.index_cast %add3A_528 : i32 to index
      %get3A_530 = arith.constant 112 : index
      %get3A_531 = tpu.vector_load %arg4[%get3A_529, %get3A_530] {strides = array<i32>} : memref<256x128xf32, #tpu.memory_space<vmem>>, vector<1x16xf32>,
      %get3A_532 = vector.shape_cast %get3A_531 : vector<1x16xf32> to vector<16xf32>
      %add3A_533 = arith.constant 32 : i32
      %add3A_534 = arith.addi %scan3A_451, %add3A_533 : i32
      %get3A_535 = arith.index_cast %add3A_534 : i32 to index
      %get3A_536 = arith.constant 0 : index
      %get3A_537 = tpu.vector_load %arg4[%get3A_535, %get3A_536] {strides = array<i32>} : memref<256x128xf32, #tpu.memory_space<vmem>>, vector<1x16xf32>,
      %get3A_538 = vector.shape_cast %get3A_537 : vector<1x16xf32> to vector<16xf32>
      %add3A_539 = arith.constant 32 : i32
      %add3A_540 = arith.addi %scan3A_451, %add3A_539 : i32
      %get3A_541 = arith.index_cast %add3A_540 : i32 to index
      %get3A_542 = arith.constant 16 : index
      %get3A_543 = tpu.vector_load %arg4[%get3A_541, %get3A_542] {strides = array<i32>} : memref<256x128xf32, #tpu.memory_space<vmem>>, vector<1x16xf32>,
      %get3A_544 = vector.shape_cast %get3A_543 : vector<1x16xf32> to vector<16xf32>
      %add3A_545 = arith.constant 32 : i32
      %add3A_546 = arith.addi %scan3A_451, %add3A_545 : i32
      %get3A_547 = arith.index_cast %add3A_546 : i32 to index
      %get3A_548 = arith.constant 32 : index
      %get3A_549 = tpu.vector_load %arg4[%get3A_547, %get3A_548] {strides = array<i32>} : memref<256x128xf32, #tpu.memory_space<vmem>>, vector<1x16xf32>,
      %get3A_550 = vector.shape_cast %get3A_549 : vector<1x16xf32> to vector<16xf32>
      %add3A_551 = arith.constant 32 : i32
      %add3A_552 = arith.addi %scan3A_451, %add3A_551 : i32
      %get3A_553 = arith.index_cast %add3A_552 : i32 to index
      %get3A_554 = arith.constant 48 : index
      %get3A_555 = tpu.vector_load %arg4[%get3A_553, %get3A_554] {strides = array<i32>} : memref<256x128xf32, #tpu.memory_space<vmem>>, vector<1x16xf32>,
      %get3A_556 = vector.shape_cast %get3A_555 : vector<1x16xf32> to vector<16xf32>
      %add3A_557 = arith.constant 32 : i32
      %add3A_558 = arith.addi %scan3A_451, %add3A_557 : i32
      %get3A_559 = arith.index_cast %add3A_558 : i32 to index
      %get3A_560 = arith.constant 64 : index
      %get3A_561 = tpu.vector_load %arg4[%get3A_559, %get3A_560] {strides = array<i32>} : memref<256x128xf32, #tpu.memory_space<vmem>>, vector<1x16xf32>,
      %get3A_562 = vector.shape_cast %get3A_561 : vector<1x16xf32> to vector<16xf32>
      %add3A_563 = arith.constant 32 : i32
      %add3A_564 = arith.addi %scan3A_451, %add3A_563 : i32
      %get3A_565 = arith.index_cast %add3A_564 : i32 to index
      %get3A_566 = arith.constant 80 : index
      %get3A_567 = tpu.vector_load %arg4[%get3A_565, %get3A_566] {strides = array<i32>} : memref<256x128xf32, #tpu.memory_space<vmem>>, vector<1x16xf32>,
      %get3A_568 = vector.shape_cast %get3A_567 : vector<1x16xf32> to vector<16xf32>
      %add3A_569 = arith.constant 32 : i32
      %add3A_570 = arith.addi %scan3A_451, %add3A_569 : i32
      %get3A_571 = arith.index_cast %add3A_570 : i32 to index
      %get3A_572 = arith.constant 96 : index
      %get3A_573 = tpu.vector_load %arg4[%get3A_571, %get3A_572] {strides = array<i32>} : memref<256x128xf32, #tpu.memory_space<vmem>>, vector<1x16xf32>,
      %get3A_574 = vector.shape_cast %get3A_573 : vector<1x16xf32> to vector<16xf32>
      %add3A_575 = arith.constant 32 : i32
      %add3A_576 = arith.addi %scan3A_451, %add3A_575 : i32
      %get3A_577 = arith.index_cast %add3A_576 : i32 to index
      %get3A_578 = arith.constant 112 : index
      %get3A_579 = tpu.vector_load %arg4[%get3A_577, %get3A_578] {strides = array<i32>} : memref<256x128xf32, #tpu.memory_space<vmem>>, vector<1x16xf32>,
      %get3A_580 = vector.shape_cast %get3A_579 : vector<1x16xf32> to vector<16xf32>
      %add3A_581 = arith.addf %get3A_496, %get3A_538 : vector<16xf32>
      %add3A_582 = arith.addf %get3A_502, %get3A_544 : vector<16xf32>
      %add3A_583 = arith.addf %get3A_508, %get3A_550 : vector<16xf32>
      %add3A_584 = arith.addf %get3A_514, %get3A_556 : vector<16xf32>
      %add3A_585 = arith.addf %get3A_520, %get3A_562 : vector<16xf32>
      %add3A_586 = arith.addf %get3A_526, %get3A_568 : vector<16xf32>
      %add3A_587 = arith.addf %get3A_532, %get3A_574 : vector<16xf32>
      %add3A_588 = arith.constant 64 : i32
      %add3A_589 = arith.addi %scan3A_451, %add3A_588 : i32
      %get3A_590 = arith.index_cast %add3A_589 : i32 to index
      %get3A_591 = arith.constant 0 : index
      %get3A_592 = tpu.vector_load %arg4[%get3A_590, %get3A_591] {strides = array<i32>} : memref<256x128xf32, #tpu.memory_space<vmem>>, vector<1x16xf32>,
      %get3A_593 = vector.shape_cast %get3A_592 : vector<1x16xf32> to vector<16xf32>
      %add3A_594 = arith.constant 64 : i32
      %add3A_595 = arith.addi %scan3A_451, %add3A_594 : i32
      %get3A_596 = arith.index_cast %add3A_595 : i32 to index
      %get3A_597 = arith.constant 16 : index
      %get3A_598 = tpu.vector_load %arg4[%get3A_596, %get3A_597] {strides = array<i32>} : memref<256x128xf32, #tpu.memory_space<vmem>>, vector<1x16xf32>,
      %get3A_599 = vector.shape_cast %get3A_598 : vector<1x16xf32> to vector<16xf32>
      %add3A_600 = arith.constant 64 : i32
      %add3A_601 = arith.addi %scan3A_451, %add3A_600 : i32
      %get3A_602 = arith.index_cast %add3A_601 : i32 to index
      %get3A_603 = arith.constant 32 : index
      %get3A_604 = tpu.vector_load %arg4[%get3A_602, %get3A_603] {strides = array<i32>} : memref<256x128xf32, #tpu.memory_space<vmem>>, vector<1x16xf32>,
      %get3A_605 = vector.shape_cast %get3A_604 : vector<1x16xf32> to vector<16xf32>
      %add3A_606 = arith.constant 64 : i32
      %add3A_607 = arith.addi %scan3A_451, %add3A_606 : i32
      %get3A_608 = arith.index_cast %add3A_607 : i32 to index
      %get3A_609 = arith.constant 48 : index
      %get3A_610 = tpu.vector_load %arg4[%get3A_608, %get3A_609] {strides = array<i32>} : memref<256x128xf32, #tpu.memory_space<vmem>>, vector<1x16xf32>,
      %get3A_611 = vector.shape_cast %get3A_610 : vector<1x16xf32> to vector<16xf32>
      %add3A_612 = arith.constant 64 : i32
      %add3A_613 = arith.addi %scan3A_451, %add3A_612 : i32
      %get3A_614 = arith.index_cast %add3A_613 : i32 to index
      %get3A_615 = arith.constant 64 : index
      %get3A_616 = tpu.vector_load %arg4[%get3A_614, %get3A_615] {strides = array<i32>} : memref<256x128xf32, #tpu.memory_space<vmem>>, vector<1x16xf32>,
      %get3A_617 = vector.shape_cast %get3A_616 : vector<1x16xf32> to vector<16xf32>
      %add3A_618 = arith.constant 64 : i32
      %add3A_619 = arith.addi %scan3A_451, %add3A_618 : i32
      %get3A_620 = arith.index_cast %add3A_619 : i32 to index
      %get3A_621 = arith.constant 80 : index
      %get3A_622 = tpu.vector_load %arg4[%get3A_620, %get3A_621] {strides = array<i32>} : memref<256x128xf32, #tpu.memory_space<vmem>>, vector<1x16xf32>,
      %get3A_623 = vector.shape_cast %get3A_622 : vector<1x16xf32> to vector<16xf32>
      %add3A_624 = arith.constant 64 : i32
      %add3A_625 = arith.addi %scan3A_451, %add3A_624 : i32
      %get3A_626 = arith.index_cast %add3A_625 : i32 to index
      %get3A_627 = arith.constant 96 : index
      %get3A_628 = tpu.vector_load %arg4[%get3A_626, %get3A_627] {strides = array<i32>} : memref<256x128xf32, #tpu.memory_space<vmem>>, vector<1x16xf32>,
      %get3A_629 = vector.shape_cast %get3A_628 : vector<1x16xf32> to vector<16xf32>
      %add3A_630 = arith.constant 64 : i32
      %add3A_631 = arith.addi %scan3A_451, %add3A_630 : i32
      %get3A_632 = arith.index_cast %add3A_631 : i32 to index
      %get3A_633 = arith.constant 112 : index
      %get3A_634 = tpu.vector_load %arg4[%get3A_632, %get3A_633] {strides = array<i32>} : memref<256x128xf32, #tpu.memory_space<vmem>>, vector<1x16xf32>,
      %get3A_635 = vector.shape_cast %get3A_634 : vector<1x16xf32> to vector<16xf32>
      %add3A_636 = arith.addf %add3A_582, %get3A_593 : vector<16xf32>
      %add3A_637 = arith.addf %add3A_583, %get3A_599 : vector<16xf32>
      %add3A_638 = arith.addf %add3A_584, %get3A_605 : vector<16xf32>
      %add3A_639 = arith.addf %add3A_585, %get3A_611 : vector<16xf32>
      %add3A_640 = arith.addf %add3A_586, %get3A_617 : vector<16xf32>
      %add3A_641 = arith.addf %add3A_587, %get3A_623 : vector<16xf32>
      %add3A_642 = arith.addf %get3A_580, %get3A_629 : vector<16xf32>
      %add3A_643 = arith.constant 96 : i32
      %add3A_644 = arith.addi %scan3A_451, %add3A_643 : i32
      %get3A_645 = arith.index_cast %add3A_644 : i32 to index
      %get3A_646 = arith.constant 0 : index
      %get3A_647 = tpu.vector_load %arg4[%get3A_645, %get3A_646] {strides = array<i32>} : memref<256x128xf32, #tpu.memory_space<vmem>>, vector<1x16xf32>,
      %get3A_648 = vector.shape_cast %get3A_647 : vector<1x16xf32> to vector<16xf32>
      %add3A_649 = arith.constant 96 : i32
      %add3A_650 = arith.addi %scan3A_451, %add3A_649 : i32
      %get3A_651 = arith.index_cast %add3A_650 : i32 to index
      %get3A_652 = arith.constant 16 : index
      %get3A_653 = tpu.vector_load %arg4[%get3A_651, %get3A_652] {strides = array<i32>} : memref<256x128xf32, #tpu.memory_space<vmem>>, vector<1x16xf32>,
      %get3A_654 = vector.shape_cast %get3A_653 : vector<1x16xf32> to vector<16xf32>
      %add3A_655 = arith.constant 96 : i32
      %add3A_656 = arith.addi %scan3A_451, %add3A_655 : i32
      %get3A_657 = arith.index_cast %add3A_656 : i32 to index
      %get3A_658 = arith.constant 32 : index
      %get3A_659 = tpu.vector_load %arg4[%get3A_657, %get3A_658] {strides = array<i32>} : memref<256x128xf32, #tpu.memory_space<vmem>>, vector<1x16xf32>,
      %get3A_660 = vector.shape_cast %get3A_659 : vector<1x16xf32> to vector<16xf32>
      %add3A_661 = arith.constant 96 : i32
      %add3A_662 = arith.addi %scan3A_451, %add3A_661 : i32
      %get3A_663 = arith.index_cast %add3A_662 : i32 to index
      %get3A_664 = arith.constant 48 : index
      %get3A_665 = tpu.vector_load %arg4[%get3A_663, %get3A_664] {strides = array<i32>} : memref<256x128xf32, #tpu.memory_space<vmem>>, vector<1x16xf32>,
      %get3A_666 = vector.shape_cast %get3A_665 : vector<1x16xf32> to vector<16xf32>
      %add3A_667 = arith.constant 96 : i32
      %add3A_668 = arith.addi %scan3A_451, %add3A_667 : i32
      %get3A_669 = arith.index_cast %add3A_668 : i32 to index
      %get3A_670 = arith.constant 64 : index
      %get3A_671 = tpu.vector_load %arg4[%get3A_669, %get3A_670] {strides = array<i32>} : memref<256x128xf32, #tpu.memory_space<vmem>>, vector<1x16xf32>,
      %get3A_672 = vector.shape_cast %get3A_671 : vector<1x16xf32> to vector<16xf32>
      %add3A_673 = arith.constant 96 : i32
      %add3A_674 = arith.addi %scan3A_451, %add3A_673 : i32
      %get3A_675 = arith.index_cast %add3A_674 : i32 to index
      %get3A_676 = arith.constant 80 : index
      %get3A_677 = tpu.vector_load %arg4[%get3A_675, %get3A_676] {strides = array<i32>} : memref<256x128xf32, #tpu.memory_space<vmem>>, vector<1x16xf32>,
      %get3A_678 = vector.shape_cast %get3A_677 : vector<1x16xf32> to vector<16xf32>
      %add3A_679 = arith.constant 96 : i32
      %add3A_680 = arith.addi %scan3A_451, %add3A_679 : i32
      %get3A_681 = arith.index_cast %add3A_680 : i32 to index
      %get3A_682 = arith.constant 96 : index
      %get3A_683 = tpu.vector_load %arg4[%get3A_681, %get3A_682] {strides = array<i32>} : memref<256x128xf32, #tpu.memory_space<vmem>>, vector<1x16xf32>,
      %get3A_684 = vector.shape_cast %get3A_683 : vector<1x16xf32> to vector<16xf32>
      %add3A_685 = arith.constant 96 : i32
      %add3A_686 = arith.addi %scan3A_451, %add3A_685 : i32
      %get3A_687 = arith.index_cast %add3A_686 : i32 to index
      %get3A_688 = arith.constant 112 : index
      %get3A_689 = tpu.vector_load %arg4[%get3A_687, %get3A_688] {strides = array<i32>} : memref<256x128xf32, #tpu.memory_space<vmem>>, vector<1x16xf32>,
      %get3A_690 = vector.shape_cast %get3A_689 : vector<1x16xf32> to vector<16xf32>
      %add3A_691 = arith.addf %add3A_637, %get3A_648 : vector<16xf32>
      %add3A_692 = arith.addf %add3A_638, %get3A_654 : vector<16xf32>
      %add3A_693 = arith.addf %add3A_639, %get3A_660 : vector<16xf32>
      %add3A_694 = arith.addf %add3A_640, %get3A_666 : vector<16xf32>
      %add3A_695 = arith.addf %add3A_641, %get3A_672 : vector<16xf32>
      %add3A_696 = arith.addf %add3A_642, %get3A_678 : vector<16xf32>
      %add3A_697 = arith.addf %get3A_635, %get3A_684 : vector<16xf32>
      %add3A_698 = arith.constant 128 : i32
      %add3A_699 = arith.addi %scan3A_451, %add3A_698 : i32
      %get3A_700 = arith.index_cast %add3A_699 : i32 to index
      %get3A_701 = arith.constant 0 : index
      %get3A_702 = tpu.vector_load %arg4[%get3A_700, %get3A_701] {strides = array<i32>} : memref<256x128xf32, #tpu.memory_space<vmem>>, vector<1x16xf32>,
      %get3A_703 = vector.shape_cast %get3A_702 : vector<1x16xf32> to vector<16xf32>
      %add3A_704 = arith.constant 128 : i32
      %add3A_705 = arith.addi %scan3A_451, %add3A_704 : i32
      %get3A_706 = arith.index_cast %add3A_705 : i32 to index
      %get3A_707 = arith.constant 16 : index
      %get3A_708 = tpu.vector_load %arg4[%get3A_706, %get3A_707] {strides = array<i32>} : memref<256x128xf32, #tpu.memory_space<vmem>>, vector<1x16xf32>,
      %get3A_709 = vector.shape_cast %get3A_708 : vector<1x16xf32> to vector<16xf32>
      %add3A_710 = arith.constant 128 : i32
      %add3A_711 = arith.addi %scan3A_451, %add3A_710 : i32
      %get3A_712 = arith.index_cast %add3A_711 : i32 to index
      %get3A_713 = arith.constant 32 : index
      %get3A_714 = tpu.vector_load %arg4[%get3A_712, %get3A_713] {strides = array<i32>} : memref<256x128xf32, #tpu.memory_space<vmem>>, vector<1x16xf32>,
      %get3A_715 = vector.shape_cast %get3A_714 : vector<1x16xf32> to vector<16xf32>
      %add3A_716 = arith.constant 128 : i32
      %add3A_717 = arith.addi %scan3A_451, %add3A_716 : i32
      %get3A_718 = arith.index_cast %add3A_717 : i32 to index
      %get3A_719 = arith.constant 48 : index
      %get3A_720 = tpu.vector_load %arg4[%get3A_718, %get3A_719] {strides = array<i32>} : memref<256x128xf32, #tpu.memory_space<vmem>>, vector<1x16xf32>,
      %get3A_721 = vector.shape_cast %get3A_720 : vector<1x16xf32> to vector<16xf32>
      %add3A_722 = arith.constant 128 : i32
      %add3A_723 = arith.addi %scan3A_451, %add3A_722 : i32
      %get3A_724 = arith.index_cast %add3A_723 : i32 to index
      %get3A_725 = arith.constant 64 : index
      %get3A_726 = tpu.vector_load %arg4[%get3A_724, %get3A_725] {strides = array<i32>} : memref<256x128xf32, #tpu.memory_space<vmem>>, vector<1x16xf32>,
      %get3A_727 = vector.shape_cast %get3A_726 : vector<1x16xf32> to vector<16xf32>
      %add3A_728 = arith.constant 128 : i32
      %add3A_729 = arith.addi %scan3A_451, %add3A_728 : i32
      %get3A_730 = arith.index_cast %add3A_729 : i32 to index
      %get3A_731 = arith.constant 80 : index
      %get3A_732 = tpu.vector_load %arg4[%get3A_730, %get3A_731] {strides = array<i32>} : memref<256x128xf32, #tpu.memory_space<vmem>>, vector<1x16xf32>,
      %get3A_733 = vector.shape_cast %get3A_732 : vector<1x16xf32> to vector<16xf32>
      %add3A_734 = arith.constant 128 : i32
      %add3A_735 = arith.addi %scan3A_451, %add3A_734 : i32
      %get3A_736 = arith.index_cast %add3A_735 : i32 to index
      %get3A_737 = arith.constant 96 : index
      %get3A_738 = tpu.vector_load %arg4[%get3A_736, %get3A_737] {strides = array<i32>} : memref<256x128xf32, #tpu.memory_space<vmem>>, vector<1x16xf32>,
      %get3A_739 = vector.shape_cast %get3A_738 : vector<1x16xf32> to vector<16xf32>
      %add3A_740 = arith.constant 128 : i32
      %add3A_741 = arith.addi %scan3A_451, %add3A_740 : i32
      %get3A_742 = arith.index_cast %add3A_741 : i32 to index
      %get3A_743 = arith.constant 112 : index
      %get3A_744 = tpu.vector_load %arg4[%get3A_742, %get3A_743] {strides = array<i32>} : memref<256x128xf32, #tpu.memory_space<vmem>>, vector<1x16xf32>,
      %get3A_745 = vector.shape_cast %get3A_744 : vector<1x16xf32> to vector<16xf32>
      %add3A_746 = arith.addf %add3A_692, %get3A_703 : vector<16xf32>
      %add3A_747 = arith.addf %add3A_693, %get3A_709 : vector<16xf32>
      %add3A_748 = arith.addf %add3A_694, %get3A_715 : vector<16xf32>
      %add3A_749 = arith.addf %add3A_695, %get3A_721 : vector<16xf32>
      %add3A_750 = arith.addf %add3A_696, %get3A_727 : vector<16xf32>
      %add3A_751 = arith.addf %add3A_697, %get3A_733 : vector<16xf32>
      %add3A_752 = arith.addf %get3A_690, %get3A_739 : vector<16xf32>
      %add3A_753 = arith.constant 160 : i32
      %add3A_754 = arith.addi %scan3A_451, %add3A_753 : i32
      %get3A_755 = arith.index_cast %add3A_754 : i32 to index
      %get3A_756 = arith.constant 0 : index
      %get3A_757 = tpu.vector_load %arg4[%get3A_755, %get3A_756] {strides = array<i32>} : memref<256x128xf32, #tpu.memory_space<vmem>>, vector<1x16xf32>,
      %get3A_758 = vector.shape_cast %get3A_757 : vector<1x16xf32> to vector<16xf32>
      %add3A_759 = arith.constant 160 : i32
      %add3A_760 = arith.addi %scan3A_451, %add3A_759 : i32
      %get3A_761 = arith.index_cast %add3A_760 : i32 to index
      %get3A_762 = arith.constant 16 : index
      %get3A_763 = tpu.vector_load %arg4[%get3A_761, %get3A_762] {strides = array<i32>} : memref<256x128xf32, #tpu.memory_space<vmem>>, vector<1x16xf32>,
      %get3A_764 = vector.shape_cast %get3A_763 : vector<1x16xf32> to vector<16xf32>
      %add3A_765 = arith.constant 160 : i32
      %add3A_766 = arith.addi %scan3A_451, %add3A_765 : i32
      %get3A_767 = arith.index_cast %add3A_766 : i32 to index
      %get3A_768 = arith.constant 32 : index
      %get3A_769 = tpu.vector_load %arg4[%get3A_767, %get3A_768] {strides = array<i32>} : memref<256x128xf32, #tpu.memory_space<vmem>>, vector<1x16xf32>,
      %get3A_770 = vector.shape_cast %get3A_769 : vector<1x16xf32> to vector<16xf32>
      %add3A_771 = arith.constant 160 : i32
      %add3A_772 = arith.addi %scan3A_451, %add3A_771 : i32
      %get3A_773 = arith.index_cast %add3A_772 : i32 to index
      %get3A_774 = arith.constant 48 : index
      %get3A_775 = tpu.vector_load %arg4[%get3A_773, %get3A_774] {strides = array<i32>} : memref<256x128xf32, #tpu.memory_space<vmem>>, vector<1x16xf32>,
      %get3A_776 = vector.shape_cast %get3A_775 : vector<1x16xf32> to vector<16xf32>
      %add3A_777 = arith.constant 160 : i32
      %add3A_778 = arith.addi %scan3A_451, %add3A_777 : i32
      %get3A_779 = arith.index_cast %add3A_778 : i32 to index
      %get3A_780 = arith.constant 64 : index
      %get3A_781 = tpu.vector_load %arg4[%get3A_779, %get3A_780] {strides = array<i32>} : memref<256x128xf32, #tpu.memory_space<vmem>>, vector<1x16xf32>,
      %get3A_782 = vector.shape_cast %get3A_781 : vector<1x16xf32> to vector<16xf32>
      %add3A_783 = arith.constant 160 : i32
      %add3A_784 = arith.addi %scan3A_451, %add3A_783 : i32
      %get3A_785 = arith.index_cast %add3A_784 : i32 to index
      %get3A_786 = arith.constant 80 : index
      %get3A_787 = tpu.vector_load %arg4[%get3A_785, %get3A_786] {strides = array<i32>} : memref<256x128xf32, #tpu.memory_space<vmem>>, vector<1x16xf32>,
      %get3A_788 = vector.shape_cast %get3A_787 : vector<1x16xf32> to vector<16xf32>
      %add3A_789 = arith.constant 160 : i32
      %add3A_790 = arith.addi %scan3A_451, %add3A_789 : i32
      %get3A_791 = arith.index_cast %add3A_790 : i32 to index
      %get3A_792 = arith.constant 96 : index
      %get3A_793 = tpu.vector_load %arg4[%get3A_791, %get3A_792] {strides = array<i32>} : memref<256x128xf32, #tpu.memory_space<vmem>>, vector<1x16xf32>,
      %get3A_794 = vector.shape_cast %get3A_793 : vector<1x16xf32> to vector<16xf32>
      %add3A_795 = arith.constant 160 : i32
      %add3A_796 = arith.addi %scan3A_451, %add3A_795 : i32
      %get3A_797 = arith.index_cast %add3A_796 : i32 to index
      %get3A_798 = arith.constant 112 : index
      %get3A_799 = tpu.vector_load %arg4[%get3A_797, %get3A_798] {strides = array<i32>} : memref<256x128xf32, #tpu.memory_space<vmem>>, vector<1x16xf32>,
      %get3A_800 = vector.shape_cast %get3A_799 : vector<1x16xf32> to vector<16xf32>
      %add3A_801 = arith.addf %add3A_747, %get3A_758 : vector<16xf32>
      %add3A_802 = arith.addf %add3A_748, %get3A_764 : vector<16xf32>
      %add3A_803 = arith.addf %add3A_749, %get3A_770 : vector<16xf32>
      %add3A_804 = arith.addf %add3A_750, %get3A_776 : vector<16xf32>
      %add3A_805 = arith.addf %add3A_751, %get3A_782 : vector<16xf32>
      %add3A_806 = arith.addf %add3A_752, %get3A_788 : vector<16xf32>
      %add3A_807 = arith.addf %get3A_745, %get3A_794 : vector<16xf32>
      %add3A_808 = arith.constant 192 : i32
      %add3A_809 = arith.addi %scan3A_451, %add3A_808 : i32
      %get3A_810 = arith.index_cast %add3A_809 : i32 to index
      %get3A_811 = arith.constant 0 : index
      %get3A_812 = tpu.vector_load %arg4[%get3A_810, %get3A_811] {strides = array<i32>} : memref<256x128xf32, #tpu.memory_space<vmem>>, vector<1x16xf32>,
      %get3A_813 = vector.shape_cast %get3A_812 : vector<1x16xf32> to vector<16xf32>
      %add3A_814 = arith.constant 192 : i32
      %add3A_815 = arith.addi %scan3A_451, %add3A_814 : i32
      %get3A_816 = arith.index_cast %add3A_815 : i32 to index
      %get3A_817 = arith.constant 16 : index
      %get3A_818 = tpu.vector_load %arg4[%get3A_816, %get3A_817] {strides = array<i32>} : memref<256x128xf32, #tpu.memory_space<vmem>>, vector<1x16xf32>,
      %get3A_819 = vector.shape_cast %get3A_818 : vector<1x16xf32> to vector<16xf32>
      %add3A_820 = arith.constant 192 : i32
      %add3A_821 = arith.addi %scan3A_451, %add3A_820 : i32
      %get3A_822 = arith.index_cast %add3A_821 : i32 to index
      %get3A_823 = arith.constant 32 : index
      %get3A_824 = tpu.vector_load %arg4[%get3A_822, %get3A_823] {strides = array<i32>} : memref<256x128xf32, #tpu.memory_space<vmem>>, vector<1x16xf32>,
      %get3A_825 = vector.shape_cast %get3A_824 : vector<1x16xf32> to vector<16xf32>
      %add3A_826 = arith.constant 192 : i32
      %add3A_827 = arith.addi %scan3A_451, %add3A_826 : i32
      %get3A_828 = arith.index_cast %add3A_827 : i32 to index
      %get3A_829 = arith.constant 48 : index
      %get3A_830 = tpu.vector_load %arg4[%get3A_828, %get3A_829] {strides = array<i32>} : memref<256x128xf32, #tpu.memory_space<vmem>>, vector<1x16xf32>,
      %get3A_831 = vector.shape_cast %get3A_830 : vector<1x16xf32> to vector<16xf32>
      %add3A_832 = arith.constant 192 : i32
      %add3A_833 = arith.addi %scan3A_451, %add3A_832 : i32
      %get3A_834 = arith.index_cast %add3A_833 : i32 to index
      %get3A_835 = arith.constant 64 : index
      %get3A_836 = tpu.vector_load %arg4[%get3A_834, %get3A_835] {strides = array<i32>} : memref<256x128xf32, #tpu.memory_space<vmem>>, vector<1x16xf32>,
      %get3A_837 = vector.shape_cast %get3A_836 : vector<1x16xf32> to vector<16xf32>
      %add3A_838 = arith.constant 192 : i32
      %add3A_839 = arith.addi %scan3A_451, %add3A_838 : i32
      %get3A_840 = arith.index_cast %add3A_839 : i32 to index
      %get3A_841 = arith.constant 80 : index
      %get3A_842 = tpu.vector_load %arg4[%get3A_840, %get3A_841] {strides = array<i32>} : memref<256x128xf32, #tpu.memory_space<vmem>>, vector<1x16xf32>,
      %get3A_843 = vector.shape_cast %get3A_842 : vector<1x16xf32> to vector<16xf32>
      %add3A_844 = arith.constant 192 : i32
      %add3A_845 = arith.addi %scan3A_451, %add3A_844 : i32
      %get3A_846 = arith.index_cast %add3A_845 : i32 to index
      %get3A_847 = arith.constant 96 : index
      %get3A_848 = tpu.vector_load %arg4[%get3A_846, %get3A_847] {strides = array<i32>} : memref<256x128xf32, #tpu.memory_space<vmem>>, vector<1x16xf32>,
      %get3A_849 = vector.shape_cast %get3A_848 : vector<1x16xf32> to vector<16xf32>
      %add3A_850 = arith.constant 192 : i32
      %add3A_851 = arith.addi %scan3A_451, %add3A_850 : i32
      %get3A_852 = arith.index_cast %add3A_851 : i32 to index
      %get3A_853 = arith.constant 112 : index
      %get3A_854 = tpu.vector_load %arg4[%get3A_852, %get3A_853] {strides = array<i32>} : memref<256x128xf32, #tpu.memory_space<vmem>>, vector<1x16xf32>,
      %get3A_855 = vector.shape_cast %get3A_854 : vector<1x16xf32> to vector<16xf32>
      %add3A_856 = arith.addf %add3A_802, %get3A_813 : vector<16xf32>
      %add3A_857 = arith.addf %add3A_803, %get3A_819 : vector<16xf32>
      %add3A_858 = arith.addf %add3A_804, %get3A_825 : vector<16xf32>
      %add3A_859 = arith.addf %add3A_805, %get3A_831 : vector<16xf32>
      %add3A_860 = arith.addf %add3A_806, %get3A_837 : vector<16xf32>
      %add3A_861 = arith.addf %add3A_807, %get3A_843 : vector<16xf32>
      %add3A_862 = arith.addf %get3A_800, %get3A_849 : vector<16xf32>
      %add3A_863 = arith.constant 224 : i32
      %add3A_864 = arith.addi %scan3A_451, %add3A_863 : i32
      %get3A_865 = arith.index_cast %add3A_864 : i32 to index
      %get3A_866 = arith.constant 0 : index
      %get3A_867 = tpu.vector_load %arg4[%get3A_865, %get3A_866] {strides = array<i32>} : memref<256x128xf32, #tpu.memory_space<vmem>>, vector<1x16xf32>,
      %get3A_868 = vector.shape_cast %get3A_867 : vector<1x16xf32> to vector<16xf32>
      %add3A_869 = arith.constant 224 : i32
      %add3A_870 = arith.addi %scan3A_451, %add3A_869 : i32
      %get3A_871 = arith.index_cast %add3A_870 : i32 to index
      %get3A_872 = arith.constant 16 : index
      %get3A_873 = tpu.vector_load %arg4[%get3A_871, %get3A_872] {strides = array<i32>} : memref<256x128xf32, #tpu.memory_space<vmem>>, vector<1x16xf32>,
      %get3A_874 = vector.shape_cast %get3A_873 : vector<1x16xf32> to vector<16xf32>
      %add3A_875 = arith.constant 224 : i32
      %add3A_876 = arith.addi %scan3A_451, %add3A_875 : i32
      %get3A_877 = arith.index_cast %add3A_876 : i32 to index
      %get3A_878 = arith.constant 32 : index
      %get3A_879 = tpu.vector_load %arg4[%get3A_877, %get3A_878] {strides = array<i32>} : memref<256x128xf32, #tpu.memory_space<vmem>>, vector<1x16xf32>,
      %get3A_880 = vector.shape_cast %get3A_879 : vector<1x16xf32> to vector<16xf32>
      %add3A_881 = arith.constant 224 : i32
      %add3A_882 = arith.addi %scan3A_451, %add3A_881 : i32
      %get3A_883 = arith.index_cast %add3A_882 : i32 to index
      %get3A_884 = arith.constant 48 : index
      %get3A_885 = tpu.vector_load %arg4[%get3A_883, %get3A_884] {strides = array<i32>} : memref<256x128xf32, #tpu.memory_space<vmem>>, vector<1x16xf32>,
      %get3A_886 = vector.shape_cast %get3A_885 : vector<1x16xf32> to vector<16xf32>
      %add3A_887 = arith.constant 224 : i32
      %add3A_888 = arith.addi %scan3A_451, %add3A_887 : i32
      %get3A_889 = arith.index_cast %add3A_888 : i32 to index
      %get3A_890 = arith.constant 64 : index
      %get3A_891 = tpu.vector_load %arg4[%get3A_889, %get3A_890] {strides = array<i32>} : memref<256x128xf32, #tpu.memory_space<vmem>>, vector<1x16xf32>,
      %get3A_892 = vector.shape_cast %get3A_891 : vector<1x16xf32> to vector<16xf32>
      %add3A_893 = arith.constant 224 : i32
      %add3A_894 = arith.addi %scan3A_451, %add3A_893 : i32
      %get3A_895 = arith.index_cast %add3A_894 : i32 to index
      %get3A_896 = arith.constant 80 : index
      %get3A_897 = tpu.vector_load %arg4[%get3A_895, %get3A_896] {strides = array<i32>} : memref<256x128xf32, #tpu.memory_space<vmem>>, vector<1x16xf32>,
      %get3A_898 = vector.shape_cast %get3A_897 : vector<1x16xf32> to vector<16xf32>
      %add3A_899 = arith.constant 224 : i32
      %add3A_900 = arith.addi %scan3A_451, %add3A_899 : i32
      %get3A_901 = arith.index_cast %add3A_900 : i32 to index
      %get3A_902 = arith.constant 96 : index
      %get3A_903 = tpu.vector_load %arg4[%get3A_901, %get3A_902] {strides = array<i32>} : memref<256x128xf32, #tpu.memory_space<vmem>>, vector<1x16xf32>,
      %get3A_904 = vector.shape_cast %get3A_903 : vector<1x16xf32> to vector<16xf32>
      %add3A_905 = arith.constant 224 : i32
      %add3A_906 = arith.addi %scan3A_451, %add3A_905 : i32
      %get3A_907 = arith.index_cast %add3A_906 : i32 to index
      %get3A_908 = arith.constant 112 : index
      %get3A_909 = tpu.vector_load %arg4[%get3A_907, %get3A_908] {strides = array<i32>} : memref<256x128xf32, #tpu.memory_space<vmem>>, vector<1x16xf32>,
      %get3A_910 = vector.shape_cast %get3A_909 : vector<1x16xf32> to vector<16xf32>
      %add3A_911 = arith.addf %add3A_857, %get3A_868 : vector<16xf32>
      %add3A_912 = arith.addf %add3A_858, %get3A_874 : vector<16xf32>
      %add3A_913 = arith.addf %add3A_859, %get3A_880 : vector<16xf32>
      %add3A_914 = arith.addf %add3A_860, %get3A_886 : vector<16xf32>
      %add3A_915 = arith.addf %add3A_861, %get3A_892 : vector<16xf32>
      %add3A_916 = arith.addf %add3A_862, %get3A_898 : vector<16xf32>
      %add3A_917 = arith.addf %get3A_855, %get3A_904 : vector<16xf32>
      %add3A_918 = arith.constant 0 : i32
      %add3A_919 = arith.addi %add3A_485, %add3A_918 : i32
      %swap3A_920 = arith.index_cast %add3A_919 : i32 to index
      %swap3A_921 = tpu.vector_load %arg7[%swap3A_920] {strides = array<i32>} : memref<512xf32, #tpu.memory_space<vmem>>, vector<16xf32>,
      %swap3A_922 = vector.shape_cast %swap3A_921 : vector<16xf32> to vector<16xf32>
      %swap3A_923 = vector.shape_cast %get3A_490 : vector<16xf32> to vector<16xf32>
      tpu.vector_store %arg7[%swap3A_920], %swap3A_923 {add = true, strides = array<i32>} : memref<512xf32, #tpu.memory_space<vmem>>, vector<16xf32>,
      %add3A_924 = arith.constant 16 : i32
      %add3A_925 = arith.addi %add3A_485, %add3A_924 : i32
      %swap3A_926 = arith.index_cast %add3A_925 : i32 to index
      %swap3A_927 = tpu.vector_load %arg7[%swap3A_926] {strides = array<i32>} : memref<512xf32, #tpu.memory_space<vmem>>, vector<16xf32>,
      %swap3A_928 = vector.shape_cast %swap3A_927 : vector<16xf32> to vector<16xf32>
      %swap3A_929 = vector.shape_cast %add3A_581 : vector<16xf32> to vector<16xf32>
      tpu.vector_store %arg7[%swap3A_926], %swap3A_929 {add = true, strides = array<i32>} : memref<512xf32, #tpu.memory_space<vmem>>, vector<16xf32>,
      %add3A_930 = arith.constant 32 : i32
      %add3A_931 = arith.addi %add3A_485, %add3A_930 : i32
      %swap3A_932 = arith.index_cast %add3A_931 : i32 to index
      %swap3A_933 = tpu.vector_load %arg7[%swap3A_932] {strides = array<i32>} : memref<512xf32, #tpu.memory_space<vmem>>, vector<16xf32>,
      %swap3A_934 = vector.shape_cast %swap3A_933 : vector<16xf32> to vector<16xf32>
      %swap3A_935 = vector.shape_cast %add3A_636 : vector<16xf32> to vector<16xf32>
      tpu.vector_store %arg7[%swap3A_932], %swap3A_935 {add = true, strides = array<i32>} : memref<512xf32, #tpu.memory_space<vmem>>, vector<16xf32>,
      %add3A_936 = arith.constant 48 : i32
      %add3A_937 = arith.addi %add3A_485, %add3A_936 : i32
      %swap3A_938 = arith.index_cast %add3A_937 : i32 to index
      %swap3A_939 = tpu.vector_load %arg7[%swap3A_938] {strides = array<i32>} : memref<512xf32, #tpu.memory_space<vmem>>, vector<16xf32>,
      %swap3A_940 = vector.shape_cast %swap3A_939 : vector<16xf32> to vector<16xf32>
      %swap3A_941 = vector.shape_cast %add3A_691 : vector<16xf32> to vector<16xf32>
      tpu.vector_store %arg7[%swap3A_938], %swap3A_941 {add = true, strides = array<i32>} : memref<512xf32, #tpu.memory_space<vmem>>, vector<16xf32>,
      %add3A_942 = arith.constant 64 : i32
      %add3A_943 = arith.addi %add3A_485, %add3A_942 : i32
      %swap3A_944 = arith.index_cast %add3A_943 : i32 to index
      %swap3A_945 = tpu.vector_load %arg7[%swap3A_944] {strides = array<i32>} : memref<512xf32, #tpu.memory_space<vmem>>, vector<16xf32>,
      %swap3A_946 = vector.shape_cast %swap3A_945 : vector<16xf32> to vector<16xf32>
      %swap3A_947 = vector.shape_cast %add3A_746 : vector<16xf32> to vector<16xf32>
      tpu.vector_store %arg7[%swap3A_944], %swap3A_947 {add = true, strides = array<i32>} : memref<512xf32, #tpu.memory_space<vmem>>, vector<16xf32>,
      %add3A_948 = arith.constant 80 : i32
      %add3A_949 = arith.addi %add3A_485, %add3A_948 : i32
      %swap3A_950 = arith.index_cast %add3A_949 : i32 to index
      %swap3A_951 = tpu.vector_load %arg7[%swap3A_950] {strides = array<i32>} : memref<512xf32, #tpu.memory_space<vmem>>, vector<16xf32>,
      %swap3A_952 = vector.shape_cast %swap3A_951 : vector<16xf32> to vector<16xf32>
      %swap3A_953 = vector.shape_cast %add3A_801 : vector<16xf32> to vector<16xf32>
      tpu.vector_store %arg7[%swap3A_950], %swap3A_953 {add = true, strides = array<i32>} : memref<512xf32, #tpu.memory_space<vmem>>, vector<16xf32>,
      %add3A_954 = arith.constant 96 : i32
      %add3A_955 = arith.addi %add3A_485, %add3A_954 : i32
      %swap3A_956 = arith.index_cast %add3A_955 : i32 to index
      %swap3A_957 = tpu.vector_load %arg7[%swap3A_956] {strides = array<i32>} : memref<512xf32, #tpu.memory_space<vmem>>, vector<16xf32>,
      %swap3A_958 = vector.shape_cast %swap3A_957 : vector<16xf32> to vector<16xf32>
      %swap3A_959 = vector.shape_cast %add3A_856 : vector<16xf32> to vector<16xf32>
      tpu.vector_store %arg7[%swap3A_956], %swap3A_959 {add = true, strides = array<i32>} : memref<512xf32, #tpu.memory_space<vmem>>, vector<16xf32>,
      %add3A_960 = arith.constant 112 : i32
      %add3A_961 = arith.addi %add3A_485, %add3A_960 : i32
      %swap3A_962 = arith.index_cast %add3A_961 : i32 to index
      %swap3A_963 = tpu.vector_load %arg7[%swap3A_962] {strides = array<i32>} : memref<512xf32, #tpu.memory_space<vmem>>, vector<16xf32>,
      %swap3A_964 = vector.shape_cast %swap3A_963 : vector<16xf32> to vector<16xf32>
      %swap3A_965 = vector.shape_cast %add3A_911 : vector<16xf32> to vector<16xf32>
      tpu.vector_store %arg7[%swap3A_962], %swap3A_965 {add = true, strides = array<i32>} : memref<512xf32, #tpu.memory_space<vmem>>, vector<16xf32>,
      %add3A_966 = arith.constant 128 : i32
      %add3A_967 = arith.addi %add3A_485, %add3A_966 : i32
      %swap3A_968 = arith.index_cast %add3A_967 : i32 to index
      %swap3A_969 = tpu.vector_load %arg7[%swap3A_968] {strides = array<i32>} : memref<512xf32, #tpu.memory_space<vmem>>, vector<16xf32>,
      %swap3A_970 = vector.shape_cast %swap3A_969 : vector<16xf32> to vector<16xf32>
      %swap3A_971 = vector.shape_cast %add3A_912 : vector<16xf32> to vector<16xf32>
      tpu.vector_store %arg7[%swap3A_968], %swap3A_971 {add = true, strides = array<i32>} : memref<512xf32, #tpu.memory_space<vmem>>, vector<16xf32>,
      %add3A_972 = arith.constant 144 : i32
      %add3A_973 = arith.addi %add3A_485, %add3A_972 : i32
      %swap3A_974 = arith.index_cast %add3A_973 : i32 to index
      %swap3A_975 = tpu.vector_load %arg7[%swap3A_974] {strides = array<i32>} : memref<512xf32, #tpu.memory_space<vmem>>, vector<16xf32>,
      %swap3A_976 = vector.shape_cast %swap3A_975 : vector<16xf32> to vector<16xf32>
      %swap3A_977 = vector.shape_cast %add3A_913 : vector<16xf32> to vector<16xf32>
      tpu.vector_store %arg7[%swap3A_974], %swap3A_977 {add = true, strides = array<i32>} : memref<512xf32, #tpu.memory_space<vmem>>, vector<16xf32>,
      %add3A_978 = arith.constant 160 : i32
      %add3A_979 = arith.addi %add3A_485, %add3A_978 : i32
      %swap3A_980 = arith.index_cast %add3A_979 : i32 to index
      %swap3A_981 = tpu.vector_load %arg7[%swap3A_980] {strides = array<i32>} : memref<512xf32, #tpu.memory_space<vmem>>, vector<16xf32>,
      %swap3A_982 = vector.shape_cast %swap3A_981 : vector<16xf32> to vector<16xf32>
      %swap3A_983 = vector.shape_cast %add3A_914 : vector<16xf32> to vector<16xf32>
      tpu.vector_store %arg7[%swap3A_980], %swap3A_983 {add = true, strides = array<i32>} : memref<512xf32, #tpu.memory_space<vmem>>, vector<16xf32>,
      %add3A_984 = arith.constant 176 : i32
      %add3A_985 = arith.addi %add3A_485, %add3A_984 : i32
      %swap3A_986 = arith.index_cast %add3A_985 : i32 to index
      %swap3A_987 = tpu.vector_load %arg7[%swap3A_986] {strides = array<i32>} : memref<512xf32, #tpu.memory_space<vmem>>, vector<16xf32>,
      %swap3A_988 = vector.shape_cast %swap3A_987 : vector<16xf32> to vector<16xf32>
      %swap3A_989 = vector.shape_cast %add3A_915 : vector<16xf32> to vector<16xf32>
      tpu.vector_store %arg7[%swap3A_986], %swap3A_989 {add = true, strides = array<i32>} : memref<512xf32, #tpu.memory_space<vmem>>, vector<16xf32>,
      %add3A_990 = arith.constant 192 : i32
      %add3A_991 = arith.addi %add3A_485, %add3A_990 : i32
      %swap3A_992 = arith.index_cast %add3A_991 : i32 to index
      %swap3A_993 = tpu.vector_load %arg7[%swap3A_992] {strides = array<i32>} : memref<512xf32, #tpu.memory_space<vmem>>, vector<16xf32>,
      %swap3A_994 = vector.shape_cast %swap3A_993 : vector<16xf32> to vector<16xf32>
      %swap3A_995 = vector.shape_cast %add3A_916 : vector<16xf32> to vector<16xf32>
      tpu.vector_store %arg7[%swap3A_992], %swap3A_995 {add = true, strides = array<i32>} : memref<512xf32, #tpu.memory_space<vmem>>, vector<16xf32>,
      %add3A_996 = arith.constant 208 : i32
      %add3A_997 = arith.addi %add3A_485, %add3A_996 : i32
      %swap3A_998 = arith.index_cast %add3A_997 : i32 to index
      %swap3A_999 = tpu.vector_load %arg7[%swap3A_998] {strides = array<i32>} : memref<512xf32, #tpu.memory_space<vmem>>, vector<16xf32>,
      %swap3A_1000 = vector.shape_cast %swap3A_999 : vector<16xf32> to vector<16xf32>
      %swap3A_1001 = vector.shape_cast %add3A_917 : vector<16xf32> to vector<16xf32>
      tpu.vector_store %arg7[%swap3A_998], %swap3A_1001 {add = true, strides = array<i32>} : memref<512xf32, #tpu.memory_space<vmem>>, vector<16xf32>,
      %add3A_1002 = arith.constant 224 : i32
      %add3A_1003 = arith.addi %add3A_485, %add3A_1002 : i32
      %swap3A_1004 = arith.index_cast %add3A_1003 : i32 to index
      %swap3A_1005 = tpu.vector_load %arg7[%swap3A_1004] {strides = array<i32>} : memref<512xf32, #tpu.memory_space<vmem>>, vector<16xf32>,
      %swap3A_1006 = vector.shape_cast %swap3A_1005 : vector<16xf32> to vector<16xf32>
      %swap3A_1007 = vector.shape_cast %get3A_910 : vector<16xf32> to vector<16xf32>
      tpu.vector_store %arg7[%swap3A_1004], %swap3A_1007 {add = true, strides = array<i32>} : memref<512xf32, #tpu.memory_space<vmem>>, vector<16xf32>,
    }
    %scan3A_253 = arith.constant 32 : i32
    %add3A_254 = arith.constant 30 : i32
    %add3A_255 = arith.addi %mul3A_2, %add3A_254 : i32
    %dma_start3A_256 = arith.constant 0 : i32
    %dma_start3A_257 = tpu.memref_slice %arg3[%add3A_255, %dma_start3A_256] : memref<1024x512xf32, #tpu.memory_space<hbm>> -> memref<1x512xf32, #tpu.memory_space<hbm>>
    %dma_start3A_258 = tpu.memref_squeeze %dma_start3A_257 : memref<1x512xf32, #tpu.memory_space<hbm>> -> memref<512xf32, #tpu.memory_space<hbm>>
    %dma_start3A_259 = arith.constant 0 : i32
    %dma_start3A_260 = tpu.memref_slice %arg3[%add3A_255, %dma_start3A_259] : memref<1024x512xf32, #tpu.memory_space<hbm>> -> memref<1x512xf32, #tpu.memory_space<hbm>>
    %dma_start3A_261 = tpu.memref_squeeze %dma_start3A_260 : memref<1x512xf32, #tpu.memory_space<hbm>> -> memref<512xf32, #tpu.memory_space<hbm>>
    tpu.enqueue_dma source(%arg7 : memref<512xf32, #tpu.memory_space<vmem>>) target(%dma_start3A_261 : memref<512xf32, #tpu.memory_space<hbm>>) target_semaphore(%arg13 : memref<!tpu.dma_semaphore, #tpu.memory_space<semaphore_mem>>)
    %add3A_262 = arith.constant 31 : i32
    %add3A_263 = arith.addi %mul3A_2, %add3A_262 : i32
    %dma_wait3A_264 = arith.constant 0 : i32
    %dma_wait3A_265 = tpu.memref_slice %arg3[%add3A_263, %dma_wait3A_264] : memref<1024x512xf32, #tpu.memory_space<hbm>> -> memref<1x512xf32, #tpu.memory_space<hbm>>
    %dma_wait3A_266 = tpu.memref_squeeze %dma_wait3A_265 : memref<1x512xf32, #tpu.memory_space<hbm>> -> memref<512xf32, #tpu.memory_space<hbm>>
    %dma_wait3A_267 = arith.constant 0 : i32
    %dma_wait3A_268 = tpu.memref_slice %arg3[%add3A_263, %dma_wait3A_267] : memref<1024x512xf32, #tpu.memory_space<hbm>> -> memref<1x512xf32, #tpu.memory_space<hbm>>
    %dma_wait3A_269 = tpu.memref_squeeze %dma_wait3A_268 : memref<1x512xf32, #tpu.memory_space<hbm>> -> memref<512xf32, #tpu.memory_space<hbm>>
    tpu.wait_dma2 semaphore(%arg14 : memref<!tpu.dma_semaphore, #tpu.memory_space<semaphore_mem>>) src(%arg8 : memref<512xf32, #tpu.memory_space<vmem>>) dst(%dma_wait3A_269 : memref<512xf32, #tpu.memory_space<hbm>>)
    %swap3A_270 = arith.constant 0 : index
    %swap3A_271 = tpu.vector_load %arg8[%swap3A_270] {strides = array<i32>} : memref<512xf32, #tpu.memory_space<vmem>>, vector<16xf32>,
    %swap3A_272 = vector.shape_cast %swap3A_271 : vector<16xf32> to vector<16xf32>
    %swap3A_273 = vector.shape_cast %broadcast_in_dim3A_3 : vector<16xf32> to vector<16xf32>
    tpu.vector_store %arg8[%swap3A_270], %swap3A_273 {strides = array<i32>} : memref<512xf32, #tpu.memory_space<vmem>>, vector<16xf32>,
    %swap3A_274 = arith.constant 16 : index
    %swap3A_275 = tpu.vector_load %arg8[%swap3A_274] {strides = array<i32>} : memref<512xf32, #tpu.memory_space<vmem>>, vector<16xf32>,
    %swap3A_276 = vector.shape_cast %swap3A_275 : vector<16xf32> to vector<16xf32>
    %swap3A_277 = vector.shape_cast %broadcast_in_dim3A_3 : vector<16xf32> to vector<16xf32>
    tpu.vector_store %arg8[%swap3A_274], %swap3A_277 {strides = array<i32>} : memref<512xf32, #tpu.memory_space<vmem>>, vector<16xf32>,
    %swap3A_278 = arith.constant 32 : index
    %swap3A_279 = tpu.vector_load %arg8[%swap3A_278] {strides = array<i32>} : memref<512xf32, #tpu.memory_space<vmem>>, vector<16xf32>,
    %swap3A_280 = vector.shape_cast %swap3A_279 : vector<16xf32> to vector<16xf32>
    %swap3A_281 = vector.shape_cast %broadcast_in_dim3A_3 : vector<16xf32> to vector<16xf32>
    tpu.vector_store %arg8[%swap3A_278], %swap3A_281 {strides = array<i32>} : memref<512xf32, #tpu.memory_space<vmem>>, vector<16xf32>,
    %swap3A_282 = arith.constant 48 : index
    %swap3A_283 = tpu.vector_load %arg8[%swap3A_282] {strides = array<i32>} : memref<512xf32, #tpu.memory_space<vmem>>, vector<16xf32>,
    %swap3A_284 = vector.shape_cast %swap3A_283 : vector<16xf32> to vector<16xf32>
    %swap3A_285 = vector.shape_cast %broadcast_in_dim3A_3 : vector<16xf32> to vector<16xf32>
    tpu.vector_store %arg8[%swap3A_282], %swap3A_285 {strides = array<i32>} : memref<512xf32, #tpu.memory_space<vmem>>, vector<16xf32>,
    %swap3A_286 = arith.constant 64 : index
    %swap3A_287 = tpu.vector_load %arg8[%swap3A_286] {strides = array<i32>} : memref<512xf32, #tpu.memory_space<vmem>>, vector<16xf32>,
    %swap3A_288 = vector.shape_cast %swap3A_287 : vector<16xf32> to vector<16xf32>
    %swap3A_289 = vector.shape_cast %broadcast_in_dim3A_3 : vector<16xf32> to vector<16xf32>
    tpu.vector_store %arg8[%swap3A_286], %swap3A_289 {strides = array<i32>} : memref<512xf32, #tpu.memory_space<vmem>>, vector<16xf32>,
    %swap3A_290 = arith.constant 80 : index
    %swap3A_291 = tpu.vector_load %arg8[%swap3A_290] {strides = array<i32>} : memref<512xf32, #tpu.memory_space<vmem>>, vector<16xf32>,
    %swap3A_292 = vector.shape_cast %swap3A_291 : vector<16xf32> to vector<16xf32>
    %swap3A_293 = vector.shape_cast %broadcast_in_dim3A_3 : vector<16xf32> to vector<16xf32>
    tpu.vector_store %arg8[%swap3A_290], %swap3A_293 {strides = array<i32>} : memref<512xf32, #tpu.memory_space<vmem>>, vector<16xf32>,
    %swap3A_294 = arith.constant 96 : index
    %swap3A_295 = tpu.vector_load %arg8[%swap3A_294] {strides = array<i32>} : memref<512xf32, #tpu.memory_space<vmem>>, vector<16xf32>,
    %swap3A_296 = vector.shape_cast %swap3A_295 : vector<16xf32> to vector<16xf32>
    %swap3A_297 = vector.shape_cast %broadcast_in_dim3A_3 : vector<16xf32> to vector<16xf32>
    tpu.vector_store %arg8[%swap3A_294], %swap3A_297 {strides = array<i32>} : memref<512xf32, #tpu.memory_space<vmem>>, vector<16xf32>,
    %swap3A_298 = arith.constant 112 : index
    %swap3A_299 = tpu.vector_load %arg8[%swap3A_298] {strides = array<i32>} : memref<512xf32, #tpu.memory_space<vmem>>, vector<16xf32>,
    %swap3A_300 = vector.shape_cast %swap3A_299 : vector<16xf32> to vector<16xf32>
    %swap3A_301 = vector.shape_cast %broadcast_in_dim3A_3 : vector<16xf32> to vector<16xf32>
    tpu.vector_store %arg8[%swap3A_298], %swap3A_301 {strides = array<i32>} : memref<512xf32, #tpu.memory_space<vmem>>, vector<16xf32>,
    %swap3A_302 = arith.constant 128 : index
    %swap3A_303 = tpu.vector_load %arg8[%swap3A_302] {strides = array<i32>} : memref<512xf32, #tpu.memory_space<vmem>>, vector<16xf32>,
    %swap3A_304 = vector.shape_cast %swap3A_303 : vector<16xf32> to vector<16xf32>
    %swap3A_305 = vector.shape_cast %broadcast_in_dim3A_3 : vector<16xf32> to vector<16xf32>
    tpu.vector_store %arg8[%swap3A_302], %swap3A_305 {strides = array<i32>} : memref<512xf32, #tpu.memory_space<vmem>>, vector<16xf32>,
    %swap3A_306 = arith.constant 144 : index
    %swap3A_307 = tpu.vector_load %arg8[%swap3A_306] {strides = array<i32>} : memref<512xf32, #tpu.memory_space<vmem>>, vector<16xf32>,
    %swap3A_308 = vector.shape_cast %swap3A_307 : vector<16xf32> to vector<16xf32>
    %swap3A_309 = vector.shape_cast %broadcast_in_dim3A_3 : vector<16xf32> to vector<16xf32>
    tpu.vector_store %arg8[%swap3A_306], %swap3A_309 {strides = array<i32>} : memref<512xf32, #tpu.memory_space<vmem>>, vector<16xf32>,
    %swap3A_310 = arith.constant 160 : index
    %swap3A_311 = tpu.vector_load %arg8[%swap3A_310] {strides = array<i32>} : memref<512xf32, #tpu.memory_space<vmem>>, vector<16xf32>,
    %swap3A_312 = vector.shape_cast %swap3A_311 : vector<16xf32> to vector<16xf32>
    %swap3A_313 = vector.shape_cast %broadcast_in_dim3A_3 : vector<16xf32> to vector<16xf32>
    tpu.vector_store %arg8[%swap3A_310], %swap3A_313 {strides = array<i32>} : memref<512xf32, #tpu.memory_space<vmem>>, vector<16xf32>,
    %swap3A_314 = arith.constant 176 : index
    %swap3A_315 = tpu.vector_load %arg8[%swap3A_314] {strides = array<i32>} : memref<512xf32, #tpu.memory_space<vmem>>, vector<16xf32>,
    %swap3A_316 = vector.shape_cast %swap3A_315 : vector<16xf32> to vector<16xf32>
    %swap3A_317 = vector.shape_cast %broadcast_in_dim3A_3 : vector<16xf32> to vector<16xf32>
    tpu.vector_store %arg8[%swap3A_314], %swap3A_317 {strides = array<i32>} : memref<512xf32, #tpu.memory_space<vmem>>, vector<16xf32>,
    %swap3A_318 = arith.constant 192 : index
    %swap3A_319 = tpu.vector_load %arg8[%swap3A_318] {strides = array<i32>} : memref<512xf32, #tpu.memory_space<vmem>>, vector<16xf32>,
    %swap3A_320 = vector.shape_cast %swap3A_319 : vector<16xf32> to vector<16xf32>
    %swap3A_321 = vector.shape_cast %broadcast_in_dim3A_3 : vector<16xf32> to vector<16xf32>
    tpu.vector_store %arg8[%swap3A_318], %swap3A_321 {strides = array<i32>} : memref<512xf32, #tpu.memory_space<vmem>>, vector<16xf32>,
    %swap3A_322 = arith.constant 208 : index
    %swap3A_323 = tpu.vector_load %arg8[%swap3A_322] {strides = array<i32>} : memref<512xf32, #tpu.memory_space<vmem>>, vector<16xf32>,
    %swap3A_324 = vector.shape_cast %swap3A_323 : vector<16xf32> to vector<16xf32>
    %swap3A_325 = vector.shape_cast %broadcast_in_dim3A_3 : vector<16xf32> to vector<16xf32>
    tpu.vector_store %arg8[%swap3A_322], %swap3A_325 {strides = array<i32>} : memref<512xf32, #tpu.memory_space<vmem>>, vector<16xf32>,
    %swap3A_326 = arith.constant 224 : index
    %swap3A_327 = tpu.vector_load %arg8[%swap3A_326] {strides = array<i32>} : memref<512xf32, #tpu.memory_space<vmem>>, vector<16xf32>,
    %swap3A_328 = vector.shape_cast %swap3A_327 : vector<16xf32> to vector<16xf32>
    %swap3A_329 = vector.shape_cast %broadcast_in_dim3A_3 : vector<16xf32> to vector<16xf32>
    tpu.vector_store %arg8[%swap3A_326], %swap3A_329 {strides = array<i32>} : memref<512xf32, #tpu.memory_space<vmem>>, vector<16xf32>,
    %swap3A_330 = arith.constant 240 : index
    %swap3A_331 = tpu.vector_load %arg8[%swap3A_330] {strides = array<i32>} : memref<512xf32, #tpu.memory_space<vmem>>, vector<16xf32>,
    %swap3A_332 = vector.shape_cast %swap3A_331 : vector<16xf32> to vector<16xf32>
    %swap3A_333 = vector.shape_cast %broadcast_in_dim3A_3 : vector<16xf32> to vector<16xf32>
    tpu.vector_store %arg8[%swap3A_330], %swap3A_333 {strides = array<i32>} : memref<512xf32, #tpu.memory_space<vmem>>, vector<16xf32>,
    %swap3A_334 = arith.constant 256 : index
    %swap3A_335 = tpu.vector_load %arg8[%swap3A_334] {strides = array<i32>} : memref<512xf32, #tpu.memory_space<vmem>>, vector<16xf32>,
    %swap3A_336 = vector.shape_cast %swap3A_335 : vector<16xf32> to vector<16xf32>
    %swap3A_337 = vector.shape_cast %broadcast_in_dim3A_3 : vector<16xf32> to vector<16xf32>
    tpu.vector_store %arg8[%swap3A_334], %swap3A_337 {strides = array<i32>} : memref<512xf32, #tpu.memory_space<vmem>>, vector<16xf32>,
    %swap3A_338 = arith.constant 272 : index
    %swap3A_339 = tpu.vector_load %arg8[%swap3A_338] {strides = array<i32>} : memref<512xf32, #tpu.memory_space<vmem>>, vector<16xf32>,
    %swap3A_340 = vector.shape_cast %swap3A_339 : vector<16xf32> to vector<16xf32>
    %swap3A_341 = vector.shape_cast %broadcast_in_dim3A_3 : vector<16xf32> to vector<16xf32>
    tpu.vector_store %arg8[%swap3A_338], %swap3A_341 {strides = array<i32>} : memref<512xf32, #tpu.memory_space<vmem>>, vector<16xf32>,
    %swap3A_342 = arith.constant 288 : index
    %swap3A_343 = tpu.vector_load %arg8[%swap3A_342] {strides = array<i32>} : memref<512xf32, #tpu.memory_space<vmem>>, vector<16xf32>,
    %swap3A_344 = vector.shape_cast %swap3A_343 : vector<16xf32> to vector<16xf32>
    %swap3A_345 = vector.shape_cast %broadcast_in_dim3A_3 : vector<16xf32> to vector<16xf32>
    tpu.vector_store %arg8[%swap3A_342], %swap3A_345 {strides = array<i32>} : memref<512xf32, #tpu.memory_space<vmem>>, vector<16xf32>,
    %swap3A_346 = arith.constant 304 : index
    %swap3A_347 = tpu.vector_load %arg8[%swap3A_346] {strides = array<i32>} : memref<512xf32, #tpu.memory_space<vmem>>, vector<16xf32>,
    %swap3A_348 = vector.shape_cast %swap3A_347 : vector<16xf32> to vector<16xf32>
    %swap3A_349 = vector.shape_cast %broadcast_in_dim3A_3 : vector<16xf32> to vector<16xf32>
    tpu.vector_store %arg8[%swap3A_346], %swap3A_349 {strides = array<i32>} : memref<512xf32, #tpu.memory_space<vmem>>, vector<16xf32>,
    %swap3A_350 = arith.constant 320 : index
    %swap3A_351 = tpu.vector_load %arg8[%swap3A_350] {strides = array<i32>} : memref<512xf32, #tpu.memory_space<vmem>>, vector<16xf32>,
    %swap3A_352 = vector.shape_cast %swap3A_351 : vector<16xf32> to vector<16xf32>
    %swap3A_353 = vector.shape_cast %broadcast_in_dim3A_3 : vector<16xf32> to vector<16xf32>
    tpu.vector_store %arg8[%swap3A_350], %swap3A_353 {strides = array<i32>} : memref<512xf32, #tpu.memory_space<vmem>>, vector<16xf32>,
    %swap3A_354 = arith.constant 336 : index
    %swap3A_355 = tpu.vector_load %arg8[%swap3A_354] {strides = array<i32>} : memref<512xf32, #tpu.memory_space<vmem>>, vector<16xf32>,
    %swap3A_356 = vector.shape_cast %swap3A_355 : vector<16xf32> to vector<16xf32>
    %swap3A_357 = vector.shape_cast %broadcast_in_dim3A_3 : vector<16xf32> to vector<16xf32>
    tpu.vector_store %arg8[%swap3A_354], %swap3A_357 {strides = array<i32>} : memref<512xf32, #tpu.memory_space<vmem>>, vector<16xf32>,
    %swap3A_358 = arith.constant 352 : index
    %swap3A_359 = tpu.vector_load %arg8[%swap3A_358] {strides = array<i32>} : memref<512xf32, #tpu.memory_space<vmem>>, vector<16xf32>,
    %swap3A_360 = vector.shape_cast %swap3A_359 : vector<16xf32> to vector<16xf32>
    %swap3A_361 = vector.shape_cast %broadcast_in_dim3A_3 : vector<16xf32> to vector<16xf32>
    tpu.vector_store %arg8[%swap3A_358], %swap3A_361 {strides = array<i32>} : memref<512xf32, #tpu.memory_space<vmem>>, vector<16xf32>,
    %swap3A_362 = arith.constant 368 : index
    %swap3A_363 = tpu.vector_load %arg8[%swap3A_362] {strides = array<i32>} : memref<512xf32, #tpu.memory_space<vmem>>, vector<16xf32>,
    %swap3A_364 = vector.shape_cast %swap3A_363 : vector<16xf32> to vector<16xf32>
    %swap3A_365 = vector.shape_cast %broadcast_in_dim3A_3 : vector<16xf32> to vector<16xf32>
    tpu.vector_store %arg8[%swap3A_362], %swap3A_365 {strides = array<i32>} : memref<512xf32, #tpu.memory_space<vmem>>, vector<16xf32>,
    %swap3A_366 = arith.constant 384 : index
    %swap3A_367 = tpu.vector_load %arg8[%swap3A_366] {strides = array<i32>} : memref<512xf32, #tpu.memory_space<vmem>>, vector<16xf32>,
    %swap3A_368 = vector.shape_cast %swap3A_367 : vector<16xf32> to vector<16xf32>
    %swap3A_369 = vector.shape_cast %broadcast_in_dim3A_3 : vector<16xf32> to vector<16xf32>
    tpu.vector_store %arg8[%swap3A_366], %swap3A_369 {strides = array<i32>} : memref<512xf32, #tpu.memory_space<vmem>>, vector<16xf32>,
    %swap3A_370 = arith.constant 400 : index
    %swap3A_371 = tpu.vector_load %arg8[%swap3A_370] {strides = array<i32>} : memref<512xf32, #tpu.memory_space<vmem>>, vector<16xf32>,
    %swap3A_372 = vector.shape_cast %swap3A_371 : vector<16xf32> to vector<16xf32>
    %swap3A_373 = vector.shape_cast %broadcast_in_dim3A_3 : vector<16xf32> to vector<16xf32>
    tpu.vector_store %arg8[%swap3A_370], %swap3A_373 {strides = array<i32>} : memref<512xf32, #tpu.memory_space<vmem>>, vector<16xf32>,
    %swap3A_374 = arith.constant 416 : index
    %swap3A_375 = tpu.vector_load %arg8[%swap3A_374] {strides = array<i32>} : memref<512xf32, #tpu.memory_space<vmem>>, vector<16xf32>,
    %swap3A_376 = vector.shape_cast %swap3A_375 : vector<16xf32> to vector<16xf32>
    %swap3A_377 = vector.shape_cast %broadcast_in_dim3A_3 : vector<16xf32> to vector<16xf32>
    tpu.vector_store %arg8[%swap3A_374], %swap3A_377 {strides = array<i32>} : memref<512xf32, #tpu.memory_space<vmem>>, vector<16xf32>,
    %swap3A_378 = arith.constant 432 : index
    %swap3A_379 = tpu.vector_load %arg8[%swap3A_378] {strides = array<i32>} : memref<512xf32, #tpu.memory_space<vmem>>, vector<16xf32>,
    %swap3A_380 = vector.shape_cast %swap3A_379 : vector<16xf32> to vector<16xf32>
    %swap3A_381 = vector.shape_cast %broadcast_in_dim3A_3 : vector<16xf32> to vector<16xf32>
    tpu.vector_store %arg8[%swap3A_378], %swap3A_381 {strides = array<i32>} : memref<512xf32, #tpu.memory_space<vmem>>, vector<16xf32>,
    %swap3A_382 = arith.constant 448 : index
    %swap3A_383 = tpu.vector_load %arg8[%swap3A_382] {strides = array<i32>} : memref<512xf32, #tpu.memory_space<vmem>>, vector<16xf32>,
    %swap3A_384 = vector.shape_cast %swap3A_383 : vector<16xf32> to vector<16xf32>
    %swap3A_385 = vector.shape_cast %broadcast_in_dim3A_3 : vector<16xf32> to vector<16xf32>
    tpu.vector_store %arg8[%swap3A_382], %swap3A_385 {strides = array<i32>} : memref<512xf32, #tpu.memory_space<vmem>>, vector<16xf32>,
    %swap3A_386 = arith.constant 464 : index
    %swap3A_387 = tpu.vector_load %arg8[%swap3A_386] {strides = array<i32>} : memref<512xf32, #tpu.memory_space<vmem>>, vector<16xf32>,
    %swap3A_388 = vector.shape_cast %swap3A_387 : vector<16xf32> to vector<16xf32>
    %swap3A_389 = vector.shape_cast %broadcast_in_dim3A_3 : vector<16xf32> to vector<16xf32>
    tpu.vector_store %arg8[%swap3A_386], %swap3A_389 {strides = array<i32>} : memref<512xf32, #tpu.memory_space<vmem>>, vector<16xf32>,
    %swap3A_390 = arith.constant 480 : index
    %swap3A_391 = tpu.vector_load %arg8[%swap3A_390] {strides = array<i32>} : memref<512xf32, #tpu.memory_space<vmem>>, vector<16xf32>,
    %swap3A_392 = vector.shape_cast %swap3A_391 : vector<16xf32> to vector<16xf32>
    %swap3A_393 = vector.shape_cast %broadcast_in_dim3A_3 : vector<16xf32> to vector<16xf32>
    tpu.vector_store %arg8[%swap3A_390], %swap3A_393 {strides = array<i32>} : memref<512xf32, #tpu.memory_space<vmem>>, vector<16xf32>,
    %swap3A_394 = arith.constant 496 : index
    %swap3A_395 = tpu.vector_load %arg8[%swap3A_394] {strides = array<i32>} : memref<512xf32, #tpu.memory_space<vmem>>, vector<16xf32>,
    %swap3A_396 = vector.shape_cast %swap3A_395 : vector<16xf32> to vector<16xf32>
    %swap3A_397 = vector.shape_cast %broadcast_in_dim3A_3 : vector<16xf32> to vector<16xf32>
    tpu.vector_store %arg8[%swap3A_394], %swap3A_397 {strides = array<i32>} : memref<512xf32, #tpu.memory_space<vmem>>, vector<16xf32>,
    %add3A_398 = arith.constant 31 : i32
    %add3A_399 = arith.addi %mul3A_2, %add3A_398 : i32
    %dma_wait3A_400 = arith.constant 0 : i32
    %dma_wait3A_401 = arith.constant 0 : i32
    %dma_wait3A_402 = tpu.memref_slice %arg2[%add3A_399, %dma_wait3A_400, %dma_wait3A_401] : memref<1024x256x128xf32, #tpu.memory_space<hbm>> -> memref<1x256x128xf32, #tpu.memory_space<hbm>>
    %dma_wait3A_403 = tpu.memref_squeeze %dma_wait3A_402 : memref<1x256x128xf32, #tpu.memory_space<hbm>> -> memref<256x128xf32, #tpu.memory_space<hbm>>
    %dma_wait3A_404 = arith.constant 0 : i32
    %dma_wait3A_405 = arith.constant 0 : i32
    %dma_wait3A_406 = tpu.memref_slice %arg2[%add3A_399, %dma_wait3A_404, %dma_wait3A_405] : memref<1024x256x128xf32, #tpu.memory_space<hbm>> -> memref<1x256x128xf32, #tpu.memory_space<hbm>>
    %dma_wait3A_407 = tpu.memref_squeeze %dma_wait3A_406 : memref<1x256x128xf32, #tpu.memory_space<hbm>> -> memref<256x128xf32, #tpu.memory_space<hbm>>
    tpu.wait_dma2 semaphore(%arg11 : memref<!tpu.dma_semaphore, #tpu.memory_space<semaphore_mem>>) src(%dma_wait3A_407 : memref<256x128xf32, #tpu.memory_space<hbm>>) dst(%arg5 : memref<256x128xf32, #tpu.memory_space<vmem>>)
    %scan3A_408 = arith.constant 0 : i32
    %scan3A_409 = arith.constant 0 : i32
    %scan3A_410 = arith.constant 32 : i32
    %scan3A_411 = arith.addi %scan3A_409, %scan3A_410 : i32
    %scan3A_412 = arith.constant 1 : i32
    scf.for %scan3A_451 = %scan3A_409 to %scan3A_411 step %scan3A_412  : i32 {
      %jit3A = arith.constant 2 : i32
      %eq3A = arith.constant 0 : i32
      %eq3A_452 = arith.cmpi eq, %jit3A, %eq3A : i32
      %jit3A_453 = arith.constant 1 : i32
      %select_n3A = arith.select %eq3A_452, %jit3A_453, %jit3A : i32
      %rem3A = arith.remsi %scan3A_451, %select_n3A : i32
      %ne3A = arith.constant 0 : i32
      %ne3A_454 = arith.cmpi ne, %rem3A, %ne3A : i32
      %lt3A = arith.constant 0 : i32
      %lt3A_455 = arith.cmpi slt, %rem3A, %lt3A : i32
      %lt3A_456 = arith.constant 0 : i32
      %lt3A_457 = arith.cmpi slt, %select_n3A, %lt3A_456 : i32
      %ne3A_458 = arith.xori %lt3A_455, %lt3A_457 : i1
      %and3A = arith.andi %ne3A_458, %ne3A_454 : i1
      %add3A_459 = arith.addi %rem3A, %select_n3A : i32
      %select_n3A_460 = arith.select %and3A, %add3A_459, %rem3A : i32
      %mul3A_461 = arith.constant 256 : i32
      %mul3A_462 = arith.muli %mul3A_461, %select_n3A_460 : i32
      %jit3A_463 = arith.constant 2 : i32
      %div3A = arith.divsi %scan3A_451, %jit3A_463 : i32
      %sign3A = arith.constant 0 : i32
      %sign3A_464 = arith.cmpi sgt, %scan3A_451, %sign3A : i32
      %sign3A_465 = arith.extui %sign3A_464 : i1 to i32
      %sign3A_466 = arith.constant 0 : i32
      %sign3A_467 = arith.cmpi slt, %scan3A_451, %sign3A_466 : i32
      %sign3A_468 = arith.extui %sign3A_467 : i1 to i32
      %sign3A_469 = arith.subi %sign3A_465, %sign3A_468 : i32
      %sign3A_470 = arith.constant 0 : i32
      %sign3A_471 = arith.cmpi sgt, %jit3A_463, %sign3A_470 : i32
      %sign3A_472 = arith.extui %sign3A_471 : i1 to i32
      %sign3A_473 = arith.constant 0 : i32
      %sign3A_474 = arith.cmpi slt, %jit3A_463, %sign3A_473 : i32
      %sign3A_475 = arith.extui %sign3A_474 : i1 to i32
      %sign3A_476 = arith.subi %sign3A_472, %sign3A_475 : i32
      %ne3A_477 = arith.cmpi ne, %sign3A_469, %sign3A_476 : i32
      %rem3A_478 = arith.remsi %scan3A_451, %jit3A_463 : i32
      %ne3A_479 = arith.constant 0 : i32
      %ne3A_480 = arith.cmpi ne, %rem3A_478, %ne3A_479 : i32
      %and3A_481 = arith.andi %ne3A_477, %ne3A_480 : i1
      %sub3A_482 = arith.constant 1 : i32
      %sub3A_483 = arith.subi %div3A, %sub3A_482 : i32
      %select_n3A_484 = arith.select %and3A_481, %sub3A_483, %div3A : i32
      %add3A_485 = arith.addi %mul3A_462, %select_n3A_484 : i32
      %add3A_486 = arith.constant 0 : i32
      %add3A_487 = arith.addi %scan3A_451, %add3A_486 : i32
      %get3A = arith.index_cast %add3A_487 : i32 to index
      %get3A_488 = arith.constant 0 : index
      %get3A_489 = tpu.vector_load %arg5[%get3A, %get3A_488] {strides = array<i32>} : memref<256x128xf32, #tpu.memory_space<vmem>>, vector<1x16xf32>,
      %get3A_490 = vector.shape_cast %get3A_489 : vector<1x16xf32> to vector<16xf32>
      %add3A_491 = arith.constant 0 : i32
      %add3A_492 = arith.addi %scan3A_451, %add3A_491 : i32
      %get3A_493 = arith.index_cast %add3A_492 : i32 to index
      %get3A_494 = arith.constant 16 : index
      %get3A_495 = tpu.vector_load %arg5[%get3A_493, %get3A_494] {strides = array<i32>} : memref<256x128xf32, #tpu.memory_space<vmem>>, vector<1x16xf32>,
      %get3A_496 = vector.shape_cast %get3A_495 : vector<1x16xf32> to vector<16xf32>
      %add3A_497 = arith.constant 0 : i32
      %add3A_498 = arith.addi %scan3A_451, %add3A_497 : i32
      %get3A_499 = arith.index_cast %add3A_498 : i32 to index
      %get3A_500 = arith.constant 32 : index
      %get3A_501 = tpu.vector_load %arg5[%get3A_499, %get3A_500] {strides = array<i32>} : memref<256x128xf32, #tpu.memory_space<vmem>>, vector<1x16xf32>,
      %get3A_502 = vector.shape_cast %get3A_501 : vector<1x16xf32> to vector<16xf32>
      %add3A_503 = arith.constant 0 : i32
      %add3A_504 = arith.addi %scan3A_451, %add3A_503 : i32
      %get3A_505 = arith.index_cast %add3A_504 : i32 to index
      %get3A_506 = arith.constant 48 : index
      %get3A_507 = tpu.vector_load %arg5[%get3A_505, %get3A_506] {strides = array<i32>} : memref<256x128xf32, #tpu.memory_space<vmem>>, vector<1x16xf32>,
      %get3A_508 = vector.shape_cast %get3A_507 : vector<1x16xf32> to vector<16xf32>
      %add3A_509 = arith.constant 0 : i32
      %add3A_510 = arith.addi %scan3A_451, %add3A_509 : i32
      %get3A_511 = arith.index_cast %add3A_510 : i32 to index
      %get3A_512 = arith.constant 64 : index
      %get3A_513 = tpu.vector_load %arg5[%get3A_511, %get3A_512] {strides = array<i32>} : memref<256x128xf32, #tpu.memory_space<vmem>>, vector<1x16xf32>,
      %get3A_514 = vector.shape_cast %get3A_513 : vector<1x16xf32> to vector<16xf32>
      %add3A_515 = arith.constant 0 : i32
      %add3A_516 = arith.addi %scan3A_451, %add3A_515 : i32
      %get3A_517 = arith.index_cast %add3A_516 : i32 to index
      %get3A_518 = arith.constant 80 : index
      %get3A_519 = tpu.vector_load %arg5[%get3A_517, %get3A_518] {strides = array<i32>} : memref<256x128xf32, #tpu.memory_space<vmem>>, vector<1x16xf32>,
      %get3A_520 = vector.shape_cast %get3A_519 : vector<1x16xf32> to vector<16xf32>
      %add3A_521 = arith.constant 0 : i32
      %add3A_522 = arith.addi %scan3A_451, %add3A_521 : i32
      %get3A_523 = arith.index_cast %add3A_522 : i32 to index
      %get3A_524 = arith.constant 96 : index
      %get3A_525 = tpu.vector_load %arg5[%get3A_523, %get3A_524] {strides = array<i32>} : memref<256x128xf32, #tpu.memory_space<vmem>>, vector<1x16xf32>,
      %get3A_526 = vector.shape_cast %get3A_525 : vector<1x16xf32> to vector<16xf32>
      %add3A_527 = arith.constant 0 : i32
      %add3A_528 = arith.addi %scan3A_451, %add3A_527 : i32
      %get3A_529 = arith.index_cast %add3A_528 : i32 to index
      %get3A_530 = arith.constant 112 : index
      %get3A_531 = tpu.vector_load %arg5[%get3A_529, %get3A_530] {strides = array<i32>} : memref<256x128xf32, #tpu.memory_space<vmem>>, vector<1x16xf32>,
      %get3A_532 = vector.shape_cast %get3A_531 : vector<1x16xf32> to vector<16xf32>
      %add3A_533 = arith.constant 32 : i32
      %add3A_534 = arith.addi %scan3A_451, %add3A_533 : i32
      %get3A_535 = arith.index_cast %add3A_534 : i32 to index
      %get3A_536 = arith.constant 0 : index
      %get3A_537 = tpu.vector_load %arg5[%get3A_535, %get3A_536] {strides = array<i32>} : memref<256x128xf32, #tpu.memory_space<vmem>>, vector<1x16xf32>,
      %get3A_538 = vector.shape_cast %get3A_537 : vector<1x16xf32> to vector<16xf32>
      %add3A_539 = arith.constant 32 : i32
      %add3A_540 = arith.addi %scan3A_451, %add3A_539 : i32
      %get3A_541 = arith.index_cast %add3A_540 : i32 to index
      %get3A_542 = arith.constant 16 : index
      %get3A_543 = tpu.vector_load %arg5[%get3A_541, %get3A_542] {strides = array<i32>} : memref<256x128xf32, #tpu.memory_space<vmem>>, vector<1x16xf32>,
      %get3A_544 = vector.shape_cast %get3A_543 : vector<1x16xf32> to vector<16xf32>
      %add3A_545 = arith.constant 32 : i32
      %add3A_546 = arith.addi %scan3A_451, %add3A_545 : i32
      %get3A_547 = arith.index_cast %add3A_546 : i32 to index
      %get3A_548 = arith.constant 32 : index
      %get3A_549 = tpu.vector_load %arg5[%get3A_547, %get3A_548] {strides = array<i32>} : memref<256x128xf32, #tpu.memory_space<vmem>>, vector<1x16xf32>,
      %get3A_550 = vector.shape_cast %get3A_549 : vector<1x16xf32> to vector<16xf32>
      %add3A_551 = arith.constant 32 : i32
      %add3A_552 = arith.addi %scan3A_451, %add3A_551 : i32
      %get3A_553 = arith.index_cast %add3A_552 : i32 to index
      %get3A_554 = arith.constant 48 : index
      %get3A_555 = tpu.vector_load %arg5[%get3A_553, %get3A_554] {strides = array<i32>} : memref<256x128xf32, #tpu.memory_space<vmem>>, vector<1x16xf32>,
      %get3A_556 = vector.shape_cast %get3A_555 : vector<1x16xf32> to vector<16xf32>
      %add3A_557 = arith.constant 32 : i32
      %add3A_558 = arith.addi %scan3A_451, %add3A_557 : i32
      %get3A_559 = arith.index_cast %add3A_558 : i32 to index
      %get3A_560 = arith.constant 64 : index
      %get3A_561 = tpu.vector_load %arg5[%get3A_559, %get3A_560] {strides = array<i32>} : memref<256x128xf32, #tpu.memory_space<vmem>>, vector<1x16xf32>,
      %get3A_562 = vector.shape_cast %get3A_561 : vector<1x16xf32> to vector<16xf32>
      %add3A_563 = arith.constant 32 : i32
      %add3A_564 = arith.addi %scan3A_451, %add3A_563 : i32
      %get3A_565 = arith.index_cast %add3A_564 : i32 to index
      %get3A_566 = arith.constant 80 : index
      %get3A_567 = tpu.vector_load %arg5[%get3A_565, %get3A_566] {strides = array<i32>} : memref<256x128xf32, #tpu.memory_space<vmem>>, vector<1x16xf32>,
      %get3A_568 = vector.shape_cast %get3A_567 : vector<1x16xf32> to vector<16xf32>
      %add3A_569 = arith.constant 32 : i32
      %add3A_570 = arith.addi %scan3A_451, %add3A_569 : i32
      %get3A_571 = arith.index_cast %add3A_570 : i32 to index
      %get3A_572 = arith.constant 96 : index
      %get3A_573 = tpu.vector_load %arg5[%get3A_571, %get3A_572] {strides = array<i32>} : memref<256x128xf32, #tpu.memory_space<vmem>>, vector<1x16xf32>,
      %get3A_574 = vector.shape_cast %get3A_573 : vector<1x16xf32> to vector<16xf32>
      %add3A_575 = arith.constant 32 : i32
      %add3A_576 = arith.addi %scan3A_451, %add3A_575 : i32
      %get3A_577 = arith.index_cast %add3A_576 : i32 to index
      %get3A_578 = arith.constant 112 : index
      %get3A_579 = tpu.vector_load %arg5[%get3A_577, %get3A_578] {strides = array<i32>} : memref<256x128xf32, #tpu.memory_space<vmem>>, vector<1x16xf32>,
      %get3A_580 = vector.shape_cast %get3A_579 : vector<1x16xf32> to vector<16xf32>
      %add3A_581 = arith.addf %get3A_496, %get3A_538 : vector<16xf32>
      %add3A_582 = arith.addf %get3A_502, %get3A_544 : vector<16xf32>
      %add3A_583 = arith.addf %get3A_508, %get3A_550 : vector<16xf32>
      %add3A_584 = arith.addf %get3A_514, %get3A_556 : vector<16xf32>
      %add3A_585 = arith.addf %get3A_520, %get3A_562 : vector<16xf32>
      %add3A_586 = arith.addf %get3A_526, %get3A_568 : vector<16xf32>
      %add3A_587 = arith.addf %get3A_532, %get3A_574 : vector<16xf32>
      %add3A_588 = arith.constant 64 : i32
      %add3A_589 = arith.addi %scan3A_451, %add3A_588 : i32
      %get3A_590 = arith.index_cast %add3A_589 : i32 to index
      %get3A_591 = arith.constant 0 : index
      %get3A_592 = tpu.vector_load %arg5[%get3A_590, %get3A_591] {strides = array<i32>} : memref<256x128xf32, #tpu.memory_space<vmem>>, vector<1x16xf32>,
      %get3A_593 = vector.shape_cast %get3A_592 : vector<1x16xf32> to vector<16xf32>
      %add3A_594 = arith.constant 64 : i32
      %add3A_595 = arith.addi %scan3A_451, %add3A_594 : i32
      %get3A_596 = arith.index_cast %add3A_595 : i32 to index
      %get3A_597 = arith.constant 16 : index
      %get3A_598 = tpu.vector_load %arg5[%get3A_596, %get3A_597] {strides = array<i32>} : memref<256x128xf32, #tpu.memory_space<vmem>>, vector<1x16xf32>,
      %get3A_599 = vector.shape_cast %get3A_598 : vector<1x16xf32> to vector<16xf32>
      %add3A_600 = arith.constant 64 : i32
      %add3A_601 = arith.addi %scan3A_451, %add3A_600 : i32
      %get3A_602 = arith.index_cast %add3A_601 : i32 to index
      %get3A_603 = arith.constant 32 : index
      %get3A_604 = tpu.vector_load %arg5[%get3A_602, %get3A_603] {strides = array<i32>} : memref<256x128xf32, #tpu.memory_space<vmem>>, vector<1x16xf32>,
      %get3A_605 = vector.shape_cast %get3A_604 : vector<1x16xf32> to vector<16xf32>
      %add3A_606 = arith.constant 64 : i32
      %add3A_607 = arith.addi %scan3A_451, %add3A_606 : i32
      %get3A_608 = arith.index_cast %add3A_607 : i32 to index
      %get3A_609 = arith.constant 48 : index
      %get3A_610 = tpu.vector_load %arg5[%get3A_608, %get3A_609] {strides = array<i32>} : memref<256x128xf32, #tpu.memory_space<vmem>>, vector<1x16xf32>,
      %get3A_611 = vector.shape_cast %get3A_610 : vector<1x16xf32> to vector<16xf32>
      %add3A_612 = arith.constant 64 : i32
      %add3A_613 = arith.addi %scan3A_451, %add3A_612 : i32
      %get3A_614 = arith.index_cast %add3A_613 : i32 to index
      %get3A_615 = arith.constant 64 : index
      %get3A_616 = tpu.vector_load %arg5[%get3A_614, %get3A_615] {strides = array<i32>} : memref<256x128xf32, #tpu.memory_space<vmem>>, vector<1x16xf32>,
      %get3A_617 = vector.shape_cast %get3A_616 : vector<1x16xf32> to vector<16xf32>
      %add3A_618 = arith.constant 64 : i32
      %add3A_619 = arith.addi %scan3A_451, %add3A_618 : i32
      %get3A_620 = arith.index_cast %add3A_619 : i32 to index
      %get3A_621 = arith.constant 80 : index
      %get3A_622 = tpu.vector_load %arg5[%get3A_620, %get3A_621] {strides = array<i32>} : memref<256x128xf32, #tpu.memory_space<vmem>>, vector<1x16xf32>,
      %get3A_623 = vector.shape_cast %get3A_622 : vector<1x16xf32> to vector<16xf32>
      %add3A_624 = arith.constant 64 : i32
      %add3A_625 = arith.addi %scan3A_451, %add3A_624 : i32
      %get3A_626 = arith.index_cast %add3A_625 : i32 to index
      %get3A_627 = arith.constant 96 : index
      %get3A_628 = tpu.vector_load %arg5[%get3A_626, %get3A_627] {strides = array<i32>} : memref<256x128xf32, #tpu.memory_space<vmem>>, vector<1x16xf32>,
      %get3A_629 = vector.shape_cast %get3A_628 : vector<1x16xf32> to vector<16xf32>
      %add3A_630 = arith.constant 64 : i32
      %add3A_631 = arith.addi %scan3A_451, %add3A_630 : i32
      %get3A_632 = arith.index_cast %add3A_631 : i32 to index
      %get3A_633 = arith.constant 112 : index
      %get3A_634 = tpu.vector_load %arg5[%get3A_632, %get3A_633] {strides = array<i32>} : memref<256x128xf32, #tpu.memory_space<vmem>>, vector<1x16xf32>,
      %get3A_635 = vector.shape_cast %get3A_634 : vector<1x16xf32> to vector<16xf32>
      %add3A_636 = arith.addf %add3A_582, %get3A_593 : vector<16xf32>
      %add3A_637 = arith.addf %add3A_583, %get3A_599 : vector<16xf32>
      %add3A_638 = arith.addf %add3A_584, %get3A_605 : vector<16xf32>
      %add3A_639 = arith.addf %add3A_585, %get3A_611 : vector<16xf32>
      %add3A_640 = arith.addf %add3A_586, %get3A_617 : vector<16xf32>
      %add3A_641 = arith.addf %add3A_587, %get3A_623 : vector<16xf32>
      %add3A_642 = arith.addf %get3A_580, %get3A_629 : vector<16xf32>
      %add3A_643 = arith.constant 96 : i32
      %add3A_644 = arith.addi %scan3A_451, %add3A_643 : i32
      %get3A_645 = arith.index_cast %add3A_644 : i32 to index
      %get3A_646 = arith.constant 0 : index
      %get3A_647 = tpu.vector_load %arg5[%get3A_645, %get3A_646] {strides = array<i32>} : memref<256x128xf32, #tpu.memory_space<vmem>>, vector<1x16xf32>,
      %get3A_648 = vector.shape_cast %get3A_647 : vector<1x16xf32> to vector<16xf32>
      %add3A_649 = arith.constant 96 : i32
      %add3A_650 = arith.addi %scan3A_451, %add3A_649 : i32
      %get3A_651 = arith.index_cast %add3A_650 : i32 to index
      %get3A_652 = arith.constant 16 : index
      %get3A_653 = tpu.vector_load %arg5[%get3A_651, %get3A_652] {strides = array<i32>} : memref<256x128xf32, #tpu.memory_space<vmem>>, vector<1x16xf32>,
      %get3A_654 = vector.shape_cast %get3A_653 : vector<1x16xf32> to vector<16xf32>
      %add3A_655 = arith.constant 96 : i32
      %add3A_656 = arith.addi %scan3A_451, %add3A_655 : i32
      %get3A_657 = arith.index_cast %add3A_656 : i32 to index
      %get3A_658 = arith.constant 32 : index
      %get3A_659 = tpu.vector_load %arg5[%get3A_657, %get3A_658] {strides = array<i32>} : memref<256x128xf32, #tpu.memory_space<vmem>>, vector<1x16xf32>,
      %get3A_660 = vector.shape_cast %get3A_659 : vector<1x16xf32> to vector<16xf32>
      %add3A_661 = arith.constant 96 : i32
      %add3A_662 = arith.addi %scan3A_451, %add3A_661 : i32
      %get3A_663 = arith.index_cast %add3A_662 : i32 to index
      %get3A_664 = arith.constant 48 : index
      %get3A_665 = tpu.vector_load %arg5[%get3A_663, %get3A_664] {strides = array<i32>} : memref<256x128xf32, #tpu.memory_space<vmem>>, vector<1x16xf32>,
      %get3A_666 = vector.shape_cast %get3A_665 : vector<1x16xf32> to vector<16xf32>
      %add3A_667 = arith.constant 96 : i32
      %add3A_668 = arith.addi %scan3A_451, %add3A_667 : i32
      %get3A_669 = arith.index_cast %add3A_668 : i32 to index
      %get3A_670 = arith.constant 64 : index
      %get3A_671 = tpu.vector_load %arg5[%get3A_669, %get3A_670] {strides = array<i32>} : memref<256x128xf32, #tpu.memory_space<vmem>>, vector<1x16xf32>,
      %get3A_672 = vector.shape_cast %get3A_671 : vector<1x16xf32> to vector<16xf32>
      %add3A_673 = arith.constant 96 : i32
      %add3A_674 = arith.addi %scan3A_451, %add3A_673 : i32
      %get3A_675 = arith.index_cast %add3A_674 : i32 to index
      %get3A_676 = arith.constant 80 : index
      %get3A_677 = tpu.vector_load %arg5[%get3A_675, %get3A_676] {strides = array<i32>} : memref<256x128xf32, #tpu.memory_space<vmem>>, vector<1x16xf32>,
      %get3A_678 = vector.shape_cast %get3A_677 : vector<1x16xf32> to vector<16xf32>
      %add3A_679 = arith.constant 96 : i32
      %add3A_680 = arith.addi %scan3A_451, %add3A_679 : i32
      %get3A_681 = arith.index_cast %add3A_680 : i32 to index
      %get3A_682 = arith.constant 96 : index
      %get3A_683 = tpu.vector_load %arg5[%get3A_681, %get3A_682] {strides = array<i32>} : memref<256x128xf32, #tpu.memory_space<vmem>>, vector<1x16xf32>,
      %get3A_684 = vector.shape_cast %get3A_683 : vector<1x16xf32> to vector<16xf32>
      %add3A_685 = arith.constant 96 : i32
      %add3A_686 = arith.addi %scan3A_451, %add3A_685 : i32
      %get3A_687 = arith.index_cast %add3A_686 : i32 to index
      %get3A_688 = arith.constant 112 : index
      %get3A_689 = tpu.vector_load %arg5[%get3A_687, %get3A_688] {strides = array<i32>} : memref<256x128xf32, #tpu.memory_space<vmem>>, vector<1x16xf32>,
      %get3A_690 = vector.shape_cast %get3A_689 : vector<1x16xf32> to vector<16xf32>
      %add3A_691 = arith.addf %add3A_637, %get3A_648 : vector<16xf32>
      %add3A_692 = arith.addf %add3A_638, %get3A_654 : vector<16xf32>
      %add3A_693 = arith.addf %add3A_639, %get3A_660 : vector<16xf32>
      %add3A_694 = arith.addf %add3A_640, %get3A_666 : vector<16xf32>
      %add3A_695 = arith.addf %add3A_641, %get3A_672 : vector<16xf32>
      %add3A_696 = arith.addf %add3A_642, %get3A_678 : vector<16xf32>
      %add3A_697 = arith.addf %get3A_635, %get3A_684 : vector<16xf32>
      %add3A_698 = arith.constant 128 : i32
      %add3A_699 = arith.addi %scan3A_451, %add3A_698 : i32
      %get3A_700 = arith.index_cast %add3A_699 : i32 to index
      %get3A_701 = arith.constant 0 : index
      %get3A_702 = tpu.vector_load %arg5[%get3A_700, %get3A_701] {strides = array<i32>} : memref<256x128xf32, #tpu.memory_space<vmem>>, vector<1x16xf32>,
      %get3A_703 = vector.shape_cast %get3A_702 : vector<1x16xf32> to vector<16xf32>
      %add3A_704 = arith.constant 128 : i32
      %add3A_705 = arith.addi %scan3A_451, %add3A_704 : i32
      %get3A_706 = arith.index_cast %add3A_705 : i32 to index
      %get3A_707 = arith.constant 16 : index
      %get3A_708 = tpu.vector_load %arg5[%get3A_706, %get3A_707] {strides = array<i32>} : memref<256x128xf32, #tpu.memory_space<vmem>>, vector<1x16xf32>,
      %get3A_709 = vector.shape_cast %get3A_708 : vector<1x16xf32> to vector<16xf32>
      %add3A_710 = arith.constant 128 : i32
      %add3A_711 = arith.addi %scan3A_451, %add3A_710 : i32
      %get3A_712 = arith.index_cast %add3A_711 : i32 to index
      %get3A_713 = arith.constant 32 : index
      %get3A_714 = tpu.vector_load %arg5[%get3A_712, %get3A_713] {strides = array<i32>} : memref<256x128xf32, #tpu.memory_space<vmem>>, vector<1x16xf32>,
      %get3A_715 = vector.shape_cast %get3A_714 : vector<1x16xf32> to vector<16xf32>
      %add3A_716 = arith.constant 128 : i32
      %add3A_717 = arith.addi %scan3A_451, %add3A_716 : i32
      %get3A_718 = arith.index_cast %add3A_717 : i32 to index
      %get3A_719 = arith.constant 48 : index
      %get3A_720 = tpu.vector_load %arg5[%get3A_718, %get3A_719] {strides = array<i32>} : memref<256x128xf32, #tpu.memory_space<vmem>>, vector<1x16xf32>,
      %get3A_721 = vector.shape_cast %get3A_720 : vector<1x16xf32> to vector<16xf32>
      %add3A_722 = arith.constant 128 : i32
      %add3A_723 = arith.addi %scan3A_451, %add3A_722 : i32
      %get3A_724 = arith.index_cast %add3A_723 : i32 to index
      %get3A_725 = arith.constant 64 : index
      %get3A_726 = tpu.vector_load %arg5[%get3A_724, %get3A_725] {strides = array<i32>} : memref<256x128xf32, #tpu.memory_space<vmem>>, vector<1x16xf32>,
      %get3A_727 = vector.shape_cast %get3A_726 : vector<1x16xf32> to vector<16xf32>
      %add3A_728 = arith.constant 128 : i32
      %add3A_729 = arith.addi %scan3A_451, %add3A_728 : i32
      %get3A_730 = arith.index_cast %add3A_729 : i32 to index
      %get3A_731 = arith.constant 80 : index
      %get3A_732 = tpu.vector_load %arg5[%get3A_730, %get3A_731] {strides = array<i32>} : memref<256x128xf32, #tpu.memory_space<vmem>>, vector<1x16xf32>,
      %get3A_733 = vector.shape_cast %get3A_732 : vector<1x16xf32> to vector<16xf32>
      %add3A_734 = arith.constant 128 : i32
      %add3A_735 = arith.addi %scan3A_451, %add3A_734 : i32
      %get3A_736 = arith.index_cast %add3A_735 : i32 to index
      %get3A_737 = arith.constant 96 : index
      %get3A_738 = tpu.vector_load %arg5[%get3A_736, %get3A_737] {strides = array<i32>} : memref<256x128xf32, #tpu.memory_space<vmem>>, vector<1x16xf32>,
      %get3A_739 = vector.shape_cast %get3A_738 : vector<1x16xf32> to vector<16xf32>
      %add3A_740 = arith.constant 128 : i32
      %add3A_741 = arith.addi %scan3A_451, %add3A_740 : i32
      %get3A_742 = arith.index_cast %add3A_741 : i32 to index
      %get3A_743 = arith.constant 112 : index
      %get3A_744 = tpu.vector_load %arg5[%get3A_742, %get3A_743] {strides = array<i32>} : memref<256x128xf32, #tpu.memory_space<vmem>>, vector<1x16xf32>,
      %get3A_745 = vector.shape_cast %get3A_744 : vector<1x16xf32> to vector<16xf32>
      %add3A_746 = arith.addf %add3A_692, %get3A_703 : vector<16xf32>
      %add3A_747 = arith.addf %add3A_693, %get3A_709 : vector<16xf32>
      %add3A_748 = arith.addf %add3A_694, %get3A_715 : vector<16xf32>
      %add3A_749 = arith.addf %add3A_695, %get3A_721 : vector<16xf32>
      %add3A_750 = arith.addf %add3A_696, %get3A_727 : vector<16xf32>
      %add3A_751 = arith.addf %add3A_697, %get3A_733 : vector<16xf32>
      %add3A_752 = arith.addf %get3A_690, %get3A_739 : vector<16xf32>
      %add3A_753 = arith.constant 160 : i32
      %add3A_754 = arith.addi %scan3A_451, %add3A_753 : i32
      %get3A_755 = arith.index_cast %add3A_754 : i32 to index
      %get3A_756 = arith.constant 0 : index
      %get3A_757 = tpu.vector_load %arg5[%get3A_755, %get3A_756] {strides = array<i32>} : memref<256x128xf32, #tpu.memory_space<vmem>>, vector<1x16xf32>,
      %get3A_758 = vector.shape_cast %get3A_757 : vector<1x16xf32> to vector<16xf32>
      %add3A_759 = arith.constant 160 : i32
      %add3A_760 = arith.addi %scan3A_451, %add3A_759 : i32
      %get3A_761 = arith.index_cast %add3A_760 : i32 to index
      %get3A_762 = arith.constant 16 : index
      %get3A_763 = tpu.vector_load %arg5[%get3A_761, %get3A_762] {strides = array<i32>} : memref<256x128xf32, #tpu.memory_space<vmem>>, vector<1x16xf32>,
      %get3A_764 = vector.shape_cast %get3A_763 : vector<1x16xf32> to vector<16xf32>
      %add3A_765 = arith.constant 160 : i32
      %add3A_766 = arith.addi %scan3A_451, %add3A_765 : i32
      %get3A_767 = arith.index_cast %add3A_766 : i32 to index
      %get3A_768 = arith.constant 32 : index
      %get3A_769 = tpu.vector_load %arg5[%get3A_767, %get3A_768] {strides = array<i32>} : memref<256x128xf32, #tpu.memory_space<vmem>>, vector<1x16xf32>,
      %get3A_770 = vector.shape_cast %get3A_769 : vector<1x16xf32> to vector<16xf32>
      %add3A_771 = arith.constant 160 : i32
      %add3A_772 = arith.addi %scan3A_451, %add3A_771 : i32
      %get3A_773 = arith.index_cast %add3A_772 : i32 to index
      %get3A_774 = arith.constant 48 : index
      %get3A_775 = tpu.vector_load %arg5[%get3A_773, %get3A_774] {strides = array<i32>} : memref<256x128xf32, #tpu.memory_space<vmem>>, vector<1x16xf32>,
      %get3A_776 = vector.shape_cast %get3A_775 : vector<1x16xf32> to vector<16xf32>
      %add3A_777 = arith.constant 160 : i32
      %add3A_778 = arith.addi %scan3A_451, %add3A_777 : i32
      %get3A_779 = arith.index_cast %add3A_778 : i32 to index
      %get3A_780 = arith.constant 64 : index
      %get3A_781 = tpu.vector_load %arg5[%get3A_779, %get3A_780] {strides = array<i32>} : memref<256x128xf32, #tpu.memory_space<vmem>>, vector<1x16xf32>,
      %get3A_782 = vector.shape_cast %get3A_781 : vector<1x16xf32> to vector<16xf32>
      %add3A_783 = arith.constant 160 : i32
      %add3A_784 = arith.addi %scan3A_451, %add3A_783 : i32
      %get3A_785 = arith.index_cast %add3A_784 : i32 to index
      %get3A_786 = arith.constant 80 : index
      %get3A_787 = tpu.vector_load %arg5[%get3A_785, %get3A_786] {strides = array<i32>} : memref<256x128xf32, #tpu.memory_space<vmem>>, vector<1x16xf32>,
      %get3A_788 = vector.shape_cast %get3A_787 : vector<1x16xf32> to vector<16xf32>
      %add3A_789 = arith.constant 160 : i32
      %add3A_790 = arith.addi %scan3A_451, %add3A_789 : i32
      %get3A_791 = arith.index_cast %add3A_790 : i32 to index
      %get3A_792 = arith.constant 96 : index
      %get3A_793 = tpu.vector_load %arg5[%get3A_791, %get3A_792] {strides = array<i32>} : memref<256x128xf32, #tpu.memory_space<vmem>>, vector<1x16xf32>,
      %get3A_794 = vector.shape_cast %get3A_793 : vector<1x16xf32> to vector<16xf32>
      %add3A_795 = arith.constant 160 : i32
      %add3A_796 = arith.addi %scan3A_451, %add3A_795 : i32
      %get3A_797 = arith.index_cast %add3A_796 : i32 to index
      %get3A_798 = arith.constant 112 : index
      %get3A_799 = tpu.vector_load %arg5[%get3A_797, %get3A_798] {strides = array<i32>} : memref<256x128xf32, #tpu.memory_space<vmem>>, vector<1x16xf32>,
      %get3A_800 = vector.shape_cast %get3A_799 : vector<1x16xf32> to vector<16xf32>
      %add3A_801 = arith.addf %add3A_747, %get3A_758 : vector<16xf32>
      %add3A_802 = arith.addf %add3A_748, %get3A_764 : vector<16xf32>
      %add3A_803 = arith.addf %add3A_749, %get3A_770 : vector<16xf32>
      %add3A_804 = arith.addf %add3A_750, %get3A_776 : vector<16xf32>
      %add3A_805 = arith.addf %add3A_751, %get3A_782 : vector<16xf32>
      %add3A_806 = arith.addf %add3A_752, %get3A_788 : vector<16xf32>
      %add3A_807 = arith.addf %get3A_745, %get3A_794 : vector<16xf32>
      %add3A_808 = arith.constant 192 : i32
      %add3A_809 = arith.addi %scan3A_451, %add3A_808 : i32
      %get3A_810 = arith.index_cast %add3A_809 : i32 to index
      %get3A_811 = arith.constant 0 : index
      %get3A_812 = tpu.vector_load %arg5[%get3A_810, %get3A_811] {strides = array<i32>} : memref<256x128xf32, #tpu.memory_space<vmem>>, vector<1x16xf32>,
      %get3A_813 = vector.shape_cast %get3A_812 : vector<1x16xf32> to vector<16xf32>
      %add3A_814 = arith.constant 192 : i32
      %add3A_815 = arith.addi %scan3A_451, %add3A_814 : i32
      %get3A_816 = arith.index_cast %add3A_815 : i32 to index
      %get3A_817 = arith.constant 16 : index
      %get3A_818 = tpu.vector_load %arg5[%get3A_816, %get3A_817] {strides = array<i32>} : memref<256x128xf32, #tpu.memory_space<vmem>>, vector<1x16xf32>,
      %get3A_819 = vector.shape_cast %get3A_818 : vector<1x16xf32> to vector<16xf32>
      %add3A_820 = arith.constant 192 : i32
      %add3A_821 = arith.addi %scan3A_451, %add3A_820 : i32
      %get3A_822 = arith.index_cast %add3A_821 : i32 to index
      %get3A_823 = arith.constant 32 : index
      %get3A_824 = tpu.vector_load %arg5[%get3A_822, %get3A_823] {strides = array<i32>} : memref<256x128xf32, #tpu.memory_space<vmem>>, vector<1x16xf32>,
      %get3A_825 = vector.shape_cast %get3A_824 : vector<1x16xf32> to vector<16xf32>
      %add3A_826 = arith.constant 192 : i32
      %add3A_827 = arith.addi %scan3A_451, %add3A_826 : i32
      %get3A_828 = arith.index_cast %add3A_827 : i32 to index
      %get3A_829 = arith.constant 48 : index
      %get3A_830 = tpu.vector_load %arg5[%get3A_828, %get3A_829] {strides = array<i32>} : memref<256x128xf32, #tpu.memory_space<vmem>>, vector<1x16xf32>,
      %get3A_831 = vector.shape_cast %get3A_830 : vector<1x16xf32> to vector<16xf32>
      %add3A_832 = arith.constant 192 : i32
      %add3A_833 = arith.addi %scan3A_451, %add3A_832 : i32
      %get3A_834 = arith.index_cast %add3A_833 : i32 to index
      %get3A_835 = arith.constant 64 : index
      %get3A_836 = tpu.vector_load %arg5[%get3A_834, %get3A_835] {strides = array<i32>} : memref<256x128xf32, #tpu.memory_space<vmem>>, vector<1x16xf32>,
      %get3A_837 = vector.shape_cast %get3A_836 : vector<1x16xf32> to vector<16xf32>
      %add3A_838 = arith.constant 192 : i32
      %add3A_839 = arith.addi %scan3A_451, %add3A_838 : i32
      %get3A_840 = arith.index_cast %add3A_839 : i32 to index
      %get3A_841 = arith.constant 80 : index
      %get3A_842 = tpu.vector_load %arg5[%get3A_840, %get3A_841] {strides = array<i32>} : memref<256x128xf32, #tpu.memory_space<vmem>>, vector<1x16xf32>,
      %get3A_843 = vector.shape_cast %get3A_842 : vector<1x16xf32> to vector<16xf32>
      %add3A_844 = arith.constant 192 : i32
      %add3A_845 = arith.addi %scan3A_451, %add3A_844 : i32
      %get3A_846 = arith.index_cast %add3A_845 : i32 to index
      %get3A_847 = arith.constant 96 : index
      %get3A_848 = tpu.vector_load %arg5[%get3A_846, %get3A_847] {strides = array<i32>} : memref<256x128xf32, #tpu.memory_space<vmem>>, vector<1x16xf32>,
      %get3A_849 = vector.shape_cast %get3A_848 : vector<1x16xf32> to vector<16xf32>
      %add3A_850 = arith.constant 192 : i32
      %add3A_851 = arith.addi %scan3A_451, %add3A_850 : i32
      %get3A_852 = arith.index_cast %add3A_851 : i32 to index
      %get3A_853 = arith.constant 112 : index
      %get3A_854 = tpu.vector_load %arg5[%get3A_852, %get3A_853] {strides = array<i32>} : memref<256x128xf32, #tpu.memory_space<vmem>>, vector<1x16xf32>,
      %get3A_855 = vector.shape_cast %get3A_854 : vector<1x16xf32> to vector<16xf32>
      %add3A_856 = arith.addf %add3A_802, %get3A_813 : vector<16xf32>
      %add3A_857 = arith.addf %add3A_803, %get3A_819 : vector<16xf32>
      %add3A_858 = arith.addf %add3A_804, %get3A_825 : vector<16xf32>
      %add3A_859 = arith.addf %add3A_805, %get3A_831 : vector<16xf32>
      %add3A_860 = arith.addf %add3A_806, %get3A_837 : vector<16xf32>
      %add3A_861 = arith.addf %add3A_807, %get3A_843 : vector<16xf32>
      %add3A_862 = arith.addf %get3A_800, %get3A_849 : vector<16xf32>
      %add3A_863 = arith.constant 224 : i32
      %add3A_864 = arith.addi %scan3A_451, %add3A_863 : i32
      %get3A_865 = arith.index_cast %add3A_864 : i32 to index
      %get3A_866 = arith.constant 0 : index
      %get3A_867 = tpu.vector_load %arg5[%get3A_865, %get3A_866] {strides = array<i32>} : memref<256x128xf32, #tpu.memory_space<vmem>>, vector<1x16xf32>,
      %get3A_868 = vector.shape_cast %get3A_867 : vector<1x16xf32> to vector<16xf32>
      %add3A_869 = arith.constant 224 : i32
      %add3A_870 = arith.addi %scan3A_451, %add3A_869 : i32
      %get3A_871 = arith.index_cast %add3A_870 : i32 to index
      %get3A_872 = arith.constant 16 : index
      %get3A_873 = tpu.vector_load %arg5[%get3A_871, %get3A_872] {strides = array<i32>} : memref<256x128xf32, #tpu.memory_space<vmem>>, vector<1x16xf32>,
      %get3A_874 = vector.shape_cast %get3A_873 : vector<1x16xf32> to vector<16xf32>
      %add3A_875 = arith.constant 224 : i32
      %add3A_876 = arith.addi %scan3A_451, %add3A_875 : i32
      %get3A_877 = arith.index_cast %add3A_876 : i32 to index
      %get3A_878 = arith.constant 32 : index
      %get3A_879 = tpu.vector_load %arg5[%get3A_877, %get3A_878] {strides = array<i32>} : memref<256x128xf32, #tpu.memory_space<vmem>>, vector<1x16xf32>,
      %get3A_880 = vector.shape_cast %get3A_879 : vector<1x16xf32> to vector<16xf32>
      %add3A_881 = arith.constant 224 : i32
      %add3A_882 = arith.addi %scan3A_451, %add3A_881 : i32
      %get3A_883 = arith.index_cast %add3A_882 : i32 to index
      %get3A_884 = arith.constant 48 : index
      %get3A_885 = tpu.vector_load %arg5[%get3A_883, %get3A_884] {strides = array<i32>} : memref<256x128xf32, #tpu.memory_space<vmem>>, vector<1x16xf32>,
      %get3A_886 = vector.shape_cast %get3A_885 : vector<1x16xf32> to vector<16xf32>
      %add3A_887 = arith.constant 224 : i32
      %add3A_888 = arith.addi %scan3A_451, %add3A_887 : i32
      %get3A_889 = arith.index_cast %add3A_888 : i32 to index
      %get3A_890 = arith.constant 64 : index
      %get3A_891 = tpu.vector_load %arg5[%get3A_889, %get3A_890] {strides = array<i32>} : memref<256x128xf32, #tpu.memory_space<vmem>>, vector<1x16xf32>,
      %get3A_892 = vector.shape_cast %get3A_891 : vector<1x16xf32> to vector<16xf32>
      %add3A_893 = arith.constant 224 : i32
      %add3A_894 = arith.addi %scan3A_451, %add3A_893 : i32
      %get3A_895 = arith.index_cast %add3A_894 : i32 to index
      %get3A_896 = arith.constant 80 : index
      %get3A_897 = tpu.vector_load %arg5[%get3A_895, %get3A_896] {strides = array<i32>} : memref<256x128xf32, #tpu.memory_space<vmem>>, vector<1x16xf32>,
      %get3A_898 = vector.shape_cast %get3A_897 : vector<1x16xf32> to vector<16xf32>
      %add3A_899 = arith.constant 224 : i32
      %add3A_900 = arith.addi %scan3A_451, %add3A_899 : i32
      %get3A_901 = arith.index_cast %add3A_900 : i32 to index
      %get3A_902 = arith.constant 96 : index
      %get3A_903 = tpu.vector_load %arg5[%get3A_901, %get3A_902] {strides = array<i32>} : memref<256x128xf32, #tpu.memory_space<vmem>>, vector<1x16xf32>,
      %get3A_904 = vector.shape_cast %get3A_903 : vector<1x16xf32> to vector<16xf32>
      %add3A_905 = arith.constant 224 : i32
      %add3A_906 = arith.addi %scan3A_451, %add3A_905 : i32
      %get3A_907 = arith.index_cast %add3A_906 : i32 to index
      %get3A_908 = arith.constant 112 : index
      %get3A_909 = tpu.vector_load %arg5[%get3A_907, %get3A_908] {strides = array<i32>} : memref<256x128xf32, #tpu.memory_space<vmem>>, vector<1x16xf32>,
      %get3A_910 = vector.shape_cast %get3A_909 : vector<1x16xf32> to vector<16xf32>
      %add3A_911 = arith.addf %add3A_857, %get3A_868 : vector<16xf32>
      %add3A_912 = arith.addf %add3A_858, %get3A_874 : vector<16xf32>
      %add3A_913 = arith.addf %add3A_859, %get3A_880 : vector<16xf32>
      %add3A_914 = arith.addf %add3A_860, %get3A_886 : vector<16xf32>
      %add3A_915 = arith.addf %add3A_861, %get3A_892 : vector<16xf32>
      %add3A_916 = arith.addf %add3A_862, %get3A_898 : vector<16xf32>
      %add3A_917 = arith.addf %get3A_855, %get3A_904 : vector<16xf32>
      %add3A_918 = arith.constant 0 : i32
      %add3A_919 = arith.addi %add3A_485, %add3A_918 : i32
      %swap3A_920 = arith.index_cast %add3A_919 : i32 to index
      %swap3A_921 = tpu.vector_load %arg8[%swap3A_920] {strides = array<i32>} : memref<512xf32, #tpu.memory_space<vmem>>, vector<16xf32>,
      %swap3A_922 = vector.shape_cast %swap3A_921 : vector<16xf32> to vector<16xf32>
      %swap3A_923 = vector.shape_cast %get3A_490 : vector<16xf32> to vector<16xf32>
      tpu.vector_store %arg8[%swap3A_920], %swap3A_923 {add = true, strides = array<i32>} : memref<512xf32, #tpu.memory_space<vmem>>, vector<16xf32>,
      %add3A_924 = arith.constant 16 : i32
      %add3A_925 = arith.addi %add3A_485, %add3A_924 : i32
      %swap3A_926 = arith.index_cast %add3A_925 : i32 to index
      %swap3A_927 = tpu.vector_load %arg8[%swap3A_926] {strides = array<i32>} : memref<512xf32, #tpu.memory_space<vmem>>, vector<16xf32>,
      %swap3A_928 = vector.shape_cast %swap3A_927 : vector<16xf32> to vector<16xf32>
      %swap3A_929 = vector.shape_cast %add3A_581 : vector<16xf32> to vector<16xf32>
      tpu.vector_store %arg8[%swap3A_926], %swap3A_929 {add = true, strides = array<i32>} : memref<512xf32, #tpu.memory_space<vmem>>, vector<16xf32>,
      %add3A_930 = arith.constant 32 : i32
      %add3A_931 = arith.addi %add3A_485, %add3A_930 : i32
      %swap3A_932 = arith.index_cast %add3A_931 : i32 to index
      %swap3A_933 = tpu.vector_load %arg8[%swap3A_932] {strides = array<i32>} : memref<512xf32, #tpu.memory_space<vmem>>, vector<16xf32>,
      %swap3A_934 = vector.shape_cast %swap3A_933 : vector<16xf32> to vector<16xf32>
      %swap3A_935 = vector.shape_cast %add3A_636 : vector<16xf32> to vector<16xf32>
      tpu.vector_store %arg8[%swap3A_932], %swap3A_935 {add = true, strides = array<i32>} : memref<512xf32, #tpu.memory_space<vmem>>, vector<16xf32>,
      %add3A_936 = arith.constant 48 : i32
      %add3A_937 = arith.addi %add3A_485, %add3A_936 : i32
      %swap3A_938 = arith.index_cast %add3A_937 : i32 to index
      %swap3A_939 = tpu.vector_load %arg8[%swap3A_938] {strides = array<i32>} : memref<512xf32, #tpu.memory_space<vmem>>, vector<16xf32>,
      %swap3A_940 = vector.shape_cast %swap3A_939 : vector<16xf32> to vector<16xf32>
      %swap3A_941 = vector.shape_cast %add3A_691 : vector<16xf32> to vector<16xf32>
      tpu.vector_store %arg8[%swap3A_938], %swap3A_941 {add = true, strides = array<i32>} : memref<512xf32, #tpu.memory_space<vmem>>, vector<16xf32>,
      %add3A_942 = arith.constant 64 : i32
      %add3A_943 = arith.addi %add3A_485, %add3A_942 : i32
      %swap3A_944 = arith.index_cast %add3A_943 : i32 to index
      %swap3A_945 = tpu.vector_load %arg8[%swap3A_944] {strides = array<i32>} : memref<512xf32, #tpu.memory_space<vmem>>, vector<16xf32>,
      %swap3A_946 = vector.shape_cast %swap3A_945 : vector<16xf32> to vector<16xf32>
      %swap3A_947 = vector.shape_cast %add3A_746 : vector<16xf32> to vector<16xf32>
      tpu.vector_store %arg8[%swap3A_944], %swap3A_947 {add = true, strides = array<i32>} : memref<512xf32, #tpu.memory_space<vmem>>, vector<16xf32>,
      %add3A_948 = arith.constant 80 : i32
      %add3A_949 = arith.addi %add3A_485, %add3A_948 : i32
      %swap3A_950 = arith.index_cast %add3A_949 : i32 to index
      %swap3A_951 = tpu.vector_load %arg8[%swap3A_950] {strides = array<i32>} : memref<512xf32, #tpu.memory_space<vmem>>, vector<16xf32>,
      %swap3A_952 = vector.shape_cast %swap3A_951 : vector<16xf32> to vector<16xf32>
      %swap3A_953 = vector.shape_cast %add3A_801 : vector<16xf32> to vector<16xf32>
      tpu.vector_store %arg8[%swap3A_950], %swap3A_953 {add = true, strides = array<i32>} : memref<512xf32, #tpu.memory_space<vmem>>, vector<16xf32>,
      %add3A_954 = arith.constant 96 : i32
      %add3A_955 = arith.addi %add3A_485, %add3A_954 : i32
      %swap3A_956 = arith.index_cast %add3A_955 : i32 to index
      %swap3A_957 = tpu.vector_load %arg8[%swap3A_956] {strides = array<i32>} : memref<512xf32, #tpu.memory_space<vmem>>, vector<16xf32>,
      %swap3A_958 = vector.shape_cast %swap3A_957 : vector<16xf32> to vector<16xf32>
      %swap3A_959 = vector.shape_cast %add3A_856 : vector<16xf32> to vector<16xf32>
      tpu.vector_store %arg8[%swap3A_956], %swap3A_959 {add = true, strides = array<i32>} : memref<512xf32, #tpu.memory_space<vmem>>, vector<16xf32>,
      %add3A_960 = arith.constant 112 : i32
      %add3A_961 = arith.addi %add3A_485, %add3A_960 : i32
      %swap3A_962 = arith.index_cast %add3A_961 : i32 to index
      %swap3A_963 = tpu.vector_load %arg8[%swap3A_962] {strides = array<i32>} : memref<512xf32, #tpu.memory_space<vmem>>, vector<16xf32>,
      %swap3A_964 = vector.shape_cast %swap3A_963 : vector<16xf32> to vector<16xf32>
      %swap3A_965 = vector.shape_cast %add3A_911 : vector<16xf32> to vector<16xf32>
      tpu.vector_store %arg8[%swap3A_962], %swap3A_965 {add = true, strides = array<i32>} : memref<512xf32, #tpu.memory_space<vmem>>, vector<16xf32>,
      %add3A_966 = arith.constant 128 : i32
      %add3A_967 = arith.addi %add3A_485, %add3A_966 : i32
      %swap3A_968 = arith.index_cast %add3A_967 : i32 to index
      %swap3A_969 = tpu.vector_load %arg8[%swap3A_968] {strides = array<i32>} : memref<512xf32, #tpu.memory_space<vmem>>, vector<16xf32>,
      %swap3A_970 = vector.shape_cast %swap3A_969 : vector<16xf32> to vector<16xf32>
      %swap3A_971 = vector.shape_cast %add3A_912 : vector<16xf32> to vector<16xf32>
      tpu.vector_store %arg8[%swap3A_968], %swap3A_971 {add = true, strides = array<i32>} : memref<512xf32, #tpu.memory_space<vmem>>, vector<16xf32>,
      %add3A_972 = arith.constant 144 : i32
      %add3A_973 = arith.addi %add3A_485, %add3A_972 : i32
      %swap3A_974 = arith.index_cast %add3A_973 : i32 to index
      %swap3A_975 = tpu.vector_load %arg8[%swap3A_974] {strides = array<i32>} : memref<512xf32, #tpu.memory_space<vmem>>, vector<16xf32>,
      %swap3A_976 = vector.shape_cast %swap3A_975 : vector<16xf32> to vector<16xf32>
      %swap3A_977 = vector.shape_cast %add3A_913 : vector<16xf32> to vector<16xf32>
      tpu.vector_store %arg8[%swap3A_974], %swap3A_977 {add = true, strides = array<i32>} : memref<512xf32, #tpu.memory_space<vmem>>, vector<16xf32>,
      %add3A_978 = arith.constant 160 : i32
      %add3A_979 = arith.addi %add3A_485, %add3A_978 : i32
      %swap3A_980 = arith.index_cast %add3A_979 : i32 to index
      %swap3A_981 = tpu.vector_load %arg8[%swap3A_980] {strides = array<i32>} : memref<512xf32, #tpu.memory_space<vmem>>, vector<16xf32>,
      %swap3A_982 = vector.shape_cast %swap3A_981 : vector<16xf32> to vector<16xf32>
      %swap3A_983 = vector.shape_cast %add3A_914 : vector<16xf32> to vector<16xf32>
      tpu.vector_store %arg8[%swap3A_980], %swap3A_983 {add = true, strides = array<i32>} : memref<512xf32, #tpu.memory_space<vmem>>, vector<16xf32>,
      %add3A_984 = arith.constant 176 : i32
      %add3A_985 = arith.addi %add3A_485, %add3A_984 : i32
      %swap3A_986 = arith.index_cast %add3A_985 : i32 to index
      %swap3A_987 = tpu.vector_load %arg8[%swap3A_986] {strides = array<i32>} : memref<512xf32, #tpu.memory_space<vmem>>, vector<16xf32>,
      %swap3A_988 = vector.shape_cast %swap3A_987 : vector<16xf32> to vector<16xf32>
      %swap3A_989 = vector.shape_cast %add3A_915 : vector<16xf32> to vector<16xf32>
      tpu.vector_store %arg8[%swap3A_986], %swap3A_989 {add = true, strides = array<i32>} : memref<512xf32, #tpu.memory_space<vmem>>, vector<16xf32>,
      %add3A_990 = arith.constant 192 : i32
      %add3A_991 = arith.addi %add3A_485, %add3A_990 : i32
      %swap3A_992 = arith.index_cast %add3A_991 : i32 to index
      %swap3A_993 = tpu.vector_load %arg8[%swap3A_992] {strides = array<i32>} : memref<512xf32, #tpu.memory_space<vmem>>, vector<16xf32>,
      %swap3A_994 = vector.shape_cast %swap3A_993 : vector<16xf32> to vector<16xf32>
      %swap3A_995 = vector.shape_cast %add3A_916 : vector<16xf32> to vector<16xf32>
      tpu.vector_store %arg8[%swap3A_992], %swap3A_995 {add = true, strides = array<i32>} : memref<512xf32, #tpu.memory_space<vmem>>, vector<16xf32>,
      %add3A_996 = arith.constant 208 : i32
      %add3A_997 = arith.addi %add3A_485, %add3A_996 : i32
      %swap3A_998 = arith.index_cast %add3A_997 : i32 to index
      %swap3A_999 = tpu.vector_load %arg8[%swap3A_998] {strides = array<i32>} : memref<512xf32, #tpu.memory_space<vmem>>, vector<16xf32>,
      %swap3A_1000 = vector.shape_cast %swap3A_999 : vector<16xf32> to vector<16xf32>
      %swap3A_1001 = vector.shape_cast %add3A_917 : vector<16xf32> to vector<16xf32>
      tpu.vector_store %arg8[%swap3A_998], %swap3A_1001 {add = true, strides = array<i32>} : memref<512xf32, #tpu.memory_space<vmem>>, vector<16xf32>,
      %add3A_1002 = arith.constant 224 : i32
      %add3A_1003 = arith.addi %add3A_485, %add3A_1002 : i32
      %swap3A_1004 = arith.index_cast %add3A_1003 : i32 to index
      %swap3A_1005 = tpu.vector_load %arg8[%swap3A_1004] {strides = array<i32>} : memref<512xf32, #tpu.memory_space<vmem>>, vector<16xf32>,
      %swap3A_1006 = vector.shape_cast %swap3A_1005 : vector<16xf32> to vector<16xf32>
      %swap3A_1007 = vector.shape_cast %get3A_910 : vector<16xf32> to vector<16xf32>
      tpu.vector_store %arg8[%swap3A_1004], %swap3A_1007 {add = true, strides = array<i32>} : memref<512xf32, #tpu.memory_space<vmem>>, vector<16xf32>,
    }
    %scan3A_413 = arith.constant 32 : i32
    %add3A_414 = arith.constant 31 : i32
    %add3A_415 = arith.addi %mul3A_2, %add3A_414 : i32
    %dma_start3A_416 = arith.constant 0 : i32
    %dma_start3A_417 = tpu.memref_slice %arg3[%add3A_415, %dma_start3A_416] : memref<1024x512xf32, #tpu.memory_space<hbm>> -> memref<1x512xf32, #tpu.memory_space<hbm>>
    %dma_start3A_418 = tpu.memref_squeeze %dma_start3A_417 : memref<1x512xf32, #tpu.memory_space<hbm>> -> memref<512xf32, #tpu.memory_space<hbm>>
    %dma_start3A_419 = arith.constant 0 : i32
    %dma_start3A_420 = tpu.memref_slice %arg3[%add3A_415, %dma_start3A_419] : memref<1024x512xf32, #tpu.memory_space<hbm>> -> memref<1x512xf32, #tpu.memory_space<hbm>>
    %dma_start3A_421 = tpu.memref_squeeze %dma_start3A_420 : memref<1x512xf32, #tpu.memory_space<hbm>> -> memref<512xf32, #tpu.memory_space<hbm>>
    tpu.enqueue_dma source(%arg8 : memref<512xf32, #tpu.memory_space<vmem>>) target(%dma_start3A_421 : memref<512xf32, #tpu.memory_space<hbm>>) target_semaphore(%arg14 : memref<!tpu.dma_semaphore, #tpu.memory_space<semaphore_mem>>)
    %add3A_422 = arith.constant 32 : i32
    %add3A_423 = arith.addi %mul3A_2, %add3A_422 : i32
    %sub3A = arith.constant 2 : i32
    %sub3A_424 = arith.subi %add3A_423, %sub3A : i32
    %dma_wait3A_425 = arith.constant 0 : i32
    %dma_wait3A_426 = tpu.memref_slice %arg3[%sub3A_424, %dma_wait3A_425] : memref<1024x512xf32, #tpu.memory_space<hbm>> -> memref<1x512xf32, #tpu.memory_space<hbm>>
    %dma_wait3A_427 = tpu.memref_squeeze %dma_wait3A_426 : memref<1x512xf32, #tpu.memory_space<hbm>> -> memref<512xf32, #tpu.memory_space<hbm>>
    %dma_wait3A_428 = arith.constant 0 : i32
    %dma_wait3A_429 = tpu.memref_slice %arg3[%sub3A_424, %dma_wait3A_428] : memref<1024x512xf32, #tpu.memory_space<hbm>> -> memref<1x512xf32, #tpu.memory_space<hbm>>
    %dma_wait3A_430 = tpu.memref_squeeze %dma_wait3A_429 : memref<1x512xf32, #tpu.memory_space<hbm>> -> memref<512xf32, #tpu.memory_space<hbm>>
    tpu.wait_dma2 semaphore(%arg13 : memref<!tpu.dma_semaphore, #tpu.memory_space<semaphore_mem>>) src(%arg7 : memref<512xf32, #tpu.memory_space<vmem>>) dst(%dma_wait3A_430 : memref<512xf32, #tpu.memory_space<hbm>>)
    %add3A_431 = arith.constant 32 : i32
    %add3A_432 = arith.addi %mul3A_2, %add3A_431 : i32
    %sub3A_433 = arith.constant 1 : i32
    %sub3A_434 = arith.subi %add3A_432, %sub3A_433 : i32
    %dma_wait3A_435 = arith.constant 0 : i32
    %dma_wait3A_436 = tpu.memref_slice %arg3[%sub3A_434, %dma_wait3A_435] : memref<1024x512xf32, #tpu.memory_space<hbm>> -> memref<1x512xf32, #tpu.memory_space<hbm>>
    %dma_wait3A_437 = tpu.memref_squeeze %dma_wait3A_436 : memref<1x512xf32, #tpu.memory_space<hbm>> -> memref<512xf32, #tpu.memory_space<hbm>>
    %dma_wait3A_438 = arith.constant 0 : i32
    %dma_wait3A_439 = tpu.memref_slice %arg3[%sub3A_434, %dma_wait3A_438] : memref<1024x512xf32, #tpu.memory_space<hbm>> -> memref<1x512xf32, #tpu.memory_space<hbm>>
    %dma_wait3A_440 = tpu.memref_squeeze %dma_wait3A_439 : memref<1x512xf32, #tpu.memory_space<hbm>> -> memref<512xf32, #tpu.memory_space<hbm>>
    tpu.wait_dma2 semaphore(%arg14 : memref<!tpu.dma_semaphore, #tpu.memory_space<semaphore_mem>>) src(%arg8 : memref<512xf32, #tpu.memory_space<vmem>>) dst(%dma_wait3A_440 : memref<512xf32, #tpu.memory_space<hbm>>)
    %add3A_441 = arith.constant 32 : i32
    %add3A_442 = arith.addi %mul3A_2, %add3A_441 : i32
    %sub3A_443 = arith.constant 3 : i32
    %sub3A_444 = arith.subi %add3A_442, %sub3A_443 : i32
    %dma_wait3A_445 = arith.constant 0 : i32
    %dma_wait3A_446 = tpu.memref_slice %arg3[%sub3A_444, %dma_wait3A_445] : memref<1024x512xf32, #tpu.memory_space<hbm>> -> memref<1x512xf32, #tpu.memory_space<hbm>>
    %dma_wait3A_447 = tpu.memref_squeeze %dma_wait3A_446 : memref<1x512xf32, #tpu.memory_space<hbm>> -> memref<512xf32, #tpu.memory_space<hbm>>
    %dma_wait3A_448 = arith.constant 0 : i32
    %dma_wait3A_449 = tpu.memref_slice %arg3[%sub3A_444, %dma_wait3A_448] : memref<1024x512xf32, #tpu.memory_space<hbm>> -> memref<1x512xf32, #tpu.memory_space<hbm>>
    %dma_wait3A_450 = tpu.memref_squeeze %dma_wait3A_449 : memref<1x512xf32, #tpu.memory_space<hbm>> -> memref<512xf32, #tpu.memory_space<hbm>>
    tpu.wait_dma2 semaphore(%arg15 : memref<!tpu.dma_semaphore, #tpu.memory_space<semaphore_mem>>) src(%arg9 : memref<512xf32, #tpu.memory_space<vmem>>) dst(%dma_wait3A_450 : memref<512xf32, #tpu.memory_space<hbm>>)
    return
  }
}

module attributes {stable_mosaic.version = 14 : i64} {
  func.func @mm_kernel(%arg0: i32, %arg1: memref<1024x512xf32, #tpu.memory_space<vmem>>, %arg2: memref<512x256xf32, #tpu.memory_space<vmem>>, %arg3: memref<1x256xf32, #tpu.memory_space<vmem>>, %arg4: memref<1024x256xf32, #tpu.memory_space<vmem>>) attributes {dimension_semantics = [#tpu.dimension_semantics<arbitrary>], iteration_bounds = array<i64: 1>, scalar_prefetch = 0 : i64, scratch_operands = 0 : i64, tpu.core_type = #tpu.core_type<tc>, window_params = [{transform_indices = @transform_0, window_bounds = array<i64: 1024, 512>}, {pipeline_mode = #tpu.pipeline_mode<synchronous>, transform_indices = @transform_1, window_bounds = array<i64: 512, 256>}, {pipeline_mode = #tpu.pipeline_mode<synchronous>, transform_indices = @transform_2, window_bounds = array<i64: 1, 256>}, {transform_indices = @transform_3, window_bounds = array<i64: 1024, 256>}]} {
    %get3A = arith.constant 0 : index
    %get3A_0 = arith.constant 0 : index
    %get3A_1 = vector.load %arg1[%get3A, %get3A_0] : memref<1024x512xf32, #tpu.memory_space<vmem>>, vector<1024x512xf32>
    %get3A_2 = arith.constant 0 : index
    %get3A_3 = arith.constant 0 : index
    %get3A_4 = vector.load %arg2[%get3A_2, %get3A_3] : memref<512x256xf32, #tpu.memory_space<vmem>>, vector<512x256xf32>
    %dot_general3A = arith.constant dense<0.000000e+00> : vector<1024x256xf32>
    %dot_general3A_5 = tpu.matmul %get3A_1, %get3A_4, %dot_general3A {dimension_numbers = #tpu.dot_dimension_numbers<[1], [0], [0], [1], [0, 0, 1, 1], [], []>, transpose_lhs_hint = false} : vector<1024x512xf32>, vector<512x256xf32>, vector<1024x256xf32> -> vector<1024x256xf32>
    %get3A_6 = arith.constant 0 : index
    %get3A_7 = arith.constant 0 : index
    %get3A_8 = vector.load %arg3[%get3A_6, %get3A_7] : memref<1x256xf32, #tpu.memory_space<vmem>>, vector<1x256xf32>
    %add3A = vector.broadcast %get3A_8 : vector<1x256xf32> to vector<1024x256xf32>
    %add3A_9 = arith.addf %dot_general3A_5, %add3A : vector<1024x256xf32>
    %swap3A = arith.constant 0 : index
    %swap3A_10 = arith.constant 0 : index
    %swap3A_11 = vector.load %arg4[%swap3A, %swap3A_10] : memref<1024x256xf32, #tpu.memory_space<vmem>>, vector<1024x256xf32>
    tpu.vector_store %arg4[%swap3A, %swap3A_10], %add3A_9 {strides = array<i32>} : memref<1024x256xf32, #tpu.memory_space<vmem>>, vector<1024x256xf32>,
    return
  }
  func.func @transform_0(%arg0: i32) -> (i32, i32) {
    %c0_i32 = arith.constant 0 : i32
    %c0_i32_0 = arith.constant 0 : i32
    return %arg0, %c0_i32 : i32, i32
  }
  func.func @transform_1(%arg0: i32) -> (i32, i32) {
    %c0_i32 = arith.constant 0 : i32
    %c0_i32_0 = arith.constant 0 : i32
    %c0_i32_1 = arith.constant 0 : i32
    return %c0_i32, %c0_i32_0 : i32, i32
  }
  func.func @transform_2(%arg0: i32) -> (i32, i32) {
    %c0_i32 = arith.constant 0 : i32
    %c0_i32_0 = arith.constant 0 : i32
    %c0_i32_1 = arith.constant 0 : i32
    return %c0_i32, %c0_i32_0 : i32, i32
  }
  func.func @transform_3(%arg0: i32) -> (i32, i32) {
    %c0_i32 = arith.constant 0 : i32
    %c0_i32_0 = arith.constant 0 : i32
    return %arg0, %c0_i32 : i32, i32
  }
}

</mosaic_0001>

<sc_bundles>
// kernel: kernel.4.cloned.1.call-start
scs
__scs_entry_jumppad:
0x0: {  	(pc) =	sbr.rel $0x88, $3  }
0x1: {  	(tag) =	ssettag $0x0;
	lr =	simm.s32 $0x1  }
0x2: {  	[smem:$0x3F9E] =	sst lr;
	_ =	strace $0xD0000000  }
0x3: {  	_ = 	snop  }
0x4: {  	_ = 	snop  }
0x5: {  	_ = 	snop  }
0x6: {  	_ = 	snop  }
0x7: {  	_ = 	snop  }
__scs_overlays_trampoline_lowered:
0x8: {  	[smem:$0x3FAD] =	sst s0  }
0x9: {  	[smem:$0x3FAE] =	sst s1  }
0xa: {  	[smem:$0x3FAF] =	sst s2  }
0xb: {  	[smem:$0x3FB0] =	sst s3  }
0xc: {  	[smem:$0x3FB1] =	sst s4  }
0xd: {  	[smem:$0x3FB2] =	sst s5  }
0xe: {  	[smem:$0x3FB3] =	sst s6  }
0xf: {  	[smem:$0x3FB4] =	sst s7  }
0x10: {  	[smem:$0x3FB5] =	sst s8  }
0x11: {  	[smem:$0x3FB6] =	sst s9;
	s0 =	simm.s32 @!p0 $0x0  }
0x12: {  	s1 =	sld [smem:$0x3F9C];
	s0 =	simm.s32 @p0 $0x1  }
0x13: {  	[smem:$0x3FB7] =	sst s0;
	s0 =	simm.s32 @!p1 $0x0  }
0x14: {  	s2 =	sld [smem:$0x3F9B];
	s0 =	simm.s32 @p1 $0x1  }
0x15: {  	[smem:$0x3FB8] =	sst s0;
	s0 =	simm.s32 @!p2 $0x0  }
0x16: {  	s3 =	sld [smem:$0x3FDB];
	s0 =	simm.s32 @p2 $0x1  }
0x17: {  	s4 =	simm.s32 $0x1BF5;
	[smem:$0x3FBA] =	sst s0  }
0x18: {  	s0 =	sld [smem:$0x3F9D];
	_ =	swait.ge [sflag:s4], $0x0  }
0x19: {  	s7 =	sld [smem:$0x3F9E]  }
0x1a: {  	s8 =	sadd.s32 $0xFFFFE003, lr  }
0x1b: {  	s9 =	sadd.s32 $0xFFFFFEF7, lr;
	s5 =	simm.s32 $0xFFFFFFFF;
	p2 =	slt.u32 s8, $0xFFFFF086  }
0x1c: {  	p1 =	slt.u32 s9, $0xF7A;
	s5 =	simm.s32 @!p2 $0x0  }
0x1d: {  	s5 =	simm.s32 @p1 $0x1;
	p0 =	seq.s32 s7, s2  }
0x1e: {  	s7 =	smul.u32 @!p0 $0xF7A, s2;
	p2 =	seq.s32 @!p0 s5, $0x0  }
0x1f: {  	s9 =	smul.u32 $0xF7A, s1;
	s8 =	simm.s32 @!p0 $0x1BF5;
	p2 =	por !p2, p0  }
0x20: {  	[sflag:s8] =	ssyncset.s32 @!p0 $0xFFFFF086;
	s6 =	sadd.s32 @!p0 s3, s7;
	s7 =	simm.s32 @!p0 $0x108  }
0x21: {  	s3 =	sadd.s32 s3, s9;
	s6 =	sadd.s32 @!p0 $0x88, s6;
	s7 =	simm.s32 @p2 $0x1082  }
0x22: {  	[simem:s7], [sflag:s8] =	dma.local @!p0 [hbm:s6], $0xF7A  }
0x23: {  	s9 =	sor.u32 $0xD0000000, s2;
	s6 =	simm.s32 $0x108;
	_ =	swait.ge @!p0 [sflag:s8], $0x0  }
0x24: {  	s3 =	sadd.s32 $0x88, s3;
	s6 =	simm.s32 @!p1 $0x1082;
	[sflag:s4] =	ssyncset.s32 $0xFFFFF086  }
0x25: {  	[simem:s6], [sflag:s4] =	dma.local [hbm:s3], $0xF7A  }
0x26: {  	[smem:$0x3F9E] =	sst s1;
	(tag) =	ssettag s2;
	_ =	strace s9  }
0x27: {  	s1 =	sld [smem:$0x3FAE]  }
0x28: {  	s2 =	sld [smem:$0x3FAF]  }
0x29: {  	s4 =	sld [smem:$0x3FB1]  }
0x2a: {  	p0 =	seq.s32 s5, $0x0;
	s5 =	sld [smem:$0x3FB2]  }
0x2b: {  	s6 =	sld [smem:$0x3FB3]  }
0x2c: {  	s7 =	sld [smem:$0x3FB4]  }
0x2d: {  	s3 =	simm.s32 $0x108;
	s8 =	sld [smem:$0x3FB5]  }
0x2e: {  	s3 =	simm.s32 @!p0 $0x1082;
	s9 =	sld [smem:$0x3FB6]  }
0x2f: {  	lr =	sadd.s32 s0, s3;
	s0 =	sld [smem:$0x3FAD]  }
0x30: {  	s3 =	sld [smem:$0x3FB0]  }
0x31: {  	[smem:$0x3FB9] =	sst s10  }
0x32: {  	s10 =	sld [smem:$0x3FB7];
	_ =	sdelay $0x3  }
0x33: {  	p0 =	seq.s32 s10, $0x1;
	s10 =	sld [smem:$0x3FB9];
	_ =	sdelay $0x3  }
0x34: {  	[smem:$0x3FB9] =	sst s10  }
0x35: {  	s10 =	sld [smem:$0x3FB8];
	_ =	sdelay $0x3  }
0x36: {  	p1 =	seq.s32 s10, $0x1;
	s10 =	sld [smem:$0x3FB9];
	_ =	sdelay $0x3  }
0x37: {  	[smem:$0x3FB9] =	sst s10  }
0x38: {  	s10 =	sld [smem:$0x3FBA]  }
0x39: {  	_ = 	snop;
	(pc) =	sbr.ind lr, $3  }
0x3a: {  	_ = 	snop  }
0x3b: {  	_ = 	snop  }
0x3c: {  	p2 =	seq.s32 s10, $0x1;
	s10 =	sld [smem:$0x3FB9]  }
0x3d: {  	_ =	shalt  }
0x3e: {  	_ =	shalt  }
0x3f: {  	_ =	shalt  }
0x40: {  	_ =	shalt  }
0x41: {  	_ =	shalt  }
0x42: {  	_ =	shalt  }
0x43: {  	_ =	shalt  }
0x44: {  	_ =	shalt  }
0x45: {  	_ =	shalt  }
0x46: {  	_ =	shalt  }
0x47: {  	_ =	shalt  }
0x48: {  	_ =	shalt  }
0x49: {  	_ =	shalt  }
0x4a: {  	_ =	shalt  }
0x4b: {  	_ =	shalt  }
0x4c: {  	_ =	shalt  }
0x4d: {  	_ =	shalt  }
0x4e: {  	_ =	shalt  }
0x4f: {  	_ =	shalt  }
0x50: {  	_ =	shalt  }
0x51: {  	_ =	shalt  }
0x52: {  	_ =	shalt  }
0x53: {  	_ =	shalt  }
0x54: {  	_ =	shalt  }
0x55: {  	_ =	shalt  }
0x56: {  	_ =	shalt  }
0x57: {  	_ =	shalt  }
0x58: {  	_ =	shalt  }
0x59: {  	_ =	shalt  }
0x5a: {  	_ =	shalt  }
0x5b: {  	_ =	shalt  }
0x5c: {  	_ =	shalt  }
0x5d: {  	_ =	shalt  }
0x5e: {  	_ =	shalt  }
0x5f: {  	_ =	shalt  }
0x60: {  	_ =	shalt  }
0x61: {  	_ =	shalt  }
0x62: {  	_ =	shalt  }
0x63: {  	_ =	shalt  }
0x64: {  	_ =	shalt  }
0x65: {  	_ =	shalt  }
0x66: {  	_ =	shalt  }
0x67: {  	_ =	shalt  }
0x68: {  	_ =	shalt  }
0x69: {  	_ =	shalt  }
0x6a: {  	_ =	shalt  }
0x6b: {  	_ =	shalt  }
0x6c: {  	_ =	shalt  }
0x6d: {  	_ =	shalt  }
0x6e: {  	_ =	shalt  }
0x6f: {  	_ =	shalt  }
0x70: {  	_ =	shalt  }
0x71: {  	_ =	shalt  }
0x72: {  	_ =	shalt  }
0x73: {  	_ =	shalt  }
0x74: {  	_ =	shalt  }
0x75: {  	_ =	shalt  }
0x76: {  	_ =	shalt  }
0x77: {  	_ =	shalt  }
0x78: {  	_ =	shalt  }
0x79: {  	_ =	shalt  }
0x7a: {  	_ =	shalt  }
0x7b: {  	_ =	shalt  }
0x7c: {  	_ =	shalt  }
0x7d: {  	_ =	shalt  }
0x7e: {  	_ =	shalt  }
0x7f: {  	_ =	shalt  }
0x80: {  	_ =	shalt  }
0x81: {  	_ =	shalt  }
0x82: {  	_ =	shalt  }
0x83: {  	_ =	shalt  }
0x84: {  	_ =	shalt  }
0x85: {  	_ =	shalt  }
0x86: {  	_ =	shalt  }
0x87: {  	_ =	shalt  }
.Lfunc_end0:
.L_simem_size_0:
called_computation_lowered:
.L_overlay_start_0:
0x88: {  	s2 =	sld [smem:$0x3FD9]  }
0x89: {  	s3 =	sld [smem:$0x3FFE];
	_ =	sdelay $0x1  }
0x8a: {  	s1 =	srdreg.scid  }
0x8b: {  	s0 =	sand.u32 $0x1, s1  }
0x8c: {  	s17 =	sshll.u32 s0, $0xA;
	s2 =	sadd.s32 s3, s2  }
0x8d: {  	s2 =	sadd.s32 s2, s17  }
0x8e: {  	[smem:$0x3FC5] =	sst s2  }
0x8f: {  	_ = 	snop  }
0x90: {  	s2 =	sld [smem:$0x3FC9];
	(tm) =	ssettm $0x1  }
0x91: {  	s18 =	sld [smem:$0x3FFB];
	_ =	sdelay $0x3  }
0x92: {  	_ =	strace s18  }
0x93: {  	s3 =	sld [smem:$0x3FFC];
	_ =	sdelay $0x3  }
0x94: {  	_ =	strace s3  }
0x95: {  	s3 =	sld [smem:$0x3FFD];
	_ =	sdelay $0x3  }
0x96: {  	_ =	strace s3  }
0x97: {  	_ =	strace $0x8FFFFFFF  }
0x98: {  	s19 =	sld [smem:$0x3FDB];
	_ =	sdelay $0x1  }
0x99: {  	s4 =	simm.s32 $_scs_section_size  }
0x9a: {  	s5 =	simm.s32 $_size__tile_overlayer_lowered;
	s6 =	simm.s32 $_tile_overlayer_lowered  }
0x9b: {  	s22 =	simm.s32 $0x1BFF;
	s21 =	sshll.u32 s6, $0x1;
	s3 =	sadd.s32 s4, s19  }
0x9c: {  	s7 =	simm.s32 $0x0;
	s20 =	sshll.u32 s5, $0x1;
	s5 =	sadd.s32 s21, s3  }
0x9d: {  	[timem:s7], [sflag:s22] =	dma.local [hbm:s5], s20  }
0x9e: {  	_ =	swait.ge [sflag:s22], s20  }
0x9f: {  	s4 =	ssub.s32 $0x0, s20;
	[sflag:s22] =	ssyncset.done $0x0  }
0xa0: {  	[sflag:s22] =	ssyncadd.s32 s4;
	_ =	sdelay $0x1  }
0xa1: {  	s23 =	simm.s32 $0x1B8B  }
0xa2: {  	_ =	swait.ge [sflag:s23], $0x1  }
0xa3: {  	[sflag:s23] =	ssyncset.done $0x0  }
0xa4: {  	s25 =	simm.s32 $0x1B8E;
	s24 =	sld [smem:$0x3FFE];
	[sflag:s23] =	ssyncadd.s32 $0xFFFFFFFF  }
0xa5: {  	s26 =	simm.s32 $execute0_lowered;
	[smem:$0x3FD2] =	sst s25  }
0xa6: {  	s5 =	sshll.u32 s26, $0x1;
	_ =	strace $0x80000046;
	[dreg:$0x1] =	wrdreg $0xFFFFFFFF  }
0xa7: {  	s28 =	simm.s32 $_size_execute0_lowered;
	s3 =	sadd.s32 s3, s5;
	[dreg:$0x0] =	wrdreg $0x0  }
0xa8: {  	s5 =	sshll.u32 s28, $0x1;
	[dreg:$0x2] =	wrdreg s3  }
0xa9: {  	[dreg:$0x3] =	wrdreg s5  }
0xaa: {  	[dreg:$0x4] =	wrdreg $0xC0  }
0xab: {  	_ =	task [dreg:s7], $0x5FFFF  }
0xac: {  	[dreg:$0x1] =	wrdreg $0xFFFFFFFF  }
0xad: {  	[dreg:$0x0] =	wrdreg $0x60  }
0xae: {  	[dreg:$0x2] =	wrdreg s2  }
0xaf: {  	[dreg:$0x3] =	wrdreg s24  }
0xb0: {  	[dreg:$0x4] =	wrdreg $0x9  }
0xb1: {  	_ =	task.clear_ibuf [dreg:s7], $0x5FFFF;
	_ =	strace $0x90000046  }
0xb2: {  	s29 =	simm.s32 $0x9;
	_ =	strace $0x80000048  }
0xb3: {  	_ =	swait.ge [sflag:s29], $0x1  }
0xb4: {  	[sflag:s29] =	ssyncadd.s32 $0xFFFFFFFF  }
0xb5: {  	_ =	strace $0x90000048  }
0xb6: {  	_ =	sfence  }
0xb7: {  	s30 =	sld [smem:$0x0];
	_ =	sdelay $0x2  }
0xb8: {  	s31 =	sshll.u32 s1, $0xD;
	s1 =	sshrl.u32 s1, $0x2  }
0xb9: {  	s3 =	sand.u32 $0x4000, s31;
	s1 =	sadd.s32 s1, s30  }
0xba: {  	s0 =	sor.u32 s3, s0;
	s1 =	sshll.u32 s1, $0x11  }
0xbb: {  	s0 =	sor.u32 s1, s0  }
0xbc: {  	s0 =	sadd.s32 $0x8F2B, s0  }
0xbd: {  	[sflag:s0] =	ssyncadd.remote.s32 $0x1  }
0xbe: {  	_ =	sfence.sel $0xFFFF  }
0xbf: {  	[dreg:$0x0] =	wrdreg $0xFFFFFFFF;
	(pc) =	sbr.abs _section_cstart, $3  }
0xc0: {  	[dreg:$0x1] =	wrdreg $0xFFFFFFFF  }
0xc1: {  	_ =	task.clear_ibuf [dreg:s7], $0x2FFFF;
	_ =	strace $0x9FFFFFFF  }
0xc2: {  	(tm) =	ssettm $0x7FFFFFFF  }
0xc3: {  	_ =	shalt  }
tec
execute0_lowered:
.L_overlay_start_1:
0x0: {  	(tag) =	ssettag $0x1  }
0x1: {  	s1 =	rddreg [dreg:$0x0]  }
0x2: {  	s0 =	rddreg [dreg:$0x1];
	s2 =	srdreg.scid  }
0x3: {  	s3 =	simm.s32 $0x0;
	s4 =	stileid.u32;
	s19 =	simm.s32 $0x4000  }
0x4: {  	s28 =	simm.s32 $0x18000;
	s29 =	simm.s32 $0x2;
	s30 =	simm.s32 $0x18200  }
0x5: {  	s31 =	simm.s32 $0x3;
	s2 =	sand.u32 $0x1, s2;
	[smem:$0x7FF] =	sst s3  }
0x6: {  	s4 =	sshll.u32 s4, $0x6;
	s7 =	sadd.s32 $0x800, s1;
	s5 =	sshll.u32 s2, $0x5  }
0x7: {  	_ =	strace $0x80000047;
	s2 =	ssub.s32 $0x2, s2;
	s4 =	sor.u32 s5, s4  }
0x8: {  	s5 =	sadd.s32 $0xC00, s0;
	s20 =	sshrl.u32 s2, $0x1;
	s8 =	sshll.u32 s4, $0xC  }
0x9: {  	s0 =	ssub.s32 s2, s20;
	s25 =	sshll.u32 s4, $0x6;
	s6 =	sadd.s32 s8, s7  }
0xa: {  	s13 =	sor.u32 $0x3, s4;
	s21 =	sadd.s32 s1, s8;
	[dreg:$0x4] =	wrdreg s6  }
0xb: {  	s14 =	sor.u32 $0x4, s4;
	s0 =	smax.u32 s0, $0x1;
	[dreg:$0x3] =	wrdreg s21  }
0xc: {  	s15 =	sor.u32 $0x5, s4;
	s22 =	sadd.s32 $0x1000, s21;
	[dreg:$0xb] =	wrdreg s0  }
0xd: {  	s20 =	simm.s32 $0x8000;
	s23 =	sadd.s32 $0x1800, s21;
	[dreg:$0x5] =	wrdreg s22  }
0xe: {  	s8 =	simm.s32 $0x0;
	s24 =	sadd.s32 $0x2000, s21;
	[dreg:$0x6] =	wrdreg s23  }
0xf: {  	s2 =	sadd.s32 $0x2800, s21;
	s21 =	simm.s32 $0xC000;
	[dreg:$0x7] =	wrdreg s24  }
0x10: {  	s0 =	simm.s32 $0x18400;
	[dreg:$0x8] =	wrdreg s2;
	s2 =	sadd.s32 s25, s5  }
0x11: {  	s24 =	simm.s32 $0x1;
	s25 =	simm.s32 $0x80;
	s26 =	sadd.s32 $0x660, s2  }
0x12: {  	s22 =	simm.s32 $0x5;
	s2 =	sadd.s32 $0x670, s2;
	[dreg:$0x9] =	wrdreg s26  }
0x13: {  	v0 =	vimm.f32 $0.0e+00;
	[dreg:$0xa] =	wrdreg s2;
	s26 =	simm.s32 $0x400;
	s2 =	simm.s32 $0x4  }
.LBB2_1:
0x14: {  	s6 =	rddreg [dreg:$0x3]  }
0x15: {  	[tilespmem:s3], [sflag:$0x1] =	stream.linear.gather [hbm4b:s6+s3], $0x4000, $0x38;
	[tilespmem:$0x18600] =	vst v63  }
0x16: {  	s11 =	rddreg [dreg:$0x4]  }
0x17: {  	[tilespmem:s19], [sflag:$0x1] =	stream.linear.gather [hbm4b:s11+s3], $0x4000, $0x38;
	[tilespmem:$0x18600] =	vst v63  }
0x18: {  	s12 =	rddreg [dreg:$0x5]  }
0x19: {  	[tilespmem:s20], [sflag:$0x2] =	stream.linear.gather [hbm4b:s12+s3], $0x4000, $0x38;
	[tilespmem:$0x18600] =	vst v63  }
0x1a: {  	s16 =	rddreg [dreg:$0x6]  }
0x1b: {  	[tilespmem:s21], [sflag:$0x2] =	stream.linear.gather [hbm4b:s16+s3], $0x4000, $0x38;
	[tilespmem:$0x18600] =	vst v63  }
0x1c: {  	s17 =	rddreg [dreg:$0x7];
	s9 =	simm.s32 $0x10000  }
0x1d: {  	[tilespmem:s9], [sflag:$0x3] =	stream.linear.gather [hbm4b:s17+s3], $0x4000, $0x38;
	[tilespmem:$0x18600] =	vst v63  }
0x1e: {  	s18 =	rddreg [dreg:$0x8];
	s23 =	simm.s32 $0x14000;
	s9 =	simm.s32 $0x0  }
0x1f: {  	[tilespmem:s23], [sflag:$0x3] =	stream.linear.gather [hbm4b:s18+s3], $0x4000, $0x38;
	[tilespmem:$0x18600] =	vst v63  }
.LBB2_2:
0x20: {  	p0 =	seq.s32 s9, $0x0  }
0x21: {  	s10 =	simm.s32 @!p0 $0x4  }
0x22: {  	_ =	swait.ge @!p0 [sflag:s10], $0x200  }
0x23: {  	[sflag:s10] =	ssyncset.done @!p0 $0x0  }
0x24: {  	[sflag:s10] =	ssyncadd.s32 @!p0 $0xFFFFFE00  }
0x25: {  	[tilespmem:$0x18000] =	vst v0  }
0x26: {  	[tilespmem:$0x18010] =	vst v0  }
0x27: {  	[tilespmem:$0x18020] =	vst v0  }
0x28: {  	[tilespmem:$0x18030] =	vst v0  }
0x29: {  	[tilespmem:$0x18040] =	vst v0  }
0x2a: {  	[tilespmem:$0x18050] =	vst v0  }
0x2b: {  	[tilespmem:$0x18060] =	vst v0  }
0x2c: {  	[tilespmem:$0x18070] =	vst v0  }
0x2d: {  	[tilespmem:$0x18080] =	vst v0  }
0x2e: {  	[tilespmem:$0x18090] =	vst v0  }
0x2f: {  	[tilespmem:$0x180A0] =	vst v0  }
0x30: {  	[tilespmem:$0x180B0] =	vst v0  }
0x31: {  	[tilespmem:$0x180C0] =	vst v0  }
0x32: {  	[tilespmem:$0x180D0] =	vst v0  }
0x33: {  	[tilespmem:$0x180E0] =	vst v0  }
0x34: {  	[tilespmem:$0x180F0] =	vst v0  }
0x35: {  	[tilespmem:$0x18100] =	vst v0  }
0x36: {  	[tilespmem:$0x18110] =	vst v0  }
0x37: {  	[tilespmem:$0x18120] =	vst v0  }
0x38: {  	[tilespmem:$0x18130] =	vst v0  }
0x39: {  	[tilespmem:$0x18140] =	vst v0  }
0x3a: {  	[tilespmem:$0x18150] =	vst v0  }
0x3b: {  	[tilespmem:$0x18160] =	vst v0  }
0x3c: {  	[tilespmem:$0x18170] =	vst v0  }
0x3d: {  	[tilespmem:$0x18180] =	vst v0  }
0x3e: {  	[tilespmem:$0x18190] =	vst v0  }
0x3f: {  	[tilespmem:$0x181A0] =	vst v0  }
0x40: {  	[tilespmem:$0x181B0] =	vst v0  }
0x41: {  	[tilespmem:$0x181C0] =	vst v0  }
0x42: {  	[tilespmem:$0x181D0] =	vst v0  }
0x43: {  	[tilespmem:$0x181E0] =	vst v0  }
0x44: {  	[tilespmem:$0x181F0] =	vst v0  }
0x45: {  	_ =	swait.ge [sflag:s24], $0x8000  }
0x46: {  	s11 =	simm.s32 $0x0;
	s12 =	simm.s32 $0x0;
	[sflag:s24] =	ssyncset.done $0x0  }
0x47: {  	s16 =	simm.s32 $0x0;
	s10 =	smul.u32 $0x3, s9;
	[sflag:s24] =	ssyncadd.s32 $0xFFFF8000  }
.LBB2_3:
0x48: {  	s17 =	sshra.s32 s12, $0x2  }
0x49: {  	v1 =	vld [tilespmem:s17+$0x0]  }
0x4a: {  	v2 =	vld [tilespmem:s17+$0x10]  }
0x4b: {  	v3 =	vld [tilespmem:s17+$0x20]  }
0x4c: {  	v4 =	vld [tilespmem:s17+$0x30]  }
0x4d: {  	v5 =	vld [tilespmem:s17+$0x40]  }
0x4e: {  	v6 =	vld [tilespmem:s17+$0x50]  }
0x4f: {  	v7 =	vld [tilespmem:s17+$0x60]  }
0x50: {  	v8 =	vld [tilespmem:s17+$0x70]  }
0x51: {  	v9 =	vld [tilespmem:s17+$0x1000]  }
0x52: {  	v10 =	vld [tilespmem:s17+$0x1010]  }
0x53: {  	v11 =	vld [tilespmem:s17+$0x1020]  }
0x54: {  	v12 =	vld [tilespmem:s17+$0x1030]  }
0x55: {  	v13 =	vld [tilespmem:s17+$0x1040]  }
0x56: {  	v14 =	vld [tilespmem:s17+$0x1050]  }
0x57: {  	v15 =	vld [tilespmem:s17+$0x1060]  }
0x58: {  	v16 =	vld [tilespmem:s17+$0x1070]  }
0x59: {  	v17 =	vld [tilespmem:s17+$0x2000]  }
0x5a: {  	v18 =	vld [tilespmem:s17+$0x2010]  }
0x5b: {  	v19 =	vld [tilespmem:s17+$0x2020]  }
0x5c: {  	v20 =	vld [tilespmem:s17+$0x2030]  }
0x5d: {  	v21 =	vld [tilespmem:s17+$0x2040]  }
0x5e: {  	v22 =	vld [tilespmem:s17+$0x2050]  }
0x5f: {  	v23 =	vld [tilespmem:s17+$0x2060]  }
0x60: {  	v24 =	vld [tilespmem:s17+$0x2070]  }
0x61: {  	v25 =	vld [tilespmem:s17+$0x3000]  }
0x62: {  	v26 =	vld [tilespmem:s17+$0x3010]  }
0x63: {  	v27 =	vld [tilespmem:s17+$0x3020]  }
0x64: {  	v28 =	vld [tilespmem:s17+$0x3030]  }
0x65: {  	v29 =	vld [tilespmem:s17+$0x3040]  }
0x66: {  	v30 =	vld [tilespmem:s17+$0x3050]  }
0x67: {  	v31 =	vld [tilespmem:s17+$0x3060]  }
0x68: {  	v32 =	vld [tilespmem:s17+$0x3070]  }
0x69: {  	v33 =	vld [tilespmem:s17+$0x4000]  }
0x6a: {  	v34 =	vld [tilespmem:s17+$0x4010]  }
0x6b: {  	v35 =	vld [tilespmem:s17+$0x4020]  }
0x6c: {  	v36 =	vld [tilespmem:s17+$0x4030]  }
0x6d: {  	v37 =	vld [tilespmem:s17+$0x4040]  }
0x6e: {  	v38 =	vld [tilespmem:s17+$0x4050]  }
0x6f: {  	v39 =	vld [tilespmem:s17+$0x4060]  }
0x70: {  	v40 =	vld [tilespmem:s17+$0x4070]  }
0x71: {  	v41 =	vld [tilespmem:s17+$0x5000]  }
0x72: {  	v42 =	vld [tilespmem:s17+$0x5010]  }
0x73: {  	v43 =	vld [tilespmem:s17+$0x5020]  }
0x74: {  	v44 =	vld [tilespmem:s17+$0x5030]  }
0x75: {  	v45 =	vld [tilespmem:s17+$0x5040]  }
0x76: {  	v46 =	vld [tilespmem:s17+$0x5050]  }
0x77: {  	v47 =	vld [tilespmem:s17+$0x5060]  }
0x78: {  	v48 =	vld [tilespmem:s17+$0x5070]  }
0x79: {  	v49 =	vld [tilespmem:s17+$0x6000]  }
0x7a: {  	v50 =	vld [tilespmem:s17+$0x6010]  }
0x7b: {  	v60 =	vld [tilespmem:s17+$0x6020]  }
0x7c: {  	v62 =	vld [tilespmem:s17+$0x7000]  }
0x7d: {  	v63 =	vld [tilespmem:s17+$0x7010]  }
0x7e: {  	v52 =	vld [tilespmem:s17+$0x7040];
	v2 =	vadd.f32 v9, v2;
	v3 =	vadd.f32 v10, v3  }
0x7f: {  	v53 =	vld [tilespmem:s17+$0x7050];
	v4 =	vadd.f32 v11, v4;
	v5 =	vadd.f32 v12, v5  }
0x80: {  	v54 =	vld [tilespmem:s17+$0x7060];
	v6 =	vadd.f32 v13, v6;
	v7 =	vadd.f32 v14, v7  }
0x81: {  	v56 =	vld [tilespmem:s17+$0x7070];
	v8 =	vadd.f32 v15, v8;
	v61 =	vadd.f32 v23, v16  }
0x82: {  	v10 =	vld [tilespmem:s17+$0x6030];
	v51 =	vadd.f32 v31, v24;
	v55 =	vadd.f32 v39, v32  }
0x83: {  	v11 =	vld [tilespmem:s17+$0x6040];
	v3 =	vadd.f32 v17, v3;
	v4 =	vadd.f32 v18, v4  }
0x84: {  	v12 =	vld [tilespmem:s17+$0x6050];
	v5 =	vadd.f32 v19, v5;
	v6 =	vadd.f32 v20, v6  }
0x85: {  	v13 =	vld [tilespmem:s17+$0x6060];
	v7 =	vadd.f32 v21, v7;
	v8 =	vadd.f32 v22, v8  }
0x86: {  	v14 =	vld [tilespmem:s17+$0x6070];
	v15 =	vadd.f32 v30, v61;
	v20 =	vadd.f32 v38, v51  }
0x87: {  	s18 =	sand.u32 $0x100, s11;
	s6 =	sshrl.u32 s16, $0x1;
	v30 =	vld [tilespmem:s17+$0x7030];
	v58 =	vadd.f32 v46, v55;
	v4 =	vadd.f32 v25, v4  }
0x88: {  	s6 =	sadd.s32 s6, s18;
	v5 =	vadd.f32 v26, v5;
	v7 =	vadd.f32 v28, v7;
	v28 =	vld [tilespmem:s17+$0x7020]  }
0x89: {  	s23 =	sadd.s32 $0x18000, s6;
	v6 =	vadd.f32 v27, v6;
	v8 =	vadd.f32 v29, v8;
	[tilespmem:s6+$0x18000] =	vst.add.f32.msk $0xffff, v1  }
0x8a: {  	v15 =	vadd.f32 v37, v15;
	[tilespmem:s23+$0x10] =	vst.add.f32.msk $0xffff, v2;
	v2 =	vadd.f32 v45, v20  }
0x8b: {  	[tilespmem:s23+$0x20] =	vst.add.f32.msk $0xffff, v3;
	v3 =	vadd.f32 v47, v40;
	v8 =	vadd.f32 v36, v8  }
0x8c: {  	v5 =	vadd.f32 v33, v5;
	v7 =	vadd.f32 v35, v7  }
0x8d: {  	v6 =	vadd.f32 v34, v6;
	v1 =	vadd.f32 v43, v8  }
0x8e: {  	v57 =	vadd.f32 v44, v15;
	v7 =	vadd.f32 v42, v7  }
0x8f: {  	[tilespmem:s23+$0x30] =	vst.add.f32.msk $0xffff, v4;
	v6 =	vadd.f32 v41, v6;
	v1 =	vadd.f32 v50, v1  }
0x90: {  	v60 =	vadd.f32 v60, v57;
	[tilespmem:s23+$0x40] =	vst.add.f32.msk $0xffff, v5;
	v59 =	vadd.f32 v49, v7  }
0x91: {  	v2 =	vadd.f32 v10, v2;
	[tilespmem:s23+$0x50] =	vst.add.f32.msk $0xffff, v6;
	v1 =	vadd.f32 v62, v1  }
0x92: {  	v61 =	vadd.f32 v11, v58;
	v62 =	vadd.f32 v63, v60;
	[tilespmem:s23+$0x60] =	vst.add.f32.msk $0xffff, v59  }
0x93: {  	v3 =	vadd.f32 v12, v3;
	v2 =	vadd.f32 v28, v2;
	[tilespmem:s23+$0x70] =	vst.add.f32.msk $0xffff, v1  }
0x94: {  	v63 =	vadd.f32 v30, v61;
	[tilespmem:s6+$0x18080] =	vst.add.f32.msk $0xffff, v62  }
0x95: {  	p1 =	sne.s32 s12, $0x3E00;
	v3 =	vadd.f32 v52, v3;
	v1 =	vadd.f32 v13, v48;
	[tilespmem:s23+$0x90] =	vst.add.f32.msk $0xffff, v2  }
.Ltmp0:
0x96: {  	[tilespmem:s23+$0xA0] =	vst.add.f32.msk $0xffff, v63;
	(pc) =	sbr.rel @p1 .LBB2_3-.Ltmp0, $4  }
0x97: {  	v1 =	vadd.f32 v53, v1;
	[tilespmem:s23+$0xB0] =	vst.add.f32.msk $0xffff, v3  }
0x98: {  	v2 =	vadd.f32 v54, v14;
	[tilespmem:s23+$0xE0] =	vst.add.f32.msk $0xffff, v56  }
0x99: {  	[tilespmem:s23+$0xC0] =	vst.add.f32.msk $0xffff, v1  }
0x9a: {  	s16 =	sadd.s32 $0x1, s16;
	s11 =	sadd.s32 $0x100, s11;
	s12 =	sadd.s32 $0x200, s12;
	[tilespmem:s23+$0xD0] =	vst.add.f32.msk $0xffff, v2  }
0x9b: {  	s6 =	sadd.s32 s10, s13  }
0x9c: {  	s6 =	sshll.u32 s6, $0xC  }
0x9d: {  	s11 =	sadd.s32 s1, s6  }
0x9e: {  	[tilespmem:s3], [sflag:$0x1] =	stream.linear.gather [hbm4b:s11+s3], $0x4000, $0x38;
	[tilespmem:$0x18600] =	vst v63  }
0x9f: {  	s18 =	sadd.s32 s4, s10;
	s23 =	smul.u32 $0x180, s9;
	s6 =	sadd.s32 s6, s7  }
0xa0: {  	[tilespmem:s19], [sflag:$0x1] =	stream.linear.gather [hbm4b:s6+s3], $0x4000, $0x38;
	[tilespmem:$0x18600] =	vst v63  }
0xa1: {  	s6 =	sshll.u32 s18, $0x9  }
0xa2: {  	s11 =	sand.u32 $0x380, s23;
	s6 =	sand.u32 $0xFF000, s6  }
0xa3: {  	s6 =	sor.u32 s11, s6  }
0xa4: {  	s6 =	sshrl.u32 s6, $0x3  }
0xa5: {  	s6 =	sadd.s32 s5, s6  }
0xa6: {  	[hbm4b:s6+s25] =	stream.strided.scatter [tilespmem:s28], [sflag:$0x4], $0x200, s26, s25, $0x38;
	[tilespmem:$0x18600] =	vst v63  }
0xa7: {  	s6 =	simm.s32 @!p0 $0x5  }
0xa8: {  	_ =	swait.ge @!p0 [sflag:s6], $0x200  }
0xa9: {  	[sflag:s6] =	ssyncset.done @!p0 $0x0  }
0xaa: {  	[sflag:s6] =	ssyncadd.s32 @!p0 $0xFFFFFE00  }
0xab: {  	[tilespmem:$0x18200] =	vst v0  }
0xac: {  	[tilespmem:$0x18210] =	vst v0  }
0xad: {  	[tilespmem:$0x18220] =	vst v0  }
0xae: {  	[tilespmem:$0x18230] =	vst v0  }
0xaf: {  	[tilespmem:$0x18240] =	vst v0  }
0xb0: {  	[tilespmem:$0x18250] =	vst v0  }
0xb1: {  	[tilespmem:$0x18260] =	vst v0  }
0xb2: {  	[tilespmem:$0x18270] =	vst v0  }
0xb3: {  	[tilespmem:$0x18280] =	vst v0  }
0xb4: {  	[tilespmem:$0x18290] =	vst v0  }
0xb5: {  	[tilespmem:$0x182A0] =	vst v0  }
0xb6: {  	[tilespmem:$0x182B0] =	vst v0  }
0xb7: {  	[tilespmem:$0x182C0] =	vst v0  }
0xb8: {  	[tilespmem:$0x182D0] =	vst v0  }
0xb9: {  	[tilespmem:$0x182E0] =	vst v0  }
0xba: {  	[tilespmem:$0x182F0] =	vst v0  }
0xbb: {  	[tilespmem:$0x18300] =	vst v0  }
0xbc: {  	[tilespmem:$0x18310] =	vst v0  }
0xbd: {  	[tilespmem:$0x18320] =	vst v0  }
0xbe: {  	[tilespmem:$0x18330] =	vst v0  }
0xbf: {  	[tilespmem:$0x18340] =	vst v0  }
0xc0: {  	[tilespmem:$0x18350] =	vst v0  }
0xc1: {  	[tilespmem:$0x18360] =	vst v0  }
0xc2: {  	[tilespmem:$0x18370] =	vst v0  }
0xc3: {  	[tilespmem:$0x18380] =	vst v0  }
0xc4: {  	[tilespmem:$0x18390] =	vst v0  }
0xc5: {  	[tilespmem:$0x183A0] =	vst v0  }
0xc6: {  	[tilespmem:$0x183B0] =	vst v0  }
0xc7: {  	[tilespmem:$0x183C0] =	vst v0  }
0xc8: {  	[tilespmem:$0x183D0] =	vst v0  }
0xc9: {  	[tilespmem:$0x183E0] =	vst v0  }
0xca: {  	[tilespmem:$0x183F0] =	vst v0  }
0xcb: {  	_ =	swait.ge [sflag:s29], $0x8000  }
0xcc: {  	s12 =	simm.s32 $0x0;
	s16 =	simm.s32 $0x0;
	[sflag:s29] =	ssyncset.done $0x0  }
0xcd: {  	s17 =	simm.s32 $0x0;
	s11 =	sadd.s32 $0x1, s10;
	[sflag:s29] =	ssyncadd.s32 $0xFFFF8000  }
.LBB2_5:
0xce: {  	s18 =	sshra.s32 s16, $0x2  }
0xcf: {  	v1 =	vld [tilespmem:s18+$0x8000]  }
0xd0: {  	v2 =	vld [tilespmem:s18+$0x8010]  }
0xd1: {  	v3 =	vld [tilespmem:s18+$0x8020]  }
0xd2: {  	v4 =	vld [tilespmem:s18+$0x8030]  }
0xd3: {  	v5 =	vld [tilespmem:s18+$0x8040]  }
0xd4: {  	v6 =	vld [tilespmem:s18+$0x8050]  }
0xd5: {  	v7 =	vld [tilespmem:s18+$0x8060]  }
0xd6: {  	v8 =	vld [tilespmem:s18+$0x8070]  }
0xd7: {  	v9 =	vld [tilespmem:s18+$0x9000]  }
0xd8: {  	v10 =	vld [tilespmem:s18+$0x9010]  }
0xd9: {  	v11 =	vld [tilespmem:s18+$0x9020]  }
0xda: {  	v12 =	vld [tilespmem:s18+$0x9030]  }
0xdb: {  	v13 =	vld [tilespmem:s18+$0x9040]  }
0xdc: {  	v14 =	vld [tilespmem:s18+$0x9050]  }
0xdd: {  	v15 =	vld [tilespmem:s18+$0x9060]  }
0xde: {  	v16 =	vld [tilespmem:s18+$0x9070]  }
0xdf: {  	v17 =	vld [tilespmem:s18+$0xA000]  }
0xe0: {  	v18 =	vld [tilespmem:s18+$0xA010]  }
0xe1: {  	v19 =	vld [tilespmem:s18+$0xA020]  }
0xe2: {  	v20 =	vld [tilespmem:s18+$0xA030]  }
0xe3: {  	v21 =	vld [tilespmem:s18+$0xA040]  }
0xe4: {  	v22 =	vld [tilespmem:s18+$0xA050]  }
0xe5: {  	v23 =	vld [tilespmem:s18+$0xA060]  }
0xe6: {  	v24 =	vld [tilespmem:s18+$0xA070]  }
0xe7: {  	v25 =	vld [tilespmem:s18+$0xB000]  }
0xe8: {  	v26 =	vld [tilespmem:s18+$0xB010]  }
0xe9: {  	v27 =	vld [tilespmem:s18+$0xB020]  }
0xea: {  	v28 =	vld [tilespmem:s18+$0xB030]  }
0xeb: {  	v29 =	vld [tilespmem:s18+$0xB040]  }
0xec: {  	v30 =	vld [tilespmem:s18+$0xB050]  }
0xed: {  	v31 =	vld [tilespmem:s18+$0xB060]  }
0xee: {  	v32 =	vld [tilespmem:s18+$0xB070]  }
0xef: {  	v33 =	vld [tilespmem:s18+$0xC000]  }
0xf0: {  	v34 =	vld [tilespmem:s18+$0xC010]  }
0xf1: {  	v35 =	vld [tilespmem:s18+$0xC020]  }
0xf2: {  	v36 =	vld [tilespmem:s18+$0xC030]  }
0xf3: {  	v37 =	vld [tilespmem:s18+$0xC040]  }
0xf4: {  	v38 =	vld [tilespmem:s18+$0xC050]  }
0xf5: {  	v39 =	vld [tilespmem:s18+$0xC060]  }
0xf6: {  	v40 =	vld [tilespmem:s18+$0xC070]  }
0xf7: {  	v41 =	vld [tilespmem:s18+$0xD000]  }
0xf8: {  	v42 =	vld [tilespmem:s18+$0xD010]  }
0xf9: {  	v43 =	vld [tilespmem:s18+$0xD020]  }
0xfa: {  	v44 =	vld [tilespmem:s18+$0xD030]  }
0xfb: {  	v45 =	vld [tilespmem:s18+$0xD040]  }
0xfc: {  	v46 =	vld [tilespmem:s18+$0xD050]  }
0xfd: {  	v47 =	vld [tilespmem:s18+$0xD060]  }
0xfe: {  	v48 =	vld [tilespmem:s18+$0xD070]  }
0xff: {  	v49 =	vld [tilespmem:s18+$0xE000]  }
0x100: {  	v50 =	vld [tilespmem:s18+$0xE010]  }
0x101: {  	v60 =	vld [tilespmem:s18+$0xE020]  }
0x102: {  	v62 =	vld [tilespmem:s18+$0xF000]  }
0x103: {  	v63 =	vld [tilespmem:s18+$0xF010]  }
0x104: {  	v52 =	vld [tilespmem:s18+$0xF040];
	v2 =	vadd.f32 v9, v2;
	v3 =	vadd.f32 v10, v3  }
0x105: {  	v53 =	vld [tilespmem:s18+$0xF050];
	v4 =	vadd.f32 v11, v4;
	v5 =	vadd.f32 v12, v5  }
0x106: {  	v54 =	vld [tilespmem:s18+$0xF060];
	v6 =	vadd.f32 v13, v6;
	v7 =	vadd.f32 v14, v7  }
0x107: {  	v56 =	vld [tilespmem:s18+$0xF070];
	v8 =	vadd.f32 v15, v8;
	v61 =	vadd.f32 v23, v16  }
0x108: {  	v10 =	vld [tilespmem:s18+$0xE030];
	v51 =	vadd.f32 v31, v24;
	v55 =	vadd.f32 v39, v32  }
0x109: {  	v11 =	vld [tilespmem:s18+$0xE040];
	v3 =	vadd.f32 v17, v3;
	v4 =	vadd.f32 v18, v4  }
0x10a: {  	v12 =	vld [tilespmem:s18+$0xE050];
	v5 =	vadd.f32 v19, v5;
	v6 =	vadd.f32 v20, v6  }
0x10b: {  	v13 =	vld [tilespmem:s18+$0xE060];
	v7 =	vadd.f32 v21, v7;
	v8 =	vadd.f32 v22, v8  }
0x10c: {  	v14 =	vld [tilespmem:s18+$0xE070];
	v15 =	vadd.f32 v30, v61;
	v20 =	vadd.f32 v38, v51  }
0x10d: {  	s6 =	sand.u32 $0x100, s12;
	s23 =	sshrl.u32 s17, $0x1;
	v30 =	vld [tilespmem:s18+$0xF030];
	v58 =	vadd.f32 v46, v55;
	v4 =	vadd.f32 v25, v4  }
0x10e: {  	s6 =	sadd.s32 s23, s6;
	v5 =	vadd.f32 v26, v5;
	v7 =	vadd.f32 v28, v7;
	v28 =	vld [tilespmem:s18+$0xF020]  }
0x10f: {  	s23 =	sadd.s32 $0x18200, s6;
	v6 =	vadd.f32 v27, v6;
	v8 =	vadd.f32 v29, v8;
	[tilespmem:s6+$0x18200] =	vst.add.f32.msk $0xffff, v1  }
0x110: {  	v15 =	vadd.f32 v37, v15;
	[tilespmem:s23+$0x10] =	vst.add.f32.msk $0xffff, v2;
	v2 =	vadd.f32 v45, v20  }
0x111: {  	[tilespmem:s23+$0x20] =	vst.add.f32.msk $0xffff, v3;
	v3 =	vadd.f32 v47, v40;
	v8 =	vadd.f32 v36, v8  }
0x112: {  	v5 =	vadd.f32 v33, v5;
	v7 =	vadd.f32 v35, v7  }
0x113: {  	v6 =	vadd.f32 v34, v6;
	v1 =	vadd.f32 v43, v8  }
0x114: {  	v57 =	vadd.f32 v44, v15;
	v7 =	vadd.f32 v42, v7  }
0x115: {  	[tilespmem:s23+$0x30] =	vst.add.f32.msk $0xffff, v4;
	v6 =	vadd.f32 v41, v6;
	v1 =	vadd.f32 v50, v1  }
0x116: {  	v60 =	vadd.f32 v60, v57;
	[tilespmem:s23+$0x40] =	vst.add.f32.msk $0xffff, v5;
	v59 =	vadd.f32 v49, v7  }
0x117: {  	v2 =	vadd.f32 v10, v2;
	[tilespmem:s23+$0x50] =	vst.add.f32.msk $0xffff, v6;
	v1 =	vadd.f32 v62, v1  }
0x118: {  	v61 =	vadd.f32 v11, v58;
	v62 =	vadd.f32 v63, v60;
	[tilespmem:s23+$0x60] =	vst.add.f32.msk $0xffff, v59  }
0x119: {  	v3 =	vadd.f32 v12, v3;
	v2 =	vadd.f32 v28, v2;
	[tilespmem:s23+$0x70] =	vst.add.f32.msk $0xffff, v1  }
0x11a: {  	v63 =	vadd.f32 v30, v61;
	[tilespmem:s6+$0x18280] =	vst.add.f32.msk $0xffff, v62  }
0x11b: {  	p1 =	sne.s32 s16, $0x3E00;
	v3 =	vadd.f32 v52, v3;
	v1 =	vadd.f32 v13, v48;
	[tilespmem:s23+$0x90] =	vst.add.f32.msk $0xffff, v2  }
.Ltmp1:
0x11c: {  	[tilespmem:s23+$0xA0] =	vst.add.f32.msk $0xffff, v63;
	(pc) =	sbr.rel @p1 .LBB2_5-.Ltmp1, $4  }
0x11d: {  	v1 =	vadd.f32 v53, v1;
	[tilespmem:s23+$0xB0] =	vst.add.f32.msk $0xffff, v3  }
0x11e: {  	v2 =	vadd.f32 v54, v14;
	[tilespmem:s23+$0xE0] =	vst.add.f32.msk $0xffff, v56  }
0x11f: {  	[tilespmem:s23+$0xC0] =	vst.add.f32.msk $0xffff, v1  }
0x120: {  	s17 =	sadd.s32 $0x1, s17;
	s12 =	sadd.s32 $0x100, s12;
	s16 =	sadd.s32 $0x200, s16;
	[tilespmem:s23+$0xD0] =	vst.add.f32.msk $0xffff, v2  }
0x121: {  	s6 =	sadd.s32 s10, s14  }
0x122: {  	s6 =	sshll.u32 s6, $0xC  }
0x123: {  	s12 =	sadd.s32 s1, s6  }
0x124: {  	[tilespmem:s20], [sflag:$0x2] =	stream.linear.gather [hbm4b:s12+s3], $0x4000, $0x38;
	[tilespmem:$0x18600] =	vst v63  }
0x125: {  	s18 =	sadd.s32 s4, s11;
	s23 =	sshll.u32 s11, $0x4;
	s6 =	sadd.s32 s6, s7  }
0x126: {  	[tilespmem:s21], [sflag:$0x2] =	stream.linear.gather [hbm4b:s6+s3], $0x4000, $0x38;
	[tilespmem:$0x18600] =	vst v63  }
0x127: {  	s11 =	sand.u32 $0x70, s23;
	s6 =	sshll.u32 s18, $0x6  }
0x128: {  	s11 =	sadd.s32 s5, s11;
	s6 =	sand.u32 $0x1FE00, s6  }
0x129: {  	s6 =	sadd.s32 s6, s11  }
0x12a: {  	[hbm4b:s6+s25] =	stream.strided.scatter [tilespmem:s30], [sflag:$0x5], $0x200, s26, s25, $0x38;
	[tilespmem:$0x18600] =	vst v63  }
0x12b: {  	s6 =	simm.s32 @!p0 $0x6  }
0x12c: {  	_ =	swait.ge @!p0 [sflag:s6], $0x200  }
0x12d: {  	[sflag:s6] =	ssyncset.done @!p0 $0x0  }
0x12e: {  	[sflag:s6] =	ssyncadd.s32 @!p0 $0xFFFFFE00  }
0x12f: {  	[tilespmem:$0x18400] =	vst v0  }
0x130: {  	[tilespmem:$0x18410] =	vst v0  }
0x131: {  	[tilespmem:$0x18420] =	vst v0  }
0x132: {  	[tilespmem:$0x18430] =	vst v0  }
0x133: {  	[tilespmem:$0x18440] =	vst v0  }
0x134: {  	[tilespmem:$0x18450] =	vst v0  }
0x135: {  	[tilespmem:$0x18460] =	vst v0  }
0x136: {  	[tilespmem:$0x18470] =	vst v0  }
0x137: {  	[tilespmem:$0x18480] =	vst v0  }
0x138: {  	[tilespmem:$0x18490] =	vst v0  }
0x139: {  	[tilespmem:$0x184A0] =	vst v0  }
0x13a: {  	[tilespmem:$0x184B0] =	vst v0  }
0x13b: {  	[tilespmem:$0x184C0] =	vst v0  }
0x13c: {  	[tilespmem:$0x184D0] =	vst v0  }
0x13d: {  	[tilespmem:$0x184E0] =	vst v0  }
0x13e: {  	[tilespmem:$0x184F0] =	vst v0  }
0x13f: {  	[tilespmem:$0x18500] =	vst v0  }
0x140: {  	[tilespmem:$0x18510] =	vst v0  }
0x141: {  	[tilespmem:$0x18520] =	vst v0  }
0x142: {  	[tilespmem:$0x18530] =	vst v0  }
0x143: {  	[tilespmem:$0x18540] =	vst v0  }
0x144: {  	[tilespmem:$0x18550] =	vst v0  }
0x145: {  	[tilespmem:$0x18560] =	vst v0  }
0x146: {  	[tilespmem:$0x18570] =	vst v0  }
0x147: {  	[tilespmem:$0x18580] =	vst v0  }
0x148: {  	[tilespmem:$0x18590] =	vst v0  }
0x149: {  	[tilespmem:$0x185A0] =	vst v0  }
0x14a: {  	[tilespmem:$0x185B0] =	vst v0  }
0x14b: {  	[tilespmem:$0x185C0] =	vst v0  }
0x14c: {  	[tilespmem:$0x185D0] =	vst v0  }
0x14d: {  	[tilespmem:$0x185E0] =	vst v0  }
0x14e: {  	[tilespmem:$0x185F0] =	vst v0  }
0x14f: {  	_ =	swait.ge [sflag:s31], $0x8000  }
0x150: {  	s16 =	simm.s32 $0x0;
	s17 =	simm.s32 $0x0;
	[sflag:s31] =	ssyncset.done $0x0  }
0x151: {  	s12 =	simm.s32 $0x0;
	s11 =	sadd.s32 $0x2, s10;
	[sflag:s31] =	ssyncadd.s32 $0xFFFF8000  }
.LBB2_7:
0x152: {  	s18 =	sshra.s32 s16, $0x2  }
0x153: {  	v1 =	vld [tilespmem:s18+$0x10000]  }
0x154: {  	v2 =	vld [tilespmem:s18+$0x10010]  }
0x155: {  	v3 =	vld [tilespmem:s18+$0x10020]  }
0x156: {  	v4 =	vld [tilespmem:s18+$0x10030]  }
0x157: {  	v5 =	vld [tilespmem:s18+$0x10040]  }
0x158: {  	v6 =	vld [tilespmem:s18+$0x10050]  }
0x159: {  	v7 =	vld [tilespmem:s18+$0x10060]  }
0x15a: {  	v8 =	vld [tilespmem:s18+$0x10070]  }
0x15b: {  	v9 =	vld [tilespmem:s18+$0x11000]  }
0x15c: {  	v10 =	vld [tilespmem:s18+$0x11010]  }
0x15d: {  	v11 =	vld [tilespmem:s18+$0x11020]  }
0x15e: {  	v12 =	vld [tilespmem:s18+$0x11030]  }
0x15f: {  	v13 =	vld [tilespmem:s18+$0x11040]  }
0x160: {  	v14 =	vld [tilespmem:s18+$0x11050]  }
0x161: {  	v15 =	vld [tilespmem:s18+$0x11060]  }
0x162: {  	v16 =	vld [tilespmem:s18+$0x11070]  }
0x163: {  	v17 =	vld [tilespmem:s18+$0x12000]  }
0x164: {  	v18 =	vld [tilespmem:s18+$0x12010]  }
0x165: {  	v19 =	vld [tilespmem:s18+$0x12020]  }
0x166: {  	v20 =	vld [tilespmem:s18+$0x12030]  }
0x167: {  	v21 =	vld [tilespmem:s18+$0x12040]  }
0x168: {  	v22 =	vld [tilespmem:s18+$0x12050]  }
0x169: {  	v23 =	vld [tilespmem:s18+$0x12060]  }
0x16a: {  	v24 =	vld [tilespmem:s18+$0x12070]  }
0x16b: {  	v25 =	vld [tilespmem:s18+$0x13000]  }
0x16c: {  	v26 =	vld [tilespmem:s18+$0x13010]  }
0x16d: {  	v27 =	vld [tilespmem:s18+$0x13020]  }
0x16e: {  	v28 =	vld [tilespmem:s18+$0x13030]  }
0x16f: {  	v29 =	vld [tilespmem:s18+$0x13040]  }
0x170: {  	v30 =	vld [tilespmem:s18+$0x13050]  }
0x171: {  	v31 =	vld [tilespmem:s18+$0x13060]  }
0x172: {  	v32 =	vld [tilespmem:s18+$0x13070]  }
0x173: {  	v33 =	vld [tilespmem:s18+$0x14000]  }
0x174: {  	v34 =	vld [tilespmem:s18+$0x14010]  }
0x175: {  	v35 =	vld [tilespmem:s18+$0x14020]  }
0x176: {  	v36 =	vld [tilespmem:s18+$0x14030]  }
0x177: {  	v37 =	vld [tilespmem:s18+$0x14040]  }
0x178: {  	v38 =	vld [tilespmem:s18+$0x14050]  }
0x179: {  	v39 =	vld [tilespmem:s18+$0x14060]  }
0x17a: {  	v40 =	vld [tilespmem:s18+$0x14070]  }
0x17b: {  	v41 =	vld [tilespmem:s18+$0x15000]  }
0x17c: {  	v42 =	vld [tilespmem:s18+$0x15010]  }
0x17d: {  	v43 =	vld [tilespmem:s18+$0x15020]  }
0x17e: {  	v44 =	vld [tilespmem:s18+$0x15030]  }
0x17f: {  	v45 =	vld [tilespmem:s18+$0x15040]  }
0x180: {  	v46 =	vld [tilespmem:s18+$0x15050]  }
0x181: {  	v47 =	vld [tilespmem:s18+$0x15060]  }
0x182: {  	v48 =	vld [tilespmem:s18+$0x15070]  }
0x183: {  	v49 =	vld [tilespmem:s18+$0x16000]  }
0x184: {  	v50 =	vld [tilespmem:s18+$0x16010]  }
0x185: {  	v60 =	vld [tilespmem:s18+$0x16020]  }
0x186: {  	v62 =	vld [tilespmem:s18+$0x17000]  }
0x187: {  	v63 =	vld [tilespmem:s18+$0x17010]  }
0x188: {  	v52 =	vld [tilespmem:s18+$0x17040];
	v2 =	vadd.f32 v9, v2;
	v3 =	vadd.f32 v10, v3  }
0x189: {  	v53 =	vld [tilespmem:s18+$0x17050];
	v4 =	vadd.f32 v11, v4;
	v5 =	vadd.f32 v12, v5  }
0x18a: {  	v54 =	vld [tilespmem:s18+$0x17060];
	v6 =	vadd.f32 v13, v6;
	v7 =	vadd.f32 v14, v7  }
0x18b: {  	v56 =	vld [tilespmem:s18+$0x17070];
	v8 =	vadd.f32 v15, v8;
	v61 =	vadd.f32 v23, v16  }
0x18c: {  	v10 =	vld [tilespmem:s18+$0x16030];
	v51 =	vadd.f32 v31, v24;
	v55 =	vadd.f32 v39, v32  }
0x18d: {  	v11 =	vld [tilespmem:s18+$0x16040];
	v3 =	vadd.f32 v17, v3;
	v4 =	vadd.f32 v18, v4  }
0x18e: {  	v12 =	vld [tilespmem:s18+$0x16050];
	v5 =	vadd.f32 v19, v5;
	v6 =	vadd.f32 v20, v6  }
0x18f: {  	v13 =	vld [tilespmem:s18+$0x16060];
	v7 =	vadd.f32 v21, v7;
	v8 =	vadd.f32 v22, v8  }
0x190: {  	v14 =	vld [tilespmem:s18+$0x16070];
	v15 =	vadd.f32 v30, v61;
	v20 =	vadd.f32 v38, v51  }
0x191: {  	s6 =	sand.u32 $0x100, s12;
	s23 =	sshrl.u32 s17, $0x1;
	v30 =	vld [tilespmem:s18+$0x17030];
	v58 =	vadd.f32 v46, v55;
	v4 =	vadd.f32 v25, v4  }
0x192: {  	s6 =	sadd.s32 s23, s6;
	v5 =	vadd.f32 v26, v5;
	v7 =	vadd.f32 v28, v7;
	v28 =	vld [tilespmem:s18+$0x17020]  }
0x193: {  	s23 =	sadd.s32 $0x18400, s6;
	v6 =	vadd.f32 v27, v6;
	v8 =	vadd.f32 v29, v8;
	[tilespmem:s6+$0x18400] =	vst.add.f32.msk $0xffff, v1  }
0x194: {  	v15 =	vadd.f32 v37, v15;
	[tilespmem:s23+$0x10] =	vst.add.f32.msk $0xffff, v2;
	v2 =	vadd.f32 v45, v20  }
0x195: {  	[tilespmem:s23+$0x20] =	vst.add.f32.msk $0xffff, v3;
	v3 =	vadd.f32 v47, v40;
	v8 =	vadd.f32 v36, v8  }
0x196: {  	v5 =	vadd.f32 v33, v5;
	v7 =	vadd.f32 v35, v7  }
0x197: {  	v6 =	vadd.f32 v34, v6;
	v1 =	vadd.f32 v43, v8  }
0x198: {  	v57 =	vadd.f32 v44, v15;
	v7 =	vadd.f32 v42, v7  }
0x199: {  	[tilespmem:s23+$0x30] =	vst.add.f32.msk $0xffff, v4;
	v6 =	vadd.f32 v41, v6;
	v1 =	vadd.f32 v50, v1  }
0x19a: {  	v60 =	vadd.f32 v60, v57;
	[tilespmem:s23+$0x40] =	vst.add.f32.msk $0xffff, v5;
	v59 =	vadd.f32 v49, v7  }
0x19b: {  	v2 =	vadd.f32 v10, v2;
	[tilespmem:s23+$0x50] =	vst.add.f32.msk $0xffff, v6;
	v1 =	vadd.f32 v62, v1  }
0x19c: {  	v61 =	vadd.f32 v11, v58;
	v62 =	vadd.f32 v63, v60;
	[tilespmem:s23+$0x60] =	vst.add.f32.msk $0xffff, v59  }
0x19d: {  	v3 =	vadd.f32 v12, v3;
	v2 =	vadd.f32 v28, v2;
	[tilespmem:s23+$0x70] =	vst.add.f32.msk $0xffff, v1  }
0x19e: {  	v63 =	vadd.f32 v30, v61;
	[tilespmem:s6+$0x18480] =	vst.add.f32.msk $0xffff, v62  }
0x19f: {  	p0 =	sne.s32 s16, $0x3E00;
	v3 =	vadd.f32 v52, v3;
	v1 =	vadd.f32 v13, v48;
	[tilespmem:s23+$0x90] =	vst.add.f32.msk $0xffff, v2  }
.Ltmp2:
0x1a0: {  	[tilespmem:s23+$0xA0] =	vst.add.f32.msk $0xffff, v63;
	(pc) =	sbr.rel @p0 .LBB2_7-.Ltmp2, $4  }
0x1a1: {  	v1 =	vadd.f32 v53, v1;
	[tilespmem:s23+$0xB0] =	vst.add.f32.msk $0xffff, v3  }
0x1a2: {  	v2 =	vadd.f32 v54, v14;
	[tilespmem:s23+$0xE0] =	vst.add.f32.msk $0xffff, v56  }
0x1a3: {  	[tilespmem:s23+$0xC0] =	vst.add.f32.msk $0xffff, v1  }
0x1a4: {  	s17 =	sadd.s32 $0x1, s17;
	s12 =	sadd.s32 $0x100, s12;
	s16 =	sadd.s32 $0x200, s16;
	[tilespmem:s23+$0xD0] =	vst.add.f32.msk $0xffff, v2  }
0x1a5: {  	p0 =	seq.s32 s9, $0x9  }
0x1a6: {  	s6 =	sadd.s32 @!p0 s10, s15  }
0x1a7: {  	s6 =	sshll.u32 @!p0 s6, $0xC  }
0x1a8: {  	s12 =	simm.s32 @!p0 $0x0;
	s16 =	simm.s32 @!p0 $0x10000;
	s10 =	sadd.s32 @!p0 s1, s6  }
0x1a9: {  	[tilespmem:s16], [sflag:$0x3] =	stream.linear.gather @!p0 [hbm4b:s10+s12], $0x4000, $0x38;
	[tilespmem:$0x18600] =	vst v63  }
0x1aa: {  	s9 =	sadd.s32 $0x1, s9;
	s6 =	sadd.s32 @!p0 s6, s7;
	s10 =	simm.s32 @!p0 $0x14000  }
0x1ab: {  	[tilespmem:s10], [sflag:$0x3] =	stream.linear.gather @!p0 [hbm4b:s6+s12], $0x4000, $0x38;
	[tilespmem:$0x18600] =	vst v63  }
0x1ac: {  	p0 =	sne.s32 s9, $0xA  }
.Ltmp3:
0x1ad: {  	s18 =	sadd.s32 s4, s11;
	s23 =	sshll.u32 s11, $0x4;
	(pc) =	sbr.rel @p0 .LBB2_2-.Ltmp3, $4  }
0x1ae: {  	s6 =	sshll.u32 s18, $0x6;
	s10 =	sand.u32 $0x70, s23  }
0x1af: {  	s6 =	sand.u32 $0x1FE00, s6;
	s10 =	sadd.s32 s5, s10  }
0x1b0: {  	s6 =	sadd.s32 s6, s10  }
0x1b1: {  	[hbm4b:s6+s25] =	stream.strided.scatter [tilespmem:s0], [sflag:$0x6], $0x200, s26, s25, $0x38;
	[tilespmem:$0x18600] =	vst v63  }
0x1b2: {  	_ =	swait.ge [sflag:s2], $0x200  }
0x1b3: {  	[sflag:s2] =	ssyncset.done $0x0  }
0x1b4: {  	[sflag:s2] =	ssyncadd.s32 $0xFFFFFE00  }
0x1b5: {  	[tilespmem:$0x18000] =	vst v0  }
0x1b6: {  	[tilespmem:$0x18010] =	vst v0  }
0x1b7: {  	[tilespmem:$0x18020] =	vst v0  }
0x1b8: {  	[tilespmem:$0x18030] =	vst v0  }
0x1b9: {  	[tilespmem:$0x18040] =	vst v0  }
0x1ba: {  	[tilespmem:$0x18050] =	vst v0  }
0x1bb: {  	[tilespmem:$0x18060] =	vst v0  }
0x1bc: {  	[tilespmem:$0x18070] =	vst v0  }
0x1bd: {  	[tilespmem:$0x18080] =	vst v0  }
0x1be: {  	[tilespmem:$0x18090] =	vst v0  }
0x1bf: {  	[tilespmem:$0x180A0] =	vst v0  }
0x1c0: {  	[tilespmem:$0x180B0] =	vst v0  }
0x1c1: {  	[tilespmem:$0x180C0] =	vst v0  }
0x1c2: {  	[tilespmem:$0x180D0] =	vst v0  }
0x1c3: {  	[tilespmem:$0x180E0] =	vst v0  }
0x1c4: {  	[tilespmem:$0x180F0] =	vst v0  }
0x1c5: {  	[tilespmem:$0x18100] =	vst v0  }
0x1c6: {  	[tilespmem:$0x18110] =	vst v0  }
0x1c7: {  	[tilespmem:$0x18120] =	vst v0  }
0x1c8: {  	[tilespmem:$0x18130] =	vst v0  }
0x1c9: {  	[tilespmem:$0x18140] =	vst v0  }
0x1ca: {  	[tilespmem:$0x18150] =	vst v0  }
0x1cb: {  	[tilespmem:$0x18160] =	vst v0  }
0x1cc: {  	[tilespmem:$0x18170] =	vst v0  }
0x1cd: {  	[tilespmem:$0x18180] =	vst v0  }
0x1ce: {  	[tilespmem:$0x18190] =	vst v0  }
0x1cf: {  	[tilespmem:$0x181A0] =	vst v0  }
0x1d0: {  	[tilespmem:$0x181B0] =	vst v0  }
0x1d1: {  	[tilespmem:$0x181C0] =	vst v0  }
0x1d2: {  	[tilespmem:$0x181D0] =	vst v0  }
0x1d3: {  	[tilespmem:$0x181E0] =	vst v0  }
0x1d4: {  	[tilespmem:$0x181F0] =	vst v0  }
0x1d5: {  	_ =	swait.ge [sflag:s24], $0x8000  }
0x1d6: {  	s9 =	simm.s32 $0x0;
	[sflag:s24] =	ssyncset.done $0x0  }
0x1d7: {  	s10 =	simm.s32 $0x0;
	s11 =	simm.s32 $0x0;
	[sflag:s24] =	ssyncadd.s32 $0xFFFF8000  }
.LBB2_10:
0x1d8: {  	s12 =	sshra.s32 s10, $0x2  }
0x1d9: {  	v1 =	vld [tilespmem:s12+$0x0]  }
0x1da: {  	v2 =	vld [tilespmem:s12+$0x10]  }
0x1db: {  	v3 =	vld [tilespmem:s12+$0x20]  }
0x1dc: {  	v4 =	vld [tilespmem:s12+$0x30]  }
0x1dd: {  	v5 =	vld [tilespmem:s12+$0x40]  }
0x1de: {  	v6 =	vld [tilespmem:s12+$0x50]  }
0x1df: {  	v7 =	vld [tilespmem:s12+$0x60]  }
0x1e0: {  	v8 =	vld [tilespmem:s12+$0x70]  }
0x1e1: {  	v9 =	vld [tilespmem:s12+$0x1000]  }
0x1e2: {  	v10 =	vld [tilespmem:s12+$0x1010]  }
0x1e3: {  	v11 =	vld [tilespmem:s12+$0x1020]  }
0x1e4: {  	v12 =	vld [tilespmem:s12+$0x1030]  }
0x1e5: {  	v13 =	vld [tilespmem:s12+$0x1040]  }
0x1e6: {  	v14 =	vld [tilespmem:s12+$0x1050]  }
0x1e7: {  	v15 =	vld [tilespmem:s12+$0x1060]  }
0x1e8: {  	v16 =	vld [tilespmem:s12+$0x1070]  }
0x1e9: {  	v17 =	vld [tilespmem:s12+$0x2000]  }
0x1ea: {  	v18 =	vld [tilespmem:s12+$0x2010]  }
0x1eb: {  	v19 =	vld [tilespmem:s12+$0x2020]  }
0x1ec: {  	v20 =	vld [tilespmem:s12+$0x2030]  }
0x1ed: {  	v21 =	vld [tilespmem:s12+$0x2040]  }
0x1ee: {  	v22 =	vld [tilespmem:s12+$0x2050]  }
0x1ef: {  	v23 =	vld [tilespmem:s12+$0x2060]  }
0x1f0: {  	v24 =	vld [tilespmem:s12+$0x2070]  }
0x1f1: {  	v25 =	vld [tilespmem:s12+$0x3000]  }
0x1f2: {  	v26 =	vld [tilespmem:s12+$0x3010]  }
0x1f3: {  	v27 =	vld [tilespmem:s12+$0x3020]  }
0x1f4: {  	v28 =	vld [tilespmem:s12+$0x3030]  }
0x1f5: {  	v29 =	vld [tilespmem:s12+$0x3040]  }
0x1f6: {  	v30 =	vld [tilespmem:s12+$0x3050]  }
0x1f7: {  	v31 =	vld [tilespmem:s12+$0x3060]  }
0x1f8: {  	v32 =	vld [tilespmem:s12+$0x3070]  }
0x1f9: {  	v33 =	vld [tilespmem:s12+$0x4000]  }
0x1fa: {  	v34 =	vld [tilespmem:s12+$0x4010]  }
0x1fb: {  	v35 =	vld [tilespmem:s12+$0x4020]  }
0x1fc: {  	v36 =	vld [tilespmem:s12+$0x4030]  }
0x1fd: {  	v37 =	vld [tilespmem:s12+$0x4040]  }
0x1fe: {  	v38 =	vld [tilespmem:s12+$0x4050]  }
0x1ff: {  	v39 =	vld [tilespmem:s12+$0x4060]  }
0x200: {  	v40 =	vld [tilespmem:s12+$0x4070]  }
0x201: {  	v41 =	vld [tilespmem:s12+$0x5000]  }
0x202: {  	v42 =	vld [tilespmem:s12+$0x5010]  }
0x203: {  	v43 =	vld [tilespmem:s12+$0x5020]  }
0x204: {  	v44 =	vld [tilespmem:s12+$0x5030]  }
0x205: {  	v45 =	vld [tilespmem:s12+$0x5040]  }
0x206: {  	v46 =	vld [tilespmem:s12+$0x5050]  }
0x207: {  	v47 =	vld [tilespmem:s12+$0x5060]  }
0x208: {  	v48 =	vld [tilespmem:s12+$0x5070]  }
0x209: {  	v49 =	vld [tilespmem:s12+$0x6000]  }
0x20a: {  	v50 =	vld [tilespmem:s12+$0x6010]  }
0x20b: {  	v60 =	vld [tilespmem:s12+$0x6020]  }
0x20c: {  	v62 =	vld [tilespmem:s12+$0x7000]  }
0x20d: {  	v63 =	vld [tilespmem:s12+$0x7010]  }
0x20e: {  	v52 =	vld [tilespmem:s12+$0x7040];
	v2 =	vadd.f32 v9, v2;
	v3 =	vadd.f32 v10, v3  }
0x20f: {  	v53 =	vld [tilespmem:s12+$0x7050];
	v4 =	vadd.f32 v11, v4;
	v5 =	vadd.f32 v12, v5  }
0x210: {  	v54 =	vld [tilespmem:s12+$0x7060];
	v6 =	vadd.f32 v13, v6;
	v7 =	vadd.f32 v14, v7  }
0x211: {  	v56 =	vld [tilespmem:s12+$0x7070];
	v8 =	vadd.f32 v15, v8;
	v61 =	vadd.f32 v23, v16  }
0x212: {  	v10 =	vld [tilespmem:s12+$0x6030];
	v51 =	vadd.f32 v31, v24;
	v55 =	vadd.f32 v39, v32  }
0x213: {  	v11 =	vld [tilespmem:s12+$0x6040];
	v3 =	vadd.f32 v17, v3;
	v4 =	vadd.f32 v18, v4  }
0x214: {  	v12 =	vld [tilespmem:s12+$0x6050];
	v5 =	vadd.f32 v19, v5;
	v6 =	vadd.f32 v20, v6  }
0x215: {  	v13 =	vld [tilespmem:s12+$0x6060];
	v7 =	vadd.f32 v21, v7;
	v8 =	vadd.f32 v22, v8  }
0x216: {  	v14 =	vld [tilespmem:s12+$0x6070];
	v15 =	vadd.f32 v30, v61;
	v20 =	vadd.f32 v38, v51  }
0x217: {  	s6 =	sand.u32 $0x100, s9;
	s16 =	sshrl.u32 s11, $0x1;
	v30 =	vld [tilespmem:s12+$0x7030];
	v58 =	vadd.f32 v46, v55;
	v4 =	vadd.f32 v25, v4  }
0x218: {  	s6 =	sadd.s32 s16, s6;
	v5 =	vadd.f32 v26, v5;
	v7 =	vadd.f32 v28, v7;
	v28 =	vld [tilespmem:s12+$0x7020]  }
0x219: {  	s23 =	sadd.s32 $0x18000, s6;
	v6 =	vadd.f32 v27, v6;
	v8 =	vadd.f32 v29, v8;
	[tilespmem:s6+$0x18000] =	vst.add.f32.msk $0xffff, v1  }
0x21a: {  	v15 =	vadd.f32 v37, v15;
	[tilespmem:s23+$0x10] =	vst.add.f32.msk $0xffff, v2;
	v2 =	vadd.f32 v45, v20  }
0x21b: {  	[tilespmem:s23+$0x20] =	vst.add.f32.msk $0xffff, v3;
	v3 =	vadd.f32 v47, v40;
	v8 =	vadd.f32 v36, v8  }
0x21c: {  	v5 =	vadd.f32 v33, v5;
	v7 =	vadd.f32 v35, v7  }
0x21d: {  	v6 =	vadd.f32 v34, v6;
	v1 =	vadd.f32 v43, v8  }
0x21e: {  	v57 =	vadd.f32 v44, v15;
	v7 =	vadd.f32 v42, v7  }
0x21f: {  	[tilespmem:s23+$0x30] =	vst.add.f32.msk $0xffff, v4;
	v6 =	vadd.f32 v41, v6;
	v1 =	vadd.f32 v50, v1  }
0x220: {  	v60 =	vadd.f32 v60, v57;
	[tilespmem:s23+$0x40] =	vst.add.f32.msk $0xffff, v5;
	v59 =	vadd.f32 v49, v7  }
0x221: {  	v2 =	vadd.f32 v10, v2;
	[tilespmem:s23+$0x50] =	vst.add.f32.msk $0xffff, v6;
	v1 =	vadd.f32 v62, v1  }
0x222: {  	v61 =	vadd.f32 v11, v58;
	v62 =	vadd.f32 v63, v60;
	[tilespmem:s23+$0x60] =	vst.add.f32.msk $0xffff, v59  }
0x223: {  	v3 =	vadd.f32 v12, v3;
	v2 =	vadd.f32 v28, v2;
	[tilespmem:s23+$0x70] =	vst.add.f32.msk $0xffff, v1  }
0x224: {  	v63 =	vadd.f32 v30, v61;
	[tilespmem:s6+$0x18080] =	vst.add.f32.msk $0xffff, v62  }
0x225: {  	p0 =	sne.s32 s10, $0x3E00;
	v3 =	vadd.f32 v52, v3;
	v1 =	vadd.f32 v13, v48;
	[tilespmem:s23+$0x90] =	vst.add.f32.msk $0xffff, v2  }
.Ltmp4:
0x226: {  	[tilespmem:s23+$0xA0] =	vst.add.f32.msk $0xffff, v63;
	(pc) =	sbr.rel @p0 .LBB2_10-.Ltmp4, $4  }
0x227: {  	v1 =	vadd.f32 v53, v1;
	[tilespmem:s23+$0xB0] =	vst.add.f32.msk $0xffff, v3  }
0x228: {  	v2 =	vadd.f32 v54, v14;
	[tilespmem:s23+$0xE0] =	vst.add.f32.msk $0xffff, v56  }
0x229: {  	[tilespmem:s23+$0xC0] =	vst.add.f32.msk $0xffff, v1  }
0x22a: {  	s11 =	sadd.s32 $0x1, s11;
	s9 =	sadd.s32 $0x100, s9;
	s10 =	sadd.s32 $0x200, s10;
	[tilespmem:s23+$0xD0] =	vst.add.f32.msk $0xffff, v2  }
0x22b: {  	s6 =	rddreg [dreg:$0x9]  }
0x22c: {  	[hbm4b:s6+s25] =	stream.strided.scatter [tilespmem:s28], [sflag:$0x4], $0x200, s26, s25, $0x38;
	[tilespmem:$0x18600] =	vst v63  }
0x22d: {  	_ =	swait.ge [sflag:s22], $0x200  }
0x22e: {  	[sflag:s22] =	ssyncset.done $0x0  }
0x22f: {  	[sflag:s22] =	ssyncadd.s32 $0xFFFFFE00  }
0x230: {  	[tilespmem:$0x18200] =	vst v0  }
0x231: {  	[tilespmem:$0x18210] =	vst v0  }
0x232: {  	[tilespmem:$0x18220] =	vst v0  }
0x233: {  	[tilespmem:$0x18230] =	vst v0  }
0x234: {  	[tilespmem:$0x18240] =	vst v0  }
0x235: {  	[tilespmem:$0x18250] =	vst v0  }
0x236: {  	[tilespmem:$0x18260] =	vst v0  }
0x237: {  	[tilespmem:$0x18270] =	vst v0  }
0x238: {  	[tilespmem:$0x18280] =	vst v0  }
0x239: {  	[tilespmem:$0x18290] =	vst v0  }
0x23a: {  	[tilespmem:$0x182A0] =	vst v0  }
0x23b: {  	[tilespmem:$0x182B0] =	vst v0  }
0x23c: {  	[tilespmem:$0x182C0] =	vst v0  }
0x23d: {  	[tilespmem:$0x182D0] =	vst v0  }
0x23e: {  	[tilespmem:$0x182E0] =	vst v0  }
0x23f: {  	[tilespmem:$0x182F0] =	vst v0  }
0x240: {  	[tilespmem:$0x18300] =	vst v0  }
0x241: {  	[tilespmem:$0x18310] =	vst v0  }
0x242: {  	[tilespmem:$0x18320] =	vst v0  }
0x243: {  	[tilespmem:$0x18330] =	vst v0  }
0x244: {  	[tilespmem:$0x18340] =	vst v0  }
0x245: {  	[tilespmem:$0x18350] =	vst v0  }
0x246: {  	[tilespmem:$0x18360] =	vst v0  }
0x247: {  	[tilespmem:$0x18370] =	vst v0  }
0x248: {  	[tilespmem:$0x18380] =	vst v0  }
0x249: {  	[tilespmem:$0x18390] =	vst v0  }
0x24a: {  	[tilespmem:$0x183A0] =	vst v0  }
0x24b: {  	[tilespmem:$0x183B0] =	vst v0  }
0x24c: {  	[tilespmem:$0x183C0] =	vst v0  }
0x24d: {  	[tilespmem:$0x183D0] =	vst v0  }
0x24e: {  	[tilespmem:$0x183E0] =	vst v0  }
0x24f: {  	[tilespmem:$0x183F0] =	vst v0  }
0x250: {  	_ =	swait.ge [sflag:s29], $0x8000  }
0x251: {  	s9 =	simm.s32 $0x0;
	[sflag:s29] =	ssyncset.done $0x0  }
0x252: {  	s10 =	simm.s32 $0x0;
	s11 =	simm.s32 $0x0;
	[sflag:s29] =	ssyncadd.s32 $0xFFFF8000  }
.LBB2_12:
0x253: {  	s12 =	sshra.s32 s10, $0x2  }
0x254: {  	v1 =	vld [tilespmem:s12+$0x8000]  }
0x255: {  	v2 =	vld [tilespmem:s12+$0x8010]  }
0x256: {  	v3 =	vld [tilespmem:s12+$0x8020]  }
0x257: {  	v4 =	vld [tilespmem:s12+$0x8030]  }
0x258: {  	v5 =	vld [tilespmem:s12+$0x8040]  }
0x259: {  	v6 =	vld [tilespmem:s12+$0x8050]  }
0x25a: {  	v7 =	vld [tilespmem:s12+$0x8060]  }
0x25b: {  	v8 =	vld [tilespmem:s12+$0x8070]  }
0x25c: {  	v9 =	vld [tilespmem:s12+$0x9000]  }
0x25d: {  	v10 =	vld [tilespmem:s12+$0x9010]  }
0x25e: {  	v11 =	vld [tilespmem:s12+$0x9020]  }
0x25f: {  	v12 =	vld [tilespmem:s12+$0x9030]  }
0x260: {  	v13 =	vld [tilespmem:s12+$0x9040]  }
0x261: {  	v14 =	vld [tilespmem:s12+$0x9050]  }
0x262: {  	v15 =	vld [tilespmem:s12+$0x9060]  }
0x263: {  	v16 =	vld [tilespmem:s12+$0x9070]  }
0x264: {  	v17 =	vld [tilespmem:s12+$0xA000]  }
0x265: {  	v18 =	vld [tilespmem:s12+$0xA010]  }
0x266: {  	v19 =	vld [tilespmem:s12+$0xA020]  }
0x267: {  	v20 =	vld [tilespmem:s12+$0xA030]  }
0x268: {  	v21 =	vld [tilespmem:s12+$0xA040]  }
0x269: {  	v22 =	vld [tilespmem:s12+$0xA050]  }
0x26a: {  	v23 =	vld [tilespmem:s12+$0xA060]  }
0x26b: {  	v24 =	vld [tilespmem:s12+$0xA070]  }
0x26c: {  	v25 =	vld [tilespmem:s12+$0xB000]  }
0x26d: {  	v26 =	vld [tilespmem:s12+$0xB010]  }
0x26e: {  	v27 =	vld [tilespmem:s12+$0xB020]  }
0x26f: {  	v28 =	vld [tilespmem:s12+$0xB030]  }
0x270: {  	v29 =	vld [tilespmem:s12+$0xB040]  }
0x271: {  	v30 =	vld [tilespmem:s12+$0xB050]  }
0x272: {  	v31 =	vld [tilespmem:s12+$0xB060]  }
0x273: {  	v32 =	vld [tilespmem:s12+$0xB070]  }
0x274: {  	v33 =	vld [tilespmem:s12+$0xC000]  }
0x275: {  	v34 =	vld [tilespmem:s12+$0xC010]  }
0x276: {  	v35 =	vld [tilespmem:s12+$0xC020]  }
0x277: {  	v36 =	vld [tilespmem:s12+$0xC030]  }
0x278: {  	v37 =	vld [tilespmem:s12+$0xC040]  }
0x279: {  	v38 =	vld [tilespmem:s12+$0xC050]  }
0x27a: {  	v39 =	vld [tilespmem:s12+$0xC060]  }
0x27b: {  	v40 =	vld [tilespmem:s12+$0xC070]  }
0x27c: {  	v41 =	vld [tilespmem:s12+$0xD000]  }
0x27d: {  	v42 =	vld [tilespmem:s12+$0xD010]  }
0x27e: {  	v43 =	vld [tilespmem:s12+$0xD020]  }
0x27f: {  	v44 =	vld [tilespmem:s12+$0xD030]  }
0x280: {  	v45 =	vld [tilespmem:s12+$0xD040]  }
0x281: {  	v46 =	vld [tilespmem:s12+$0xD050]  }
0x282: {  	v47 =	vld [tilespmem:s12+$0xD060]  }
0x283: {  	v48 =	vld [tilespmem:s12+$0xD070]  }
0x284: {  	v49 =	vld [tilespmem:s12+$0xE000]  }
0x285: {  	v50 =	vld [tilespmem:s12+$0xE010]  }
0x286: {  	v60 =	vld [tilespmem:s12+$0xE020]  }
0x287: {  	v62 =	vld [tilespmem:s12+$0xF000]  }
0x288: {  	v63 =	vld [tilespmem:s12+$0xF010]  }
0x289: {  	v52 =	vld [tilespmem:s12+$0xF040];
	v2 =	vadd.f32 v9, v2;
	v3 =	vadd.f32 v10, v3  }
0x28a: {  	v53 =	vld [tilespmem:s12+$0xF050];
	v4 =	vadd.f32 v11, v4;
	v5 =	vadd.f32 v12, v5  }
0x28b: {  	v54 =	vld [tilespmem:s12+$0xF060];
	v6 =	vadd.f32 v13, v6;
	v7 =	vadd.f32 v14, v7  }
0x28c: {  	v56 =	vld [tilespmem:s12+$0xF070];
	v8 =	vadd.f32 v15, v8;
	v61 =	vadd.f32 v23, v16  }
0x28d: {  	v10 =	vld [tilespmem:s12+$0xE030];
	v51 =	vadd.f32 v31, v24;
	v55 =	vadd.f32 v39, v32  }
0x28e: {  	v11 =	vld [tilespmem:s12+$0xE040];
	v3 =	vadd.f32 v17, v3;
	v4 =	vadd.f32 v18, v4  }
0x28f: {  	v12 =	vld [tilespmem:s12+$0xE050];
	v5 =	vadd.f32 v19, v5;
	v6 =	vadd.f32 v20, v6  }
0x290: {  	v13 =	vld [tilespmem:s12+$0xE060];
	v7 =	vadd.f32 v21, v7;
	v8 =	vadd.f32 v22, v8  }
0x291: {  	v14 =	vld [tilespmem:s12+$0xE070];
	v15 =	vadd.f32 v30, v61;
	v20 =	vadd.f32 v38, v51  }
0x292: {  	s6 =	sand.u32 $0x100, s9;
	s16 =	sshrl.u32 s11, $0x1;
	v30 =	vld [tilespmem:s12+$0xF030];
	v58 =	vadd.f32 v46, v55;
	v4 =	vadd.f32 v25, v4  }
0x293: {  	s6 =	sadd.s32 s16, s6;
	v5 =	vadd.f32 v26, v5;
	v7 =	vadd.f32 v28, v7;
	v28 =	vld [tilespmem:s12+$0xF020]  }
0x294: {  	s23 =	sadd.s32 $0x18200, s6;
	v6 =	vadd.f32 v27, v6;
	v8 =	vadd.f32 v29, v8;
	[tilespmem:s6+$0x18200] =	vst.add.f32.msk $0xffff, v1  }
0x295: {  	v15 =	vadd.f32 v37, v15;
	[tilespmem:s23+$0x10] =	vst.add.f32.msk $0xffff, v2;
	v2 =	vadd.f32 v45, v20  }
0x296: {  	[tilespmem:s23+$0x20] =	vst.add.f32.msk $0xffff, v3;
	v3 =	vadd.f32 v47, v40;
	v8 =	vadd.f32 v36, v8  }
0x297: {  	v5 =	vadd.f32 v33, v5;
	v7 =	vadd.f32 v35, v7  }
0x298: {  	v6 =	vadd.f32 v34, v6;
	v1 =	vadd.f32 v43, v8  }
0x299: {  	v57 =	vadd.f32 v44, v15;
	v7 =	vadd.f32 v42, v7  }
0x29a: {  	[tilespmem:s23+$0x30] =	vst.add.f32.msk $0xffff, v4;
	v6 =	vadd.f32 v41, v6;
	v1 =	vadd.f32 v50, v1  }
0x29b: {  	v60 =	vadd.f32 v60, v57;
	[tilespmem:s23+$0x40] =	vst.add.f32.msk $0xffff, v5;
	v59 =	vadd.f32 v49, v7  }
0x29c: {  	v2 =	vadd.f32 v10, v2;
	[tilespmem:s23+$0x50] =	vst.add.f32.msk $0xffff, v6;
	v1 =	vadd.f32 v62, v1  }
0x29d: {  	v61 =	vadd.f32 v11, v58;
	v62 =	vadd.f32 v63, v60;
	[tilespmem:s23+$0x60] =	vst.add.f32.msk $0xffff, v59  }
0x29e: {  	v3 =	vadd.f32 v12, v3;
	v2 =	vadd.f32 v28, v2;
	[tilespmem:s23+$0x70] =	vst.add.f32.msk $0xffff, v1  }
0x29f: {  	v63 =	vadd.f32 v30, v61;
	[tilespmem:s6+$0x18280] =	vst.add.f32.msk $0xffff, v62  }
0x2a0: {  	p0 =	sne.s32 s10, $0x3E00;
	v3 =	vadd.f32 v52, v3;
	v1 =	vadd.f32 v13, v48;
	[tilespmem:s23+$0x90] =	vst.add.f32.msk $0xffff, v2  }
.Ltmp5:
0x2a1: {  	[tilespmem:s23+$0xA0] =	vst.add.f32.msk $0xffff, v63;
	(pc) =	sbr.rel @p0 .LBB2_12-.Ltmp5, $4  }
0x2a2: {  	v1 =	vadd.f32 v53, v1;
	[tilespmem:s23+$0xB0] =	vst.add.f32.msk $0xffff, v3  }
0x2a3: {  	v2 =	vadd.f32 v54, v14;
	[tilespmem:s23+$0xE0] =	vst.add.f32.msk $0xffff, v56  }
0x2a4: {  	[tilespmem:s23+$0xC0] =	vst.add.f32.msk $0xffff, v1  }
0x2a5: {  	s11 =	sadd.s32 $0x1, s11;
	s9 =	sadd.s32 $0x100, s9;
	s10 =	sadd.s32 $0x200, s10;
	[tilespmem:s23+$0xD0] =	vst.add.f32.msk $0xffff, v2  }
0x2a6: {  	s6 =	rddreg [dreg:$0xa]  }
0x2a7: {  	[hbm4b:s6+s25] =	stream.strided.scatter [tilespmem:s30], [sflag:$0x5], $0x200, s26, s25, $0x38;
	[tilespmem:$0x18600] =	vst v63  }
0x2a8: {  	_ =	swait.ge [sflag:s2], $0x200  }
0x2a9: {  	[sflag:s2] =	ssyncset.done $0x0  }
0x2aa: {  	[sflag:s2] =	ssyncadd.s32 $0xFFFFFE00  }
0x2ab: {  	_ =	swait.ge [sflag:s22], $0x200  }
0x2ac: {  	[sflag:s22] =	ssyncset.done $0x0  }
0x2ad: {  	s9 =	simm.s32 $0x6;
	[sflag:s22] =	ssyncadd.s32 $0xFFFFFE00  }
0x2ae: {  	_ =	swait.ge [sflag:s9], $0x200  }
0x2af: {  	s8 =	sadd.s32 $0x1, s8;
	s23 =	rddreg [dreg:$0xb]  }
0x2b0: {  	p0 =	sne.s32 s8, s23  }
.Ltmp6:
0x2b1: {  	_ = 	snop;
	(pc) =	sbr.rel @p0 .LBB2_1-.Ltmp6, $3  }
0x2b2: {  	_ =	sdelay $0x1  }
0x2b3: {  	[sflag:s9] =	ssyncset.done $0x0  }
0x2b4: {  	[sflag:s9] =	ssyncadd.s32 $0xFFFFFE00  }
0x2b5: {  	_ =	sfence.sel $0x180000  }
0x2b6: {  	[bflag:$0x0] =	sbarrier.arrive $0xFFFF  }
0x2b7: {  	_ =	strace $0x90000047  }
0x2b8: {  	s0 =	stileid.u32;
	[bflag:$0x2] =	sbarrier.arrive $0xFFFF  }
0x2b9: {  	p0 =	sne.s32 s0, $0x0;
	s0 =	rddreg [dreg:$0x2]  }
0x2ba: {  	s0 =	sadd.s32 @!p0 $0x100000, s0  }
0x2bb: {  	[sflag:s0] =	ssyncadd.tile.s32 @!p0 $0x1;
	_ =	shalt  }
.Lfunc_end2:
_tile_overlayer_lowered:
.L_overlay_start_2:
0x2bc: {  	(tag) =	ssettag $0x2  }
0x2bd: {  	s0 =	rddreg [dreg:$0x0];
	s2 =	stileid.u32  }
0x2be: {  	s1 =	rddreg [dreg:$0x1];
	p0 =	sne.s32 s2, $0x0  }
0x2bf: {  	s3 =	rddreg [dreg:$0x2];
	[bflag:$0x3] =	sbarrier.arrive $0xFFFF;
	s2 =	simm.s32 @!p0 $0x1C07  }
0x2c0: {  	[timem:s3], [sflag:s2] =	dma.local @!p0 [hbm:s0], s1  }
0x2c1: {  	s0 =	simm.s32 @!p0 $0x7  }
0x2c2: {  	_ =	swait.ge @!p0 [sflag:s0], s1  }
0x2c3: {  	s1 =	ssub.s32 @!p0 $0x0, s1;
	[sflag:s0] =	ssyncset.done @!p0 $0x0  }
0x2c4: {  	[sflag:s0] =	ssyncadd.s32 @!p0 s1  }
0x2c5: {  	[bflag:$0x3] =	sbarrier.arrive $0xFFFF  }
0x2c6: {  	_ =	shalt  }

</sc_bundles>
